<compile_context>
chip_gen: v7x
topology: tpu7x:2x2x1
jax: 0.10.2.dev20260603
libtpu: 0.0.44.dev20260713+nightly
codegen_flags: <defaults>
</compile_context>

<pallas_src>
import functools

import jax
import jax.numpy as jnp
from jax import lax
from jax.experimental import pallas as pl
from jax.experimental.pallas import tpu as pltpu
from jax.experimental.pallas import tpu_sc as plsc

EMB_DIM = 128
BATCH = 4096
NNEG = 50
NDOT = NNEG + 1
NCHUNK = EMB_DIM // 16

NUM_CORES = 2
NUM_SUBCORES = 16
NW = NUM_CORES * NUM_SUBCORES
BPW = BATCH // NW
PAIRS = BPW // 2
CW = 2 * NDOT
CWP = 104
OUTW = 64


def _sc_body(posu_hbm, vidx_hbm, uw_hbm, vw_hbm, out_hbm,
             idxu_v, vidx_v, urows_v, nbuf_a, nbuf_b, stage_v, out_v,
             sem_u, sem_a, sem_b):
    c = lax.axis_index("c")
    s = lax.axis_index("s")
    wid = s * NUM_CORES + c
    base = wid * BPW

    pltpu.sync_copy(posu_hbm.at[pl.ds(base, BPW)], idxu_v)
    pltpu.sync_copy(vidx_hbm.at[pl.ds(wid * PAIRS, PAIRS)], vidx_v)

    cp_u = pltpu.async_copy(uw_hbm.at[idxu_v], urows_v, sem_u)
    pltpu.async_copy(vw_hbm.at[vidx_v.at[0]], nbuf_a, sem_a)
    pltpu.async_copy(vw_hbm.at[vidx_v.at[1]], nbuf_b, sem_b)
    cp_u.wait()

    lanes = lax.iota(jnp.int32, 16)
    col15 = jnp.full((16,), 15, jnp.int32)

    def compute_b(b, p, nbuf):
        u = [urows_v[b, pl.ds(16 * k, 16)] for k in range(NCHUNK)]

        def dot_into(j, row):
            a = u[0] * nbuf[row, pl.ds(0, 16)]
            for k in range(1, NCHUNK):
                a = a + u[k] * nbuf[row, pl.ds(16 * k, 16)]
            stage_v[j] = jnp.cumsum(a)

        def gbody(g, carry):
            for j in range(16):
                dot_into(j, p * NDOT + 16 * g + j)
            res = plsc.load_gather(stage_v, [lanes, col15])
            out_v[b, pl.ds(16 * g, 16)] = res
            return carry

        lax.fori_loop(0, 3, gbody, 0)
        for j in range(NDOT - 48):
            dot_into(j, p * NDOT + 48 + j)
        res = plsc.load_gather(stage_v, [lanes, col15])
        out_v[b, pl.ds(48, 16)] = res

    def loop_body(i, carry):
        g0 = 2 * i
        pltpu.make_async_copy(
            vw_hbm.at[pl.ds(0, CWP)], nbuf_a, sem_a).wait()
        compute_b(g0 * 2, 0, nbuf_a)
        compute_b(g0 * 2 + 1, 1, nbuf_a)

        @pl.when(i < PAIRS // 2 - 1)
        def _():
            pltpu.async_copy(vw_hbm.at[vidx_v.at[g0 + 2]], nbuf_a, sem_a)

        pltpu.make_async_copy(
            vw_hbm.at[pl.ds(0, CWP)], nbuf_b, sem_b).wait()
        compute_b(g0 * 2 + 2, 0, nbuf_b)
        compute_b(g0 * 2 + 3, 1, nbuf_b)

        @pl.when(i < PAIRS // 2 - 1)
        def _():
            pltpu.async_copy(vw_hbm.at[vidx_v.at[g0 + 3]], nbuf_b, sem_b)

        return carry

    lax.fori_loop(0, PAIRS // 2, loop_body, 0)

    pltpu.sync_copy(out_v, out_hbm.at[pl.ds(base, BPW)])


def _sc_scores(pos_u, vidx, u_weight, v_weight):
    mesh = plsc.VectorSubcoreMesh(core_axis_name="c", subcore_axis_name="s")
    fn = functools.partial(
        pl.kernel,
        mesh=mesh,
        compiler_params=pltpu.CompilerParams(needs_layout_passes=False),
        out_type=jax.ShapeDtypeStruct((BATCH, OUTW), jnp.float32),
        scratch_types=[
            pltpu.VMEM((BPW,), jnp.int32),
            pltpu.VMEM((PAIRS, CWP), jnp.int32),
            pltpu.VMEM((BPW, EMB_DIM), jnp.float32),
            pltpu.VMEM((CWP, EMB_DIM), jnp.float32),
            pltpu.VMEM((CWP, EMB_DIM), jnp.float32),
            pltpu.VMEM((16, 16), jnp.float32),
            pltpu.VMEM((BPW, OUTW), jnp.float32),
            pltpu.SemaphoreType.DMA,
            pltpu.SemaphoreType.DMA,
            pltpu.SemaphoreType.DMA,
        ],
    )(_sc_body)
    return fn(pos_u, vidx, u_weight, v_weight)


def _tc_loss_body(x_ref, o_ref):
    x = x_ref[...]
    z = jnp.clip(x, -10.0, 10.0)
    col = lax.broadcasted_iota(jnp.int32, z.shape, 1)
    w = jnp.where(col == 0, -z, z)
    sp = jnp.log1p(jnp.exp(w))
    sp = jnp.where(col <= NNEG, sp, 0.0)
    o_ref[0, 0] = jnp.sum(sp) * (1.0 / BATCH)


def _tc_loss(scores):
    return pl.pallas_call(
        _tc_loss_body,
        out_shape=jax.ShapeDtypeStruct((1, 1), jnp.float32),
        out_specs=pl.BlockSpec(memory_space=pltpu.SMEM),
    )(scores)


def kernel(pos_u, pos_v, neg_v, u_weight, v_weight):
    vidx = jnp.concatenate([pos_v[:, None], neg_v], axis=1)
    vidx = vidx.reshape(BATCH // 2, CW)
    vidx = jnp.pad(vidx, ((0, 0), (0, CWP - CW)))
    scores = _sc_scores(pos_u, vidx, u_weight, v_weight)
    loss = _tc_loss(scores)
    return loss[0, 0]

# --- scband reference (transcript-rebuilt; emitter-appended) ---
"""Pipeline reference for scband-skip-gram-model-70875550318689 (READ-ONLY COPY).

The authoritative reference and input builder live on the scoring server;
editing this copy changes nothing except your own understanding.
"""

import jax, jax.numpy as jnp
import numpy as np

EMB_SIZE = 100000
EMB_DIM = 128
B = 4096
NNEG = 50


def setup_inputs(seed: int = 0) -> dict:
    key = jax.random.key(seed)
    k1, k2, k3, k4, k5 = jax.random.split(key, 5)
    pos_u = jax.random.randint(k1, (B,), 0, EMB_SIZE, dtype=jnp.int64 if jax.config.jax_enable_x64 else jnp.int32).astype(jnp.int32)
    pos_v = jax.random.randint(k2, (B,), 0, EMB_SIZE).astype(jnp.int32)
    neg_v = jax.random.randint(k3, (B, NNEG), 0, EMB_SIZE).astype(jnp.int32)
    initrange = 1.0 / EMB_DIM
    u_weight = jax.random.uniform(k4, (EMB_SIZE, EMB_DIM), minval=-initrange, maxval=initrange, dtype=jnp.float32)
    # original torch code inits v_embeddings to zero; use tiny random values so the
    # forward math is exercised non-degenerately (zero-init makes the loss a constant)
    v_weight = jax.random.normal(k5, (EMB_SIZE, EMB_DIM), dtype=jnp.float32) * 0.01
    return {"pos_u": pos_u, "pos_v": pos_v, "neg_v": neg_v, "u_weight": u_weight, "v_weight": v_weight}


def reference(pos_u, pos_v, neg_v, u_weight, v_weight):
    # embedding lookups (gather)
    emb_u = jnp.take(u_weight, pos_u, axis=0)        # [B, D]
    emb_v = jnp.take(v_weight, pos_v, axis=0)        # [B, D]
    emb_neg_v = jnp.take(v_weight, neg_v, axis=0)    # [B, NNEG, D]

    score = jnp.sum(emb_u * emb_v, axis=1)           # [B]
    score = jnp.clip(score, -10.0, 10.0)
    score = -jax.nn.log_sigmoid(score)

    # torch.bmm(emb_neg_v, emb_u.unsqueeze(2)).squeeze() -> [B, NNEG]
    neg_score = jnp.einsum('bnd,bd->bn', emb_neg_v, emb_u)
    neg_score = jnp.clip(neg_score, -10.0, 10.0)
    neg_score = -jnp.sum(jax.nn.log_sigmoid(-neg_score), axis=1)  # [B]

    return jnp.mean(score + neg_score)

if __name__ == "__main__":
    import jax
    _d = setup_inputs()
    print(jax.jit(kernel)(*tuple(_d.values())))

</pallas_src>

<mosaic_0001>
#map = affine_map<(d0, d1) -> (0)>
#map1 = affine_map<(d0, d1) -> (0, 0)>
module attributes {stable_mosaic.version = 14 : i64} {
  func.func @_sc_body(%arg0: i32, %arg1: i32, %arg2: memref<4096xi32, #tpu.memory_space<hbm>>, %arg3: memref<2048x104xi32, #tpu.memory_space<hbm>>, %arg4: memref<100000x128xf32, #tpu.memory_space<hbm>>, %arg5: memref<100000x128xf32, #tpu.memory_space<hbm>>, %arg6: memref<4096x64xf32, #tpu.memory_space<hbm>>, %arg7: memref<128xi32, #tpu.memory_space<vmem>>, %arg8: memref<64x104xi32, #tpu.memory_space<vmem>>, %arg9: memref<128x128xf32, #tpu.memory_space<vmem>>, %arg10: memref<104x128xf32, #tpu.memory_space<vmem>>, %arg11: memref<104x128xf32, #tpu.memory_space<vmem>>, %arg12: memref<16x16xf32, #tpu.memory_space<vmem>>, %arg13: memref<128x64xf32, #tpu.memory_space<vmem>>, %arg14: memref<!tpu.dma_semaphore, #tpu.memory_space<semaphore_mem>>, %arg15: memref<!tpu.dma_semaphore, #tpu.memory_space<semaphore_mem>>, %arg16: memref<!tpu.dma_semaphore, #tpu.memory_space<semaphore_mem>>) attributes {dimension_semantics = [#tpu.dimension_semantics<core_parallel>, #tpu.dimension_semantics<subcore_parallel>], iteration_bounds = array<i64: 2, 16>, scalar_prefetch = 0 : i64, scratch_operands = 10 : i64, tpu.core_type = #tpu.core_type<sc_vector_subcore>, window_params = [{transform_indices = #map}, {transform_indices = #map1}, {transform_indices = #map1}, {transform_indices = #map1}, {transform_indices = #map1}]} {
    %mul3A = arith.constant 2 : i32
    %mul3A_0 = arith.muli %arg1, %mul3A : i32
    %add3A = arith.addi %mul3A_0, %arg0 : i32
    %mul3A_1 = arith.constant 128 : i32
    %mul3A_2 = arith.muli %add3A, %mul3A_1 : i32
    "tpu.region"() ({
      %run_scoped3A = tpu.sem_alloc : memref<!tpu.dma_semaphore, #tpu.memory_space<semaphore_mem>>
      %dma_start3A_29 = tpu.memref_slice %arg2[%mul3A_2] : memref<4096xi32, #tpu.memory_space<hbm>> -> memref<128xi32, #tpu.memory_space<hbm>>
      %dma_start3A_30 = tpu.memref_slice %arg2[%mul3A_2] : memref<4096xi32, #tpu.memory_space<hbm>> -> memref<128xi32, #tpu.memory_space<hbm>>
      tpu.enqueue_dma source(%dma_start3A_30 : memref<128xi32, #tpu.memory_space<hbm>>) target(%arg7 : memref<128xi32, #tpu.memory_space<vmem>>) target_semaphore(%run_scoped3A : memref<!tpu.dma_semaphore, #tpu.memory_space<semaphore_mem>>)
      %dma_wait3A_31 = tpu.memref_slice %arg2[%mul3A_2] : memref<4096xi32, #tpu.memory_space<hbm>> -> memref<128xi32, #tpu.memory_space<hbm>>
      %dma_wait3A_32 = tpu.memref_slice %arg2[%mul3A_2] : memref<4096xi32, #tpu.memory_space<hbm>> -> memref<128xi32, #tpu.memory_space<hbm>>
      tpu.wait_dma2 semaphore(%run_scoped3A : memref<!tpu.dma_semaphore, #tpu.memory_space<semaphore_mem>>) src(%dma_wait3A_32 : memref<128xi32, #tpu.memory_space<hbm>>) dst(%arg7 : memref<128xi32, #tpu.memory_space<vmem>>)
      tpu.yield
    }) : () -> ()
    %mul3A_3 = arith.constant 64 : i32
    %mul3A_4 = arith.muli %add3A, %mul3A_3 : i32
    "tpu.region"() ({
      %run_scoped3A = tpu.sem_alloc : memref<!tpu.dma_semaphore, #tpu.memory_space<semaphore_mem>>
      %dma_start3A_29 = arith.constant 0 : i32
      %dma_start3A_30 = tpu.memref_slice %arg3[%mul3A_4, %dma_start3A_29] : memref<2048x104xi32, #tpu.memory_space<hbm>> -> memref<64x104xi32, #tpu.memory_space<hbm>>
      %dma_start3A_31 = arith.constant 0 : i32
      %dma_start3A_32 = tpu.memref_slice %arg3[%mul3A_4, %dma_start3A_31] : memref<2048x104xi32, #tpu.memory_space<hbm>> -> memref<64x104xi32, #tpu.memory_space<hbm>>
      tpu.enqueue_dma source(%dma_start3A_32 : memref<64x104xi32, #tpu.memory_space<hbm>>) target(%arg8 : memref<64x104xi32, #tpu.memory_space<vmem>>) target_semaphore(%run_scoped3A : memref<!tpu.dma_semaphore, #tpu.memory_space<semaphore_mem>>)
      %dma_wait3A_33 = arith.constant 0 : i32
      %dma_wait3A_34 = tpu.memref_slice %arg3[%mul3A_4, %dma_wait3A_33] : memref<2048x104xi32, #tpu.memory_space<hbm>> -> memref<64x104xi32, #tpu.memory_space<hbm>>
      %dma_wait3A_35 = arith.constant 0 : i32
      %dma_wait3A_36 = tpu.memref_slice %arg3[%mul3A_4, %dma_wait3A_35] : memref<2048x104xi32, #tpu.memory_space<hbm>> -> memref<64x104xi32, #tpu.memory_space<hbm>>
      tpu.wait_dma2 semaphore(%run_scoped3A : memref<!tpu.dma_semaphore, #tpu.memory_space<semaphore_mem>>) src(%dma_wait3A_36 : memref<64x104xi32, #tpu.memory_space<hbm>>) dst(%arg8 : memref<64x104xi32, #tpu.memory_space<vmem>>)
      tpu.yield
    }) : () -> ()
    %dma_start3A = arith.constant 0 : i32
    %dma_start3A_5 = arith.constant 0 : i32
    %dma_start3A_6 = tpu.memref_slice %arg4[%dma_start3A, %dma_start3A_5] : memref<100000x128xf32, #tpu.memory_space<hbm>> -> memref<100000x128xf32, #tpu.memory_space<hbm>>
    tpu.enqueue_indirect_dma source(%dma_start3A_6 : memref<100000x128xf32, #tpu.memory_space<hbm>>) target(%arg9 : memref<128x128xf32, #tpu.memory_space<vmem>>) offsets(%arg7 : memref<128xi32, #tpu.memory_space<vmem>>) semaphore(%arg14 : memref<!tpu.dma_semaphore, #tpu.memory_space<semaphore_mem>>)
    %dma_start3A_7 = arith.constant 0 : i32
    %dma_start3A_8 = arith.constant 0 : i32
    %dma_start3A_9 = tpu.memref_slice %arg8[%dma_start3A_7, %dma_start3A_8] : memref<64x104xi32, #tpu.memory_space<vmem>> -> memref<1x104xi32, #tpu.memory_space<vmem>>
    %dma_start3A_10 = tpu.memref_squeeze %dma_start3A_9 : memref<1x104xi32, #tpu.memory_space<vmem>> -> memref<104xi32, #tpu.memory_space<vmem>>
    %dma_start3A_11 = arith.constant 0 : i32
    %dma_start3A_12 = arith.constant 0 : i32
    %dma_start3A_13 = tpu.memref_slice %arg5[%dma_start3A_11, %dma_start3A_12] : memref<100000x128xf32, #tpu.memory_space<hbm>> -> memref<100000x128xf32, #tpu.memory_space<hbm>>
    tpu.enqueue_indirect_dma source(%dma_start3A_13 : memref<100000x128xf32, #tpu.memory_space<hbm>>) target(%arg10 : memref<104x128xf32, #tpu.memory_space<vmem>>) offsets(%dma_start3A_10 : memref<104xi32, #tpu.memory_space<vmem>>) semaphore(%arg15 : memref<!tpu.dma_semaphore, #tpu.memory_space<semaphore_mem>>)
    %dma_start3A_14 = arith.constant 1 : i32
    %dma_start3A_15 = arith.constant 0 : i32
    %dma_start3A_16 = tpu.memref_slice %arg8[%dma_start3A_14, %dma_start3A_15] : memref<64x104xi32, #tpu.memory_space<vmem>> -> memref<1x104xi32, #tpu.memory_space<vmem>>
    %dma_start3A_17 = tpu.memref_squeeze %dma_start3A_16 : memref<1x104xi32, #tpu.memory_space<vmem>> -> memref<104xi32, #tpu.memory_space<vmem>>
    %dma_start3A_18 = arith.constant 0 : i32
    %dma_start3A_19 = arith.constant 0 : i32
    %dma_start3A_20 = tpu.memref_slice %arg5[%dma_start3A_18, %dma_start3A_19] : memref<100000x128xf32, #tpu.memory_space<hbm>> -> memref<100000x128xf32, #tpu.memory_space<hbm>>
    tpu.enqueue_indirect_dma source(%dma_start3A_20 : memref<100000x128xf32, #tpu.memory_space<hbm>>) target(%arg11 : memref<104x128xf32, #tpu.memory_space<vmem>>) offsets(%dma_start3A_17 : memref<104xi32, #tpu.memory_space<vmem>>) semaphore(%arg16 : memref<!tpu.dma_semaphore, #tpu.memory_space<semaphore_mem>>)
    %dma_wait3A = arith.constant 0 : i32
    %dma_wait3A_21 = arith.constant 0 : i32
    %dma_wait3A_22 = tpu.memref_slice %arg4[%dma_wait3A, %dma_wait3A_21] : memref<100000x128xf32, #tpu.memory_space<hbm>> -> memref<100000x128xf32, #tpu.memory_space<hbm>>
    tpu.wait_indirect_dma semaphore(%arg14 : memref<!tpu.dma_semaphore, #tpu.memory_space<semaphore_mem>>) src(%dma_wait3A_22 : memref<100000x128xf32, #tpu.memory_space<hbm>>) dst(%arg9 : memref<128x128xf32, #tpu.memory_space<vmem>>)
    %iota3A = tpu.iota {dimensions = array<i32: 0>} : vector<16xi32>
    %broadcast_in_dim3A = arith.constant 15 : i32
    %broadcast_in_dim3A_23 = vector.broadcast %broadcast_in_dim3A : i32 to vector<16xi32>
    %scan3A = arith.constant 0 : i32
    %scan3A_24 = arith.constant 0 : i32
    %scan3A_25 = arith.constant 32 : i32
    %scan3A_26 = arith.addi %scan3A_24, %scan3A_25 : i32
    %scan3A_27 = arith.constant 1 : i32
    scf.for %scan3A_29 = %scan3A_24 to %scan3A_26 step %scan3A_27  : i32 {
      %mul3A_30 = arith.constant 2 : i32
      %mul3A_31 = arith.muli %mul3A_30, %scan3A_29 : i32
      %dma_wait3A_32 = arith.constant 0 : i32
      %dma_wait3A_33 = arith.constant 0 : i32
      %dma_wait3A_34 = tpu.memref_slice %arg5[%dma_wait3A_32, %dma_wait3A_33] : memref<100000x128xf32, #tpu.memory_space<hbm>> -> memref<104x128xf32, #tpu.memory_space<hbm>>
      %dma_wait3A_35 = arith.constant 0 : i32
      %dma_wait3A_36 = arith.constant 0 : i32
      %dma_wait3A_37 = tpu.memref_slice %arg5[%dma_wait3A_35, %dma_wait3A_36] : memref<100000x128xf32, #tpu.memory_space<hbm>> -> memref<104x128xf32, #tpu.memory_space<hbm>>
      tpu.wait_dma2 semaphore(%arg15 : memref<!tpu.dma_semaphore, #tpu.memory_space<semaphore_mem>>) src(%dma_wait3A_37 : memref<104x128xf32, #tpu.memory_space<hbm>>) dst(%arg10 : memref<104x128xf32, #tpu.memory_space<vmem>>)
      %mul3A_38 = arith.constant 2 : i32
      %mul3A_39 = arith.muli %mul3A_31, %mul3A_38 : i32
      %get3A = arith.index_cast %mul3A_39 : i32 to index
      %get3A_40 = arith.constant 0 : index
      %get3A_41 = tpu.vector_load %arg9[%get3A, %get3A_40] {strides = array<i32>} : memref<128x128xf32, #tpu.memory_space<vmem>>, vector<16xf32>,
      %get3A_42 = arith.index_cast %mul3A_39 : i32 to index
      %get3A_43 = arith.constant 16 : index
      %get3A_44 = tpu.vector_load %arg9[%get3A_42, %get3A_43] {strides = array<i32>} : memref<128x128xf32, #tpu.memory_space<vmem>>, vector<16xf32>,
      %get3A_45 = arith.index_cast %mul3A_39 : i32 to index
      %get3A_46 = arith.constant 32 : index
      %get3A_47 = tpu.vector_load %arg9[%get3A_45, %get3A_46] {strides = array<i32>} : memref<128x128xf32, #tpu.memory_space<vmem>>, vector<16xf32>,
      %get3A_48 = arith.index_cast %mul3A_39 : i32 to index
      %get3A_49 = arith.constant 48 : index
      %get3A_50 = tpu.vector_load %arg9[%get3A_48, %get3A_49] {strides = array<i32>} : memref<128x128xf32, #tpu.memory_space<vmem>>, vector<16xf32>,
      %get3A_51 = arith.index_cast %mul3A_39 : i32 to index
      %get3A_52 = arith.constant 64 : index
      %get3A_53 = tpu.vector_load %arg9[%get3A_51, %get3A_52] {strides = array<i32>} : memref<128x128xf32, #tpu.memory_space<vmem>>, vector<16xf32>,
      %get3A_54 = arith.index_cast %mul3A_39 : i32 to index
      %get3A_55 = arith.constant 80 : index
      %get3A_56 = tpu.vector_load %arg9[%get3A_54, %get3A_55] {strides = array<i32>} : memref<128x128xf32, #tpu.memory_space<vmem>>, vector<16xf32>,
      %get3A_57 = arith.index_cast %mul3A_39 : i32 to index
      %get3A_58 = arith.constant 96 : index
      %get3A_59 = tpu.vector_load %arg9[%get3A_57, %get3A_58] {strides = array<i32>} : memref<128x128xf32, #tpu.memory_space<vmem>>, vector<16xf32>,
      %get3A_60 = arith.index_cast %mul3A_39 : i32 to index
      %get3A_61 = arith.constant 112 : index
      %get3A_62 = tpu.vector_load %arg9[%get3A_60, %get3A_61] {strides = array<i32>} : memref<128x128xf32, #tpu.memory_space<vmem>>, vector<16xf32>,
      %scan3A_63 = arith.constant 0 : i32
      %scan3A_64 = arith.constant 0 : i32
      %scan3A_65 = arith.constant 3 : i32
      %scan3A_66 = arith.addi %scan3A_64, %scan3A_65 : i32
      %scan3A_67 = arith.constant 1 : i32
      scf.for %scan3A_845 = %scan3A_64 to %scan3A_66 step %scan3A_67  : i32 {
        %mul3A_846 = arith.constant 16 : i32
        %mul3A_847 = arith.muli %mul3A_846, %scan3A_845 : i32
        %add3A_848 = arith.constant 0 : i32
        %add3A_849 = arith.addi %add3A_848, %mul3A_847 : i32
        %add3A_850 = arith.constant 0 : i32
        %add3A_851 = arith.addi %add3A_849, %add3A_850 : i32
        %get3A_852 = arith.index_cast %add3A_851 : i32 to index
        %get3A_853 = arith.constant 0 : index
        %get3A_854 = tpu.vector_load %arg10[%get3A_852, %get3A_853] {strides = array<i32>} : memref<104x128xf32, #tpu.memory_space<vmem>>, vector<16xf32>,
        %mul3A_855 = arith.mulf %get3A_41, %get3A_854 : vector<16xf32>
        %get3A_856 = arith.index_cast %add3A_851 : i32 to index
        %get3A_857 = arith.constant 16 : index
        %get3A_858 = tpu.vector_load %arg10[%get3A_856, %get3A_857] {strides = array<i32>} : memref<104x128xf32, #tpu.memory_space<vmem>>, vector<16xf32>,
        %mul3A_859 = arith.mulf %get3A_44, %get3A_858 : vector<16xf32>
        %add3A_860 = arith.addf %mul3A_855, %mul3A_859 : vector<16xf32>
        %get3A_861 = arith.index_cast %add3A_851 : i32 to index
        %get3A_862 = arith.constant 32 : index
        %get3A_863 = tpu.vector_load %arg10[%get3A_861, %get3A_862] {strides = array<i32>} : memref<104x128xf32, #tpu.memory_space<vmem>>, vector<16xf32>,
        %mul3A_864 = arith.mulf %get3A_47, %get3A_863 : vector<16xf32>
        %add3A_865 = arith.addf %add3A_860, %mul3A_864 : vector<16xf32>
        %get3A_866 = arith.index_cast %add3A_851 : i32 to index
        %get3A_867 = arith.constant 48 : index
        %get3A_868 = tpu.vector_load %arg10[%get3A_866, %get3A_867] {strides = array<i32>} : memref<104x128xf32, #tpu.memory_space<vmem>>, vector<16xf32>,
        %mul3A_869 = arith.mulf %get3A_50, %get3A_868 : vector<16xf32>
        %add3A_870 = arith.addf %add3A_865, %mul3A_869 : vector<16xf32>
        %get3A_871 = arith.index_cast %add3A_851 : i32 to index
        %get3A_872 = arith.constant 64 : index
        %get3A_873 = tpu.vector_load %arg10[%get3A_871, %get3A_872] {strides = array<i32>} : memref<104x128xf32, #tpu.memory_space<vmem>>, vector<16xf32>,
        %mul3A_874 = arith.mulf %get3A_53, %get3A_873 : vector<16xf32>
        %add3A_875 = arith.addf %add3A_870, %mul3A_874 : vector<16xf32>
        %get3A_876 = arith.index_cast %add3A_851 : i32 to index
        %get3A_877 = arith.constant 80 : index
        %get3A_878 = tpu.vector_load %arg10[%get3A_876, %get3A_877] {strides = array<i32>} : memref<104x128xf32, #tpu.memory_space<vmem>>, vector<16xf32>,
        %mul3A_879 = arith.mulf %get3A_56, %get3A_878 : vector<16xf32>
        %add3A_880 = arith.addf %add3A_875, %mul3A_879 : vector<16xf32>
        %get3A_881 = arith.index_cast %add3A_851 : i32 to index
        %get3A_882 = arith.constant 96 : index
        %get3A_883 = tpu.vector_load %arg10[%get3A_881, %get3A_882] {strides = array<i32>} : memref<104x128xf32, #tpu.memory_space<vmem>>, vector<16xf32>,
        %mul3A_884 = arith.mulf %get3A_59, %get3A_883 : vector<16xf32>
        %add3A_885 = arith.addf %add3A_880, %mul3A_884 : vector<16xf32>
        %get3A_886 = arith.index_cast %add3A_851 : i32 to index
        %get3A_887 = arith.constant 112 : index
        %get3A_888 = tpu.vector_load %arg10[%get3A_886, %get3A_887] {strides = array<i32>} : memref<104x128xf32, #tpu.memory_space<vmem>>, vector<16xf32>,
        %mul3A_889 = arith.mulf %get3A_62, %get3A_888 : vector<16xf32>
        %add3A_890 = arith.addf %add3A_885, %mul3A_889 : vector<16xf32>
        %cumsum3A_891 = arith.constant true
        %cumsum3A_892 = vector.broadcast %cumsum3A_891 : i1 to vector<16xi1>
        %cumsum3A_893 = tpu.scan <sum>, %add3A_890 masked %cumsum3A_892 : vector<16xf32>, vector<16xi1> -> vector<16xf32>
        %swap3A_894 = arith.constant 0 : i32
        %swap3A_895 = arith.index_cast %swap3A_894 : i32 to index
        %swap3A_896 = arith.constant 0 : index
        %swap3A_897 = tpu.vector_load %arg12[%swap3A_895, %swap3A_896] {strides = array<i32>} : memref<16x16xf32, #tpu.memory_space<vmem>>, vector<16xf32>,
        tpu.vector_store %arg12[%swap3A_895, %swap3A_896], %cumsum3A_893 {strides = array<i32>} : memref<16x16xf32, #tpu.memory_space<vmem>>, vector<16xf32>,
        %mul3A_898 = arith.constant 16 : i32
        %mul3A_899 = arith.muli %mul3A_898, %scan3A_845 : i32
        %add3A_900 = arith.constant 0 : i32
        %add3A_901 = arith.addi %add3A_900, %mul3A_899 : i32
        %add3A_902 = arith.constant 1 : i32
        %add3A_903 = arith.addi %add3A_901, %add3A_902 : i32
        %get3A_904 = arith.index_cast %add3A_903 : i32 to index
        %get3A_905 = arith.constant 0 : index
        %get3A_906 = tpu.vector_load %arg10[%get3A_904, %get3A_905] {strides = array<i32>} : memref<104x128xf32, #tpu.memory_space<vmem>>, vector<16xf32>,
        %mul3A_907 = arith.mulf %get3A_41, %get3A_906 : vector<16xf32>
        %get3A_908 = arith.index_cast %add3A_903 : i32 to index
        %get3A_909 = arith.constant 16 : index
        %get3A_910 = tpu.vector_load %arg10[%get3A_908, %get3A_909] {strides = array<i32>} : memref<104x128xf32, #tpu.memory_space<vmem>>, vector<16xf32>,
        %mul3A_911 = arith.mulf %get3A_44, %get3A_910 : vector<16xf32>
        %add3A_912 = arith.addf %mul3A_907, %mul3A_911 : vector<16xf32>
        %get3A_913 = arith.index_cast %add3A_903 : i32 to index
        %get3A_914 = arith.constant 32 : index
        %get3A_915 = tpu.vector_load %arg10[%get3A_913, %get3A_914] {strides = array<i32>} : memref<104x128xf32, #tpu.memory_space<vmem>>, vector<16xf32>,
        %mul3A_916 = arith.mulf %get3A_47, %get3A_915 : vector<16xf32>
        %add3A_917 = arith.addf %add3A_912, %mul3A_916 : vector<16xf32>
        %get3A_918 = arith.index_cast %add3A_903 : i32 to index
        %get3A_919 = arith.constant 48 : index
        %get3A_920 = tpu.vector_load %arg10[%get3A_918, %get3A_919] {strides = array<i32>} : memref<104x128xf32, #tpu.memory_space<vmem>>, vector<16xf32>,
        %mul3A_921 = arith.mulf %get3A_50, %get3A_920 : vector<16xf32>
        %add3A_922 = arith.addf %add3A_917, %mul3A_921 : vector<16xf32>
        %get3A_923 = arith.index_cast %add3A_903 : i32 to index
        %get3A_924 = arith.constant 64 : index
        %get3A_925 = tpu.vector_load %arg10[%get3A_923, %get3A_924] {strides = array<i32>} : memref<104x128xf32, #tpu.memory_space<vmem>>, vector<16xf32>,
        %mul3A_926 = arith.mulf %get3A_53, %get3A_925 : vector<16xf32>
        %add3A_927 = arith.addf %add3A_922, %mul3A_926 : vector<16xf32>
        %get3A_928 = arith.index_cast %add3A_903 : i32 to index
        %get3A_929 = arith.constant 80 : index
        %get3A_930 = tpu.vector_load %arg10[%get3A_928, %get3A_929] {strides = array<i32>} : memref<104x128xf32, #tpu.memory_space<vmem>>, vector<16xf32>,
        %mul3A_931 = arith.mulf %get3A_56, %get3A_930 : vector<16xf32>
        %add3A_932 = arith.addf %add3A_927, %mul3A_931 : vector<16xf32>
        %get3A_933 = arith.index_cast %add3A_903 : i32 to index
        %get3A_934 = arith.constant 96 : index
        %get3A_935 = tpu.vector_load %arg10[%get3A_933, %get3A_934] {strides = array<i32>} : memref<104x128xf32, #tpu.memory_space<vmem>>, vector<16xf32>,
        %mul3A_936 = arith.mulf %get3A_59, %get3A_935 : vector<16xf32>
        %add3A_937 = arith.addf %add3A_932, %mul3A_936 : vector<16xf32>
        %get3A_938 = arith.index_cast %add3A_903 : i32 to index
        %get3A_939 = arith.constant 112 : index
        %get3A_940 = tpu.vector_load %arg10[%get3A_938, %get3A_939] {strides = array<i32>} : memref<104x128xf32, #tpu.memory_space<vmem>>, vector<16xf32>,
        %mul3A_941 = arith.mulf %get3A_62, %get3A_940 : vector<16xf32>
        %add3A_942 = arith.addf %add3A_937, %mul3A_941 : vector<16xf32>
        %cumsum3A_943 = arith.constant true
        %cumsum3A_944 = vector.broadcast %cumsum3A_943 : i1 to vector<16xi1>
        %cumsum3A_945 = tpu.scan <sum>, %add3A_942 masked %cumsum3A_944 : vector<16xf32>, vector<16xi1> -> vector<16xf32>
        %swap3A_946 = arith.constant 1 : i32
        %swap3A_947 = arith.index_cast %swap3A_946 : i32 to index
        %swap3A_948 = arith.constant 0 : index
        %swap3A_949 = tpu.vector_load %arg12[%swap3A_947, %swap3A_948] {strides = array<i32>} : memref<16x16xf32, #tpu.memory_space<vmem>>, vector<16xf32>,
        tpu.vector_store %arg12[%swap3A_947, %swap3A_948], %cumsum3A_945 {strides = array<i32>} : memref<16x16xf32, #tpu.memory_space<vmem>>, vector<16xf32>,
        %mul3A_950 = arith.constant 16 : i32
        %mul3A_951 = arith.muli %mul3A_950, %scan3A_845 : i32
        %add3A_952 = arith.constant 0 : i32
        %add3A_953 = arith.addi %add3A_952, %mul3A_951 : i32
        %add3A_954 = arith.constant 2 : i32
        %add3A_955 = arith.addi %add3A_953, %add3A_954 : i32
        %get3A_956 = arith.index_cast %add3A_955 : i32 to index
        %get3A_957 = arith.constant 0 : index
        %get3A_958 = tpu.vector_load %arg10[%get3A_956, %get3A_957] {strides = array<i32>} : memref<104x128xf32, #tpu.memory_space<vmem>>, vector<16xf32>,
        %mul3A_959 = arith.mulf %get3A_41, %get3A_958 : vector<16xf32>
        %get3A_960 = arith.index_cast %add3A_955 : i32 to index
        %get3A_961 = arith.constant 16 : index
        %get3A_962 = tpu.vector_load %arg10[%get3A_960, %get3A_961] {strides = array<i32>} : memref<104x128xf32, #tpu.memory_space<vmem>>, vector<16xf32>,
        %mul3A_963 = arith.mulf %get3A_44, %get3A_962 : vector<16xf32>
        %add3A_964 = arith.addf %mul3A_959, %mul3A_963 : vector<16xf32>
        %get3A_965 = arith.index_cast %add3A_955 : i32 to index
        %get3A_966 = arith.constant 32 : index
        %get3A_967 = tpu.vector_load %arg10[%get3A_965, %get3A_966] {strides = array<i32>} : memref<104x128xf32, #tpu.memory_space<vmem>>, vector<16xf32>,
        %mul3A_968 = arith.mulf %get3A_47, %get3A_967 : vector<16xf32>
        %add3A_969 = arith.addf %add3A_964, %mul3A_968 : vector<16xf32>
        %get3A_970 = arith.index_cast %add3A_955 : i32 to index
        %get3A_971 = arith.constant 48 : index
        %get3A_972 = tpu.vector_load %arg10[%get3A_970, %get3A_971] {strides = array<i32>} : memref<104x128xf32, #tpu.memory_space<vmem>>, vector<16xf32>,
        %mul3A_973 = arith.mulf %get3A_50, %get3A_972 : vector<16xf32>
        %add3A_974 = arith.addf %add3A_969, %mul3A_973 : vector<16xf32>
        %get3A_975 = arith.index_cast %add3A_955 : i32 to index
        %get3A_976 = arith.constant 64 : index
        %get3A_977 = tpu.vector_load %arg10[%get3A_975, %get3A_976] {strides = array<i32>} : memref<104x128xf32, #tpu.memory_space<vmem>>, vector<16xf32>,
        %mul3A_978 = arith.mulf %get3A_53, %get3A_977 : vector<16xf32>
        %add3A_979 = arith.addf %add3A_974, %mul3A_978 : vector<16xf32>
        %get3A_980 = arith.index_cast %add3A_955 : i32 to index
        %get3A_981 = arith.constant 80 : index
        %get3A_982 = tpu.vector_load %arg10[%get3A_980, %get3A_981] {strides = array<i32>} : memref<104x128xf32, #tpu.memory_space<vmem>>, vector<16xf32>,
        %mul3A_983 = arith.mulf %get3A_56, %get3A_982 : vector<16xf32>
        %add3A_984 = arith.addf %add3A_979, %mul3A_983 : vector<16xf32>
        %get3A_985 = arith.index_cast %add3A_955 : i32 to index
        %get3A_986 = arith.constant 96 : index
        %get3A_987 = tpu.vector_load %arg10[%get3A_985, %get3A_986] {strides = array<i32>} : memref<104x128xf32, #tpu.memory_space<vmem>>, vector<16xf32>,
        %mul3A_988 = arith.mulf %get3A_59, %get3A_987 : vector<16xf32>
        %add3A_989 = arith.addf %add3A_984, %mul3A_988 : vector<16xf32>
        %get3A_990 = arith.index_cast %add3A_955 : i32 to index
        %get3A_991 = arith.constant 112 : index
        %get3A_992 = tpu.vector_load %arg10[%get3A_990, %get3A_991] {strides = array<i32>} : memref<104x128xf32, #tpu.memory_space<vmem>>, vector<16xf32>,
        %mul3A_993 = arith.mulf %get3A_62, %get3A_992 : vector<16xf32>
        %add3A_994 = arith.addf %add3A_989, %mul3A_993 : vector<16xf32>
        %cumsum3A_995 = arith.constant true
        %cumsum3A_996 = vector.broadcast %cumsum3A_995 : i1 to vector<16xi1>
        %cumsum3A_997 = tpu.scan <sum>, %add3A_994 masked %cumsum3A_996 : vector<16xf32>, vector<16xi1> -> vector<16xf32>
        %swap3A_998 = arith.constant 2 : i32
        %swap3A_999 = arith.index_cast %swap3A_998 : i32 to index
        %swap3A_1000 = arith.constant 0 : index
        %swap3A_1001 = tpu.vector_load %arg12[%swap3A_999, %swap3A_1000] {strides = array<i32>} : memref<16x16xf32, #tpu.memory_space<vmem>>, vector<16xf32>,
        tpu.vector_store %arg12[%swap3A_999, %swap3A_1000], %cumsum3A_997 {strides = array<i32>} : memref<16x16xf32, #tpu.memory_space<vmem>>, vector<16xf32>,
        %mul3A_1002 = arith.constant 16 : i32
        %mul3A_1003 = arith.muli %mul3A_1002, %scan3A_845 : i32
        %add3A_1004 = arith.constant 0 : i32
        %add3A_1005 = arith.addi %add3A_1004, %mul3A_1003 : i32
        %add3A_1006 = arith.constant 3 : i32
        %add3A_1007 = arith.addi %add3A_1005, %add3A_1006 : i32
        %get3A_1008 = arith.index_cast %add3A_1007 : i32 to index
        %get3A_1009 = arith.constant 0 : index
        %get3A_1010 = tpu.vector_load %arg10[%get3A_1008, %get3A_1009] {strides = array<i32>} : memref<104x128xf32, #tpu.memory_space<vmem>>, vector<16xf32>,
        %mul3A_1011 = arith.mulf %get3A_41, %get3A_1010 : vector<16xf32>
        %get3A_1012 = arith.index_cast %add3A_1007 : i32 to index
        %get3A_1013 = arith.constant 16 : index
        %get3A_1014 = tpu.vector_load %arg10[%get3A_1012, %get3A_1013] {strides = array<i32>} : memref<104x128xf32, #tpu.memory_space<vmem>>, vector<16xf32>,
        %mul3A_1015 = arith.mulf %get3A_44, %get3A_1014 : vector<16xf32>
        %add3A_1016 = arith.addf %mul3A_1011, %mul3A_1015 : vector<16xf32>
        %get3A_1017 = arith.index_cast %add3A_1007 : i32 to index
        %get3A_1018 = arith.constant 32 : index
        %get3A_1019 = tpu.vector_load %arg10[%get3A_1017, %get3A_1018] {strides = array<i32>} : memref<104x128xf32, #tpu.memory_space<vmem>>, vector<16xf32>,
        %mul3A_1020 = arith.mulf %get3A_47, %get3A_1019 : vector<16xf32>
        %add3A_1021 = arith.addf %add3A_1016, %mul3A_1020 : vector<16xf32>
        %get3A_1022 = arith.index_cast %add3A_1007 : i32 to index
        %get3A_1023 = arith.constant 48 : index
        %get3A_1024 = tpu.vector_load %arg10[%get3A_1022, %get3A_1023] {strides = array<i32>} : memref<104x128xf32, #tpu.memory_space<vmem>>, vector<16xf32>,
        %mul3A_1025 = arith.mulf %get3A_50, %get3A_1024 : vector<16xf32>
        %add3A_1026 = arith.addf %add3A_1021, %mul3A_1025 : vector<16xf32>
        %get3A_1027 = arith.index_cast %add3A_1007 : i32 to index
        %get3A_1028 = arith.constant 64 : index
        %get3A_1029 = tpu.vector_load %arg10[%get3A_1027, %get3A_1028] {strides = array<i32>} : memref<104x128xf32, #tpu.memory_space<vmem>>, vector<16xf32>,
        %mul3A_1030 = arith.mulf %get3A_53, %get3A_1029 : vector<16xf32>
        %add3A_1031 = arith.addf %add3A_1026, %mul3A_1030 : vector<16xf32>
        %get3A_1032 = arith.index_cast %add3A_1007 : i32 to index
        %get3A_1033 = arith.constant 80 : index
        %get3A_1034 = tpu.vector_load %arg10[%get3A_1032, %get3A_1033] {strides = array<i32>} : memref<104x128xf32, #tpu.memory_space<vmem>>, vector<16xf32>,
        %mul3A_1035 = arith.mulf %get3A_56, %get3A_1034 : vector<16xf32>
        %add3A_1036 = arith.addf %add3A_1031, %mul3A_1035 : vector<16xf32>
        %get3A_1037 = arith.index_cast %add3A_1007 : i32 to index
        %get3A_1038 = arith.constant 96 : index
        %get3A_1039 = tpu.vector_load %arg10[%get3A_1037, %get3A_1038] {strides = array<i32>} : memref<104x128xf32, #tpu.memory_space<vmem>>, vector<16xf32>,
        %mul3A_1040 = arith.mulf %get3A_59, %get3A_1039 : vector<16xf32>
        %add3A_1041 = arith.addf %add3A_1036, %mul3A_1040 : vector<16xf32>
        %get3A_1042 = arith.index_cast %add3A_1007 : i32 to index
        %get3A_1043 = arith.constant 112 : index
        %get3A_1044 = tpu.vector_load %arg10[%get3A_1042, %get3A_1043] {strides = array<i32>} : memref<104x128xf32, #tpu.memory_space<vmem>>, vector<16xf32>,
        %mul3A_1045 = arith.mulf %get3A_62, %get3A_1044 : vector<16xf32>
        %add3A_1046 = arith.addf %add3A_1041, %mul3A_1045 : vector<16xf32>
        %cumsum3A_1047 = arith.constant true
        %cumsum3A_1048 = vector.broadcast %cumsum3A_1047 : i1 to vector<16xi1>
        %cumsum3A_1049 = tpu.scan <sum>, %add3A_1046 masked %cumsum3A_1048 : vector<16xf32>, vector<16xi1> -> vector<16xf32>
        %swap3A_1050 = arith.constant 3 : i32
        %swap3A_1051 = arith.index_cast %swap3A_1050 : i32 to index
        %swap3A_1052 = arith.constant 0 : index
        %swap3A_1053 = tpu.vector_load %arg12[%swap3A_1051, %swap3A_1052] {strides = array<i32>} : memref<16x16xf32, #tpu.memory_space<vmem>>, vector<16xf32>,
        tpu.vector_store %arg12[%swap3A_1051, %swap3A_1052], %cumsum3A_1049 {strides = array<i32>} : memref<16x16xf32, #tpu.memory_space<vmem>>, vector<16xf32>,
        %mul3A_1054 = arith.constant 16 : i32
        %mul3A_1055 = arith.muli %mul3A_1054, %scan3A_845 : i32
        %add3A_1056 = arith.constant 0 : i32
        %add3A_1057 = arith.addi %add3A_1056, %mul3A_1055 : i32
        %add3A_1058 = arith.constant 4 : i32
        %add3A_1059 = arith.addi %add3A_1057, %add3A_1058 : i32
        %get3A_1060 = arith.index_cast %add3A_1059 : i32 to index
        %get3A_1061 = arith.constant 0 : index
        %get3A_1062 = tpu.vector_load %arg10[%get3A_1060, %get3A_1061] {strides = array<i32>} : memref<104x128xf32, #tpu.memory_space<vmem>>, vector<16xf32>,
        %mul3A_1063 = arith.mulf %get3A_41, %get3A_1062 : vector<16xf32>
        %get3A_1064 = arith.index_cast %add3A_1059 : i32 to index
        %get3A_1065 = arith.constant 16 : index
        %get3A_1066 = tpu.vector_load %arg10[%get3A_1064, %get3A_1065] {strides = array<i32>} : memref<104x128xf32, #tpu.memory_space<vmem>>, vector<16xf32>,
        %mul3A_1067 = arith.mulf %get3A_44, %get3A_1066 : vector<16xf32>
        %add3A_1068 = arith.addf %mul3A_1063, %mul3A_1067 : vector<16xf32>
        %get3A_1069 = arith.index_cast %add3A_1059 : i32 to index
        %get3A_1070 = arith.constant 32 : index
        %get3A_1071 = tpu.vector_load %arg10[%get3A_1069, %get3A_1070] {strides = array<i32>} : memref<104x128xf32, #tpu.memory_space<vmem>>, vector<16xf32>,
        %mul3A_1072 = arith.mulf %get3A_47, %get3A_1071 : vector<16xf32>
        %add3A_1073 = arith.addf %add3A_1068, %mul3A_1072 : vector<16xf32>
        %get3A_1074 = arith.index_cast %add3A_1059 : i32 to index
        %get3A_1075 = arith.constant 48 : index
        %get3A_1076 = tpu.vector_load %arg10[%get3A_1074, %get3A_1075] {strides = array<i32>} : memref<104x128xf32, #tpu.memory_space<vmem>>, vector<16xf32>,
        %mul3A_1077 = arith.mulf %get3A_50, %get3A_1076 : vector<16xf32>
        %add3A_1078 = arith.addf %add3A_1073, %mul3A_1077 : vector<16xf32>
        %get3A_1079 = arith.index_cast %add3A_1059 : i32 to index
        %get3A_1080 = arith.constant 64 : index
        %get3A_1081 = tpu.vector_load %arg10[%get3A_1079, %get3A_1080] {strides = array<i32>} : memref<104x128xf32, #tpu.memory_space<vmem>>, vector<16xf32>,
        %mul3A_1082 = arith.mulf %get3A_53, %get3A_1081 : vector<16xf32>
        %add3A_1083 = arith.addf %add3A_1078, %mul3A_1082 : vector<16xf32>
        %get3A_1084 = arith.index_cast %add3A_1059 : i32 to index
        %get3A_1085 = arith.constant 80 : index
        %get3A_1086 = tpu.vector_load %arg10[%get3A_1084, %get3A_1085] {strides = array<i32>} : memref<104x128xf32, #tpu.memory_space<vmem>>, vector<16xf32>,
        %mul3A_1087 = arith.mulf %get3A_56, %get3A_1086 : vector<16xf32>
        %add3A_1088 = arith.addf %add3A_1083, %mul3A_1087 : vector<16xf32>
        %get3A_1089 = arith.index_cast %add3A_1059 : i32 to index
        %get3A_1090 = arith.constant 96 : index
        %get3A_1091 = tpu.vector_load %arg10[%get3A_1089, %get3A_1090] {strides = array<i32>} : memref<104x128xf32, #tpu.memory_space<vmem>>, vector<16xf32>,
        %mul3A_1092 = arith.mulf %get3A_59, %get3A_1091 : vector<16xf32>
        %add3A_1093 = arith.addf %add3A_1088, %mul3A_1092 : vector<16xf32>
        %get3A_1094 = arith.index_cast %add3A_1059 : i32 to index
        %get3A_1095 = arith.constant 112 : index
        %get3A_1096 = tpu.vector_load %arg10[%get3A_1094, %get3A_1095] {strides = array<i32>} : memref<104x128xf32, #tpu.memory_space<vmem>>, vector<16xf32>,
        %mul3A_1097 = arith.mulf %get3A_62, %get3A_1096 : vector<16xf32>
        %add3A_1098 = arith.addf %add3A_1093, %mul3A_1097 : vector<16xf32>
        %cumsum3A_1099 = arith.constant true
        %cumsum3A_1100 = vector.broadcast %cumsum3A_1099 : i1 to vector<16xi1>
        %cumsum3A_1101 = tpu.scan <sum>, %add3A_1098 masked %cumsum3A_1100 : vector<16xf32>, vector<16xi1> -> vector<16xf32>
        %swap3A_1102 = arith.constant 4 : i32
        %swap3A_1103 = arith.index_cast %swap3A_1102 : i32 to index
        %swap3A_1104 = arith.constant 0 : index
        %swap3A_1105 = tpu.vector_load %arg12[%swap3A_1103, %swap3A_1104] {strides = array<i32>} : memref<16x16xf32, #tpu.memory_space<vmem>>, vector<16xf32>,
        tpu.vector_store %arg12[%swap3A_1103, %swap3A_1104], %cumsum3A_1101 {strides = array<i32>} : memref<16x16xf32, #tpu.memory_space<vmem>>, vector<16xf32>,
        %mul3A_1106 = arith.constant 16 : i32
        %mul3A_1107 = arith.muli %mul3A_1106, %scan3A_845 : i32
        %add3A_1108 = arith.constant 0 : i32
        %add3A_1109 = arith.addi %add3A_1108, %mul3A_1107 : i32
        %add3A_1110 = arith.constant 5 : i32
        %add3A_1111 = arith.addi %add3A_1109, %add3A_1110 : i32
        %get3A_1112 = arith.index_cast %add3A_1111 : i32 to index
        %get3A_1113 = arith.constant 0 : index
        %get3A_1114 = tpu.vector_load %arg10[%get3A_1112, %get3A_1113] {strides = array<i32>} : memref<104x128xf32, #tpu.memory_space<vmem>>, vector<16xf32>,
        %mul3A_1115 = arith.mulf %get3A_41, %get3A_1114 : vector<16xf32>
        %get3A_1116 = arith.index_cast %add3A_1111 : i32 to index
        %get3A_1117 = arith.constant 16 : index
        %get3A_1118 = tpu.vector_load %arg10[%get3A_1116, %get3A_1117] {strides = array<i32>} : memref<104x128xf32, #tpu.memory_space<vmem>>, vector<16xf32>,
        %mul3A_1119 = arith.mulf %get3A_44, %get3A_1118 : vector<16xf32>
        %add3A_1120 = arith.addf %mul3A_1115, %mul3A_1119 : vector<16xf32>
        %get3A_1121 = arith.index_cast %add3A_1111 : i32 to index
        %get3A_1122 = arith.constant 32 : index
        %get3A_1123 = tpu.vector_load %arg10[%get3A_1121, %get3A_1122] {strides = array<i32>} : memref<104x128xf32, #tpu.memory_space<vmem>>, vector<16xf32>,
        %mul3A_1124 = arith.mulf %get3A_47, %get3A_1123 : vector<16xf32>
        %add3A_1125 = arith.addf %add3A_1120, %mul3A_1124 : vector<16xf32>
        %get3A_1126 = arith.index_cast %add3A_1111 : i32 to index
        %get3A_1127 = arith.constant 48 : index
        %get3A_1128 = tpu.vector_load %arg10[%get3A_1126, %get3A_1127] {strides = array<i32>} : memref<104x128xf32, #tpu.memory_space<vmem>>, vector<16xf32>,
        %mul3A_1129 = arith.mulf %get3A_50, %get3A_1128 : vector<16xf32>
        %add3A_1130 = arith.addf %add3A_1125, %mul3A_1129 : vector<16xf32>
        %get3A_1131 = arith.index_cast %add3A_1111 : i32 to index
        %get3A_1132 = arith.constant 64 : index
        %get3A_1133 = tpu.vector_load %arg10[%get3A_1131, %get3A_1132] {strides = array<i32>} : memref<104x128xf32, #tpu.memory_space<vmem>>, vector<16xf32>,
        %mul3A_1134 = arith.mulf %get3A_53, %get3A_1133 : vector<16xf32>
        %add3A_1135 = arith.addf %add3A_1130, %mul3A_1134 : vector<16xf32>
        %get3A_1136 = arith.index_cast %add3A_1111 : i32 to index
        %get3A_1137 = arith.constant 80 : index
        %get3A_1138 = tpu.vector_load %arg10[%get3A_1136, %get3A_1137] {strides = array<i32>} : memref<104x128xf32, #tpu.memory_space<vmem>>, vector<16xf32>,
        %mul3A_1139 = arith.mulf %get3A_56, %get3A_1138 : vector<16xf32>
        %add3A_1140 = arith.addf %add3A_1135, %mul3A_1139 : vector<16xf32>
        %get3A_1141 = arith.index_cast %add3A_1111 : i32 to index
        %get3A_1142 = arith.constant 96 : index
        %get3A_1143 = tpu.vector_load %arg10[%get3A_1141, %get3A_1142] {strides = array<i32>} : memref<104x128xf32, #tpu.memory_space<vmem>>, vector<16xf32>,
        %mul3A_1144 = arith.mulf %get3A_59, %get3A_1143 : vector<16xf32>
        %add3A_1145 = arith.addf %add3A_1140, %mul3A_1144 : vector<16xf32>
        %get3A_1146 = arith.index_cast %add3A_1111 : i32 to index
        %get3A_1147 = arith.constant 112 : index
        %get3A_1148 = tpu.vector_load %arg10[%get3A_1146, %get3A_1147] {strides = array<i32>} : memref<104x128xf32, #tpu.memory_space<vmem>>, vector<16xf32>,
        %mul3A_1149 = arith.mulf %get3A_62, %get3A_1148 : vector<16xf32>
        %add3A_1150 = arith.addf %add3A_1145, %mul3A_1149 : vector<16xf32>
        %cumsum3A_1151 = arith.constant true
        %cumsum3A_1152 = vector.broadcast %cumsum3A_1151 : i1 to vector<16xi1>
        %cumsum3A_1153 = tpu.scan <sum>, %add3A_1150 masked %cumsum3A_1152 : vector<16xf32>, vector<16xi1> -> vector<16xf32>
        %swap3A_1154 = arith.constant 5 : i32
        %swap3A_1155 = arith.index_cast %swap3A_1154 : i32 to index
        %swap3A_1156 = arith.constant 0 : index
        %swap3A_1157 = tpu.vector_load %arg12[%swap3A_1155, %swap3A_1156] {strides = array<i32>} : memref<16x16xf32, #tpu.memory_space<vmem>>, vector<16xf32>,
        tpu.vector_store %arg12[%swap3A_1155, %swap3A_1156], %cumsum3A_1153 {strides = array<i32>} : memref<16x16xf32, #tpu.memory_space<vmem>>, vector<16xf32>,
        %mul3A_1158 = arith.constant 16 : i32
        %mul3A_1159 = arith.muli %mul3A_1158, %scan3A_845 : i32
        %add3A_1160 = arith.constant 0 : i32
        %add3A_1161 = arith.addi %add3A_1160, %mul3A_1159 : i32
        %add3A_1162 = arith.constant 6 : i32
        %add3A_1163 = arith.addi %add3A_1161, %add3A_1162 : i32
        %get3A_1164 = arith.index_cast %add3A_1163 : i32 to index
        %get3A_1165 = arith.constant 0 : index
        %get3A_1166 = tpu.vector_load %arg10[%get3A_1164, %get3A_1165] {strides = array<i32>} : memref<104x128xf32, #tpu.memory_space<vmem>>, vector<16xf32>,
        %mul3A_1167 = arith.mulf %get3A_41, %get3A_1166 : vector<16xf32>
        %get3A_1168 = arith.index_cast %add3A_1163 : i32 to index
        %get3A_1169 = arith.constant 16 : index
        %get3A_1170 = tpu.vector_load %arg10[%get3A_1168, %get3A_1169] {strides = array<i32>} : memref<104x128xf32, #tpu.memory_space<vmem>>, vector<16xf32>,
        %mul3A_1171 = arith.mulf %get3A_44, %get3A_1170 : vector<16xf32>
        %add3A_1172 = arith.addf %mul3A_1167, %mul3A_1171 : vector<16xf32>
        %get3A_1173 = arith.index_cast %add3A_1163 : i32 to index
        %get3A_1174 = arith.constant 32 : index
        %get3A_1175 = tpu.vector_load %arg10[%get3A_1173, %get3A_1174] {strides = array<i32>} : memref<104x128xf32, #tpu.memory_space<vmem>>, vector<16xf32>,
        %mul3A_1176 = arith.mulf %get3A_47, %get3A_1175 : vector<16xf32>
        %add3A_1177 = arith.addf %add3A_1172, %mul3A_1176 : vector<16xf32>
        %get3A_1178 = arith.index_cast %add3A_1163 : i32 to index
        %get3A_1179 = arith.constant 48 : index
        %get3A_1180 = tpu.vector_load %arg10[%get3A_1178, %get3A_1179] {strides = array<i32>} : memref<104x128xf32, #tpu.memory_space<vmem>>, vector<16xf32>,
        %mul3A_1181 = arith.mulf %get3A_50, %get3A_1180 : vector<16xf32>
        %add3A_1182 = arith.addf %add3A_1177, %mul3A_1181 : vector<16xf32>
        %get3A_1183 = arith.index_cast %add3A_1163 : i32 to index
        %get3A_1184 = arith.constant 64 : index
        %get3A_1185 = tpu.vector_load %arg10[%get3A_1183, %get3A_1184] {strides = array<i32>} : memref<104x128xf32, #tpu.memory_space<vmem>>, vector<16xf32>,
        %mul3A_1186 = arith.mulf %get3A_53, %get3A_1185 : vector<16xf32>
        %add3A_1187 = arith.addf %add3A_1182, %mul3A_1186 : vector<16xf32>
        %get3A_1188 = arith.index_cast %add3A_1163 : i32 to index
        %get3A_1189 = arith.constant 80 : index
        %get3A_1190 = tpu.vector_load %arg10[%get3A_1188, %get3A_1189] {strides = array<i32>} : memref<104x128xf32, #tpu.memory_space<vmem>>, vector<16xf32>,
        %mul3A_1191 = arith.mulf %get3A_56, %get3A_1190 : vector<16xf32>
        %add3A_1192 = arith.addf %add3A_1187, %mul3A_1191 : vector<16xf32>
        %get3A_1193 = arith.index_cast %add3A_1163 : i32 to index
        %get3A_1194 = arith.constant 96 : index
        %get3A_1195 = tpu.vector_load %arg10[%get3A_1193, %get3A_1194] {strides = array<i32>} : memref<104x128xf32, #tpu.memory_space<vmem>>, vector<16xf32>,
        %mul3A_1196 = arith.mulf %get3A_59, %get3A_1195 : vector<16xf32>
        %add3A_1197 = arith.addf %add3A_1192, %mul3A_1196 : vector<16xf32>
        %get3A_1198 = arith.index_cast %add3A_1163 : i32 to index
        %get3A_1199 = arith.constant 112 : index
        %get3A_1200 = tpu.vector_load %arg10[%get3A_1198, %get3A_1199] {strides = array<i32>} : memref<104x128xf32, #tpu.memory_space<vmem>>, vector<16xf32>,
        %mul3A_1201 = arith.mulf %get3A_62, %get3A_1200 : vector<16xf32>
        %add3A_1202 = arith.addf %add3A_1197, %mul3A_1201 : vector<16xf32>
        %cumsum3A_1203 = arith.constant true
        %cumsum3A_1204 = vector.broadcast %cumsum3A_1203 : i1 to vector<16xi1>
        %cumsum3A_1205 = tpu.scan <sum>, %add3A_1202 masked %cumsum3A_1204 : vector<16xf32>, vector<16xi1> -> vector<16xf32>
        %swap3A_1206 = arith.constant 6 : i32
        %swap3A_1207 = arith.index_cast %swap3A_1206 : i32 to index
        %swap3A_1208 = arith.constant 0 : index
        %swap3A_1209 = tpu.vector_load %arg12[%swap3A_1207, %swap3A_1208] {strides = array<i32>} : memref<16x16xf32, #tpu.memory_space<vmem>>, vector<16xf32>,
        tpu.vector_store %arg12[%swap3A_1207, %swap3A_1208], %cumsum3A_1205 {strides = array<i32>} : memref<16x16xf32, #tpu.memory_space<vmem>>, vector<16xf32>,
        %mul3A_1210 = arith.constant 16 : i32
        %mul3A_1211 = arith.muli %mul3A_1210, %scan3A_845 : i32
        %add3A_1212 = arith.constant 0 : i32
        %add3A_1213 = arith.addi %add3A_1212, %mul3A_1211 : i32
        %add3A_1214 = arith.constant 7 : i32
        %add3A_1215 = arith.addi %add3A_1213, %add3A_1214 : i32
        %get3A_1216 = arith.index_cast %add3A_1215 : i32 to index
        %get3A_1217 = arith.constant 0 : index
        %get3A_1218 = tpu.vector_load %arg10[%get3A_1216, %get3A_1217] {strides = array<i32>} : memref<104x128xf32, #tpu.memory_space<vmem>>, vector<16xf32>,
        %mul3A_1219 = arith.mulf %get3A_41, %get3A_1218 : vector<16xf32>
        %get3A_1220 = arith.index_cast %add3A_1215 : i32 to index
        %get3A_1221 = arith.constant 16 : index
        %get3A_1222 = tpu.vector_load %arg10[%get3A_1220, %get3A_1221] {strides = array<i32>} : memref<104x128xf32, #tpu.memory_space<vmem>>, vector<16xf32>,
        %mul3A_1223 = arith.mulf %get3A_44, %get3A_1222 : vector<16xf32>
        %add3A_1224 = arith.addf %mul3A_1219, %mul3A_1223 : vector<16xf32>
        %get3A_1225 = arith.index_cast %add3A_1215 : i32 to index
        %get3A_1226 = arith.constant 32 : index
        %get3A_1227 = tpu.vector_load %arg10[%get3A_1225, %get3A_1226] {strides = array<i32>} : memref<104x128xf32, #tpu.memory_space<vmem>>, vector<16xf32>,
        %mul3A_1228 = arith.mulf %get3A_47, %get3A_1227 : vector<16xf32>
        %add3A_1229 = arith.addf %add3A_1224, %mul3A_1228 : vector<16xf32>
        %get3A_1230 = arith.index_cast %add3A_1215 : i32 to index
        %get3A_1231 = arith.constant 48 : index
        %get3A_1232 = tpu.vector_load %arg10[%get3A_1230, %get3A_1231] {strides = array<i32>} : memref<104x128xf32, #tpu.memory_space<vmem>>, vector<16xf32>,
        %mul3A_1233 = arith.mulf %get3A_50, %get3A_1232 : vector<16xf32>
        %add3A_1234 = arith.addf %add3A_1229, %mul3A_1233 : vector<16xf32>
        %get3A_1235 = arith.index_cast %add3A_1215 : i32 to index
        %get3A_1236 = arith.constant 64 : index
        %get3A_1237 = tpu.vector_load %arg10[%get3A_1235, %get3A_1236] {strides = array<i32>} : memref<104x128xf32, #tpu.memory_space<vmem>>, vector<16xf32>,
        %mul3A_1238 = arith.mulf %get3A_53, %get3A_1237 : vector<16xf32>
        %add3A_1239 = arith.addf %add3A_1234, %mul3A_1238 : vector<16xf32>
        %get3A_1240 = arith.index_cast %add3A_1215 : i32 to index
        %get3A_1241 = arith.constant 80 : index
        %get3A_1242 = tpu.vector_load %arg10[%get3A_1240, %get3A_1241] {strides = array<i32>} : memref<104x128xf32, #tpu.memory_space<vmem>>, vector<16xf32>,
        %mul3A_1243 = arith.mulf %get3A_56, %get3A_1242 : vector<16xf32>
        %add3A_1244 = arith.addf %add3A_1239, %mul3A_1243 : vector<16xf32>
        %get3A_1245 = arith.index_cast %add3A_1215 : i32 to index
        %get3A_1246 = arith.constant 96 : index
        %get3A_1247 = tpu.vector_load %arg10[%get3A_1245, %get3A_1246] {strides = array<i32>} : memref<104x128xf32, #tpu.memory_space<vmem>>, vector<16xf32>,
        %mul3A_1248 = arith.mulf %get3A_59, %get3A_1247 : vector<16xf32>
        %add3A_1249 = arith.addf %add3A_1244, %mul3A_1248 : vector<16xf32>
        %get3A_1250 = arith.index_cast %add3A_1215 : i32 to index
        %get3A_1251 = arith.constant 112 : index
        %get3A_1252 = tpu.vector_load %arg10[%get3A_1250, %get3A_1251] {strides = array<i32>} : memref<104x128xf32, #tpu.memory_space<vmem>>, vector<16xf32>,
        %mul3A_1253 = arith.mulf %get3A_62, %get3A_1252 : vector<16xf32>
        %add3A_1254 = arith.addf %add3A_1249, %mul3A_1253 : vector<16xf32>
        %cumsum3A_1255 = arith.constant true
        %cumsum3A_1256 = vector.broadcast %cumsum3A_1255 : i1 to vector<16xi1>
        %cumsum3A_1257 = tpu.scan <sum>, %add3A_1254 masked %cumsum3A_1256 : vector<16xf32>, vector<16xi1> -> vector<16xf32>
        %swap3A_1258 = arith.constant 7 : i32
        %swap3A_1259 = arith.index_cast %swap3A_1258 : i32 to index
        %swap3A_1260 = arith.constant 0 : index
        %swap3A_1261 = tpu.vector_load %arg12[%swap3A_1259, %swap3A_1260] {strides = array<i32>} : memref<16x16xf32, #tpu.memory_space<vmem>>, vector<16xf32>,
        tpu.vector_store %arg12[%swap3A_1259, %swap3A_1260], %cumsum3A_1257 {strides = array<i32>} : memref<16x16xf32, #tpu.memory_space<vmem>>, vector<16xf32>,
        %mul3A_1262 = arith.constant 16 : i32
        %mul3A_1263 = arith.muli %mul3A_1262, %scan3A_845 : i32
        %add3A_1264 = arith.constant 0 : i32
        %add3A_1265 = arith.addi %add3A_1264, %mul3A_1263 : i32
        %add3A_1266 = arith.constant 8 : i32
        %add3A_1267 = arith.addi %add3A_1265, %add3A_1266 : i32
        %get3A_1268 = arith.index_cast %add3A_1267 : i32 to index
        %get3A_1269 = arith.constant 0 : index
        %get3A_1270 = tpu.vector_load %arg10[%get3A_1268, %get3A_1269] {strides = array<i32>} : memref<104x128xf32, #tpu.memory_space<vmem>>, vector<16xf32>,
        %mul3A_1271 = arith.mulf %get3A_41, %get3A_1270 : vector<16xf32>
        %get3A_1272 = arith.index_cast %add3A_1267 : i32 to index
        %get3A_1273 = arith.constant 16 : index
        %get3A_1274 = tpu.vector_load %arg10[%get3A_1272, %get3A_1273] {strides = array<i32>} : memref<104x128xf32, #tpu.memory_space<vmem>>, vector<16xf32>,
        %mul3A_1275 = arith.mulf %get3A_44, %get3A_1274 : vector<16xf32>
        %add3A_1276 = arith.addf %mul3A_1271, %mul3A_1275 : vector<16xf32>
        %get3A_1277 = arith.index_cast %add3A_1267 : i32 to index
        %get3A_1278 = arith.constant 32 : index
        %get3A_1279 = tpu.vector_load %arg10[%get3A_1277, %get3A_1278] {strides = array<i32>} : memref<104x128xf32, #tpu.memory_space<vmem>>, vector<16xf32>,
        %mul3A_1280 = arith.mulf %get3A_47, %get3A_1279 : vector<16xf32>
        %add3A_1281 = arith.addf %add3A_1276, %mul3A_1280 : vector<16xf32>
        %get3A_1282 = arith.index_cast %add3A_1267 : i32 to index
        %get3A_1283 = arith.constant 48 : index
        %get3A_1284 = tpu.vector_load %arg10[%get3A_1282, %get3A_1283] {strides = array<i32>} : memref<104x128xf32, #tpu.memory_space<vmem>>, vector<16xf32>,
        %mul3A_1285 = arith.mulf %get3A_50, %get3A_1284 : vector<16xf32>
        %add3A_1286 = arith.addf %add3A_1281, %mul3A_1285 : vector<16xf32>
        %get3A_1287 = arith.index_cast %add3A_1267 : i32 to index
        %get3A_1288 = arith.constant 64 : index
        %get3A_1289 = tpu.vector_load %arg10[%get3A_1287, %get3A_1288] {strides = array<i32>} : memref<104x128xf32, #tpu.memory_space<vmem>>, vector<16xf32>,
        %mul3A_1290 = arith.mulf %get3A_53, %get3A_1289 : vector<16xf32>
        %add3A_1291 = arith.addf %add3A_1286, %mul3A_1290 : vector<16xf32>
        %get3A_1292 = arith.index_cast %add3A_1267 : i32 to index
        %get3A_1293 = arith.constant 80 : index
        %get3A_1294 = tpu.vector_load %arg10[%get3A_1292, %get3A_1293] {strides = array<i32>} : memref<104x128xf32, #tpu.memory_space<vmem>>, vector<16xf32>,
        %mul3A_1295 = arith.mulf %get3A_56, %get3A_1294 : vector<16xf32>
        %add3A_1296 = arith.addf %add3A_1291, %mul3A_1295 : vector<16xf32>
        %get3A_1297 = arith.index_cast %add3A_1267 : i32 to index
        %get3A_1298 = arith.constant 96 : index
        %get3A_1299 = tpu.vector_load %arg10[%get3A_1297, %get3A_1298] {strides = array<i32>} : memref<104x128xf32, #tpu.memory_space<vmem>>, vector<16xf32>,
        %mul3A_1300 = arith.mulf %get3A_59, %get3A_1299 : vector<16xf32>
        %add3A_1301 = arith.addf %add3A_1296, %mul3A_1300 : vector<16xf32>
        %get3A_1302 = arith.index_cast %add3A_1267 : i32 to index
        %get3A_1303 = arith.constant 112 : index
        %get3A_1304 = tpu.vector_load %arg10[%get3A_1302, %get3A_1303] {strides = array<i32>} : memref<104x128xf32, #tpu.memory_space<vmem>>, vector<16xf32>,
        %mul3A_1305 = arith.mulf %get3A_62, %get3A_1304 : vector<16xf32>
        %add3A_1306 = arith.addf %add3A_1301, %mul3A_1305 : vector<16xf32>
        %cumsum3A_1307 = arith.constant true
        %cumsum3A_1308 = vector.broadcast %cumsum3A_1307 : i1 to vector<16xi1>
        %cumsum3A_1309 = tpu.scan <sum>, %add3A_1306 masked %cumsum3A_1308 : vector<16xf32>, vector<16xi1> -> vector<16xf32>
        %swap3A_1310 = arith.constant 8 : i32
        %swap3A_1311 = arith.index_cast %swap3A_1310 : i32 to index
        %swap3A_1312 = arith.constant 0 : index
        %swap3A_1313 = tpu.vector_load %arg12[%swap3A_1311, %swap3A_1312] {strides = array<i32>} : memref<16x16xf32, #tpu.memory_space<vmem>>, vector<16xf32>,
        tpu.vector_store %arg12[%swap3A_1311, %swap3A_1312], %cumsum3A_1309 {strides = array<i32>} : memref<16x16xf32, #tpu.memory_space<vmem>>, vector<16xf32>,
        %mul3A_1314 = arith.constant 16 : i32
        %mul3A_1315 = arith.muli %mul3A_1314, %scan3A_845 : i32
        %add3A_1316 = arith.constant 0 : i32
        %add3A_1317 = arith.addi %add3A_1316, %mul3A_1315 : i32
        %add3A_1318 = arith.constant 9 : i32
        %add3A_1319 = arith.addi %add3A_1317, %add3A_1318 : i32
        %get3A_1320 = arith.index_cast %add3A_1319 : i32 to index
        %get3A_1321 = arith.constant 0 : index
        %get3A_1322 = tpu.vector_load %arg10[%get3A_1320, %get3A_1321] {strides = array<i32>} : memref<104x128xf32, #tpu.memory_space<vmem>>, vector<16xf32>,
        %mul3A_1323 = arith.mulf %get3A_41, %get3A_1322 : vector<16xf32>
        %get3A_1324 = arith.index_cast %add3A_1319 : i32 to index
        %get3A_1325 = arith.constant 16 : index
        %get3A_1326 = tpu.vector_load %arg10[%get3A_1324, %get3A_1325] {strides = array<i32>} : memref<104x128xf32, #tpu.memory_space<vmem>>, vector<16xf32>,
        %mul3A_1327 = arith.mulf %get3A_44, %get3A_1326 : vector<16xf32>
        %add3A_1328 = arith.addf %mul3A_1323, %mul3A_1327 : vector<16xf32>
        %get3A_1329 = arith.index_cast %add3A_1319 : i32 to index
        %get3A_1330 = arith.constant 32 : index
        %get3A_1331 = tpu.vector_load %arg10[%get3A_1329, %get3A_1330] {strides = array<i32>} : memref<104x128xf32, #tpu.memory_space<vmem>>, vector<16xf32>,
        %mul3A_1332 = arith.mulf %get3A_47, %get3A_1331 : vector<16xf32>
        %add3A_1333 = arith.addf %add3A_1328, %mul3A_1332 : vector<16xf32>
        %get3A_1334 = arith.index_cast %add3A_1319 : i32 to index
        %get3A_1335 = arith.constant 48 : index
        %get3A_1336 = tpu.vector_load %arg10[%get3A_1334, %get3A_1335] {strides = array<i32>} : memref<104x128xf32, #tpu.memory_space<vmem>>, vector<16xf32>,
        %mul3A_1337 = arith.mulf %get3A_50, %get3A_1336 : vector<16xf32>
        %add3A_1338 = arith.addf %add3A_1333, %mul3A_1337 : vector<16xf32>
        %get3A_1339 = arith.index_cast %add3A_1319 : i32 to index
        %get3A_1340 = arith.constant 64 : index
        %get3A_1341 = tpu.vector_load %arg10[%get3A_1339, %get3A_1340] {strides = array<i32>} : memref<104x128xf32, #tpu.memory_space<vmem>>, vector<16xf32>,
        %mul3A_1342 = arith.mulf %get3A_53, %get3A_1341 : vector<16xf32>
        %add3A_1343 = arith.addf %add3A_1338, %mul3A_1342 : vector<16xf32>
        %get3A_1344 = arith.index_cast %add3A_1319 : i32 to index
        %get3A_1345 = arith.constant 80 : index
        %get3A_1346 = tpu.vector_load %arg10[%get3A_1344, %get3A_1345] {strides = array<i32>} : memref<104x128xf32, #tpu.memory_space<vmem>>, vector<16xf32>,
        %mul3A_1347 = arith.mulf %get3A_56, %get3A_1346 : vector<16xf32>
        %add3A_1348 = arith.addf %add3A_1343, %mul3A_1347 : vector<16xf32>
        %get3A_1349 = arith.index_cast %add3A_1319 : i32 to index
        %get3A_1350 = arith.constant 96 : index
        %get3A_1351 = tpu.vector_load %arg10[%get3A_1349, %get3A_1350] {strides = array<i32>} : memref<104x128xf32, #tpu.memory_space<vmem>>, vector<16xf32>,
        %mul3A_1352 = arith.mulf %get3A_59, %get3A_1351 : vector<16xf32>
        %add3A_1353 = arith.addf %add3A_1348, %mul3A_1352 : vector<16xf32>
        %get3A_1354 = arith.index_cast %add3A_1319 : i32 to index
        %get3A_1355 = arith.constant 112 : index
        %get3A_1356 = tpu.vector_load %arg10[%get3A_1354, %get3A_1355] {strides = array<i32>} : memref<104x128xf32, #tpu.memory_space<vmem>>, vector<16xf32>,
        %mul3A_1357 = arith.mulf %get3A_62, %get3A_1356 : vector<16xf32>
        %add3A_1358 = arith.addf %add3A_1353, %mul3A_1357 : vector<16xf32>
        %cumsum3A_1359 = arith.constant true
        %cumsum3A_1360 = vector.broadcast %cumsum3A_1359 : i1 to vector<16xi1>
        %cumsum3A_1361 = tpu.scan <sum>, %add3A_1358 masked %cumsum3A_1360 : vector<16xf32>, vector<16xi1> -> vector<16xf32>
        %swap3A_1362 = arith.constant 9 : i32
        %swap3A_1363 = arith.index_cast %swap3A_1362 : i32 to index
        %swap3A_1364 = arith.constant 0 : index
        %swap3A_1365 = tpu.vector_load %arg12[%swap3A_1363, %swap3A_1364] {strides = array<i32>} : memref<16x16xf32, #tpu.memory_space<vmem>>, vector<16xf32>,
        tpu.vector_store %arg12[%swap3A_1363, %swap3A_1364], %cumsum3A_1361 {strides = array<i32>} : memref<16x16xf32, #tpu.memory_space<vmem>>, vector<16xf32>,
        %mul3A_1366 = arith.constant 16 : i32
        %mul3A_1367 = arith.muli %mul3A_1366, %scan3A_845 : i32
        %add3A_1368 = arith.constant 0 : i32
        %add3A_1369 = arith.addi %add3A_1368, %mul3A_1367 : i32
        %add3A_1370 = arith.constant 10 : i32
        %add3A_1371 = arith.addi %add3A_1369, %add3A_1370 : i32
        %get3A_1372 = arith.index_cast %add3A_1371 : i32 to index
        %get3A_1373 = arith.constant 0 : index
        %get3A_1374 = tpu.vector_load %arg10[%get3A_1372, %get3A_1373] {strides = array<i32>} : memref<104x128xf32, #tpu.memory_space<vmem>>, vector<16xf32>,
        %mul3A_1375 = arith.mulf %get3A_41, %get3A_1374 : vector<16xf32>
        %get3A_1376 = arith.index_cast %add3A_1371 : i32 to index
        %get3A_1377 = arith.constant 16 : index
        %get3A_1378 = tpu.vector_load %arg10[%get3A_1376, %get3A_1377] {strides = array<i32>} : memref<104x128xf32, #tpu.memory_space<vmem>>, vector<16xf32>,
        %mul3A_1379 = arith.mulf %get3A_44, %get3A_1378 : vector<16xf32>
        %add3A_1380 = arith.addf %mul3A_1375, %mul3A_1379 : vector<16xf32>
        %get3A_1381 = arith.index_cast %add3A_1371 : i32 to index
        %get3A_1382 = arith.constant 32 : index
        %get3A_1383 = tpu.vector_load %arg10[%get3A_1381, %get3A_1382] {strides = array<i32>} : memref<104x128xf32, #tpu.memory_space<vmem>>, vector<16xf32>,
        %mul3A_1384 = arith.mulf %get3A_47, %get3A_1383 : vector<16xf32>
        %add3A_1385 = arith.addf %add3A_1380, %mul3A_1384 : vector<16xf32>
        %get3A_1386 = arith.index_cast %add3A_1371 : i32 to index
        %get3A_1387 = arith.constant 48 : index
        %get3A_1388 = tpu.vector_load %arg10[%get3A_1386, %get3A_1387] {strides = array<i32>} : memref<104x128xf32, #tpu.memory_space<vmem>>, vector<16xf32>,
        %mul3A_1389 = arith.mulf %get3A_50, %get3A_1388 : vector<16xf32>
        %add3A_1390 = arith.addf %add3A_1385, %mul3A_1389 : vector<16xf32>
        %get3A_1391 = arith.index_cast %add3A_1371 : i32 to index
        %get3A_1392 = arith.constant 64 : index
        %get3A_1393 = tpu.vector_load %arg10[%get3A_1391, %get3A_1392] {strides = array<i32>} : memref<104x128xf32, #tpu.memory_space<vmem>>, vector<16xf32>,
        %mul3A_1394 = arith.mulf %get3A_53, %get3A_1393 : vector<16xf32>
        %add3A_1395 = arith.addf %add3A_1390, %mul3A_1394 : vector<16xf32>
        %get3A_1396 = arith.index_cast %add3A_1371 : i32 to index
        %get3A_1397 = arith.constant 80 : index
        %get3A_1398 = tpu.vector_load %arg10[%get3A_1396, %get3A_1397] {strides = array<i32>} : memref<104x128xf32, #tpu.memory_space<vmem>>, vector<16xf32>,
        %mul3A_1399 = arith.mulf %get3A_56, %get3A_1398 : vector<16xf32>
        %add3A_1400 = arith.addf %add3A_1395, %mul3A_1399 : vector<16xf32>
        %get3A_1401 = arith.index_cast %add3A_1371 : i32 to index
        %get3A_1402 = arith.constant 96 : index
        %get3A_1403 = tpu.vector_load %arg10[%get3A_1401, %get3A_1402] {strides = array<i32>} : memref<104x128xf32, #tpu.memory_space<vmem>>, vector<16xf32>,
        %mul3A_1404 = arith.mulf %get3A_59, %get3A_1403 : vector<16xf32>
        %add3A_1405 = arith.addf %add3A_1400, %mul3A_1404 : vector<16xf32>
        %get3A_1406 = arith.index_cast %add3A_1371 : i32 to index
        %get3A_1407 = arith.constant 112 : index
        %get3A_1408 = tpu.vector_load %arg10[%get3A_1406, %get3A_1407] {strides = array<i32>} : memref<104x128xf32, #tpu.memory_space<vmem>>, vector<16xf32>,
        %mul3A_1409 = arith.mulf %get3A_62, %get3A_1408 : vector<16xf32>
        %add3A_1410 = arith.addf %add3A_1405, %mul3A_1409 : vector<16xf32>
        %cumsum3A_1411 = arith.constant true
        %cumsum3A_1412 = vector.broadcast %cumsum3A_1411 : i1 to vector<16xi1>
        %cumsum3A_1413 = tpu.scan <sum>, %add3A_1410 masked %cumsum3A_1412 : vector<16xf32>, vector<16xi1> -> vector<16xf32>
        %swap3A_1414 = arith.constant 10 : i32
        %swap3A_1415 = arith.index_cast %swap3A_1414 : i32 to index
        %swap3A_1416 = arith.constant 0 : index
        %swap3A_1417 = tpu.vector_load %arg12[%swap3A_1415, %swap3A_1416] {strides = array<i32>} : memref<16x16xf32, #tpu.memory_space<vmem>>, vector<16xf32>,
        tpu.vector_store %arg12[%swap3A_1415, %swap3A_1416], %cumsum3A_1413 {strides = array<i32>} : memref<16x16xf32, #tpu.memory_space<vmem>>, vector<16xf32>,
        %mul3A_1418 = arith.constant 16 : i32
        %mul3A_1419 = arith.muli %mul3A_1418, %scan3A_845 : i32
        %add3A_1420 = arith.constant 0 : i32
        %add3A_1421 = arith.addi %add3A_1420, %mul3A_1419 : i32
        %add3A_1422 = arith.constant 11 : i32
        %add3A_1423 = arith.addi %add3A_1421, %add3A_1422 : i32
        %get3A_1424 = arith.index_cast %add3A_1423 : i32 to index
        %get3A_1425 = arith.constant 0 : index
        %get3A_1426 = tpu.vector_load %arg10[%get3A_1424, %get3A_1425] {strides = array<i32>} : memref<104x128xf32, #tpu.memory_space<vmem>>, vector<16xf32>,
        %mul3A_1427 = arith.mulf %get3A_41, %get3A_1426 : vector<16xf32>
        %get3A_1428 = arith.index_cast %add3A_1423 : i32 to index
        %get3A_1429 = arith.constant 16 : index
        %get3A_1430 = tpu.vector_load %arg10[%get3A_1428, %get3A_1429] {strides = array<i32>} : memref<104x128xf32, #tpu.memory_space<vmem>>, vector<16xf32>,
        %mul3A_1431 = arith.mulf %get3A_44, %get3A_1430 : vector<16xf32>
        %add3A_1432 = arith.addf %mul3A_1427, %mul3A_1431 : vector<16xf32>
        %get3A_1433 = arith.index_cast %add3A_1423 : i32 to index
        %get3A_1434 = arith.constant 32 : index
        %get3A_1435 = tpu.vector_load %arg10[%get3A_1433, %get3A_1434] {strides = array<i32>} : memref<104x128xf32, #tpu.memory_space<vmem>>, vector<16xf32>,
        %mul3A_1436 = arith.mulf %get3A_47, %get3A_1435 : vector<16xf32>
        %add3A_1437 = arith.addf %add3A_1432, %mul3A_1436 : vector<16xf32>
        %get3A_1438 = arith.index_cast %add3A_1423 : i32 to index
        %get3A_1439 = arith.constant 48 : index
        %get3A_1440 = tpu.vector_load %arg10[%get3A_1438, %get3A_1439] {strides = array<i32>} : memref<104x128xf32, #tpu.memory_space<vmem>>, vector<16xf32>,
        %mul3A_1441 = arith.mulf %get3A_50, %get3A_1440 : vector<16xf32>
        %add3A_1442 = arith.addf %add3A_1437, %mul3A_1441 : vector<16xf32>
        %get3A_1443 = arith.index_cast %add3A_1423 : i32 to index
        %get3A_1444 = arith.constant 64 : index
        %get3A_1445 = tpu.vector_load %arg10[%get3A_1443, %get3A_1444] {strides = array<i32>} : memref<104x128xf32, #tpu.memory_space<vmem>>, vector<16xf32>,
        %mul3A_1446 = arith.mulf %get3A_53, %get3A_1445 : vector<16xf32>
        %add3A_1447 = arith.addf %add3A_1442, %mul3A_1446 : vector<16xf32>
        %get3A_1448 = arith.index_cast %add3A_1423 : i32 to index
        %get3A_1449 = arith.constant 80 : index
        %get3A_1450 = tpu.vector_load %arg10[%get3A_1448, %get3A_1449] {strides = array<i32>} : memref<104x128xf32, #tpu.memory_space<vmem>>, vector<16xf32>,
        %mul3A_1451 = arith.mulf %get3A_56, %get3A_1450 : vector<16xf32>
        %add3A_1452 = arith.addf %add3A_1447, %mul3A_1451 : vector<16xf32>
        %get3A_1453 = arith.index_cast %add3A_1423 : i32 to index
        %get3A_1454 = arith.constant 96 : index
        %get3A_1455 = tpu.vector_load %arg10[%get3A_1453, %get3A_1454] {strides = array<i32>} : memref<104x128xf32, #tpu.memory_space<vmem>>, vector<16xf32>,
        %mul3A_1456 = arith.mulf %get3A_59, %get3A_1455 : vector<16xf32>
        %add3A_1457 = arith.addf %add3A_1452, %mul3A_1456 : vector<16xf32>
        %get3A_1458 = arith.index_cast %add3A_1423 : i32 to index
        %get3A_1459 = arith.constant 112 : index
        %get3A_1460 = tpu.vector_load %arg10[%get3A_1458, %get3A_1459] {strides = array<i32>} : memref<104x128xf32, #tpu.memory_space<vmem>>, vector<16xf32>,
        %mul3A_1461 = arith.mulf %get3A_62, %get3A_1460 : vector<16xf32>
        %add3A_1462 = arith.addf %add3A_1457, %mul3A_1461 : vector<16xf32>
        %cumsum3A_1463 = arith.constant true
        %cumsum3A_1464 = vector.broadcast %cumsum3A_1463 : i1 to vector<16xi1>
        %cumsum3A_1465 = tpu.scan <sum>, %add3A_1462 masked %cumsum3A_1464 : vector<16xf32>, vector<16xi1> -> vector<16xf32>
        %swap3A_1466 = arith.constant 11 : i32
        %swap3A_1467 = arith.index_cast %swap3A_1466 : i32 to index
        %swap3A_1468 = arith.constant 0 : index
        %swap3A_1469 = tpu.vector_load %arg12[%swap3A_1467, %swap3A_1468] {strides = array<i32>} : memref<16x16xf32, #tpu.memory_space<vmem>>, vector<16xf32>,
        tpu.vector_store %arg12[%swap3A_1467, %swap3A_1468], %cumsum3A_1465 {strides = array<i32>} : memref<16x16xf32, #tpu.memory_space<vmem>>, vector<16xf32>,
        %mul3A_1470 = arith.constant 16 : i32
        %mul3A_1471 = arith.muli %mul3A_1470, %scan3A_845 : i32
        %add3A_1472 = arith.constant 0 : i32
        %add3A_1473 = arith.addi %add3A_1472, %mul3A_1471 : i32
        %add3A_1474 = arith.constant 12 : i32
        %add3A_1475 = arith.addi %add3A_1473, %add3A_1474 : i32
        %get3A_1476 = arith.index_cast %add3A_1475 : i32 to index
        %get3A_1477 = arith.constant 0 : index
        %get3A_1478 = tpu.vector_load %arg10[%get3A_1476, %get3A_1477] {strides = array<i32>} : memref<104x128xf32, #tpu.memory_space<vmem>>, vector<16xf32>,
        %mul3A_1479 = arith.mulf %get3A_41, %get3A_1478 : vector<16xf32>
        %get3A_1480 = arith.index_cast %add3A_1475 : i32 to index
        %get3A_1481 = arith.constant 16 : index
        %get3A_1482 = tpu.vector_load %arg10[%get3A_1480, %get3A_1481] {strides = array<i32>} : memref<104x128xf32, #tpu.memory_space<vmem>>, vector<16xf32>,
        %mul3A_1483 = arith.mulf %get3A_44, %get3A_1482 : vector<16xf32>
        %add3A_1484 = arith.addf %mul3A_1479, %mul3A_1483 : vector<16xf32>
        %get3A_1485 = arith.index_cast %add3A_1475 : i32 to index
        %get3A_1486 = arith.constant 32 : index
        %get3A_1487 = tpu.vector_load %arg10[%get3A_1485, %get3A_1486] {strides = array<i32>} : memref<104x128xf32, #tpu.memory_space<vmem>>, vector<16xf32>,
        %mul3A_1488 = arith.mulf %get3A_47, %get3A_1487 : vector<16xf32>
        %add3A_1489 = arith.addf %add3A_1484, %mul3A_1488 : vector<16xf32>
        %get3A_1490 = arith.index_cast %add3A_1475 : i32 to index
        %get3A_1491 = arith.constant 48 : index
        %get3A_1492 = tpu.vector_load %arg10[%get3A_1490, %get3A_1491] {strides = array<i32>} : memref<104x128xf32, #tpu.memory_space<vmem>>, vector<16xf32>,
        %mul3A_1493 = arith.mulf %get3A_50, %get3A_1492 : vector<16xf32>
        %add3A_1494 = arith.addf %add3A_1489, %mul3A_1493 : vector<16xf32>
        %get3A_1495 = arith.index_cast %add3A_1475 : i32 to index
        %get3A_1496 = arith.constant 64 : index
        %get3A_1497 = tpu.vector_load %arg10[%get3A_1495, %get3A_1496] {strides = array<i32>} : memref<104x128xf32, #tpu.memory_space<vmem>>, vector<16xf32>,
        %mul3A_1498 = arith.mulf %get3A_53, %get3A_1497 : vector<16xf32>
        %add3A_1499 = arith.addf %add3A_1494, %mul3A_1498 : vector<16xf32>
        %get3A_1500 = arith.index_cast %add3A_1475 : i32 to index
        %get3A_1501 = arith.constant 80 : index
        %get3A_1502 = tpu.vector_load %arg10[%get3A_1500, %get3A_1501] {strides = array<i32>} : memref<104x128xf32, #tpu.memory_space<vmem>>, vector<16xf32>,
        %mul3A_1503 = arith.mulf %get3A_56, %get3A_1502 : vector<16xf32>
        %add3A_1504 = arith.addf %add3A_1499, %mul3A_1503 : vector<16xf32>
        %get3A_1505 = arith.index_cast %add3A_1475 : i32 to index
        %get3A_1506 = arith.constant 96 : index
        %get3A_1507 = tpu.vector_load %arg10[%get3A_1505, %get3A_1506] {strides = array<i32>} : memref<104x128xf32, #tpu.memory_space<vmem>>, vector<16xf32>,
        %mul3A_1508 = arith.mulf %get3A_59, %get3A_1507 : vector<16xf32>
        %add3A_1509 = arith.addf %add3A_1504, %mul3A_1508 : vector<16xf32>
        %get3A_1510 = arith.index_cast %add3A_1475 : i32 to index
        %get3A_1511 = arith.constant 112 : index
        %get3A_1512 = tpu.vector_load %arg10[%get3A_1510, %get3A_1511] {strides = array<i32>} : memref<104x128xf32, #tpu.memory_space<vmem>>, vector<16xf32>,
        %mul3A_1513 = arith.mulf %get3A_62, %get3A_1512 : vector<16xf32>
        %add3A_1514 = arith.addf %add3A_1509, %mul3A_1513 : vector<16xf32>
        %cumsum3A_1515 = arith.constant true
        %cumsum3A_1516 = vector.broadcast %cumsum3A_1515 : i1 to vector<16xi1>
        %cumsum3A_1517 = tpu.scan <sum>, %add3A_1514 masked %cumsum3A_1516 : vector<16xf32>, vector<16xi1> -> vector<16xf32>
        %swap3A_1518 = arith.constant 12 : i32
        %swap3A_1519 = arith.index_cast %swap3A_1518 : i32 to index
        %swap3A_1520 = arith.constant 0 : index
        %swap3A_1521 = tpu.vector_load %arg12[%swap3A_1519, %swap3A_1520] {strides = array<i32>} : memref<16x16xf32, #tpu.memory_space<vmem>>, vector<16xf32>,
        tpu.vector_store %arg12[%swap3A_1519, %swap3A_1520], %cumsum3A_1517 {strides = array<i32>} : memref<16x16xf32, #tpu.memory_space<vmem>>, vector<16xf32>,
        %mul3A_1522 = arith.constant 16 : i32
        %mul3A_1523 = arith.muli %mul3A_1522, %scan3A_845 : i32
        %add3A_1524 = arith.constant 0 : i32
        %add3A_1525 = arith.addi %add3A_1524, %mul3A_1523 : i32
        %add3A_1526 = arith.constant 13 : i32
        %add3A_1527 = arith.addi %add3A_1525, %add3A_1526 : i32
        %get3A_1528 = arith.index_cast %add3A_1527 : i32 to index
        %get3A_1529 = arith.constant 0 : index
        %get3A_1530 = tpu.vector_load %arg10[%get3A_1528, %get3A_1529] {strides = array<i32>} : memref<104x128xf32, #tpu.memory_space<vmem>>, vector<16xf32>,
        %mul3A_1531 = arith.mulf %get3A_41, %get3A_1530 : vector<16xf32>
        %get3A_1532 = arith.index_cast %add3A_1527 : i32 to index
        %get3A_1533 = arith.constant 16 : index
        %get3A_1534 = tpu.vector_load %arg10[%get3A_1532, %get3A_1533] {strides = array<i32>} : memref<104x128xf32, #tpu.memory_space<vmem>>, vector<16xf32>,
        %mul3A_1535 = arith.mulf %get3A_44, %get3A_1534 : vector<16xf32>
        %add3A_1536 = arith.addf %mul3A_1531, %mul3A_1535 : vector<16xf32>
        %get3A_1537 = arith.index_cast %add3A_1527 : i32 to index
        %get3A_1538 = arith.constant 32 : index
        %get3A_1539 = tpu.vector_load %arg10[%get3A_1537, %get3A_1538] {strides = array<i32>} : memref<104x128xf32, #tpu.memory_space<vmem>>, vector<16xf32>,
        %mul3A_1540 = arith.mulf %get3A_47, %get3A_1539 : vector<16xf32>
        %add3A_1541 = arith.addf %add3A_1536, %mul3A_1540 : vector<16xf32>
        %get3A_1542 = arith.index_cast %add3A_1527 : i32 to index
        %get3A_1543 = arith.constant 48 : index
        %get3A_1544 = tpu.vector_load %arg10[%get3A_1542, %get3A_1543] {strides = array<i32>} : memref<104x128xf32, #tpu.memory_space<vmem>>, vector<16xf32>,
        %mul3A_1545 = arith.mulf %get3A_50, %get3A_1544 : vector<16xf32>
        %add3A_1546 = arith.addf %add3A_1541, %mul3A_1545 : vector<16xf32>
        %get3A_1547 = arith.index_cast %add3A_1527 : i32 to index
        %get3A_1548 = arith.constant 64 : index
        %get3A_1549 = tpu.vector_load %arg10[%get3A_1547, %get3A_1548] {strides = array<i32>} : memref<104x128xf32, #tpu.memory_space<vmem>>, vector<16xf32>,
        %mul3A_1550 = arith.mulf %get3A_53, %get3A_1549 : vector<16xf32>
        %add3A_1551 = arith.addf %add3A_1546, %mul3A_1550 : vector<16xf32>
        %get3A_1552 = arith.index_cast %add3A_1527 : i32 to index
        %get3A_1553 = arith.constant 80 : index
        %get3A_1554 = tpu.vector_load %arg10[%get3A_1552, %get3A_1553] {strides = array<i32>} : memref<104x128xf32, #tpu.memory_space<vmem>>, vector<16xf32>,
        %mul3A_1555 = arith.mulf %get3A_56, %get3A_1554 : vector<16xf32>
        %add3A_1556 = arith.addf %add3A_1551, %mul3A_1555 : vector<16xf32>
        %get3A_1557 = arith.index_cast %add3A_1527 : i32 to index
        %get3A_1558 = arith.constant 96 : index
        %get3A_1559 = tpu.vector_load %arg10[%get3A_1557, %get3A_1558] {strides = array<i32>} : memref<104x128xf32, #tpu.memory_space<vmem>>, vector<16xf32>,
        %mul3A_1560 = arith.mulf %get3A_59, %get3A_1559 : vector<16xf32>
        %add3A_1561 = arith.addf %add3A_1556, %mul3A_1560 : vector<16xf32>
        %get3A_1562 = arith.index_cast %add3A_1527 : i32 to index
        %get3A_1563 = arith.constant 112 : index
        %get3A_1564 = tpu.vector_load %arg10[%get3A_1562, %get3A_1563] {strides = array<i32>} : memref<104x128xf32, #tpu.memory_space<vmem>>, vector<16xf32>,
        %mul3A_1565 = arith.mulf %get3A_62, %get3A_1564 : vector<16xf32>
        %add3A_1566 = arith.addf %add3A_1561, %mul3A_1565 : vector<16xf32>
        %cumsum3A_1567 = arith.constant true
        %cumsum3A_1568 = vector.broadcast %cumsum3A_1567 : i1 to vector<16xi1>
        %cumsum3A_1569 = tpu.scan <sum>, %add3A_1566 masked %cumsum3A_1568 : vector<16xf32>, vector<16xi1> -> vector<16xf32>
        %swap3A_1570 = arith.constant 13 : i32
        %swap3A_1571 = arith.index_cast %swap3A_1570 : i32 to index
        %swap3A_1572 = arith.constant 0 : index
        %swap3A_1573 = tpu.vector_load %arg12[%swap3A_1571, %swap3A_1572] {strides = array<i32>} : memref<16x16xf32, #tpu.memory_space<vmem>>, vector<16xf32>,
        tpu.vector_store %arg12[%swap3A_1571, %swap3A_1572], %cumsum3A_1569 {strides = array<i32>} : memref<16x16xf32, #tpu.memory_space<vmem>>, vector<16xf32>,
        %mul3A_1574 = arith.constant 16 : i32
        %mul3A_1575 = arith.muli %mul3A_1574, %scan3A_845 : i32
        %add3A_1576 = arith.constant 0 : i32
        %add3A_1577 = arith.addi %add3A_1576, %mul3A_1575 : i32
        %add3A_1578 = arith.constant 14 : i32
        %add3A_1579 = arith.addi %add3A_1577, %add3A_1578 : i32
        %get3A_1580 = arith.index_cast %add3A_1579 : i32 to index
        %get3A_1581 = arith.constant 0 : index
        %get3A_1582 = tpu.vector_load %arg10[%get3A_1580, %get3A_1581] {strides = array<i32>} : memref<104x128xf32, #tpu.memory_space<vmem>>, vector<16xf32>,
        %mul3A_1583 = arith.mulf %get3A_41, %get3A_1582 : vector<16xf32>
        %get3A_1584 = arith.index_cast %add3A_1579 : i32 to index
        %get3A_1585 = arith.constant 16 : index
        %get3A_1586 = tpu.vector_load %arg10[%get3A_1584, %get3A_1585] {strides = array<i32>} : memref<104x128xf32, #tpu.memory_space<vmem>>, vector<16xf32>,
        %mul3A_1587 = arith.mulf %get3A_44, %get3A_1586 : vector<16xf32>
        %add3A_1588 = arith.addf %mul3A_1583, %mul3A_1587 : vector<16xf32>
        %get3A_1589 = arith.index_cast %add3A_1579 : i32 to index
        %get3A_1590 = arith.constant 32 : index
        %get3A_1591 = tpu.vector_load %arg10[%get3A_1589, %get3A_1590] {strides = array<i32>} : memref<104x128xf32, #tpu.memory_space<vmem>>, vector<16xf32>,
        %mul3A_1592 = arith.mulf %get3A_47, %get3A_1591 : vector<16xf32>
        %add3A_1593 = arith.addf %add3A_1588, %mul3A_1592 : vector<16xf32>
        %get3A_1594 = arith.index_cast %add3A_1579 : i32 to index
        %get3A_1595 = arith.constant 48 : index
        %get3A_1596 = tpu.vector_load %arg10[%get3A_1594, %get3A_1595] {strides = array<i32>} : memref<104x128xf32, #tpu.memory_space<vmem>>, vector<16xf32>,
        %mul3A_1597 = arith.mulf %get3A_50, %get3A_1596 : vector<16xf32>
        %add3A_1598 = arith.addf %add3A_1593, %mul3A_1597 : vector<16xf32>
        %get3A_1599 = arith.index_cast %add3A_1579 : i32 to index
        %get3A_1600 = arith.constant 64 : index
        %get3A_1601 = tpu.vector_load %arg10[%get3A_1599, %get3A_1600] {strides = array<i32>} : memref<104x128xf32, #tpu.memory_space<vmem>>, vector<16xf32>,
        %mul3A_1602 = arith.mulf %get3A_53, %get3A_1601 : vector<16xf32>
        %add3A_1603 = arith.addf %add3A_1598, %mul3A_1602 : vector<16xf32>
        %get3A_1604 = arith.index_cast %add3A_1579 : i32 to index
        %get3A_1605 = arith.constant 80 : index
        %get3A_1606 = tpu.vector_load %arg10[%get3A_1604, %get3A_1605] {strides = array<i32>} : memref<104x128xf32, #tpu.memory_space<vmem>>, vector<16xf32>,
        %mul3A_1607 = arith.mulf %get3A_56, %get3A_1606 : vector<16xf32>
        %add3A_1608 = arith.addf %add3A_1603, %mul3A_1607 : vector<16xf32>
        %get3A_1609 = arith.index_cast %add3A_1579 : i32 to index
        %get3A_1610 = arith.constant 96 : index
        %get3A_1611 = tpu.vector_load %arg10[%get3A_1609, %get3A_1610] {strides = array<i32>} : memref<104x128xf32, #tpu.memory_space<vmem>>, vector<16xf32>,
        %mul3A_1612 = arith.mulf %get3A_59, %get3A_1611 : vector<16xf32>
        %add3A_1613 = arith.addf %add3A_1608, %mul3A_1612 : vector<16xf32>
        %get3A_1614 = arith.index_cast %add3A_1579 : i32 to index
        %get3A_1615 = arith.constant 112 : index
        %get3A_1616 = tpu.vector_load %arg10[%get3A_1614, %get3A_1615] {strides = array<i32>} : memref<104x128xf32, #tpu.memory_space<vmem>>, vector<16xf32>,
        %mul3A_1617 = arith.mulf %get3A_62, %get3A_1616 : vector<16xf32>
        %add3A_1618 = arith.addf %add3A_1613, %mul3A_1617 : vector<16xf32>
        %cumsum3A_1619 = arith.constant true
        %cumsum3A_1620 = vector.broadcast %cumsum3A_1619 : i1 to vector<16xi1>
        %cumsum3A_1621 = tpu.scan <sum>, %add3A_1618 masked %cumsum3A_1620 : vector<16xf32>, vector<16xi1> -> vector<16xf32>
        %swap3A_1622 = arith.constant 14 : i32
        %swap3A_1623 = arith.index_cast %swap3A_1622 : i32 to index
        %swap3A_1624 = arith.constant 0 : index
        %swap3A_1625 = tpu.vector_load %arg12[%swap3A_1623, %swap3A_1624] {strides = array<i32>} : memref<16x16xf32, #tpu.memory_space<vmem>>, vector<16xf32>,
        tpu.vector_store %arg12[%swap3A_1623, %swap3A_1624], %cumsum3A_1621 {strides = array<i32>} : memref<16x16xf32, #tpu.memory_space<vmem>>, vector<16xf32>,
        %mul3A_1626 = arith.constant 16 : i32
        %mul3A_1627 = arith.muli %mul3A_1626, %scan3A_845 : i32
        %add3A_1628 = arith.constant 0 : i32
        %add3A_1629 = arith.addi %add3A_1628, %mul3A_1627 : i32
        %add3A_1630 = arith.constant 15 : i32
        %add3A_1631 = arith.addi %add3A_1629, %add3A_1630 : i32
        %get3A_1632 = arith.index_cast %add3A_1631 : i32 to index
        %get3A_1633 = arith.constant 0 : index
        %get3A_1634 = tpu.vector_load %arg10[%get3A_1632, %get3A_1633] {strides = array<i32>} : memref<104x128xf32, #tpu.memory_space<vmem>>, vector<16xf32>,
        %mul3A_1635 = arith.mulf %get3A_41, %get3A_1634 : vector<16xf32>
        %get3A_1636 = arith.index_cast %add3A_1631 : i32 to index
        %get3A_1637 = arith.constant 16 : index
        %get3A_1638 = tpu.vector_load %arg10[%get3A_1636, %get3A_1637] {strides = array<i32>} : memref<104x128xf32, #tpu.memory_space<vmem>>, vector<16xf32>,
        %mul3A_1639 = arith.mulf %get3A_44, %get3A_1638 : vector<16xf32>
        %add3A_1640 = arith.addf %mul3A_1635, %mul3A_1639 : vector<16xf32>
        %get3A_1641 = arith.index_cast %add3A_1631 : i32 to index
        %get3A_1642 = arith.constant 32 : index
        %get3A_1643 = tpu.vector_load %arg10[%get3A_1641, %get3A_1642] {strides = array<i32>} : memref<104x128xf32, #tpu.memory_space<vmem>>, vector<16xf32>,
        %mul3A_1644 = arith.mulf %get3A_47, %get3A_1643 : vector<16xf32>
        %add3A_1645 = arith.addf %add3A_1640, %mul3A_1644 : vector<16xf32>
        %get3A_1646 = arith.index_cast %add3A_1631 : i32 to index
        %get3A_1647 = arith.constant 48 : index
        %get3A_1648 = tpu.vector_load %arg10[%get3A_1646, %get3A_1647] {strides = array<i32>} : memref<104x128xf32, #tpu.memory_space<vmem>>, vector<16xf32>,
        %mul3A_1649 = arith.mulf %get3A_50, %get3A_1648 : vector<16xf32>
        %add3A_1650 = arith.addf %add3A_1645, %mul3A_1649 : vector<16xf32>
        %get3A_1651 = arith.index_cast %add3A_1631 : i32 to index
        %get3A_1652 = arith.constant 64 : index
        %get3A_1653 = tpu.vector_load %arg10[%get3A_1651, %get3A_1652] {strides = array<i32>} : memref<104x128xf32, #tpu.memory_space<vmem>>, vector<16xf32>,
        %mul3A_1654 = arith.mulf %get3A_53, %get3A_1653 : vector<16xf32>
        %add3A_1655 = arith.addf %add3A_1650, %mul3A_1654 : vector<16xf32>
        %get3A_1656 = arith.index_cast %add3A_1631 : i32 to index
        %get3A_1657 = arith.constant 80 : index
        %get3A_1658 = tpu.vector_load %arg10[%get3A_1656, %get3A_1657] {strides = array<i32>} : memref<104x128xf32, #tpu.memory_space<vmem>>, vector<16xf32>,
        %mul3A_1659 = arith.mulf %get3A_56, %get3A_1658 : vector<16xf32>
        %add3A_1660 = arith.addf %add3A_1655, %mul3A_1659 : vector<16xf32>
        %get3A_1661 = arith.index_cast %add3A_1631 : i32 to index
        %get3A_1662 = arith.constant 96 : index
        %get3A_1663 = tpu.vector_load %arg10[%get3A_1661, %get3A_1662] {strides = array<i32>} : memref<104x128xf32, #tpu.memory_space<vmem>>, vector<16xf32>,
        %mul3A_1664 = arith.mulf %get3A_59, %get3A_1663 : vector<16xf32>
        %add3A_1665 = arith.addf %add3A_1660, %mul3A_1664 : vector<16xf32>
        %get3A_1666 = arith.index_cast %add3A_1631 : i32 to index
        %get3A_1667 = arith.constant 112 : index
        %get3A_1668 = tpu.vector_load %arg10[%get3A_1666, %get3A_1667] {strides = array<i32>} : memref<104x128xf32, #tpu.memory_space<vmem>>, vector<16xf32>,
        %mul3A_1669 = arith.mulf %get3A_62, %get3A_1668 : vector<16xf32>
        %add3A_1670 = arith.addf %add3A_1665, %mul3A_1669 : vector<16xf32>
        %cumsum3A_1671 = arith.constant true
        %cumsum3A_1672 = vector.broadcast %cumsum3A_1671 : i1 to vector<16xi1>
        %cumsum3A_1673 = tpu.scan <sum>, %add3A_1670 masked %cumsum3A_1672 : vector<16xf32>, vector<16xi1> -> vector<16xf32>
        %swap3A_1674 = arith.constant 15 : i32
        %swap3A_1675 = arith.index_cast %swap3A_1674 : i32 to index
        %swap3A_1676 = arith.constant 0 : index
        %swap3A_1677 = tpu.vector_load %arg12[%swap3A_1675, %swap3A_1676] {strides = array<i32>} : memref<16x16xf32, #tpu.memory_space<vmem>>, vector<16xf32>,
        tpu.vector_store %arg12[%swap3A_1675, %swap3A_1676], %cumsum3A_1673 {strides = array<i32>} : memref<16x16xf32, #tpu.memory_space<vmem>>, vector<16xf32>,
        %gather3A_1678 = tpu.vector_load_idx %arg12[%iota3A, %broadcast_in_dim3A_23] : memref<16x16xf32, #tpu.memory_space<vmem>>[vector<16xi32>, vector<16xi32>], vector<16xf32>,
        %mul3A_1679 = arith.constant 16 : i32
        %mul3A_1680 = arith.muli %mul3A_1679, %scan3A_845 : i32
        %swap3A_1681 = arith.index_cast %mul3A_39 : i32 to index
        %swap3A_1682 = arith.index_cast %mul3A_1680 : i32 to index
        %swap3A_1683 = tpu.vector_load %arg13[%swap3A_1681, %swap3A_1682] {strides = array<i32>} : memref<128x64xf32, #tpu.memory_space<vmem>>, vector<16xf32>,
        tpu.vector_store %arg13[%swap3A_1681, %swap3A_1682], %gather3A_1678 {strides = array<i32>} : memref<128x64xf32, #tpu.memory_space<vmem>>, vector<16xf32>,
      }
      %scan3A_68 = arith.constant 3 : i32
      %get3A_69 = arith.constant 48 : i32
      %get3A_70 = arith.index_cast %get3A_69 : i32 to index
      %get3A_71 = arith.constant 0 : index
      %get3A_72 = tpu.vector_load %arg10[%get3A_70, %get3A_71] {strides = array<i32>} : memref<104x128xf32, #tpu.memory_space<vmem>>, vector<16xf32>,
      %mul3A_73 = arith.mulf %get3A_41, %get3A_72 : vector<16xf32>
      %get3A_74 = arith.constant 48 : i32
      %get3A_75 = arith.index_cast %get3A_74 : i32 to index
      %get3A_76 = arith.constant 16 : index
      %get3A_77 = tpu.vector_load %arg10[%get3A_75, %get3A_76] {strides = array<i32>} : memref<104x128xf32, #tpu.memory_space<vmem>>, vector<16xf32>,
      %mul3A_78 = arith.mulf %get3A_44, %get3A_77 : vector<16xf32>
      %add3A_79 = arith.addf %mul3A_73, %mul3A_78 : vector<16xf32>
      %get3A_80 = arith.constant 48 : i32
      %get3A_81 = arith.index_cast %get3A_80 : i32 to index
      %get3A_82 = arith.constant 32 : index
      %get3A_83 = tpu.vector_load %arg10[%get3A_81, %get3A_82] {strides = array<i32>} : memref<104x128xf32, #tpu.memory_space<vmem>>, vector<16xf32>,
      %mul3A_84 = arith.mulf %get3A_47, %get3A_83 : vector<16xf32>
      %add3A_85 = arith.addf %add3A_79, %mul3A_84 : vector<16xf32>
      %get3A_86 = arith.constant 48 : i32
      %get3A_87 = arith.index_cast %get3A_86 : i32 to index
      %get3A_88 = arith.constant 48 : index
      %get3A_89 = tpu.vector_load %arg10[%get3A_87, %get3A_88] {strides = array<i32>} : memref<104x128xf32, #tpu.memory_space<vmem>>, vector<16xf32>,
      %mul3A_90 = arith.mulf %get3A_50, %get3A_89 : vector<16xf32>
      %add3A_91 = arith.addf %add3A_85, %mul3A_90 : vector<16xf32>
      %get3A_92 = arith.constant 48 : i32
      %get3A_93 = arith.index_cast %get3A_92 : i32 to index
      %get3A_94 = arith.constant 64 : index
      %get3A_95 = tpu.vector_load %arg10[%get3A_93, %get3A_94] {strides = array<i32>} : memref<104x128xf32, #tpu.memory_space<vmem>>, vector<16xf32>,
      %mul3A_96 = arith.mulf %get3A_53, %get3A_95 : vector<16xf32>
      %add3A_97 = arith.addf %add3A_91, %mul3A_96 : vector<16xf32>
      %get3A_98 = arith.constant 48 : i32
      %get3A_99 = arith.index_cast %get3A_98 : i32 to index
      %get3A_100 = arith.constant 80 : index
      %get3A_101 = tpu.vector_load %arg10[%get3A_99, %get3A_100] {strides = array<i32>} : memref<104x128xf32, #tpu.memory_space<vmem>>, vector<16xf32>,
      %mul3A_102 = arith.mulf %get3A_56, %get3A_101 : vector<16xf32>
      %add3A_103 = arith.addf %add3A_97, %mul3A_102 : vector<16xf32>
      %get3A_104 = arith.constant 48 : i32
      %get3A_105 = arith.index_cast %get3A_104 : i32 to index
      %get3A_106 = arith.constant 96 : index
      %get3A_107 = tpu.vector_load %arg10[%get3A_105, %get3A_106] {strides = array<i32>} : memref<104x128xf32, #tpu.memory_space<vmem>>, vector<16xf32>,
      %mul3A_108 = arith.mulf %get3A_59, %get3A_107 : vector<16xf32>
      %add3A_109 = arith.addf %add3A_103, %mul3A_108 : vector<16xf32>
      %get3A_110 = arith.constant 48 : i32
      %get3A_111 = arith.index_cast %get3A_110 : i32 to index
      %get3A_112 = arith.constant 112 : index
      %get3A_113 = tpu.vector_load %arg10[%get3A_111, %get3A_112] {strides = array<i32>} : memref<104x128xf32, #tpu.memory_space<vmem>>, vector<16xf32>,
      %mul3A_114 = arith.mulf %get3A_62, %get3A_113 : vector<16xf32>
      %add3A_115 = arith.addf %add3A_109, %mul3A_114 : vector<16xf32>
      %cumsum3A = arith.constant true
      %cumsum3A_116 = vector.broadcast %cumsum3A : i1 to vector<16xi1>
      %cumsum3A_117 = tpu.scan <sum>, %add3A_115 masked %cumsum3A_116 : vector<16xf32>, vector<16xi1> -> vector<16xf32>
      %swap3A = arith.constant 0 : i32
      %swap3A_118 = arith.index_cast %swap3A : i32 to index
      %swap3A_119 = arith.constant 0 : index
      %swap3A_120 = tpu.vector_load %arg12[%swap3A_118, %swap3A_119] {strides = array<i32>} : memref<16x16xf32, #tpu.memory_space<vmem>>, vector<16xf32>,
      tpu.vector_store %arg12[%swap3A_118, %swap3A_119], %cumsum3A_117 {strides = array<i32>} : memref<16x16xf32, #tpu.memory_space<vmem>>, vector<16xf32>,
      %get3A_121 = arith.constant 49 : i32
      %get3A_122 = arith.index_cast %get3A_121 : i32 to index
      %get3A_123 = arith.constant 0 : index
      %get3A_124 = tpu.vector_load %arg10[%get3A_122, %get3A_123] {strides = array<i32>} : memref<104x128xf32, #tpu.memory_space<vmem>>, vector<16xf32>,
      %mul3A_125 = arith.mulf %get3A_41, %get3A_124 : vector<16xf32>
      %get3A_126 = arith.constant 49 : i32
      %get3A_127 = arith.index_cast %get3A_126 : i32 to index
      %get3A_128 = arith.constant 16 : index
      %get3A_129 = tpu.vector_load %arg10[%get3A_127, %get3A_128] {strides = array<i32>} : memref<104x128xf32, #tpu.memory_space<vmem>>, vector<16xf32>,
      %mul3A_130 = arith.mulf %get3A_44, %get3A_129 : vector<16xf32>
      %add3A_131 = arith.addf %mul3A_125, %mul3A_130 : vector<16xf32>
      %get3A_132 = arith.constant 49 : i32
      %get3A_133 = arith.index_cast %get3A_132 : i32 to index
      %get3A_134 = arith.constant 32 : index
      %get3A_135 = tpu.vector_load %arg10[%get3A_133, %get3A_134] {strides = array<i32>} : memref<104x128xf32, #tpu.memory_space<vmem>>, vector<16xf32>,
      %mul3A_136 = arith.mulf %get3A_47, %get3A_135 : vector<16xf32>
      %add3A_137 = arith.addf %add3A_131, %mul3A_136 : vector<16xf32>
      %get3A_138 = arith.constant 49 : i32
      %get3A_139 = arith.index_cast %get3A_138 : i32 to index
      %get3A_140 = arith.constant 48 : index
      %get3A_141 = tpu.vector_load %arg10[%get3A_139, %get3A_140] {strides = array<i32>} : memref<104x128xf32, #tpu.memory_space<vmem>>, vector<16xf32>,
      %mul3A_142 = arith.mulf %get3A_50, %get3A_141 : vector<16xf32>
      %add3A_143 = arith.addf %add3A_137, %mul3A_142 : vector<16xf32>
      %get3A_144 = arith.constant 49 : i32
      %get3A_145 = arith.index_cast %get3A_144 : i32 to index
      %get3A_146 = arith.constant 64 : index
      %get3A_147 = tpu.vector_load %arg10[%get3A_145, %get3A_146] {strides = array<i32>} : memref<104x128xf32, #tpu.memory_space<vmem>>, vector<16xf32>,
      %mul3A_148 = arith.mulf %get3A_53, %get3A_147 : vector<16xf32>
      %add3A_149 = arith.addf %add3A_143, %mul3A_148 : vector<16xf32>
      %get3A_150 = arith.constant 49 : i32
      %get3A_151 = arith.index_cast %get3A_150 : i32 to index
      %get3A_152 = arith.constant 80 : index
      %get3A_153 = tpu.vector_load %arg10[%get3A_151, %get3A_152] {strides = array<i32>} : memref<104x128xf32, #tpu.memory_space<vmem>>, vector<16xf32>,
      %mul3A_154 = arith.mulf %get3A_56, %get3A_153 : vector<16xf32>
      %add3A_155 = arith.addf %add3A_149, %mul3A_154 : vector<16xf32>
      %get3A_156 = arith.constant 49 : i32
      %get3A_157 = arith.index_cast %get3A_156 : i32 to index
      %get3A_158 = arith.constant 96 : index
      %get3A_159 = tpu.vector_load %arg10[%get3A_157, %get3A_158] {strides = array<i32>} : memref<104x128xf32, #tpu.memory_space<vmem>>, vector<16xf32>,
      %mul3A_160 = arith.mulf %get3A_59, %get3A_159 : vector<16xf32>
      %add3A_161 = arith.addf %add3A_155, %mul3A_160 : vector<16xf32>
      %get3A_162 = arith.constant 49 : i32
      %get3A_163 = arith.index_cast %get3A_162 : i32 to index
      %get3A_164 = arith.constant 112 : index
      %get3A_165 = tpu.vector_load %arg10[%get3A_163, %get3A_164] {strides = array<i32>} : memref<104x128xf32, #tpu.memory_space<vmem>>, vector<16xf32>,
      %mul3A_166 = arith.mulf %get3A_62, %get3A_165 : vector<16xf32>
      %add3A_167 = arith.addf %add3A_161, %mul3A_166 : vector<16xf32>
      %cumsum3A_168 = arith.constant true
      %cumsum3A_169 = vector.broadcast %cumsum3A_168 : i1 to vector<16xi1>
      %cumsum3A_170 = tpu.scan <sum>, %add3A_167 masked %cumsum3A_169 : vector<16xf32>, vector<16xi1> -> vector<16xf32>
      %swap3A_171 = arith.constant 1 : i32
      %swap3A_172 = arith.index_cast %swap3A_171 : i32 to index
      %swap3A_173 = arith.constant 0 : index
      %swap3A_174 = tpu.vector_load %arg12[%swap3A_172, %swap3A_173] {strides = array<i32>} : memref<16x16xf32, #tpu.memory_space<vmem>>, vector<16xf32>,
      tpu.vector_store %arg12[%swap3A_172, %swap3A_173], %cumsum3A_170 {strides = array<i32>} : memref<16x16xf32, #tpu.memory_space<vmem>>, vector<16xf32>,
      %get3A_175 = arith.constant 50 : i32
      %get3A_176 = arith.index_cast %get3A_175 : i32 to index
      %get3A_177 = arith.constant 0 : index
      %get3A_178 = tpu.vector_load %arg10[%get3A_176, %get3A_177] {strides = array<i32>} : memref<104x128xf32, #tpu.memory_space<vmem>>, vector<16xf32>,
      %mul3A_179 = arith.mulf %get3A_41, %get3A_178 : vector<16xf32>
      %get3A_180 = arith.constant 50 : i32
      %get3A_181 = arith.index_cast %get3A_180 : i32 to index
      %get3A_182 = arith.constant 16 : index
      %get3A_183 = tpu.vector_load %arg10[%get3A_181, %get3A_182] {strides = array<i32>} : memref<104x128xf32, #tpu.memory_space<vmem>>, vector<16xf32>,
      %mul3A_184 = arith.mulf %get3A_44, %get3A_183 : vector<16xf32>
      %add3A_185 = arith.addf %mul3A_179, %mul3A_184 : vector<16xf32>
      %get3A_186 = arith.constant 50 : i32
      %get3A_187 = arith.index_cast %get3A_186 : i32 to index
      %get3A_188 = arith.constant 32 : index
      %get3A_189 = tpu.vector_load %arg10[%get3A_187, %get3A_188] {strides = array<i32>} : memref<104x128xf32, #tpu.memory_space<vmem>>, vector<16xf32>,
      %mul3A_190 = arith.mulf %get3A_47, %get3A_189 : vector<16xf32>
      %add3A_191 = arith.addf %add3A_185, %mul3A_190 : vector<16xf32>
      %get3A_192 = arith.constant 50 : i32
      %get3A_193 = arith.index_cast %get3A_192 : i32 to index
      %get3A_194 = arith.constant 48 : index
      %get3A_195 = tpu.vector_load %arg10[%get3A_193, %get3A_194] {strides = array<i32>} : memref<104x128xf32, #tpu.memory_space<vmem>>, vector<16xf32>,
      %mul3A_196 = arith.mulf %get3A_50, %get3A_195 : vector<16xf32>
      %add3A_197 = arith.addf %add3A_191, %mul3A_196 : vector<16xf32>
      %get3A_198 = arith.constant 50 : i32
      %get3A_199 = arith.index_cast %get3A_198 : i32 to index
      %get3A_200 = arith.constant 64 : index
      %get3A_201 = tpu.vector_load %arg10[%get3A_199, %get3A_200] {strides = array<i32>} : memref<104x128xf32, #tpu.memory_space<vmem>>, vector<16xf32>,
      %mul3A_202 = arith.mulf %get3A_53, %get3A_201 : vector<16xf32>
      %add3A_203 = arith.addf %add3A_197, %mul3A_202 : vector<16xf32>
      %get3A_204 = arith.constant 50 : i32
      %get3A_205 = arith.index_cast %get3A_204 : i32 to index
      %get3A_206 = arith.constant 80 : index
      %get3A_207 = tpu.vector_load %arg10[%get3A_205, %get3A_206] {strides = array<i32>} : memref<104x128xf32, #tpu.memory_space<vmem>>, vector<16xf32>,
      %mul3A_208 = arith.mulf %get3A_56, %get3A_207 : vector<16xf32>
      %add3A_209 = arith.addf %add3A_203, %mul3A_208 : vector<16xf32>
      %get3A_210 = arith.constant 50 : i32
      %get3A_211 = arith.index_cast %get3A_210 : i32 to index
      %get3A_212 = arith.constant 96 : index
      %get3A_213 = tpu.vector_load %arg10[%get3A_211, %get3A_212] {strides = array<i32>} : memref<104x128xf32, #tpu.memory_space<vmem>>, vector<16xf32>,
      %mul3A_214 = arith.mulf %get3A_59, %get3A_213 : vector<16xf32>
      %add3A_215 = arith.addf %add3A_209, %mul3A_214 : vector<16xf32>
      %get3A_216 = arith.constant 50 : i32
      %get3A_217 = arith.index_cast %get3A_216 : i32 to index
      %get3A_218 = arith.constant 112 : index
      %get3A_219 = tpu.vector_load %arg10[%get3A_217, %get3A_218] {strides = array<i32>} : memref<104x128xf32, #tpu.memory_space<vmem>>, vector<16xf32>,
      %mul3A_220 = arith.mulf %get3A_62, %get3A_219 : vector<16xf32>
      %add3A_221 = arith.addf %add3A_215, %mul3A_220 : vector<16xf32>
      %cumsum3A_222 = arith.constant true
      %cumsum3A_223 = vector.broadcast %cumsum3A_222 : i1 to vector<16xi1>
      %cumsum3A_224 = tpu.scan <sum>, %add3A_221 masked %cumsum3A_223 : vector<16xf32>, vector<16xi1> -> vector<16xf32>
      %swap3A_225 = arith.constant 2 : i32
      %swap3A_226 = arith.index_cast %swap3A_225 : i32 to index
      %swap3A_227 = arith.constant 0 : index
      %swap3A_228 = tpu.vector_load %arg12[%swap3A_226, %swap3A_227] {strides = array<i32>} : memref<16x16xf32, #tpu.memory_space<vmem>>, vector<16xf32>,
      tpu.vector_store %arg12[%swap3A_226, %swap3A_227], %cumsum3A_224 {strides = array<i32>} : memref<16x16xf32, #tpu.memory_space<vmem>>, vector<16xf32>,
      %gather3A = tpu.vector_load_idx %arg12[%iota3A, %broadcast_in_dim3A_23] : memref<16x16xf32, #tpu.memory_space<vmem>>[vector<16xi32>, vector<16xi32>], vector<16xf32>,
      %swap3A_229 = arith.index_cast %mul3A_39 : i32 to index
      %swap3A_230 = arith.constant 48 : index
      %swap3A_231 = tpu.vector_load %arg13[%swap3A_229, %swap3A_230] {strides = array<i32>} : memref<128x64xf32, #tpu.memory_space<vmem>>, vector<16xf32>,
      tpu.vector_store %arg13[%swap3A_229, %swap3A_230], %gather3A {strides = array<i32>} : memref<128x64xf32, #tpu.memory_space<vmem>>, vector<16xf32>,
      %mul3A_232 = arith.constant 2 : i32
      %mul3A_233 = arith.muli %mul3A_31, %mul3A_232 : i32
      %add3A_234 = arith.constant 1 : i32
      %add3A_235 = arith.addi %mul3A_233, %add3A_234 : i32
      %get3A_236 = arith.index_cast %add3A_235 : i32 to index
      %get3A_237 = arith.constant 0 : index
      %get3A_238 = tpu.vector_load %arg9[%get3A_236, %get3A_237] {strides = array<i32>} : memref<128x128xf32, #tpu.memory_space<vmem>>, vector<16xf32>,
      %get3A_239 = arith.index_cast %add3A_235 : i32 to index
      %get3A_240 = arith.constant 16 : index
      %get3A_241 = tpu.vector_load %arg9[%get3A_239, %get3A_240] {strides = array<i32>} : memref<128x128xf32, #tpu.memory_space<vmem>>, vector<16xf32>,
      %get3A_242 = arith.index_cast %add3A_235 : i32 to index
      %get3A_243 = arith.constant 32 : index
      %get3A_244 = tpu.vector_load %arg9[%get3A_242, %get3A_243] {strides = array<i32>} : memref<128x128xf32, #tpu.memory_space<vmem>>, vector<16xf32>,
      %get3A_245 = arith.index_cast %add3A_235 : i32 to index
      %get3A_246 = arith.constant 48 : index
      %get3A_247 = tpu.vector_load %arg9[%get3A_245, %get3A_246] {strides = array<i32>} : memref<128x128xf32, #tpu.memory_space<vmem>>, vector<16xf32>,
      %get3A_248 = arith.index_cast %add3A_235 : i32 to index
      %get3A_249 = arith.constant 64 : index
      %get3A_250 = tpu.vector_load %arg9[%get3A_248, %get3A_249] {strides = array<i32>} : memref<128x128xf32, #tpu.memory_space<vmem>>, vector<16xf32>,
      %get3A_251 = arith.index_cast %add3A_235 : i32 to index
      %get3A_252 = arith.constant 80 : index
      %get3A_253 = tpu.vector_load %arg9[%get3A_251, %get3A_252] {strides = array<i32>} : memref<128x128xf32, #tpu.memory_space<vmem>>, vector<16xf32>,
      %get3A_254 = arith.index_cast %add3A_235 : i32 to index
      %get3A_255 = arith.constant 96 : index
      %get3A_256 = tpu.vector_load %arg9[%get3A_254, %get3A_255] {strides = array<i32>} : memref<128x128xf32, #tpu.memory_space<vmem>>, vector<16xf32>,
      %get3A_257 = arith.index_cast %add3A_235 : i32 to index
      %get3A_258 = arith.constant 112 : index
      %get3A_259 = tpu.vector_load %arg9[%get3A_257, %get3A_258] {strides = array<i32>} : memref<128x128xf32, #tpu.memory_space<vmem>>, vector<16xf32>,
      %scan3A_260 = arith.constant 0 : i32
      %scan3A_261 = arith.constant 0 : i32
      %scan3A_262 = arith.constant 3 : i32
      %scan3A_263 = arith.addi %scan3A_261, %scan3A_262 : i32
      %scan3A_264 = arith.constant 1 : i32
      scf.for %scan3A_845 = %scan3A_261 to %scan3A_263 step %scan3A_264  : i32 {
        %mul3A_846 = arith.constant 16 : i32
        %mul3A_847 = arith.muli %mul3A_846, %scan3A_845 : i32
        %add3A_848 = arith.constant 51 : i32
        %add3A_849 = arith.addi %add3A_848, %mul3A_847 : i32
        %add3A_850 = arith.constant 0 : i32
        %add3A_851 = arith.addi %add3A_849, %add3A_850 : i32
        %get3A_852 = arith.index_cast %add3A_851 : i32 to index
        %get3A_853 = arith.constant 0 : index
        %get3A_854 = tpu.vector_load %arg10[%get3A_852, %get3A_853] {strides = array<i32>} : memref<104x128xf32, #tpu.memory_space<vmem>>, vector<16xf32>,
        %mul3A_855 = arith.mulf %get3A_238, %get3A_854 : vector<16xf32>
        %get3A_856 = arith.index_cast %add3A_851 : i32 to index
        %get3A_857 = arith.constant 16 : index
        %get3A_858 = tpu.vector_load %arg10[%get3A_856, %get3A_857] {strides = array<i32>} : memref<104x128xf32, #tpu.memory_space<vmem>>, vector<16xf32>,
        %mul3A_859 = arith.mulf %get3A_241, %get3A_858 : vector<16xf32>
        %add3A_860 = arith.addf %mul3A_855, %mul3A_859 : vector<16xf32>
        %get3A_861 = arith.index_cast %add3A_851 : i32 to index
        %get3A_862 = arith.constant 32 : index
        %get3A_863 = tpu.vector_load %arg10[%get3A_861, %get3A_862] {strides = array<i32>} : memref<104x128xf32, #tpu.memory_space<vmem>>, vector<16xf32>,
        %mul3A_864 = arith.mulf %get3A_244, %get3A_863 : vector<16xf32>
        %add3A_865 = arith.addf %add3A_860, %mul3A_864 : vector<16xf32>
        %get3A_866 = arith.index_cast %add3A_851 : i32 to index
        %get3A_867 = arith.constant 48 : index
        %get3A_868 = tpu.vector_load %arg10[%get3A_866, %get3A_867] {strides = array<i32>} : memref<104x128xf32, #tpu.memory_space<vmem>>, vector<16xf32>,
        %mul3A_869 = arith.mulf %get3A_247, %get3A_868 : vector<16xf32>
        %add3A_870 = arith.addf %add3A_865, %mul3A_869 : vector<16xf32>
        %get3A_871 = arith.index_cast %add3A_851 : i32 to index
        %get3A_872 = arith.constant 64 : index
        %get3A_873 = tpu.vector_load %arg10[%get3A_871, %get3A_872] {strides = array<i32>} : memref<104x128xf32, #tpu.memory_space<vmem>>, vector<16xf32>,
        %mul3A_874 = arith.mulf %get3A_250, %get3A_873 : vector<16xf32>
        %add3A_875 = arith.addf %add3A_870, %mul3A_874 : vector<16xf32>
        %get3A_876 = arith.index_cast %add3A_851 : i32 to index
        %get3A_877 = arith.constant 80 : index
        %get3A_878 = tpu.vector_load %arg10[%get3A_876, %get3A_877] {strides = array<i32>} : memref<104x128xf32, #tpu.memory_space<vmem>>, vector<16xf32>,
        %mul3A_879 = arith.mulf %get3A_253, %get3A_878 : vector<16xf32>
        %add3A_880 = arith.addf %add3A_875, %mul3A_879 : vector<16xf32>
        %get3A_881 = arith.index_cast %add3A_851 : i32 to index
        %get3A_882 = arith.constant 96 : index
        %get3A_883 = tpu.vector_load %arg10[%get3A_881, %get3A_882] {strides = array<i32>} : memref<104x128xf32, #tpu.memory_space<vmem>>, vector<16xf32>,
        %mul3A_884 = arith.mulf %get3A_256, %get3A_883 : vector<16xf32>
        %add3A_885 = arith.addf %add3A_880, %mul3A_884 : vector<16xf32>
        %get3A_886 = arith.index_cast %add3A_851 : i32 to index
        %get3A_887 = arith.constant 112 : index
        %get3A_888 = tpu.vector_load %arg10[%get3A_886, %get3A_887] {strides = array<i32>} : memref<104x128xf32, #tpu.memory_space<vmem>>, vector<16xf32>,
        %mul3A_889 = arith.mulf %get3A_259, %get3A_888 : vector<16xf32>
        %add3A_890 = arith.addf %add3A_885, %mul3A_889 : vector<16xf32>
        %cumsum3A_891 = arith.constant true
        %cumsum3A_892 = vector.broadcast %cumsum3A_891 : i1 to vector<16xi1>
        %cumsum3A_893 = tpu.scan <sum>, %add3A_890 masked %cumsum3A_892 : vector<16xf32>, vector<16xi1> -> vector<16xf32>
        %swap3A_894 = arith.constant 0 : i32
        %swap3A_895 = arith.index_cast %swap3A_894 : i32 to index
        %swap3A_896 = arith.constant 0 : index
        %swap3A_897 = tpu.vector_load %arg12[%swap3A_895, %swap3A_896] {strides = array<i32>} : memref<16x16xf32, #tpu.memory_space<vmem>>, vector<16xf32>,
        tpu.vector_store %arg12[%swap3A_895, %swap3A_896], %cumsum3A_893 {strides = array<i32>} : memref<16x16xf32, #tpu.memory_space<vmem>>, vector<16xf32>,
        %mul3A_898 = arith.constant 16 : i32
        %mul3A_899 = arith.muli %mul3A_898, %scan3A_845 : i32
        %add3A_900 = arith.constant 51 : i32
        %add3A_901 = arith.addi %add3A_900, %mul3A_899 : i32
        %add3A_902 = arith.constant 1 : i32
        %add3A_903 = arith.addi %add3A_901, %add3A_902 : i32
        %get3A_904 = arith.index_cast %add3A_903 : i32 to index
        %get3A_905 = arith.constant 0 : index
        %get3A_906 = tpu.vector_load %arg10[%get3A_904, %get3A_905] {strides = array<i32>} : memref<104x128xf32, #tpu.memory_space<vmem>>, vector<16xf32>,
        %mul3A_907 = arith.mulf %get3A_238, %get3A_906 : vector<16xf32>
        %get3A_908 = arith.index_cast %add3A_903 : i32 to index
        %get3A_909 = arith.constant 16 : index
        %get3A_910 = tpu.vector_load %arg10[%get3A_908, %get3A_909] {strides = array<i32>} : memref<104x128xf32, #tpu.memory_space<vmem>>, vector<16xf32>,
        %mul3A_911 = arith.mulf %get3A_241, %get3A_910 : vector<16xf32>
        %add3A_912 = arith.addf %mul3A_907, %mul3A_911 : vector<16xf32>
        %get3A_913 = arith.index_cast %add3A_903 : i32 to index
        %get3A_914 = arith.constant 32 : index
        %get3A_915 = tpu.vector_load %arg10[%get3A_913, %get3A_914] {strides = array<i32>} : memref<104x128xf32, #tpu.memory_space<vmem>>, vector<16xf32>,
        %mul3A_916 = arith.mulf %get3A_244, %get3A_915 : vector<16xf32>
        %add3A_917 = arith.addf %add3A_912, %mul3A_916 : vector<16xf32>
        %get3A_918 = arith.index_cast %add3A_903 : i32 to index
        %get3A_919 = arith.constant 48 : index
        %get3A_920 = tpu.vector_load %arg10[%get3A_918, %get3A_919] {strides = array<i32>} : memref<104x128xf32, #tpu.memory_space<vmem>>, vector<16xf32>,
        %mul3A_921 = arith.mulf %get3A_247, %get3A_920 : vector<16xf32>
        %add3A_922 = arith.addf %add3A_917, %mul3A_921 : vector<16xf32>
        %get3A_923 = arith.index_cast %add3A_903 : i32 to index
        %get3A_924 = arith.constant 64 : index
        %get3A_925 = tpu.vector_load %arg10[%get3A_923, %get3A_924] {strides = array<i32>} : memref<104x128xf32, #tpu.memory_space<vmem>>, vector<16xf32>,
        %mul3A_926 = arith.mulf %get3A_250, %get3A_925 : vector<16xf32>
        %add3A_927 = arith.addf %add3A_922, %mul3A_926 : vector<16xf32>
        %get3A_928 = arith.index_cast %add3A_903 : i32 to index
        %get3A_929 = arith.constant 80 : index
        %get3A_930 = tpu.vector_load %arg10[%get3A_928, %get3A_929] {strides = array<i32>} : memref<104x128xf32, #tpu.memory_space<vmem>>, vector<16xf32>,
        %mul3A_931 = arith.mulf %get3A_253, %get3A_930 : vector<16xf32>
        %add3A_932 = arith.addf %add3A_927, %mul3A_931 : vector<16xf32>
        %get3A_933 = arith.index_cast %add3A_903 : i32 to index
        %get3A_934 = arith.constant 96 : index
        %get3A_935 = tpu.vector_load %arg10[%get3A_933, %get3A_934] {strides = array<i32>} : memref<104x128xf32, #tpu.memory_space<vmem>>, vector<16xf32>,
        %mul3A_936 = arith.mulf %get3A_256, %get3A_935 : vector<16xf32>
        %add3A_937 = arith.addf %add3A_932, %mul3A_936 : vector<16xf32>
        %get3A_938 = arith.index_cast %add3A_903 : i32 to index
        %get3A_939 = arith.constant 112 : index
        %get3A_940 = tpu.vector_load %arg10[%get3A_938, %get3A_939] {strides = array<i32>} : memref<104x128xf32, #tpu.memory_space<vmem>>, vector<16xf32>,
        %mul3A_941 = arith.mulf %get3A_259, %get3A_940 : vector<16xf32>
        %add3A_942 = arith.addf %add3A_937, %mul3A_941 : vector<16xf32>
        %cumsum3A_943 = arith.constant true
        %cumsum3A_944 = vector.broadcast %cumsum3A_943 : i1 to vector<16xi1>
        %cumsum3A_945 = tpu.scan <sum>, %add3A_942 masked %cumsum3A_944 : vector<16xf32>, vector<16xi1> -> vector<16xf32>
        %swap3A_946 = arith.constant 1 : i32
        %swap3A_947 = arith.index_cast %swap3A_946 : i32 to index
        %swap3A_948 = arith.constant 0 : index
        %swap3A_949 = tpu.vector_load %arg12[%swap3A_947, %swap3A_948] {strides = array<i32>} : memref<16x16xf32, #tpu.memory_space<vmem>>, vector<16xf32>,
        tpu.vector_store %arg12[%swap3A_947, %swap3A_948], %cumsum3A_945 {strides = array<i32>} : memref<16x16xf32, #tpu.memory_space<vmem>>, vector<16xf32>,
        %mul3A_950 = arith.constant 16 : i32
        %mul3A_951 = arith.muli %mul3A_950, %scan3A_845 : i32
        %add3A_952 = arith.constant 51 : i32
        %add3A_953 = arith.addi %add3A_952, %mul3A_951 : i32
        %add3A_954 = arith.constant 2 : i32
        %add3A_955 = arith.addi %add3A_953, %add3A_954 : i32
        %get3A_956 = arith.index_cast %add3A_955 : i32 to index
        %get3A_957 = arith.constant 0 : index
        %get3A_958 = tpu.vector_load %arg10[%get3A_956, %get3A_957] {strides = array<i32>} : memref<104x128xf32, #tpu.memory_space<vmem>>, vector<16xf32>,
        %mul3A_959 = arith.mulf %get3A_238, %get3A_958 : vector<16xf32>
        %get3A_960 = arith.index_cast %add3A_955 : i32 to index
        %get3A_961 = arith.constant 16 : index
        %get3A_962 = tpu.vector_load %arg10[%get3A_960, %get3A_961] {strides = array<i32>} : memref<104x128xf32, #tpu.memory_space<vmem>>, vector<16xf32>,
        %mul3A_963 = arith.mulf %get3A_241, %get3A_962 : vector<16xf32>
        %add3A_964 = arith.addf %mul3A_959, %mul3A_963 : vector<16xf32>
        %get3A_965 = arith.index_cast %add3A_955 : i32 to index
        %get3A_966 = arith.constant 32 : index
        %get3A_967 = tpu.vector_load %arg10[%get3A_965, %get3A_966] {strides = array<i32>} : memref<104x128xf32, #tpu.memory_space<vmem>>, vector<16xf32>,
        %mul3A_968 = arith.mulf %get3A_244, %get3A_967 : vector<16xf32>
        %add3A_969 = arith.addf %add3A_964, %mul3A_968 : vector<16xf32>
        %get3A_970 = arith.index_cast %add3A_955 : i32 to index
        %get3A_971 = arith.constant 48 : index
        %get3A_972 = tpu.vector_load %arg10[%get3A_970, %get3A_971] {strides = array<i32>} : memref<104x128xf32, #tpu.memory_space<vmem>>, vector<16xf32>,
        %mul3A_973 = arith.mulf %get3A_247, %get3A_972 : vector<16xf32>
        %add3A_974 = arith.addf %add3A_969, %mul3A_973 : vector<16xf32>
        %get3A_975 = arith.index_cast %add3A_955 : i32 to index
        %get3A_976 = arith.constant 64 : index
        %get3A_977 = tpu.vector_load %arg10[%get3A_975, %get3A_976] {strides = array<i32>} : memref<104x128xf32, #tpu.memory_space<vmem>>, vector<16xf32>,
        %mul3A_978 = arith.mulf %get3A_250, %get3A_977 : vector<16xf32>
        %add3A_979 = arith.addf %add3A_974, %mul3A_978 : vector<16xf32>
        %get3A_980 = arith.index_cast %add3A_955 : i32 to index
        %get3A_981 = arith.constant 80 : index
        %get3A_982 = tpu.vector_load %arg10[%get3A_980, %get3A_981] {strides = array<i32>} : memref<104x128xf32, #tpu.memory_space<vmem>>, vector<16xf32>,
        %mul3A_983 = arith.mulf %get3A_253, %get3A_982 : vector<16xf32>
        %add3A_984 = arith.addf %add3A_979, %mul3A_983 : vector<16xf32>
        %get3A_985 = arith.index_cast %add3A_955 : i32 to index
        %get3A_986 = arith.constant 96 : index
        %get3A_987 = tpu.vector_load %arg10[%get3A_985, %get3A_986] {strides = array<i32>} : memref<104x128xf32, #tpu.memory_space<vmem>>, vector<16xf32>,
        %mul3A_988 = arith.mulf %get3A_256, %get3A_987 : vector<16xf32>
        %add3A_989 = arith.addf %add3A_984, %mul3A_988 : vector<16xf32>
        %get3A_990 = arith.index_cast %add3A_955 : i32 to index
        %get3A_991 = arith.constant 112 : index
        %get3A_992 = tpu.vector_load %arg10[%get3A_990, %get3A_991] {strides = array<i32>} : memref<104x128xf32, #tpu.memory_space<vmem>>, vector<16xf32>,
        %mul3A_993 = arith.mulf %get3A_259, %get3A_992 : vector<16xf32>
        %add3A_994 = arith.addf %add3A_989, %mul3A_993 : vector<16xf32>
        %cumsum3A_995 = arith.constant true
        %cumsum3A_996 = vector.broadcast %cumsum3A_995 : i1 to vector<16xi1>
        %cumsum3A_997 = tpu.scan <sum>, %add3A_994 masked %cumsum3A_996 : vector<16xf32>, vector<16xi1> -> vector<16xf32>
        %swap3A_998 = arith.constant 2 : i32
        %swap3A_999 = arith.index_cast %swap3A_998 : i32 to index
        %swap3A_1000 = arith.constant 0 : index
        %swap3A_1001 = tpu.vector_load %arg12[%swap3A_999, %swap3A_1000] {strides = array<i32>} : memref<16x16xf32, #tpu.memory_space<vmem>>, vector<16xf32>,
        tpu.vector_store %arg12[%swap3A_999, %swap3A_1000], %cumsum3A_997 {strides = array<i32>} : memref<16x16xf32, #tpu.memory_space<vmem>>, vector<16xf32>,
        %mul3A_1002 = arith.constant 16 : i32
        %mul3A_1003 = arith.muli %mul3A_1002, %scan3A_845 : i32
        %add3A_1004 = arith.constant 51 : i32
        %add3A_1005 = arith.addi %add3A_1004, %mul3A_1003 : i32
        %add3A_1006 = arith.constant 3 : i32
        %add3A_1007 = arith.addi %add3A_1005, %add3A_1006 : i32
        %get3A_1008 = arith.index_cast %add3A_1007 : i32 to index
        %get3A_1009 = arith.constant 0 : index
        %get3A_1010 = tpu.vector_load %arg10[%get3A_1008, %get3A_1009] {strides = array<i32>} : memref<104x128xf32, #tpu.memory_space<vmem>>, vector<16xf32>,
        %mul3A_1011 = arith.mulf %get3A_238, %get3A_1010 : vector<16xf32>
        %get3A_1012 = arith.index_cast %add3A_1007 : i32 to index
        %get3A_1013 = arith.constant 16 : index
        %get3A_1014 = tpu.vector_load %arg10[%get3A_1012, %get3A_1013] {strides = array<i32>} : memref<104x128xf32, #tpu.memory_space<vmem>>, vector<16xf32>,
        %mul3A_1015 = arith.mulf %get3A_241, %get3A_1014 : vector<16xf32>
        %add3A_1016 = arith.addf %mul3A_1011, %mul3A_1015 : vector<16xf32>
        %get3A_1017 = arith.index_cast %add3A_1007 : i32 to index
        %get3A_1018 = arith.constant 32 : index
        %get3A_1019 = tpu.vector_load %arg10[%get3A_1017, %get3A_1018] {strides = array<i32>} : memref<104x128xf32, #tpu.memory_space<vmem>>, vector<16xf32>,
        %mul3A_1020 = arith.mulf %get3A_244, %get3A_1019 : vector<16xf32>
        %add3A_1021 = arith.addf %add3A_1016, %mul3A_1020 : vector<16xf32>
        %get3A_1022 = arith.index_cast %add3A_1007 : i32 to index
        %get3A_1023 = arith.constant 48 : index
        %get3A_1024 = tpu.vector_load %arg10[%get3A_1022, %get3A_1023] {strides = array<i32>} : memref<104x128xf32, #tpu.memory_space<vmem>>, vector<16xf32>,
        %mul3A_1025 = arith.mulf %get3A_247, %get3A_1024 : vector<16xf32>
        %add3A_1026 = arith.addf %add3A_1021, %mul3A_1025 : vector<16xf32>
        %get3A_1027 = arith.index_cast %add3A_1007 : i32 to index
        %get3A_1028 = arith.constant 64 : index
        %get3A_1029 = tpu.vector_load %arg10[%get3A_1027, %get3A_1028] {strides = array<i32>} : memref<104x128xf32, #tpu.memory_space<vmem>>, vector<16xf32>,
        %mul3A_1030 = arith.mulf %get3A_250, %get3A_1029 : vector<16xf32>
        %add3A_1031 = arith.addf %add3A_1026, %mul3A_1030 : vector<16xf32>
        %get3A_1032 = arith.index_cast %add3A_1007 : i32 to index
        %get3A_1033 = arith.constant 80 : index
        %get3A_1034 = tpu.vector_load %arg10[%get3A_1032, %get3A_1033] {strides = array<i32>} : memref<104x128xf32, #tpu.memory_space<vmem>>, vector<16xf32>,
        %mul3A_1035 = arith.mulf %get3A_253, %get3A_1034 : vector<16xf32>
        %add3A_1036 = arith.addf %add3A_1031, %mul3A_1035 : vector<16xf32>
        %get3A_1037 = arith.index_cast %add3A_1007 : i32 to index
        %get3A_1038 = arith.constant 96 : index
        %get3A_1039 = tpu.vector_load %arg10[%get3A_1037, %get3A_1038] {strides = array<i32>} : memref<104x128xf32, #tpu.memory_space<vmem>>, vector<16xf32>,
        %mul3A_1040 = arith.mulf %get3A_256, %get3A_1039 : vector<16xf32>
        %add3A_1041 = arith.addf %add3A_1036, %mul3A_1040 : vector<16xf32>
        %get3A_1042 = arith.index_cast %add3A_1007 : i32 to index
        %get3A_1043 = arith.constant 112 : index
        %get3A_1044 = tpu.vector_load %arg10[%get3A_1042, %get3A_1043] {strides = array<i32>} : memref<104x128xf32, #tpu.memory_space<vmem>>, vector<16xf32>,
        %mul3A_1045 = arith.mulf %get3A_259, %get3A_1044 : vector<16xf32>
        %add3A_1046 = arith.addf %add3A_1041, %mul3A_1045 : vector<16xf32>
        %cumsum3A_1047 = arith.constant true
        %cumsum3A_1048 = vector.broadcast %cumsum3A_1047 : i1 to vector<16xi1>
        %cumsum3A_1049 = tpu.scan <sum>, %add3A_1046 masked %cumsum3A_1048 : vector<16xf32>, vector<16xi1> -> vector<16xf32>
        %swap3A_1050 = arith.constant 3 : i32
        %swap3A_1051 = arith.index_cast %swap3A_1050 : i32 to index
        %swap3A_1052 = arith.constant 0 : index
        %swap3A_1053 = tpu.vector_load %arg12[%swap3A_1051, %swap3A_1052] {strides = array<i32>} : memref<16x16xf32, #tpu.memory_space<vmem>>, vector<16xf32>,
        tpu.vector_store %arg12[%swap3A_1051, %swap3A_1052], %cumsum3A_1049 {strides = array<i32>} : memref<16x16xf32, #tpu.memory_space<vmem>>, vector<16xf32>,
        %mul3A_1054 = arith.constant 16 : i32
        %mul3A_1055 = arith.muli %mul3A_1054, %scan3A_845 : i32
        %add3A_1056 = arith.constant 51 : i32
        %add3A_1057 = arith.addi %add3A_1056, %mul3A_1055 : i32
        %add3A_1058 = arith.constant 4 : i32
        %add3A_1059 = arith.addi %add3A_1057, %add3A_1058 : i32
        %get3A_1060 = arith.index_cast %add3A_1059 : i32 to index
        %get3A_1061 = arith.constant 0 : index
        %get3A_1062 = tpu.vector_load %arg10[%get3A_1060, %get3A_1061] {strides = array<i32>} : memref<104x128xf32, #tpu.memory_space<vmem>>, vector<16xf32>,
        %mul3A_1063 = arith.mulf %get3A_238, %get3A_1062 : vector<16xf32>
        %get3A_1064 = arith.index_cast %add3A_1059 : i32 to index
        %get3A_1065 = arith.constant 16 : index
        %get3A_1066 = tpu.vector_load %arg10[%get3A_1064, %get3A_1065] {strides = array<i32>} : memref<104x128xf32, #tpu.memory_space<vmem>>, vector<16xf32>,
        %mul3A_1067 = arith.mulf %get3A_241, %get3A_1066 : vector<16xf32>
        %add3A_1068 = arith.addf %mul3A_1063, %mul3A_1067 : vector<16xf32>
        %get3A_1069 = arith.index_cast %add3A_1059 : i32 to index
        %get3A_1070 = arith.constant 32 : index
        %get3A_1071 = tpu.vector_load %arg10[%get3A_1069, %get3A_1070] {strides = array<i32>} : memref<104x128xf32, #tpu.memory_space<vmem>>, vector<16xf32>,
        %mul3A_1072 = arith.mulf %get3A_244, %get3A_1071 : vector<16xf32>
        %add3A_1073 = arith.addf %add3A_1068, %mul3A_1072 : vector<16xf32>
        %get3A_1074 = arith.index_cast %add3A_1059 : i32 to index
        %get3A_1075 = arith.constant 48 : index
        %get3A_1076 = tpu.vector_load %arg10[%get3A_1074, %get3A_1075] {strides = array<i32>} : memref<104x128xf32, #tpu.memory_space<vmem>>, vector<16xf32>,
        %mul3A_1077 = arith.mulf %get3A_247, %get3A_1076 : vector<16xf32>
        %add3A_1078 = arith.addf %add3A_1073, %mul3A_1077 : vector<16xf32>
        %get3A_1079 = arith.index_cast %add3A_1059 : i32 to index
        %get3A_1080 = arith.constant 64 : index
        %get3A_1081 = tpu.vector_load %arg10[%get3A_1079, %get3A_1080] {strides = array<i32>} : memref<104x128xf32, #tpu.memory_space<vmem>>, vector<16xf32>,
        %mul3A_1082 = arith.mulf %get3A_250, %get3A_1081 : vector<16xf32>
        %add3A_1083 = arith.addf %add3A_1078, %mul3A_1082 : vector<16xf32>
        %get3A_1084 = arith.index_cast %add3A_1059 : i32 to index
        %get3A_1085 = arith.constant 80 : index
        %get3A_1086 = tpu.vector_load %arg10[%get3A_1084, %get3A_1085] {strides = array<i32>} : memref<104x128xf32, #tpu.memory_space<vmem>>, vector<16xf32>,
        %mul3A_1087 = arith.mulf %get3A_253, %get3A_1086 : vector<16xf32>
        %add3A_1088 = arith.addf %add3A_1083, %mul3A_1087 : vector<16xf32>
        %get3A_1089 = arith.index_cast %add3A_1059 : i32 to index
        %get3A_1090 = arith.constant 96 : index
        %get3A_1091 = tpu.vector_load %arg10[%get3A_1089, %get3A_1090] {strides = array<i32>} : memref<104x128xf32, #tpu.memory_space<vmem>>, vector<16xf32>,
        %mul3A_1092 = arith.mulf %get3A_256, %get3A_1091 : vector<16xf32>
        %add3A_1093 = arith.addf %add3A_1088, %mul3A_1092 : vector<16xf32>
        %get3A_1094 = arith.index_cast %add3A_1059 : i32 to index
        %get3A_1095 = arith.constant 112 : index
        %get3A_1096 = tpu.vector_load %arg10[%get3A_1094, %get3A_1095] {strides = array<i32>} : memref<104x128xf32, #tpu.memory_space<vmem>>, vector<16xf32>,
        %mul3A_1097 = arith.mulf %get3A_259, %get3A_1096 : vector<16xf32>
        %add3A_1098 = arith.addf %add3A_1093, %mul3A_1097 : vector<16xf32>
        %cumsum3A_1099 = arith.constant true
        %cumsum3A_1100 = vector.broadcast %cumsum3A_1099 : i1 to vector<16xi1>
        %cumsum3A_1101 = tpu.scan <sum>, %add3A_1098 masked %cumsum3A_1100 : vector<16xf32>, vector<16xi1> -> vector<16xf32>
        %swap3A_1102 = arith.constant 4 : i32
        %swap3A_1103 = arith.index_cast %swap3A_1102 : i32 to index
        %swap3A_1104 = arith.constant 0 : index
        %swap3A_1105 = tpu.vector_load %arg12[%swap3A_1103, %swap3A_1104] {strides = array<i32>} : memref<16x16xf32, #tpu.memory_space<vmem>>, vector<16xf32>,
        tpu.vector_store %arg12[%swap3A_1103, %swap3A_1104], %cumsum3A_1101 {strides = array<i32>} : memref<16x16xf32, #tpu.memory_space<vmem>>, vector<16xf32>,
        %mul3A_1106 = arith.constant 16 : i32
        %mul3A_1107 = arith.muli %mul3A_1106, %scan3A_845 : i32
        %add3A_1108 = arith.constant 51 : i32
        %add3A_1109 = arith.addi %add3A_1108, %mul3A_1107 : i32
        %add3A_1110 = arith.constant 5 : i32
        %add3A_1111 = arith.addi %add3A_1109, %add3A_1110 : i32
        %get3A_1112 = arith.index_cast %add3A_1111 : i32 to index
        %get3A_1113 = arith.constant 0 : index
        %get3A_1114 = tpu.vector_load %arg10[%get3A_1112, %get3A_1113] {strides = array<i32>} : memref<104x128xf32, #tpu.memory_space<vmem>>, vector<16xf32>,
        %mul3A_1115 = arith.mulf %get3A_238, %get3A_1114 : vector<16xf32>
        %get3A_1116 = arith.index_cast %add3A_1111 : i32 to index
        %get3A_1117 = arith.constant 16 : index
        %get3A_1118 = tpu.vector_load %arg10[%get3A_1116, %get3A_1117] {strides = array<i32>} : memref<104x128xf32, #tpu.memory_space<vmem>>, vector<16xf32>,
        %mul3A_1119 = arith.mulf %get3A_241, %get3A_1118 : vector<16xf32>
        %add3A_1120 = arith.addf %mul3A_1115, %mul3A_1119 : vector<16xf32>
        %get3A_1121 = arith.index_cast %add3A_1111 : i32 to index
        %get3A_1122 = arith.constant 32 : index
        %get3A_1123 = tpu.vector_load %arg10[%get3A_1121, %get3A_1122] {strides = array<i32>} : memref<104x128xf32, #tpu.memory_space<vmem>>, vector<16xf32>,
        %mul3A_1124 = arith.mulf %get3A_244, %get3A_1123 : vector<16xf32>
        %add3A_1125 = arith.addf %add3A_1120, %mul3A_1124 : vector<16xf32>
        %get3A_1126 = arith.index_cast %add3A_1111 : i32 to index
        %get3A_1127 = arith.constant 48 : index
        %get3A_1128 = tpu.vector_load %arg10[%get3A_1126, %get3A_1127] {strides = array<i32>} : memref<104x128xf32, #tpu.memory_space<vmem>>, vector<16xf32>,
        %mul3A_1129 = arith.mulf %get3A_247, %get3A_1128 : vector<16xf32>
        %add3A_1130 = arith.addf %add3A_1125, %mul3A_1129 : vector<16xf32>
        %get3A_1131 = arith.index_cast %add3A_1111 : i32 to index
        %get3A_1132 = arith.constant 64 : index
        %get3A_1133 = tpu.vector_load %arg10[%get3A_1131, %get3A_1132] {strides = array<i32>} : memref<104x128xf32, #tpu.memory_space<vmem>>, vector<16xf32>,
        %mul3A_1134 = arith.mulf %get3A_250, %get3A_1133 : vector<16xf32>
        %add3A_1135 = arith.addf %add3A_1130, %mul3A_1134 : vector<16xf32>
        %get3A_1136 = arith.index_cast %add3A_1111 : i32 to index
        %get3A_1137 = arith.constant 80 : index
        %get3A_1138 = tpu.vector_load %arg10[%get3A_1136, %get3A_1137] {strides = array<i32>} : memref<104x128xf32, #tpu.memory_space<vmem>>, vector<16xf32>,
        %mul3A_1139 = arith.mulf %get3A_253, %get3A_1138 : vector<16xf32>
        %add3A_1140 = arith.addf %add3A_1135, %mul3A_1139 : vector<16xf32>
        %get3A_1141 = arith.index_cast %add3A_1111 : i32 to index
        %get3A_1142 = arith.constant 96 : index
        %get3A_1143 = tpu.vector_load %arg10[%get3A_1141, %get3A_1142] {strides = array<i32>} : memref<104x128xf32, #tpu.memory_space<vmem>>, vector<16xf32>,
        %mul3A_1144 = arith.mulf %get3A_256, %get3A_1143 : vector<16xf32>
        %add3A_1145 = arith.addf %add3A_1140, %mul3A_1144 : vector<16xf32>
        %get3A_1146 = arith.index_cast %add3A_1111 : i32 to index
        %get3A_1147 = arith.constant 112 : index
        %get3A_1148 = tpu.vector_load %arg10[%get3A_1146, %get3A_1147] {strides = array<i32>} : memref<104x128xf32, #tpu.memory_space<vmem>>, vector<16xf32>,
        %mul3A_1149 = arith.mulf %get3A_259, %get3A_1148 : vector<16xf32>
        %add3A_1150 = arith.addf %add3A_1145, %mul3A_1149 : vector<16xf32>
        %cumsum3A_1151 = arith.constant true
        %cumsum3A_1152 = vector.broadcast %cumsum3A_1151 : i1 to vector<16xi1>
        %cumsum3A_1153 = tpu.scan <sum>, %add3A_1150 masked %cumsum3A_1152 : vector<16xf32>, vector<16xi1> -> vector<16xf32>
        %swap3A_1154 = arith.constant 5 : i32
        %swap3A_1155 = arith.index_cast %swap3A_1154 : i32 to index
        %swap3A_1156 = arith.constant 0 : index
        %swap3A_1157 = tpu.vector_load %arg12[%swap3A_1155, %swap3A_1156] {strides = array<i32>} : memref<16x16xf32, #tpu.memory_space<vmem>>, vector<16xf32>,
        tpu.vector_store %arg12[%swap3A_1155, %swap3A_1156], %cumsum3A_1153 {strides = array<i32>} : memref<16x16xf32, #tpu.memory_space<vmem>>, vector<16xf32>,
        %mul3A_1158 = arith.constant 16 : i32
        %mul3A_1159 = arith.muli %mul3A_1158, %scan3A_845 : i32
        %add3A_1160 = arith.constant 51 : i32
        %add3A_1161 = arith.addi %add3A_1160, %mul3A_1159 : i32
        %add3A_1162 = arith.constant 6 : i32
        %add3A_1163 = arith.addi %add3A_1161, %add3A_1162 : i32
        %get3A_1164 = arith.index_cast %add3A_1163 : i32 to index
        %get3A_1165 = arith.constant 0 : index
        %get3A_1166 = tpu.vector_load %arg10[%get3A_1164, %get3A_1165] {strides = array<i32>} : memref<104x128xf32, #tpu.memory_space<vmem>>, vector<16xf32>,
        %mul3A_1167 = arith.mulf %get3A_238, %get3A_1166 : vector<16xf32>
        %get3A_1168 = arith.index_cast %add3A_1163 : i32 to index
        %get3A_1169 = arith.constant 16 : index
        %get3A_1170 = tpu.vector_load %arg10[%get3A_1168, %get3A_1169] {strides = array<i32>} : memref<104x128xf32, #tpu.memory_space<vmem>>, vector<16xf32>,
        %mul3A_1171 = arith.mulf %get3A_241, %get3A_1170 : vector<16xf32>
        %add3A_1172 = arith.addf %mul3A_1167, %mul3A_1171 : vector<16xf32>
        %get3A_1173 = arith.index_cast %add3A_1163 : i32 to index
        %get3A_1174 = arith.constant 32 : index
        %get3A_1175 = tpu.vector_load %arg10[%get3A_1173, %get3A_1174] {strides = array<i32>} : memref<104x128xf32, #tpu.memory_space<vmem>>, vector<16xf32>,
        %mul3A_1176 = arith.mulf %get3A_244, %get3A_1175 : vector<16xf32>
        %add3A_1177 = arith.addf %add3A_1172, %mul3A_1176 : vector<16xf32>
        %get3A_1178 = arith.index_cast %add3A_1163 : i32 to index
        %get3A_1179 = arith.constant 48 : index
        %get3A_1180 = tpu.vector_load %arg10[%get3A_1178, %get3A_1179] {strides = array<i32>} : memref<104x128xf32, #tpu.memory_space<vmem>>, vector<16xf32>,
        %mul3A_1181 = arith.mulf %get3A_247, %get3A_1180 : vector<16xf32>
        %add3A_1182 = arith.addf %add3A_1177, %mul3A_1181 : vector<16xf32>
        %get3A_1183 = arith.index_cast %add3A_1163 : i32 to index
        %get3A_1184 = arith.constant 64 : index
        %get3A_1185 = tpu.vector_load %arg10[%get3A_1183, %get3A_1184] {strides = array<i32>} : memref<104x128xf32, #tpu.memory_space<vmem>>, vector<16xf32>,
        %mul3A_1186 = arith.mulf %get3A_250, %get3A_1185 : vector<16xf32>
        %add3A_1187 = arith.addf %add3A_1182, %mul3A_1186 : vector<16xf32>
        %get3A_1188 = arith.index_cast %add3A_1163 : i32 to index
        %get3A_1189 = arith.constant 80 : index
        %get3A_1190 = tpu.vector_load %arg10[%get3A_1188, %get3A_1189] {strides = array<i32>} : memref<104x128xf32, #tpu.memory_space<vmem>>, vector<16xf32>,
        %mul3A_1191 = arith.mulf %get3A_253, %get3A_1190 : vector<16xf32>
        %add3A_1192 = arith.addf %add3A_1187, %mul3A_1191 : vector<16xf32>
        %get3A_1193 = arith.index_cast %add3A_1163 : i32 to index
        %get3A_1194 = arith.constant 96 : index
        %get3A_1195 = tpu.vector_load %arg10[%get3A_1193, %get3A_1194] {strides = array<i32>} : memref<104x128xf32, #tpu.memory_space<vmem>>, vector<16xf32>,
        %mul3A_1196 = arith.mulf %get3A_256, %get3A_1195 : vector<16xf32>
        %add3A_1197 = arith.addf %add3A_1192, %mul3A_1196 : vector<16xf32>
        %get3A_1198 = arith.index_cast %add3A_1163 : i32 to index
        %get3A_1199 = arith.constant 112 : index
        %get3A_1200 = tpu.vector_load %arg10[%get3A_1198, %get3A_1199] {strides = array<i32>} : memref<104x128xf32, #tpu.memory_space<vmem>>, vector<16xf32>,
        %mul3A_1201 = arith.mulf %get3A_259, %get3A_1200 : vector<16xf32>
        %add3A_1202 = arith.addf %add3A_1197, %mul3A_1201 : vector<16xf32>
        %cumsum3A_1203 = arith.constant true
        %cumsum3A_1204 = vector.broadcast %cumsum3A_1203 : i1 to vector<16xi1>
        %cumsum3A_1205 = tpu.scan <sum>, %add3A_1202 masked %cumsum3A_1204 : vector<16xf32>, vector<16xi1> -> vector<16xf32>
        %swap3A_1206 = arith.constant 6 : i32
        %swap3A_1207 = arith.index_cast %swap3A_1206 : i32 to index
        %swap3A_1208 = arith.constant 0 : index
        %swap3A_1209 = tpu.vector_load %arg12[%swap3A_1207, %swap3A_1208] {strides = array<i32>} : memref<16x16xf32, #tpu.memory_space<vmem>>, vector<16xf32>,
        tpu.vector_store %arg12[%swap3A_1207, %swap3A_1208], %cumsum3A_1205 {strides = array<i32>} : memref<16x16xf32, #tpu.memory_space<vmem>>, vector<16xf32>,
        %mul3A_1210 = arith.constant 16 : i32
        %mul3A_1211 = arith.muli %mul3A_1210, %scan3A_845 : i32
        %add3A_1212 = arith.constant 51 : i32
        %add3A_1213 = arith.addi %add3A_1212, %mul3A_1211 : i32
        %add3A_1214 = arith.constant 7 : i32
        %add3A_1215 = arith.addi %add3A_1213, %add3A_1214 : i32
        %get3A_1216 = arith.index_cast %add3A_1215 : i32 to index
        %get3A_1217 = arith.constant 0 : index
        %get3A_1218 = tpu.vector_load %arg10[%get3A_1216, %get3A_1217] {strides = array<i32>} : memref<104x128xf32, #tpu.memory_space<vmem>>, vector<16xf32>,
        %mul3A_1219 = arith.mulf %get3A_238, %get3A_1218 : vector<16xf32>
        %get3A_1220 = arith.index_cast %add3A_1215 : i32 to index
        %get3A_1221 = arith.constant 16 : index
        %get3A_1222 = tpu.vector_load %arg10[%get3A_1220, %get3A_1221] {strides = array<i32>} : memref<104x128xf32, #tpu.memory_space<vmem>>, vector<16xf32>,
        %mul3A_1223 = arith.mulf %get3A_241, %get3A_1222 : vector<16xf32>
        %add3A_1224 = arith.addf %mul3A_1219, %mul3A_1223 : vector<16xf32>
        %get3A_1225 = arith.index_cast %add3A_1215 : i32 to index
        %get3A_1226 = arith.constant 32 : index
        %get3A_1227 = tpu.vector_load %arg10[%get3A_1225, %get3A_1226] {strides = array<i32>} : memref<104x128xf32, #tpu.memory_space<vmem>>, vector<16xf32>,
        %mul3A_1228 = arith.mulf %get3A_244, %get3A_1227 : vector<16xf32>
        %add3A_1229 = arith.addf %add3A_1224, %mul3A_1228 : vector<16xf32>
        %get3A_1230 = arith.index_cast %add3A_1215 : i32 to index
        %get3A_1231 = arith.constant 48 : index
        %get3A_1232 = tpu.vector_load %arg10[%get3A_1230, %get3A_1231] {strides = array<i32>} : memref<104x128xf32, #tpu.memory_space<vmem>>, vector<16xf32>,
        %mul3A_1233 = arith.mulf %get3A_247, %get3A_1232 : vector<16xf32>
        %add3A_1234 = arith.addf %add3A_1229, %mul3A_1233 : vector<16xf32>
        %get3A_1235 = arith.index_cast %add3A_1215 : i32 to index
        %get3A_1236 = arith.constant 64 : index
        %get3A_1237 = tpu.vector_load %arg10[%get3A_1235, %get3A_1236] {strides = array<i32>} : memref<104x128xf32, #tpu.memory_space<vmem>>, vector<16xf32>,
        %mul3A_1238 = arith.mulf %get3A_250, %get3A_1237 : vector<16xf32>
        %add3A_1239 = arith.addf %add3A_1234, %mul3A_1238 : vector<16xf32>
        %get3A_1240 = arith.index_cast %add3A_1215 : i32 to index
        %get3A_1241 = arith.constant 80 : index
        %get3A_1242 = tpu.vector_load %arg10[%get3A_1240, %get3A_1241] {strides = array<i32>} : memref<104x128xf32, #tpu.memory_space<vmem>>, vector<16xf32>,
        %mul3A_1243 = arith.mulf %get3A_253, %get3A_1242 : vector<16xf32>
        %add3A_1244 = arith.addf %add3A_1239, %mul3A_1243 : vector<16xf32>
        %get3A_1245 = arith.index_cast %add3A_1215 : i32 to index
        %get3A_1246 = arith.constant 96 : index
        %get3A_1247 = tpu.vector_load %arg10[%get3A_1245, %get3A_1246] {strides = array<i32>} : memref<104x128xf32, #tpu.memory_space<vmem>>, vector<16xf32>,
        %mul3A_1248 = arith.mulf %get3A_256, %get3A_1247 : vector<16xf32>
        %add3A_1249 = arith.addf %add3A_1244, %mul3A_1248 : vector<16xf32>
        %get3A_1250 = arith.index_cast %add3A_1215 : i32 to index
        %get3A_1251 = arith.constant 112 : index
        %get3A_1252 = tpu.vector_load %arg10[%get3A_1250, %get3A_1251] {strides = array<i32>} : memref<104x128xf32, #tpu.memory_space<vmem>>, vector<16xf32>,
        %mul3A_1253 = arith.mulf %get3A_259, %get3A_1252 : vector<16xf32>
        %add3A_1254 = arith.addf %add3A_1249, %mul3A_1253 : vector<16xf32>
        %cumsum3A_1255 = arith.constant true
        %cumsum3A_1256 = vector.broadcast %cumsum3A_1255 : i1 to vector<16xi1>
        %cumsum3A_1257 = tpu.scan <sum>, %add3A_1254 masked %cumsum3A_1256 : vector<16xf32>, vector<16xi1> -> vector<16xf32>
        %swap3A_1258 = arith.constant 7 : i32
        %swap3A_1259 = arith.index_cast %swap3A_1258 : i32 to index
        %swap3A_1260 = arith.constant 0 : index
        %swap3A_1261 = tpu.vector_load %arg12[%swap3A_1259, %swap3A_1260] {strides = array<i32>} : memref<16x16xf32, #tpu.memory_space<vmem>>, vector<16xf32>,
        tpu.vector_store %arg12[%swap3A_1259, %swap3A_1260], %cumsum3A_1257 {strides = array<i32>} : memref<16x16xf32, #tpu.memory_space<vmem>>, vector<16xf32>,
        %mul3A_1262 = arith.constant 16 : i32
        %mul3A_1263 = arith.muli %mul3A_1262, %scan3A_845 : i32
        %add3A_1264 = arith.constant 51 : i32
        %add3A_1265 = arith.addi %add3A_1264, %mul3A_1263 : i32
        %add3A_1266 = arith.constant 8 : i32
        %add3A_1267 = arith.addi %add3A_1265, %add3A_1266 : i32
        %get3A_1268 = arith.index_cast %add3A_1267 : i32 to index
        %get3A_1269 = arith.constant 0 : index
        %get3A_1270 = tpu.vector_load %arg10[%get3A_1268, %get3A_1269] {strides = array<i32>} : memref<104x128xf32, #tpu.memory_space<vmem>>, vector<16xf32>,
        %mul3A_1271 = arith.mulf %get3A_238, %get3A_1270 : vector<16xf32>
        %get3A_1272 = arith.index_cast %add3A_1267 : i32 to index
        %get3A_1273 = arith.constant 16 : index
        %get3A_1274 = tpu.vector_load %arg10[%get3A_1272, %get3A_1273] {strides = array<i32>} : memref<104x128xf32, #tpu.memory_space<vmem>>, vector<16xf32>,
        %mul3A_1275 = arith.mulf %get3A_241, %get3A_1274 : vector<16xf32>
        %add3A_1276 = arith.addf %mul3A_1271, %mul3A_1275 : vector<16xf32>
        %get3A_1277 = arith.index_cast %add3A_1267 : i32 to index
        %get3A_1278 = arith.constant 32 : index
        %get3A_1279 = tpu.vector_load %arg10[%get3A_1277, %get3A_1278] {strides = array<i32>} : memref<104x128xf32, #tpu.memory_space<vmem>>, vector<16xf32>,
        %mul3A_1280 = arith.mulf %get3A_244, %get3A_1279 : vector<16xf32>
        %add3A_1281 = arith.addf %add3A_1276, %mul3A_1280 : vector<16xf32>
        %get3A_1282 = arith.index_cast %add3A_1267 : i32 to index
        %get3A_1283 = arith.constant 48 : index
        %get3A_1284 = tpu.vector_load %arg10[%get3A_1282, %get3A_1283] {strides = array<i32>} : memref<104x128xf32, #tpu.memory_space<vmem>>, vector<16xf32>,
        %mul3A_1285 = arith.mulf %get3A_247, %get3A_1284 : vector<16xf32>
        %add3A_1286 = arith.addf %add3A_1281, %mul3A_1285 : vector<16xf32>
        %get3A_1287 = arith.index_cast %add3A_1267 : i32 to index
        %get3A_1288 = arith.constant 64 : index
        %get3A_1289 = tpu.vector_load %arg10[%get3A_1287, %get3A_1288] {strides = array<i32>} : memref<104x128xf32, #tpu.memory_space<vmem>>, vector<16xf32>,
        %mul3A_1290 = arith.mulf %get3A_250, %get3A_1289 : vector<16xf32>
        %add3A_1291 = arith.addf %add3A_1286, %mul3A_1290 : vector<16xf32>
        %get3A_1292 = arith.index_cast %add3A_1267 : i32 to index
        %get3A_1293 = arith.constant 80 : index
        %get3A_1294 = tpu.vector_load %arg10[%get3A_1292, %get3A_1293] {strides = array<i32>} : memref<104x128xf32, #tpu.memory_space<vmem>>, vector<16xf32>,
        %mul3A_1295 = arith.mulf %get3A_253, %get3A_1294 : vector<16xf32>
        %add3A_1296 = arith.addf %add3A_1291, %mul3A_1295 : vector<16xf32>
        %get3A_1297 = arith.index_cast %add3A_1267 : i32 to index
        %get3A_1298 = arith.constant 96 : index
        %get3A_1299 = tpu.vector_load %arg10[%get3A_1297, %get3A_1298] {strides = array<i32>} : memref<104x128xf32, #tpu.memory_space<vmem>>, vector<16xf32>,
        %mul3A_1300 = arith.mulf %get3A_256, %get3A_1299 : vector<16xf32>
        %add3A_1301 = arith.addf %add3A_1296, %mul3A_1300 : vector<16xf32>
        %get3A_1302 = arith.index_cast %add3A_1267 : i32 to index
        %get3A_1303 = arith.constant 112 : index
        %get3A_1304 = tpu.vector_load %arg10[%get3A_1302, %get3A_1303] {strides = array<i32>} : memref<104x128xf32, #tpu.memory_space<vmem>>, vector<16xf32>,
        %mul3A_1305 = arith.mulf %get3A_259, %get3A_1304 : vector<16xf32>
        %add3A_1306 = arith.addf %add3A_1301, %mul3A_1305 : vector<16xf32>
        %cumsum3A_1307 = arith.constant true
        %cumsum3A_1308 = vector.broadcast %cumsum3A_1307 : i1 to vector<16xi1>
        %cumsum3A_1309 = tpu.scan <sum>, %add3A_1306 masked %cumsum3A_1308 : vector<16xf32>, vector<16xi1> -> vector<16xf32>
        %swap3A_1310 = arith.constant 8 : i32
        %swap3A_1311 = arith.index_cast %swap3A_1310 : i32 to index
        %swap3A_1312 = arith.constant 0 : index
        %swap3A_1313 = tpu.vector_load %arg12[%swap3A_1311, %swap3A_1312] {strides = array<i32>} : memref<16x16xf32, #tpu.memory_space<vmem>>, vector<16xf32>,
        tpu.vector_store %arg12[%swap3A_1311, %swap3A_1312], %cumsum3A_1309 {strides = array<i32>} : memref<16x16xf32, #tpu.memory_space<vmem>>, vector<16xf32>,
        %mul3A_1314 = arith.constant 16 : i32
        %mul3A_1315 = arith.muli %mul3A_1314, %scan3A_845 : i32
        %add3A_1316 = arith.constant 51 : i32
        %add3A_1317 = arith.addi %add3A_1316, %mul3A_1315 : i32
        %add3A_1318 = arith.constant 9 : i32
        %add3A_1319 = arith.addi %add3A_1317, %add3A_1318 : i32
        %get3A_1320 = arith.index_cast %add3A_1319 : i32 to index
        %get3A_1321 = arith.constant 0 : index
        %get3A_1322 = tpu.vector_load %arg10[%get3A_1320, %get3A_1321] {strides = array<i32>} : memref<104x128xf32, #tpu.memory_space<vmem>>, vector<16xf32>,
        %mul3A_1323 = arith.mulf %get3A_238, %get3A_1322 : vector<16xf32>
        %get3A_1324 = arith.index_cast %add3A_1319 : i32 to index
        %get3A_1325 = arith.constant 16 : index
        %get3A_1326 = tpu.vector_load %arg10[%get3A_1324, %get3A_1325] {strides = array<i32>} : memref<104x128xf32, #tpu.memory_space<vmem>>, vector<16xf32>,
        %mul3A_1327 = arith.mulf %get3A_241, %get3A_1326 : vector<16xf32>
        %add3A_1328 = arith.addf %mul3A_1323, %mul3A_1327 : vector<16xf32>
        %get3A_1329 = arith.index_cast %add3A_1319 : i32 to index
        %get3A_1330 = arith.constant 32 : index
        %get3A_1331 = tpu.vector_load %arg10[%get3A_1329, %get3A_1330] {strides = array<i32>} : memref<104x128xf32, #tpu.memory_space<vmem>>, vector<16xf32>,
        %mul3A_1332 = arith.mulf %get3A_244, %get3A_1331 : vector<16xf32>
        %add3A_1333 = arith.addf %add3A_1328, %mul3A_1332 : vector<16xf32>
        %get3A_1334 = arith.index_cast %add3A_1319 : i32 to index
        %get3A_1335 = arith.constant 48 : index
        %get3A_1336 = tpu.vector_load %arg10[%get3A_1334, %get3A_1335] {strides = array<i32>} : memref<104x128xf32, #tpu.memory_space<vmem>>, vector<16xf32>,
        %mul3A_1337 = arith.mulf %get3A_247, %get3A_1336 : vector<16xf32>
        %add3A_1338 = arith.addf %add3A_1333, %mul3A_1337 : vector<16xf32>
        %get3A_1339 = arith.index_cast %add3A_1319 : i32 to index
        %get3A_1340 = arith.constant 64 : index
        %get3A_1341 = tpu.vector_load %arg10[%get3A_1339, %get3A_1340] {strides = array<i32>} : memref<104x128xf32, #tpu.memory_space<vmem>>, vector<16xf32>,
        %mul3A_1342 = arith.mulf %get3A_250, %get3A_1341 : vector<16xf32>
        %add3A_1343 = arith.addf %add3A_1338, %mul3A_1342 : vector<16xf32>
        %get3A_1344 = arith.index_cast %add3A_1319 : i32 to index
        %get3A_1345 = arith.constant 80 : index
        %get3A_1346 = tpu.vector_load %arg10[%get3A_1344, %get3A_1345] {strides = array<i32>} : memref<104x128xf32, #tpu.memory_space<vmem>>, vector<16xf32>,
        %mul3A_1347 = arith.mulf %get3A_253, %get3A_1346 : vector<16xf32>
        %add3A_1348 = arith.addf %add3A_1343, %mul3A_1347 : vector<16xf32>
        %get3A_1349 = arith.index_cast %add3A_1319 : i32 to index
        %get3A_1350 = arith.constant 96 : index
        %get3A_1351 = tpu.vector_load %arg10[%get3A_1349, %get3A_1350] {strides = array<i32>} : memref<104x128xf32, #tpu.memory_space<vmem>>, vector<16xf32>,
        %mul3A_1352 = arith.mulf %get3A_256, %get3A_1351 : vector<16xf32>
        %add3A_1353 = arith.addf %add3A_1348, %mul3A_1352 : vector<16xf32>
        %get3A_1354 = arith.index_cast %add3A_1319 : i32 to index
        %get3A_1355 = arith.constant 112 : index
        %get3A_1356 = tpu.vector_load %arg10[%get3A_1354, %get3A_1355] {strides = array<i32>} : memref<104x128xf32, #tpu.memory_space<vmem>>, vector<16xf32>,
        %mul3A_1357 = arith.mulf %get3A_259, %get3A_1356 : vector<16xf32>
        %add3A_1358 = arith.addf %add3A_1353, %mul3A_1357 : vector<16xf32>
        %cumsum3A_1359 = arith.constant true
        %cumsum3A_1360 = vector.broadcast %cumsum3A_1359 : i1 to vector<16xi1>
        %cumsum3A_1361 = tpu.scan <sum>, %add3A_1358 masked %cumsum3A_1360 : vector<16xf32>, vector<16xi1> -> vector<16xf32>
        %swap3A_1362 = arith.constant 9 : i32
        %swap3A_1363 = arith.index_cast %swap3A_1362 : i32 to index
        %swap3A_1364 = arith.constant 0 : index
        %swap3A_1365 = tpu.vector_load %arg12[%swap3A_1363, %swap3A_1364] {strides = array<i32>} : memref<16x16xf32, #tpu.memory_space<vmem>>, vector<16xf32>,
        tpu.vector_store %arg12[%swap3A_1363, %swap3A_1364], %cumsum3A_1361 {strides = array<i32>} : memref<16x16xf32, #tpu.memory_space<vmem>>, vector<16xf32>,
        %mul3A_1366 = arith.constant 16 : i32
        %mul3A_1367 = arith.muli %mul3A_1366, %scan3A_845 : i32
        %add3A_1368 = arith.constant 51 : i32
        %add3A_1369 = arith.addi %add3A_1368, %mul3A_1367 : i32
        %add3A_1370 = arith.constant 10 : i32
        %add3A_1371 = arith.addi %add3A_1369, %add3A_1370 : i32
        %get3A_1372 = arith.index_cast %add3A_1371 : i32 to index
        %get3A_1373 = arith.constant 0 : index
        %get3A_1374 = tpu.vector_load %arg10[%get3A_1372, %get3A_1373] {strides = array<i32>} : memref<104x128xf32, #tpu.memory_space<vmem>>, vector<16xf32>,
        %mul3A_1375 = arith.mulf %get3A_238, %get3A_1374 : vector<16xf32>
        %get3A_1376 = arith.index_cast %add3A_1371 : i32 to index
        %get3A_1377 = arith.constant 16 : index
        %get3A_1378 = tpu.vector_load %arg10[%get3A_1376, %get3A_1377] {strides = array<i32>} : memref<104x128xf32, #tpu.memory_space<vmem>>, vector<16xf32>,
        %mul3A_1379 = arith.mulf %get3A_241, %get3A_1378 : vector<16xf32>
        %add3A_1380 = arith.addf %mul3A_1375, %mul3A_1379 : vector<16xf32>
        %get3A_1381 = arith.index_cast %add3A_1371 : i32 to index
        %get3A_1382 = arith.constant 32 : index
        %get3A_1383 = tpu.vector_load %arg10[%get3A_1381, %get3A_1382] {strides = array<i32>} : memref<104x128xf32, #tpu.memory_space<vmem>>, vector<16xf32>,
        %mul3A_1384 = arith.mulf %get3A_244, %get3A_1383 : vector<16xf32>
        %add3A_1385 = arith.addf %add3A_1380, %mul3A_1384 : vector<16xf32>
        %get3A_1386 = arith.index_cast %add3A_1371 : i32 to index
        %get3A_1387 = arith.constant 48 : index
        %get3A_1388 = tpu.vector_load %arg10[%get3A_1386, %get3A_1387] {strides = array<i32>} : memref<104x128xf32, #tpu.memory_space<vmem>>, vector<16xf32>,
        %mul3A_1389 = arith.mulf %get3A_247, %get3A_1388 : vector<16xf32>
        %add3A_1390 = arith.addf %add3A_1385, %mul3A_1389 : vector<16xf32>
        %get3A_1391 = arith.index_cast %add3A_1371 : i32 to index
        %get3A_1392 = arith.constant 64 : index
        %get3A_1393 = tpu.vector_load %arg10[%get3A_1391, %get3A_1392] {strides = array<i32>} : memref<104x128xf32, #tpu.memory_space<vmem>>, vector<16xf32>,
        %mul3A_1394 = arith.mulf %get3A_250, %get3A_1393 : vector<16xf32>
        %add3A_1395 = arith.addf %add3A_1390, %mul3A_1394 : vector<16xf32>
        %get3A_1396 = arith.index_cast %add3A_1371 : i32 to index
        %get3A_1397 = arith.constant 80 : index
        %get3A_1398 = tpu.vector_load %arg10[%get3A_1396, %get3A_1397] {strides = array<i32>} : memref<104x128xf32, #tpu.memory_space<vmem>>, vector<16xf32>,
        %mul3A_1399 = arith.mulf %get3A_253, %get3A_1398 : vector<16xf32>
        %add3A_1400 = arith.addf %add3A_1395, %mul3A_1399 : vector<16xf32>
        %get3A_1401 = arith.index_cast %add3A_1371 : i32 to index
        %get3A_1402 = arith.constant 96 : index
        %get3A_1403 = tpu.vector_load %arg10[%get3A_1401, %get3A_1402] {strides = array<i32>} : memref<104x128xf32, #tpu.memory_space<vmem>>, vector<16xf32>,
        %mul3A_1404 = arith.mulf %get3A_256, %get3A_1403 : vector<16xf32>
        %add3A_1405 = arith.addf %add3A_1400, %mul3A_1404 : vector<16xf32>
        %get3A_1406 = arith.index_cast %add3A_1371 : i32 to index
        %get3A_1407 = arith.constant 112 : index
        %get3A_1408 = tpu.vector_load %arg10[%get3A_1406, %get3A_1407] {strides = array<i32>} : memref<104x128xf32, #tpu.memory_space<vmem>>, vector<16xf32>,
        %mul3A_1409 = arith.mulf %get3A_259, %get3A_1408 : vector<16xf32>
        %add3A_1410 = arith.addf %add3A_1405, %mul3A_1409 : vector<16xf32>
        %cumsum3A_1411 = arith.constant true
        %cumsum3A_1412 = vector.broadcast %cumsum3A_1411 : i1 to vector<16xi1>
        %cumsum3A_1413 = tpu.scan <sum>, %add3A_1410 masked %cumsum3A_1412 : vector<16xf32>, vector<16xi1> -> vector<16xf32>
        %swap3A_1414 = arith.constant 10 : i32
        %swap3A_1415 = arith.index_cast %swap3A_1414 : i32 to index
        %swap3A_1416 = arith.constant 0 : index
        %swap3A_1417 = tpu.vector_load %arg12[%swap3A_1415, %swap3A_1416] {strides = array<i32>} : memref<16x16xf32, #tpu.memory_space<vmem>>, vector<16xf32>,
        tpu.vector_store %arg12[%swap3A_1415, %swap3A_1416], %cumsum3A_1413 {strides = array<i32>} : memref<16x16xf32, #tpu.memory_space<vmem>>, vector<16xf32>,
        %mul3A_1418 = arith.constant 16 : i32
        %mul3A_1419 = arith.muli %mul3A_1418, %scan3A_845 : i32
        %add3A_1420 = arith.constant 51 : i32
        %add3A_1421 = arith.addi %add3A_1420, %mul3A_1419 : i32
        %add3A_1422 = arith.constant 11 : i32
        %add3A_1423 = arith.addi %add3A_1421, %add3A_1422 : i32
        %get3A_1424 = arith.index_cast %add3A_1423 : i32 to index
        %get3A_1425 = arith.constant 0 : index
        %get3A_1426 = tpu.vector_load %arg10[%get3A_1424, %get3A_1425] {strides = array<i32>} : memref<104x128xf32, #tpu.memory_space<vmem>>, vector<16xf32>,
        %mul3A_1427 = arith.mulf %get3A_238, %get3A_1426 : vector<16xf32>
        %get3A_1428 = arith.index_cast %add3A_1423 : i32 to index
        %get3A_1429 = arith.constant 16 : index
        %get3A_1430 = tpu.vector_load %arg10[%get3A_1428, %get3A_1429] {strides = array<i32>} : memref<104x128xf32, #tpu.memory_space<vmem>>, vector<16xf32>,
        %mul3A_1431 = arith.mulf %get3A_241, %get3A_1430 : vector<16xf32>
        %add3A_1432 = arith.addf %mul3A_1427, %mul3A_1431 : vector<16xf32>
        %get3A_1433 = arith.index_cast %add3A_1423 : i32 to index
        %get3A_1434 = arith.constant 32 : index
        %get3A_1435 = tpu.vector_load %arg10[%get3A_1433, %get3A_1434] {strides = array<i32>} : memref<104x128xf32, #tpu.memory_space<vmem>>, vector<16xf32>,
        %mul3A_1436 = arith.mulf %get3A_244, %get3A_1435 : vector<16xf32>
        %add3A_1437 = arith.addf %add3A_1432, %mul3A_1436 : vector<16xf32>
        %get3A_1438 = arith.index_cast %add3A_1423 : i32 to index
        %get3A_1439 = arith.constant 48 : index
        %get3A_1440 = tpu.vector_load %arg10[%get3A_1438, %get3A_1439] {strides = array<i32>} : memref<104x128xf32, #tpu.memory_space<vmem>>, vector<16xf32>,
        %mul3A_1441 = arith.mulf %get3A_247, %get3A_1440 : vector<16xf32>
        %add3A_1442 = arith.addf %add3A_1437, %mul3A_1441 : vector<16xf32>
        %get3A_1443 = arith.index_cast %add3A_1423 : i32 to index
        %get3A_1444 = arith.constant 64 : index
        %get3A_1445 = tpu.vector_load %arg10[%get3A_1443, %get3A_1444] {strides = array<i32>} : memref<104x128xf32, #tpu.memory_space<vmem>>, vector<16xf32>,
        %mul3A_1446 = arith.mulf %get3A_250, %get3A_1445 : vector<16xf32>
        %add3A_1447 = arith.addf %add3A_1442, %mul3A_1446 : vector<16xf32>
        %get3A_1448 = arith.index_cast %add3A_1423 : i32 to index
        %get3A_1449 = arith.constant 80 : index
        %get3A_1450 = tpu.vector_load %arg10[%get3A_1448, %get3A_1449] {strides = array<i32>} : memref<104x128xf32, #tpu.memory_space<vmem>>, vector<16xf32>,
        %mul3A_1451 = arith.mulf %get3A_253, %get3A_1450 : vector<16xf32>
        %add3A_1452 = arith.addf %add3A_1447, %mul3A_1451 : vector<16xf32>
        %get3A_1453 = arith.index_cast %add3A_1423 : i32 to index
        %get3A_1454 = arith.constant 96 : index
        %get3A_1455 = tpu.vector_load %arg10[%get3A_1453, %get3A_1454] {strides = array<i32>} : memref<104x128xf32, #tpu.memory_space<vmem>>, vector<16xf32>,
        %mul3A_1456 = arith.mulf %get3A_256, %get3A_1455 : vector<16xf32>
        %add3A_1457 = arith.addf %add3A_1452, %mul3A_1456 : vector<16xf32>
        %get3A_1458 = arith.index_cast %add3A_1423 : i32 to index
        %get3A_1459 = arith.constant 112 : index
        %get3A_1460 = tpu.vector_load %arg10[%get3A_1458, %get3A_1459] {strides = array<i32>} : memref<104x128xf32, #tpu.memory_space<vmem>>, vector<16xf32>,
        %mul3A_1461 = arith.mulf %get3A_259, %get3A_1460 : vector<16xf32>
        %add3A_1462 = arith.addf %add3A_1457, %mul3A_1461 : vector<16xf32>
        %cumsum3A_1463 = arith.constant true
        %cumsum3A_1464 = vector.broadcast %cumsum3A_1463 : i1 to vector<16xi1>
        %cumsum3A_1465 = tpu.scan <sum>, %add3A_1462 masked %cumsum3A_1464 : vector<16xf32>, vector<16xi1> -> vector<16xf32>
        %swap3A_1466 = arith.constant 11 : i32
        %swap3A_1467 = arith.index_cast %swap3A_1466 : i32 to index
        %swap3A_1468 = arith.constant 0 : index
        %swap3A_1469 = tpu.vector_load %arg12[%swap3A_1467, %swap3A_1468] {strides = array<i32>} : memref<16x16xf32, #tpu.memory_space<vmem>>, vector<16xf32>,
        tpu.vector_store %arg12[%swap3A_1467, %swap3A_1468], %cumsum3A_1465 {strides = array<i32>} : memref<16x16xf32, #tpu.memory_space<vmem>>, vector<16xf32>,
        %mul3A_1470 = arith.constant 16 : i32
        %mul3A_1471 = arith.muli %mul3A_1470, %scan3A_845 : i32
        %add3A_1472 = arith.constant 51 : i32
        %add3A_1473 = arith.addi %add3A_1472, %mul3A_1471 : i32
        %add3A_1474 = arith.constant 12 : i32
        %add3A_1475 = arith.addi %add3A_1473, %add3A_1474 : i32
        %get3A_1476 = arith.index_cast %add3A_1475 : i32 to index
        %get3A_1477 = arith.constant 0 : index
        %get3A_1478 = tpu.vector_load %arg10[%get3A_1476, %get3A_1477] {strides = array<i32>} : memref<104x128xf32, #tpu.memory_space<vmem>>, vector<16xf32>,
        %mul3A_1479 = arith.mulf %get3A_238, %get3A_1478 : vector<16xf32>
        %get3A_1480 = arith.index_cast %add3A_1475 : i32 to index
        %get3A_1481 = arith.constant 16 : index
        %get3A_1482 = tpu.vector_load %arg10[%get3A_1480, %get3A_1481] {strides = array<i32>} : memref<104x128xf32, #tpu.memory_space<vmem>>, vector<16xf32>,
        %mul3A_1483 = arith.mulf %get3A_241, %get3A_1482 : vector<16xf32>
        %add3A_1484 = arith.addf %mul3A_1479, %mul3A_1483 : vector<16xf32>
        %get3A_1485 = arith.index_cast %add3A_1475 : i32 to index
        %get3A_1486 = arith.constant 32 : index
        %get3A_1487 = tpu.vector_load %arg10[%get3A_1485, %get3A_1486] {strides = array<i32>} : memref<104x128xf32, #tpu.memory_space<vmem>>, vector<16xf32>,
        %mul3A_1488 = arith.mulf %get3A_244, %get3A_1487 : vector<16xf32>
        %add3A_1489 = arith.addf %add3A_1484, %mul3A_1488 : vector<16xf32>
        %get3A_1490 = arith.index_cast %add3A_1475 : i32 to index
        %get3A_1491 = arith.constant 48 : index
        %get3A_1492 = tpu.vector_load %arg10[%get3A_1490, %get3A_1491] {strides = array<i32>} : memref<104x128xf32, #tpu.memory_space<vmem>>, vector<16xf32>,
        %mul3A_1493 = arith.mulf %get3A_247, %get3A_1492 : vector<16xf32>
        %add3A_1494 = arith.addf %add3A_1489, %mul3A_1493 : vector<16xf32>
        %get3A_1495 = arith.index_cast %add3A_1475 : i32 to index
        %get3A_1496 = arith.constant 64 : index
        %get3A_1497 = tpu.vector_load %arg10[%get3A_1495, %get3A_1496] {strides = array<i32>} : memref<104x128xf32, #tpu.memory_space<vmem>>, vector<16xf32>,
        %mul3A_1498 = arith.mulf %get3A_250, %get3A_1497 : vector<16xf32>
        %add3A_1499 = arith.addf %add3A_1494, %mul3A_1498 : vector<16xf32>
        %get3A_1500 = arith.index_cast %add3A_1475 : i32 to index
        %get3A_1501 = arith.constant 80 : index
        %get3A_1502 = tpu.vector_load %arg10[%get3A_1500, %get3A_1501] {strides = array<i32>} : memref<104x128xf32, #tpu.memory_space<vmem>>, vector<16xf32>,
        %mul3A_1503 = arith.mulf %get3A_253, %get3A_1502 : vector<16xf32>
        %add3A_1504 = arith.addf %add3A_1499, %mul3A_1503 : vector<16xf32>
        %get3A_1505 = arith.index_cast %add3A_1475 : i32 to index
        %get3A_1506 = arith.constant 96 : index
        %get3A_1507 = tpu.vector_load %arg10[%get3A_1505, %get3A_1506] {strides = array<i32>} : memref<104x128xf32, #tpu.memory_space<vmem>>, vector<16xf32>,
        %mul3A_1508 = arith.mulf %get3A_256, %get3A_1507 : vector<16xf32>
        %add3A_1509 = arith.addf %add3A_1504, %mul3A_1508 : vector<16xf32>
        %get3A_1510 = arith.index_cast %add3A_1475 : i32 to index
        %get3A_1511 = arith.constant 112 : index
        %get3A_1512 = tpu.vector_load %arg10[%get3A_1510, %get3A_1511] {strides = array<i32>} : memref<104x128xf32, #tpu.memory_space<vmem>>, vector<16xf32>,
        %mul3A_1513 = arith.mulf %get3A_259, %get3A_1512 : vector<16xf32>
        %add3A_1514 = arith.addf %add3A_1509, %mul3A_1513 : vector<16xf32>
        %cumsum3A_1515 = arith.constant true
        %cumsum3A_1516 = vector.broadcast %cumsum3A_1515 : i1 to vector<16xi1>
        %cumsum3A_1517 = tpu.scan <sum>, %add3A_1514 masked %cumsum3A_1516 : vector<16xf32>, vector<16xi1> -> vector<16xf32>
        %swap3A_1518 = arith.constant 12 : i32
        %swap3A_1519 = arith.index_cast %swap3A_1518 : i32 to index
        %swap3A_1520 = arith.constant 0 : index
        %swap3A_1521 = tpu.vector_load %arg12[%swap3A_1519, %swap3A_1520] {strides = array<i32>} : memref<16x16xf32, #tpu.memory_space<vmem>>, vector<16xf32>,
        tpu.vector_store %arg12[%swap3A_1519, %swap3A_1520], %cumsum3A_1517 {strides = array<i32>} : memref<16x16xf32, #tpu.memory_space<vmem>>, vector<16xf32>,
        %mul3A_1522 = arith.constant 16 : i32
        %mul3A_1523 = arith.muli %mul3A_1522, %scan3A_845 : i32
        %add3A_1524 = arith.constant 51 : i32
        %add3A_1525 = arith.addi %add3A_1524, %mul3A_1523 : i32
        %add3A_1526 = arith.constant 13 : i32
        %add3A_1527 = arith.addi %add3A_1525, %add3A_1526 : i32
        %get3A_1528 = arith.index_cast %add3A_1527 : i32 to index
        %get3A_1529 = arith.constant 0 : index
        %get3A_1530 = tpu.vector_load %arg10[%get3A_1528, %get3A_1529] {strides = array<i32>} : memref<104x128xf32, #tpu.memory_space<vmem>>, vector<16xf32>,
        %mul3A_1531 = arith.mulf %get3A_238, %get3A_1530 : vector<16xf32>
        %get3A_1532 = arith.index_cast %add3A_1527 : i32 to index
        %get3A_1533 = arith.constant 16 : index
        %get3A_1534 = tpu.vector_load %arg10[%get3A_1532, %get3A_1533] {strides = array<i32>} : memref<104x128xf32, #tpu.memory_space<vmem>>, vector<16xf32>,
        %mul3A_1535 = arith.mulf %get3A_241, %get3A_1534 : vector<16xf32>
        %add3A_1536 = arith.addf %mul3A_1531, %mul3A_1535 : vector<16xf32>
        %get3A_1537 = arith.index_cast %add3A_1527 : i32 to index
        %get3A_1538 = arith.constant 32 : index
        %get3A_1539 = tpu.vector_load %arg10[%get3A_1537, %get3A_1538] {strides = array<i32>} : memref<104x128xf32, #tpu.memory_space<vmem>>, vector<16xf32>,
        %mul3A_1540 = arith.mulf %get3A_244, %get3A_1539 : vector<16xf32>
        %add3A_1541 = arith.addf %add3A_1536, %mul3A_1540 : vector<16xf32>
        %get3A_1542 = arith.index_cast %add3A_1527 : i32 to index
        %get3A_1543 = arith.constant 48 : index
        %get3A_1544 = tpu.vector_load %arg10[%get3A_1542, %get3A_1543] {strides = array<i32>} : memref<104x128xf32, #tpu.memory_space<vmem>>, vector<16xf32>,
        %mul3A_1545 = arith.mulf %get3A_247, %get3A_1544 : vector<16xf32>
        %add3A_1546 = arith.addf %add3A_1541, %mul3A_1545 : vector<16xf32>
        %get3A_1547 = arith.index_cast %add3A_1527 : i32 to index
        %get3A_1548 = arith.constant 64 : index
        %get3A_1549 = tpu.vector_load %arg10[%get3A_1547, %get3A_1548] {strides = array<i32>} : memref<104x128xf32, #tpu.memory_space<vmem>>, vector<16xf32>,
        %mul3A_1550 = arith.mulf %get3A_250, %get3A_1549 : vector<16xf32>
        %add3A_1551 = arith.addf %add3A_1546, %mul3A_1550 : vector<16xf32>
        %get3A_1552 = arith.index_cast %add3A_1527 : i32 to index
        %get3A_1553 = arith.constant 80 : index
        %get3A_1554 = tpu.vector_load %arg10[%get3A_1552, %get3A_1553] {strides = array<i32>} : memref<104x128xf32, #tpu.memory_space<vmem>>, vector<16xf32>,
        %mul3A_1555 = arith.mulf %get3A_253, %get3A_1554 : vector<16xf32>
        %add3A_1556 = arith.addf %add3A_1551, %mul3A_1555 : vector<16xf32>
        %get3A_1557 = arith.index_cast %add3A_1527 : i32 to index
        %get3A_1558 = arith.constant 96 : index
        %get3A_1559 = tpu.vector_load %arg10[%get3A_1557, %get3A_1558] {strides = array<i32>} : memref<104x128xf32, #tpu.memory_space<vmem>>, vector<16xf32>,
        %mul3A_1560 = arith.mulf %get3A_256, %get3A_1559 : vector<16xf32>
        %add3A_1561 = arith.addf %add3A_1556, %mul3A_1560 : vector<16xf32>
        %get3A_1562 = arith.index_cast %add3A_1527 : i32 to index
        %get3A_1563 = arith.constant 112 : index
        %get3A_1564 = tpu.vector_load %arg10[%get3A_1562, %get3A_1563] {strides = array<i32>} : memref<104x128xf32, #tpu.memory_space<vmem>>, vector<16xf32>,
        %mul3A_1565 = arith.mulf %get3A_259, %get3A_1564 : vector<16xf32>
        %add3A_1566 = arith.addf %add3A_1561, %mul3A_1565 : vector<16xf32>
        %cumsum3A_1567 = arith.constant true
        %cumsum3A_1568 = vector.broadcast %cumsum3A_1567 : i1 to vector<16xi1>
        %cumsum3A_1569 = tpu.scan <sum>, %add3A_1566 masked %cumsum3A_1568 : vector<16xf32>, vector<16xi1> -> vector<16xf32>
        %swap3A_1570 = arith.constant 13 : i32
        %swap3A_1571 = arith.index_cast %swap3A_1570 : i32 to index
        %swap3A_1572 = arith.constant 0 : index
        %swap3A_1573 = tpu.vector_load %arg12[%swap3A_1571, %swap3A_1572] {strides = array<i32>} : memref<16x16xf32, #tpu.memory_space<vmem>>, vector<16xf32>,
        tpu.vector_store %arg12[%swap3A_1571, %swap3A_1572], %cumsum3A_1569 {strides = array<i32>} : memref<16x16xf32, #tpu.memory_space<vmem>>, vector<16xf32>,
        %mul3A_1574 = arith.constant 16 : i32
        %mul3A_1575 = arith.muli %mul3A_1574, %scan3A_845 : i32
        %add3A_1576 = arith.constant 51 : i32
        %add3A_1577 = arith.addi %add3A_1576, %mul3A_1575 : i32
        %add3A_1578 = arith.constant 14 : i32
        %add3A_1579 = arith.addi %add3A_1577, %add3A_1578 : i32
        %get3A_1580 = arith.index_cast %add3A_1579 : i32 to index
        %get3A_1581 = arith.constant 0 : index
        %get3A_1582 = tpu.vector_load %arg10[%get3A_1580, %get3A_1581] {strides = array<i32>} : memref<104x128xf32, #tpu.memory_space<vmem>>, vector<16xf32>,
        %mul3A_1583 = arith.mulf %get3A_238, %get3A_1582 : vector<16xf32>
        %get3A_1584 = arith.index_cast %add3A_1579 : i32 to index
        %get3A_1585 = arith.constant 16 : index
        %get3A_1586 = tpu.vector_load %arg10[%get3A_1584, %get3A_1585] {strides = array<i32>} : memref<104x128xf32, #tpu.memory_space<vmem>>, vector<16xf32>,
        %mul3A_1587 = arith.mulf %get3A_241, %get3A_1586 : vector<16xf32>
        %add3A_1588 = arith.addf %mul3A_1583, %mul3A_1587 : vector<16xf32>
        %get3A_1589 = arith.index_cast %add3A_1579 : i32 to index
        %get3A_1590 = arith.constant 32 : index
        %get3A_1591 = tpu.vector_load %arg10[%get3A_1589, %get3A_1590] {strides = array<i32>} : memref<104x128xf32, #tpu.memory_space<vmem>>, vector<16xf32>,
        %mul3A_1592 = arith.mulf %get3A_244, %get3A_1591 : vector<16xf32>
        %add3A_1593 = arith.addf %add3A_1588, %mul3A_1592 : vector<16xf32>
        %get3A_1594 = arith.index_cast %add3A_1579 : i32 to index
        %get3A_1595 = arith.constant 48 : index
        %get3A_1596 = tpu.vector_load %arg10[%get3A_1594, %get3A_1595] {strides = array<i32>} : memref<104x128xf32, #tpu.memory_space<vmem>>, vector<16xf32>,
        %mul3A_1597 = arith.mulf %get3A_247, %get3A_1596 : vector<16xf32>
        %add3A_1598 = arith.addf %add3A_1593, %mul3A_1597 : vector<16xf32>
        %get3A_1599 = arith.index_cast %add3A_1579 : i32 to index
        %get3A_1600 = arith.constant 64 : index
        %get3A_1601 = tpu.vector_load %arg10[%get3A_1599, %get3A_1600] {strides = array<i32>} : memref<104x128xf32, #tpu.memory_space<vmem>>, vector<16xf32>,
        %mul3A_1602 = arith.mulf %get3A_250, %get3A_1601 : vector<16xf32>
        %add3A_1603 = arith.addf %add3A_1598, %mul3A_1602 : vector<16xf32>
        %get3A_1604 = arith.index_cast %add3A_1579 : i32 to index
        %get3A_1605 = arith.constant 80 : index
        %get3A_1606 = tpu.vector_load %arg10[%get3A_1604, %get3A_1605] {strides = array<i32>} : memref<104x128xf32, #tpu.memory_space<vmem>>, vector<16xf32>,
        %mul3A_1607 = arith.mulf %get3A_253, %get3A_1606 : vector<16xf32>
        %add3A_1608 = arith.addf %add3A_1603, %mul3A_1607 : vector<16xf32>
        %get3A_1609 = arith.index_cast %add3A_1579 : i32 to index
        %get3A_1610 = arith.constant 96 : index
        %get3A_1611 = tpu.vector_load %arg10[%get3A_1609, %get3A_1610] {strides = array<i32>} : memref<104x128xf32, #tpu.memory_space<vmem>>, vector<16xf32>,
        %mul3A_1612 = arith.mulf %get3A_256, %get3A_1611 : vector<16xf32>
        %add3A_1613 = arith.addf %add3A_1608, %mul3A_1612 : vector<16xf32>
        %get3A_1614 = arith.index_cast %add3A_1579 : i32 to index
        %get3A_1615 = arith.constant 112 : index
        %get3A_1616 = tpu.vector_load %arg10[%get3A_1614, %get3A_1615] {strides = array<i32>} : memref<104x128xf32, #tpu.memory_space<vmem>>, vector<16xf32>,
        %mul3A_1617 = arith.mulf %get3A_259, %get3A_1616 : vector<16xf32>
        %add3A_1618 = arith.addf %add3A_1613, %mul3A_1617 : vector<16xf32>
        %cumsum3A_1619 = arith.constant true
        %cumsum3A_1620 = vector.broadcast %cumsum3A_1619 : i1 to vector<16xi1>
        %cumsum3A_1621 = tpu.scan <sum>, %add3A_1618 masked %cumsum3A_1620 : vector<16xf32>, vector<16xi1> -> vector<16xf32>
        %swap3A_1622 = arith.constant 14 : i32
        %swap3A_1623 = arith.index_cast %swap3A_1622 : i32 to index
        %swap3A_1624 = arith.constant 0 : index
        %swap3A_1625 = tpu.vector_load %arg12[%swap3A_1623, %swap3A_1624] {strides = array<i32>} : memref<16x16xf32, #tpu.memory_space<vmem>>, vector<16xf32>,
        tpu.vector_store %arg12[%swap3A_1623, %swap3A_1624], %cumsum3A_1621 {strides = array<i32>} : memref<16x16xf32, #tpu.memory_space<vmem>>, vector<16xf32>,
        %mul3A_1626 = arith.constant 16 : i32
        %mul3A_1627 = arith.muli %mul3A_1626, %scan3A_845 : i32
        %add3A_1628 = arith.constant 51 : i32
        %add3A_1629 = arith.addi %add3A_1628, %mul3A_1627 : i32
        %add3A_1630 = arith.constant 15 : i32
        %add3A_1631 = arith.addi %add3A_1629, %add3A_1630 : i32
        %get3A_1632 = arith.index_cast %add3A_1631 : i32 to index
        %get3A_1633 = arith.constant 0 : index
        %get3A_1634 = tpu.vector_load %arg10[%get3A_1632, %get3A_1633] {strides = array<i32>} : memref<104x128xf32, #tpu.memory_space<vmem>>, vector<16xf32>,
        %mul3A_1635 = arith.mulf %get3A_238, %get3A_1634 : vector<16xf32>
        %get3A_1636 = arith.index_cast %add3A_1631 : i32 to index
        %get3A_1637 = arith.constant 16 : index
        %get3A_1638 = tpu.vector_load %arg10[%get3A_1636, %get3A_1637] {strides = array<i32>} : memref<104x128xf32, #tpu.memory_space<vmem>>, vector<16xf32>,
        %mul3A_1639 = arith.mulf %get3A_241, %get3A_1638 : vector<16xf32>
        %add3A_1640 = arith.addf %mul3A_1635, %mul3A_1639 : vector<16xf32>
        %get3A_1641 = arith.index_cast %add3A_1631 : i32 to index
        %get3A_1642 = arith.constant 32 : index
        %get3A_1643 = tpu.vector_load %arg10[%get3A_1641, %get3A_1642] {strides = array<i32>} : memref<104x128xf32, #tpu.memory_space<vmem>>, vector<16xf32>,
        %mul3A_1644 = arith.mulf %get3A_244, %get3A_1643 : vector<16xf32>
        %add3A_1645 = arith.addf %add3A_1640, %mul3A_1644 : vector<16xf32>
        %get3A_1646 = arith.index_cast %add3A_1631 : i32 to index
        %get3A_1647 = arith.constant 48 : index
        %get3A_1648 = tpu.vector_load %arg10[%get3A_1646, %get3A_1647] {strides = array<i32>} : memref<104x128xf32, #tpu.memory_space<vmem>>, vector<16xf32>,
        %mul3A_1649 = arith.mulf %get3A_247, %get3A_1648 : vector<16xf32>
        %add3A_1650 = arith.addf %add3A_1645, %mul3A_1649 : vector<16xf32>
        %get3A_1651 = arith.index_cast %add3A_1631 : i32 to index
        %get3A_1652 = arith.constant 64 : index
        %get3A_1653 = tpu.vector_load %arg10[%get3A_1651, %get3A_1652] {strides = array<i32>} : memref<104x128xf32, #tpu.memory_space<vmem>>, vector<16xf32>,
        %mul3A_1654 = arith.mulf %get3A_250, %get3A_1653 : vector<16xf32>
        %add3A_1655 = arith.addf %add3A_1650, %mul3A_1654 : vector<16xf32>
        %get3A_1656 = arith.index_cast %add3A_1631 : i32 to index
        %get3A_1657 = arith.constant 80 : index
        %get3A_1658 = tpu.vector_load %arg10[%get3A_1656, %get3A_1657] {strides = array<i32>} : memref<104x128xf32, #tpu.memory_space<vmem>>, vector<16xf32>,
        %mul3A_1659 = arith.mulf %get3A_253, %get3A_1658 : vector<16xf32>
        %add3A_1660 = arith.addf %add3A_1655, %mul3A_1659 : vector<16xf32>
        %get3A_1661 = arith.index_cast %add3A_1631 : i32 to index
        %get3A_1662 = arith.constant 96 : index
        %get3A_1663 = tpu.vector_load %arg10[%get3A_1661, %get3A_1662] {strides = array<i32>} : memref<104x128xf32, #tpu.memory_space<vmem>>, vector<16xf32>,
        %mul3A_1664 = arith.mulf %get3A_256, %get3A_1663 : vector<16xf32>
        %add3A_1665 = arith.addf %add3A_1660, %mul3A_1664 : vector<16xf32>
        %get3A_1666 = arith.index_cast %add3A_1631 : i32 to index
        %get3A_1667 = arith.constant 112 : index
        %get3A_1668 = tpu.vector_load %arg10[%get3A_1666, %get3A_1667] {strides = array<i32>} : memref<104x128xf32, #tpu.memory_space<vmem>>, vector<16xf32>,
        %mul3A_1669 = arith.mulf %get3A_259, %get3A_1668 : vector<16xf32>
        %add3A_1670 = arith.addf %add3A_1665, %mul3A_1669 : vector<16xf32>
        %cumsum3A_1671 = arith.constant true
        %cumsum3A_1672 = vector.broadcast %cumsum3A_1671 : i1 to vector<16xi1>
        %cumsum3A_1673 = tpu.scan <sum>, %add3A_1670 masked %cumsum3A_1672 : vector<16xf32>, vector<16xi1> -> vector<16xf32>
        %swap3A_1674 = arith.constant 15 : i32
        %swap3A_1675 = arith.index_cast %swap3A_1674 : i32 to index
        %swap3A_1676 = arith.constant 0 : index
        %swap3A_1677 = tpu.vector_load %arg12[%swap3A_1675, %swap3A_1676] {strides = array<i32>} : memref<16x16xf32, #tpu.memory_space<vmem>>, vector<16xf32>,
        tpu.vector_store %arg12[%swap3A_1675, %swap3A_1676], %cumsum3A_1673 {strides = array<i32>} : memref<16x16xf32, #tpu.memory_space<vmem>>, vector<16xf32>,
        %gather3A_1678 = tpu.vector_load_idx %arg12[%iota3A, %broadcast_in_dim3A_23] : memref<16x16xf32, #tpu.memory_space<vmem>>[vector<16xi32>, vector<16xi32>], vector<16xf32>,
        %mul3A_1679 = arith.constant 16 : i32
        %mul3A_1680 = arith.muli %mul3A_1679, %scan3A_845 : i32
        %swap3A_1681 = arith.index_cast %add3A_235 : i32 to index
        %swap3A_1682 = arith.index_cast %mul3A_1680 : i32 to index
        %swap3A_1683 = tpu.vector_load %arg13[%swap3A_1681, %swap3A_1682] {strides = array<i32>} : memref<128x64xf32, #tpu.memory_space<vmem>>, vector<16xf32>,
        tpu.vector_store %arg13[%swap3A_1681, %swap3A_1682], %gather3A_1678 {strides = array<i32>} : memref<128x64xf32, #tpu.memory_space<vmem>>, vector<16xf32>,
      }
      %scan3A_265 = arith.constant 3 : i32
      %get3A_266 = arith.constant 99 : i32
      %get3A_267 = arith.index_cast %get3A_266 : i32 to index
      %get3A_268 = arith.constant 0 : index
      %get3A_269 = tpu.vector_load %arg10[%get3A_267, %get3A_268] {strides = array<i32>} : memref<104x128xf32, #tpu.memory_space<vmem>>, vector<16xf32>,
      %mul3A_270 = arith.mulf %get3A_238, %get3A_269 : vector<16xf32>
      %get3A_271 = arith.constant 99 : i32
      %get3A_272 = arith.index_cast %get3A_271 : i32 to index
      %get3A_273 = arith.constant 16 : index
      %get3A_274 = tpu.vector_load %arg10[%get3A_272, %get3A_273] {strides = array<i32>} : memref<104x128xf32, #tpu.memory_space<vmem>>, vector<16xf32>,
      %mul3A_275 = arith.mulf %get3A_241, %get3A_274 : vector<16xf32>
      %add3A_276 = arith.addf %mul3A_270, %mul3A_275 : vector<16xf32>
      %get3A_277 = arith.constant 99 : i32
      %get3A_278 = arith.index_cast %get3A_277 : i32 to index
      %get3A_279 = arith.constant 32 : index
      %get3A_280 = tpu.vector_load %arg10[%get3A_278, %get3A_279] {strides = array<i32>} : memref<104x128xf32, #tpu.memory_space<vmem>>, vector<16xf32>,
      %mul3A_281 = arith.mulf %get3A_244, %get3A_280 : vector<16xf32>
      %add3A_282 = arith.addf %add3A_276, %mul3A_281 : vector<16xf32>
      %get3A_283 = arith.constant 99 : i32
      %get3A_284 = arith.index_cast %get3A_283 : i32 to index
      %get3A_285 = arith.constant 48 : index
      %get3A_286 = tpu.vector_load %arg10[%get3A_284, %get3A_285] {strides = array<i32>} : memref<104x128xf32, #tpu.memory_space<vmem>>, vector<16xf32>,
      %mul3A_287 = arith.mulf %get3A_247, %get3A_286 : vector<16xf32>
      %add3A_288 = arith.addf %add3A_282, %mul3A_287 : vector<16xf32>
      %get3A_289 = arith.constant 99 : i32
      %get3A_290 = arith.index_cast %get3A_289 : i32 to index
      %get3A_291 = arith.constant 64 : index
      %get3A_292 = tpu.vector_load %arg10[%get3A_290, %get3A_291] {strides = array<i32>} : memref<104x128xf32, #tpu.memory_space<vmem>>, vector<16xf32>,
      %mul3A_293 = arith.mulf %get3A_250, %get3A_292 : vector<16xf32>
      %add3A_294 = arith.addf %add3A_288, %mul3A_293 : vector<16xf32>
      %get3A_295 = arith.constant 99 : i32
      %get3A_296 = arith.index_cast %get3A_295 : i32 to index
      %get3A_297 = arith.constant 80 : index
      %get3A_298 = tpu.vector_load %arg10[%get3A_296, %get3A_297] {strides = array<i32>} : memref<104x128xf32, #tpu.memory_space<vmem>>, vector<16xf32>,
      %mul3A_299 = arith.mulf %get3A_253, %get3A_298 : vector<16xf32>
      %add3A_300 = arith.addf %add3A_294, %mul3A_299 : vector<16xf32>
      %get3A_301 = arith.constant 99 : i32
      %get3A_302 = arith.index_cast %get3A_301 : i32 to index
      %get3A_303 = arith.constant 96 : index
      %get3A_304 = tpu.vector_load %arg10[%get3A_302, %get3A_303] {strides = array<i32>} : memref<104x128xf32, #tpu.memory_space<vmem>>, vector<16xf32>,
      %mul3A_305 = arith.mulf %get3A_256, %get3A_304 : vector<16xf32>
      %add3A_306 = arith.addf %add3A_300, %mul3A_305 : vector<16xf32>
      %get3A_307 = arith.constant 99 : i32
      %get3A_308 = arith.index_cast %get3A_307 : i32 to index
      %get3A_309 = arith.constant 112 : index
      %get3A_310 = tpu.vector_load %arg10[%get3A_308, %get3A_309] {strides = array<i32>} : memref<104x128xf32, #tpu.memory_space<vmem>>, vector<16xf32>,
      %mul3A_311 = arith.mulf %get3A_259, %get3A_310 : vector<16xf32>
      %add3A_312 = arith.addf %add3A_306, %mul3A_311 : vector<16xf32>
      %cumsum3A_313 = arith.constant true
      %cumsum3A_314 = vector.broadcast %cumsum3A_313 : i1 to vector<16xi1>
      %cumsum3A_315 = tpu.scan <sum>, %add3A_312 masked %cumsum3A_314 : vector<16xf32>, vector<16xi1> -> vector<16xf32>
      %swap3A_316 = arith.constant 0 : i32
      %swap3A_317 = arith.index_cast %swap3A_316 : i32 to index
      %swap3A_318 = arith.constant 0 : index
      %swap3A_319 = tpu.vector_load %arg12[%swap3A_317, %swap3A_318] {strides = array<i32>} : memref<16x16xf32, #tpu.memory_space<vmem>>, vector<16xf32>,
      tpu.vector_store %arg12[%swap3A_317, %swap3A_318], %cumsum3A_315 {strides = array<i32>} : memref<16x16xf32, #tpu.memory_space<vmem>>, vector<16xf32>,
      %get3A_320 = arith.constant 100 : i32
      %get3A_321 = arith.index_cast %get3A_320 : i32 to index
      %get3A_322 = arith.constant 0 : index
      %get3A_323 = tpu.vector_load %arg10[%get3A_321, %get3A_322] {strides = array<i32>} : memref<104x128xf32, #tpu.memory_space<vmem>>, vector<16xf32>,
      %mul3A_324 = arith.mulf %get3A_238, %get3A_323 : vector<16xf32>
      %get3A_325 = arith.constant 100 : i32
      %get3A_326 = arith.index_cast %get3A_325 : i32 to index
      %get3A_327 = arith.constant 16 : index
      %get3A_328 = tpu.vector_load %arg10[%get3A_326, %get3A_327] {strides = array<i32>} : memref<104x128xf32, #tpu.memory_space<vmem>>, vector<16xf32>,
      %mul3A_329 = arith.mulf %get3A_241, %get3A_328 : vector<16xf32>
      %add3A_330 = arith.addf %mul3A_324, %mul3A_329 : vector<16xf32>
      %get3A_331 = arith.constant 100 : i32
      %get3A_332 = arith.index_cast %get3A_331 : i32 to index
      %get3A_333 = arith.constant 32 : index
      %get3A_334 = tpu.vector_load %arg10[%get3A_332, %get3A_333] {strides = array<i32>} : memref<104x128xf32, #tpu.memory_space<vmem>>, vector<16xf32>,
      %mul3A_335 = arith.mulf %get3A_244, %get3A_334 : vector<16xf32>
      %add3A_336 = arith.addf %add3A_330, %mul3A_335 : vector<16xf32>
      %get3A_337 = arith.constant 100 : i32
      %get3A_338 = arith.index_cast %get3A_337 : i32 to index
      %get3A_339 = arith.constant 48 : index
      %get3A_340 = tpu.vector_load %arg10[%get3A_338, %get3A_339] {strides = array<i32>} : memref<104x128xf32, #tpu.memory_space<vmem>>, vector<16xf32>,
      %mul3A_341 = arith.mulf %get3A_247, %get3A_340 : vector<16xf32>
      %add3A_342 = arith.addf %add3A_336, %mul3A_341 : vector<16xf32>
      %get3A_343 = arith.constant 100 : i32
      %get3A_344 = arith.index_cast %get3A_343 : i32 to index
      %get3A_345 = arith.constant 64 : index
      %get3A_346 = tpu.vector_load %arg10[%get3A_344, %get3A_345] {strides = array<i32>} : memref<104x128xf32, #tpu.memory_space<vmem>>, vector<16xf32>,
      %mul3A_347 = arith.mulf %get3A_250, %get3A_346 : vector<16xf32>
      %add3A_348 = arith.addf %add3A_342, %mul3A_347 : vector<16xf32>
      %get3A_349 = arith.constant 100 : i32
      %get3A_350 = arith.index_cast %get3A_349 : i32 to index
      %get3A_351 = arith.constant 80 : index
      %get3A_352 = tpu.vector_load %arg10[%get3A_350, %get3A_351] {strides = array<i32>} : memref<104x128xf32, #tpu.memory_space<vmem>>, vector<16xf32>,
      %mul3A_353 = arith.mulf %get3A_253, %get3A_352 : vector<16xf32>
      %add3A_354 = arith.addf %add3A_348, %mul3A_353 : vector<16xf32>
      %get3A_355 = arith.constant 100 : i32
      %get3A_356 = arith.index_cast %get3A_355 : i32 to index
      %get3A_357 = arith.constant 96 : index
      %get3A_358 = tpu.vector_load %arg10[%get3A_356, %get3A_357] {strides = array<i32>} : memref<104x128xf32, #tpu.memory_space<vmem>>, vector<16xf32>,
      %mul3A_359 = arith.mulf %get3A_256, %get3A_358 : vector<16xf32>
      %add3A_360 = arith.addf %add3A_354, %mul3A_359 : vector<16xf32>
      %get3A_361 = arith.constant 100 : i32
      %get3A_362 = arith.index_cast %get3A_361 : i32 to index
      %get3A_363 = arith.constant 112 : index
      %get3A_364 = tpu.vector_load %arg10[%get3A_362, %get3A_363] {strides = array<i32>} : memref<104x128xf32, #tpu.memory_space<vmem>>, vector<16xf32>,
      %mul3A_365 = arith.mulf %get3A_259, %get3A_364 : vector<16xf32>
      %add3A_366 = arith.addf %add3A_360, %mul3A_365 : vector<16xf32>
      %cumsum3A_367 = arith.constant true
      %cumsum3A_368 = vector.broadcast %cumsum3A_367 : i1 to vector<16xi1>
      %cumsum3A_369 = tpu.scan <sum>, %add3A_366 masked %cumsum3A_368 : vector<16xf32>, vector<16xi1> -> vector<16xf32>
      %swap3A_370 = arith.constant 1 : i32
      %swap3A_371 = arith.index_cast %swap3A_370 : i32 to index
      %swap3A_372 = arith.constant 0 : index
      %swap3A_373 = tpu.vector_load %arg12[%swap3A_371, %swap3A_372] {strides = array<i32>} : memref<16x16xf32, #tpu.memory_space<vmem>>, vector<16xf32>,
      tpu.vector_store %arg12[%swap3A_371, %swap3A_372], %cumsum3A_369 {strides = array<i32>} : memref<16x16xf32, #tpu.memory_space<vmem>>, vector<16xf32>,
      %get3A_374 = arith.constant 101 : i32
      %get3A_375 = arith.index_cast %get3A_374 : i32 to index
      %get3A_376 = arith.constant 0 : index
      %get3A_377 = tpu.vector_load %arg10[%get3A_375, %get3A_376] {strides = array<i32>} : memref<104x128xf32, #tpu.memory_space<vmem>>, vector<16xf32>,
      %mul3A_378 = arith.mulf %get3A_238, %get3A_377 : vector<16xf32>
      %get3A_379 = arith.constant 101 : i32
      %get3A_380 = arith.index_cast %get3A_379 : i32 to index
      %get3A_381 = arith.constant 16 : index
      %get3A_382 = tpu.vector_load %arg10[%get3A_380, %get3A_381] {strides = array<i32>} : memref<104x128xf32, #tpu.memory_space<vmem>>, vector<16xf32>,
      %mul3A_383 = arith.mulf %get3A_241, %get3A_382 : vector<16xf32>
      %add3A_384 = arith.addf %mul3A_378, %mul3A_383 : vector<16xf32>
      %get3A_385 = arith.constant 101 : i32
      %get3A_386 = arith.index_cast %get3A_385 : i32 to index
      %get3A_387 = arith.constant 32 : index
      %get3A_388 = tpu.vector_load %arg10[%get3A_386, %get3A_387] {strides = array<i32>} : memref<104x128xf32, #tpu.memory_space<vmem>>, vector<16xf32>,
      %mul3A_389 = arith.mulf %get3A_244, %get3A_388 : vector<16xf32>
      %add3A_390 = arith.addf %add3A_384, %mul3A_389 : vector<16xf32>
      %get3A_391 = arith.constant 101 : i32
      %get3A_392 = arith.index_cast %get3A_391 : i32 to index
      %get3A_393 = arith.constant 48 : index
      %get3A_394 = tpu.vector_load %arg10[%get3A_392, %get3A_393] {strides = array<i32>} : memref<104x128xf32, #tpu.memory_space<vmem>>, vector<16xf32>,
      %mul3A_395 = arith.mulf %get3A_247, %get3A_394 : vector<16xf32>
      %add3A_396 = arith.addf %add3A_390, %mul3A_395 : vector<16xf32>
      %get3A_397 = arith.constant 101 : i32
      %get3A_398 = arith.index_cast %get3A_397 : i32 to index
      %get3A_399 = arith.constant 64 : index
      %get3A_400 = tpu.vector_load %arg10[%get3A_398, %get3A_399] {strides = array<i32>} : memref<104x128xf32, #tpu.memory_space<vmem>>, vector<16xf32>,
      %mul3A_401 = arith.mulf %get3A_250, %get3A_400 : vector<16xf32>
      %add3A_402 = arith.addf %add3A_396, %mul3A_401 : vector<16xf32>
      %get3A_403 = arith.constant 101 : i32
      %get3A_404 = arith.index_cast %get3A_403 : i32 to index
      %get3A_405 = arith.constant 80 : index
      %get3A_406 = tpu.vector_load %arg10[%get3A_404, %get3A_405] {strides = array<i32>} : memref<104x128xf32, #tpu.memory_space<vmem>>, vector<16xf32>,
      %mul3A_407 = arith.mulf %get3A_253, %get3A_406 : vector<16xf32>
      %add3A_408 = arith.addf %add3A_402, %mul3A_407 : vector<16xf32>
      %get3A_409 = arith.constant 101 : i32
      %get3A_410 = arith.index_cast %get3A_409 : i32 to index
      %get3A_411 = arith.constant 96 : index
      %get3A_412 = tpu.vector_load %arg10[%get3A_410, %get3A_411] {strides = array<i32>} : memref<104x128xf32, #tpu.memory_space<vmem>>, vector<16xf32>,
      %mul3A_413 = arith.mulf %get3A_256, %get3A_412 : vector<16xf32>
      %add3A_414 = arith.addf %add3A_408, %mul3A_413 : vector<16xf32>
      %get3A_415 = arith.constant 101 : i32
      %get3A_416 = arith.index_cast %get3A_415 : i32 to index
      %get3A_417 = arith.constant 112 : index
      %get3A_418 = tpu.vector_load %arg10[%get3A_416, %get3A_417] {strides = array<i32>} : memref<104x128xf32, #tpu.memory_space<vmem>>, vector<16xf32>,
      %mul3A_419 = arith.mulf %get3A_259, %get3A_418 : vector<16xf32>
      %add3A_420 = arith.addf %add3A_414, %mul3A_419 : vector<16xf32>
      %cumsum3A_421 = arith.constant true
      %cumsum3A_422 = vector.broadcast %cumsum3A_421 : i1 to vector<16xi1>
      %cumsum3A_423 = tpu.scan <sum>, %add3A_420 masked %cumsum3A_422 : vector<16xf32>, vector<16xi1> -> vector<16xf32>
      %swap3A_424 = arith.constant 2 : i32
      %swap3A_425 = arith.index_cast %swap3A_424 : i32 to index
      %swap3A_426 = arith.constant 0 : index
      %swap3A_427 = tpu.vector_load %arg12[%swap3A_425, %swap3A_426] {strides = array<i32>} : memref<16x16xf32, #tpu.memory_space<vmem>>, vector<16xf32>,
      tpu.vector_store %arg12[%swap3A_425, %swap3A_426], %cumsum3A_423 {strides = array<i32>} : memref<16x16xf32, #tpu.memory_space<vmem>>, vector<16xf32>,
      %gather3A_428 = tpu.vector_load_idx %arg12[%iota3A, %broadcast_in_dim3A_23] : memref<16x16xf32, #tpu.memory_space<vmem>>[vector<16xi32>, vector<16xi32>], vector<16xf32>,
      %swap3A_429 = arith.index_cast %add3A_235 : i32 to index
      %swap3A_430 = arith.constant 48 : index
      %swap3A_431 = tpu.vector_load %arg13[%swap3A_429, %swap3A_430] {strides = array<i32>} : memref<128x64xf32, #tpu.memory_space<vmem>>, vector<16xf32>,
      tpu.vector_store %arg13[%swap3A_429, %swap3A_430], %gather3A_428 {strides = array<i32>} : memref<128x64xf32, #tpu.memory_space<vmem>>, vector<16xf32>,
      %lt3A = arith.constant 31 : i32
      %lt3A_432 = arith.cmpi slt, %scan3A_29, %lt3A : i32
      %convert_element_type3A = arith.extui %lt3A_432 : i1 to i32
      %cond3A = arith.constant 0 : i32
      %cond3A_433 = arith.cmpi ne, %convert_element_type3A, %cond3A : i32
      scf.if %cond3A_433 {
        %add3A_845 = arith.constant 2 : i32
        %add3A_846 = arith.addi %mul3A_31, %add3A_845 : i32
        %dma_start3A_847 = arith.constant 0 : i32
        %dma_start3A_848 = tpu.memref_slice %arg8[%add3A_846, %dma_start3A_847] : memref<64x104xi32, #tpu.memory_space<vmem>> -> memref<1x104xi32, #tpu.memory_space<vmem>>
        %dma_start3A_849 = tpu.memref_squeeze %dma_start3A_848 : memref<1x104xi32, #tpu.memory_space<vmem>> -> memref<104xi32, #tpu.memory_space<vmem>>
        %dma_start3A_850 = arith.constant 0 : i32
        %dma_start3A_851 = arith.constant 0 : i32
        %dma_start3A_852 = tpu.memref_slice %arg5[%dma_start3A_850, %dma_start3A_851] : memref<100000x128xf32, #tpu.memory_space<hbm>> -> memref<100000x128xf32, #tpu.memory_space<hbm>>
        tpu.enqueue_indirect_dma source(%dma_start3A_852 : memref<100000x128xf32, #tpu.memory_space<hbm>>) target(%arg10 : memref<104x128xf32, #tpu.memory_space<vmem>>) offsets(%dma_start3A_849 : memref<104xi32, #tpu.memory_space<vmem>>) semaphore(%arg15 : memref<!tpu.dma_semaphore, #tpu.memory_space<semaphore_mem>>)
      } else {
      }
      %dma_wait3A_434 = arith.constant 0 : i32
      %dma_wait3A_435 = arith.constant 0 : i32
      %dma_wait3A_436 = tpu.memref_slice %arg5[%dma_wait3A_434, %dma_wait3A_435] : memref<100000x128xf32, #tpu.memory_space<hbm>> -> memref<104x128xf32, #tpu.memory_space<hbm>>
      %dma_wait3A_437 = arith.constant 0 : i32
      %dma_wait3A_438 = arith.constant 0 : i32
      %dma_wait3A_439 = tpu.memref_slice %arg5[%dma_wait3A_437, %dma_wait3A_438] : memref<100000x128xf32, #tpu.memory_space<hbm>> -> memref<104x128xf32, #tpu.memory_space<hbm>>
      tpu.wait_dma2 semaphore(%arg16 : memref<!tpu.dma_semaphore, #tpu.memory_space<semaphore_mem>>) src(%dma_wait3A_439 : memref<104x128xf32, #tpu.memory_space<hbm>>) dst(%arg11 : memref<104x128xf32, #tpu.memory_space<vmem>>)
      %mul3A_440 = arith.constant 2 : i32
      %mul3A_441 = arith.muli %mul3A_31, %mul3A_440 : i32
      %add3A_442 = arith.constant 2 : i32
      %add3A_443 = arith.addi %mul3A_441, %add3A_442 : i32
      %get3A_444 = arith.index_cast %add3A_443 : i32 to index
      %get3A_445 = arith.constant 0 : index
      %get3A_446 = tpu.vector_load %arg9[%get3A_444, %get3A_445] {strides = array<i32>} : memref<128x128xf32, #tpu.memory_space<vmem>>, vector<16xf32>,
      %get3A_447 = arith.index_cast %add3A_443 : i32 to index
      %get3A_448 = arith.constant 16 : index
      %get3A_449 = tpu.vector_load %arg9[%get3A_447, %get3A_448] {strides = array<i32>} : memref<128x128xf32, #tpu.memory_space<vmem>>, vector<16xf32>,
      %get3A_450 = arith.index_cast %add3A_443 : i32 to index
      %get3A_451 = arith.constant 32 : index
      %get3A_452 = tpu.vector_load %arg9[%get3A_450, %get3A_451] {strides = array<i32>} : memref<128x128xf32, #tpu.memory_space<vmem>>, vector<16xf32>,
      %get3A_453 = arith.index_cast %add3A_443 : i32 to index
      %get3A_454 = arith.constant 48 : index
      %get3A_455 = tpu.vector_load %arg9[%get3A_453, %get3A_454] {strides = array<i32>} : memref<128x128xf32, #tpu.memory_space<vmem>>, vector<16xf32>,
      %get3A_456 = arith.index_cast %add3A_443 : i32 to index
      %get3A_457 = arith.constant 64 : index
      %get3A_458 = tpu.vector_load %arg9[%get3A_456, %get3A_457] {strides = array<i32>} : memref<128x128xf32, #tpu.memory_space<vmem>>, vector<16xf32>,
      %get3A_459 = arith.index_cast %add3A_443 : i32 to index
      %get3A_460 = arith.constant 80 : index
      %get3A_461 = tpu.vector_load %arg9[%get3A_459, %get3A_460] {strides = array<i32>} : memref<128x128xf32, #tpu.memory_space<vmem>>, vector<16xf32>,
      %get3A_462 = arith.index_cast %add3A_443 : i32 to index
      %get3A_463 = arith.constant 96 : index
      %get3A_464 = tpu.vector_load %arg9[%get3A_462, %get3A_463] {strides = array<i32>} : memref<128x128xf32, #tpu.memory_space<vmem>>, vector<16xf32>,
      %get3A_465 = arith.index_cast %add3A_443 : i32 to index
      %get3A_466 = arith.constant 112 : index
      %get3A_467 = tpu.vector_load %arg9[%get3A_465, %get3A_466] {strides = array<i32>} : memref<128x128xf32, #tpu.memory_space<vmem>>, vector<16xf32>,
      %scan3A_468 = arith.constant 0 : i32
      %scan3A_469 = arith.constant 0 : i32
      %scan3A_470 = arith.constant 3 : i32
      %scan3A_471 = arith.addi %scan3A_469, %scan3A_470 : i32
      %scan3A_472 = arith.constant 1 : i32
      scf.for %scan3A_845 = %scan3A_469 to %scan3A_471 step %scan3A_472  : i32 {
        %mul3A_846 = arith.constant 16 : i32
        %mul3A_847 = arith.muli %mul3A_846, %scan3A_845 : i32
        %add3A_848 = arith.constant 0 : i32
        %add3A_849 = arith.addi %add3A_848, %mul3A_847 : i32
        %add3A_850 = arith.constant 0 : i32
        %add3A_851 = arith.addi %add3A_849, %add3A_850 : i32
        %get3A_852 = arith.index_cast %add3A_851 : i32 to index
        %get3A_853 = arith.constant 0 : index
        %get3A_854 = tpu.vector_load %arg11[%get3A_852, %get3A_853] {strides = array<i32>} : memref<104x128xf32, #tpu.memory_space<vmem>>, vector<16xf32>,
        %mul3A_855 = arith.mulf %get3A_446, %get3A_854 : vector<16xf32>
        %get3A_856 = arith.index_cast %add3A_851 : i32 to index
        %get3A_857 = arith.constant 16 : index
        %get3A_858 = tpu.vector_load %arg11[%get3A_856, %get3A_857] {strides = array<i32>} : memref<104x128xf32, #tpu.memory_space<vmem>>, vector<16xf32>,
        %mul3A_859 = arith.mulf %get3A_449, %get3A_858 : vector<16xf32>
        %add3A_860 = arith.addf %mul3A_855, %mul3A_859 : vector<16xf32>
        %get3A_861 = arith.index_cast %add3A_851 : i32 to index
        %get3A_862 = arith.constant 32 : index
        %get3A_863 = tpu.vector_load %arg11[%get3A_861, %get3A_862] {strides = array<i32>} : memref<104x128xf32, #tpu.memory_space<vmem>>, vector<16xf32>,
        %mul3A_864 = arith.mulf %get3A_452, %get3A_863 : vector<16xf32>
        %add3A_865 = arith.addf %add3A_860, %mul3A_864 : vector<16xf32>
        %get3A_866 = arith.index_cast %add3A_851 : i32 to index
        %get3A_867 = arith.constant 48 : index
        %get3A_868 = tpu.vector_load %arg11[%get3A_866, %get3A_867] {strides = array<i32>} : memref<104x128xf32, #tpu.memory_space<vmem>>, vector<16xf32>,
        %mul3A_869 = arith.mulf %get3A_455, %get3A_868 : vector<16xf32>
        %add3A_870 = arith.addf %add3A_865, %mul3A_869 : vector<16xf32>
        %get3A_871 = arith.index_cast %add3A_851 : i32 to index
        %get3A_872 = arith.constant 64 : index
        %get3A_873 = tpu.vector_load %arg11[%get3A_871, %get3A_872] {strides = array<i32>} : memref<104x128xf32, #tpu.memory_space<vmem>>, vector<16xf32>,
        %mul3A_874 = arith.mulf %get3A_458, %get3A_873 : vector<16xf32>
        %add3A_875 = arith.addf %add3A_870, %mul3A_874 : vector<16xf32>
        %get3A_876 = arith.index_cast %add3A_851 : i32 to index
        %get3A_877 = arith.constant 80 : index
        %get3A_878 = tpu.vector_load %arg11[%get3A_876, %get3A_877] {strides = array<i32>} : memref<104x128xf32, #tpu.memory_space<vmem>>, vector<16xf32>,
        %mul3A_879 = arith.mulf %get3A_461, %get3A_878 : vector<16xf32>
        %add3A_880 = arith.addf %add3A_875, %mul3A_879 : vector<16xf32>
        %get3A_881 = arith.index_cast %add3A_851 : i32 to index
        %get3A_882 = arith.constant 96 : index
        %get3A_883 = tpu.vector_load %arg11[%get3A_881, %get3A_882] {strides = array<i32>} : memref<104x128xf32, #tpu.memory_space<vmem>>, vector<16xf32>,
        %mul3A_884 = arith.mulf %get3A_464, %get3A_883 : vector<16xf32>
        %add3A_885 = arith.addf %add3A_880, %mul3A_884 : vector<16xf32>
        %get3A_886 = arith.index_cast %add3A_851 : i32 to index
        %get3A_887 = arith.constant 112 : index
        %get3A_888 = tpu.vector_load %arg11[%get3A_886, %get3A_887] {strides = array<i32>} : memref<104x128xf32, #tpu.memory_space<vmem>>, vector<16xf32>,
        %mul3A_889 = arith.mulf %get3A_467, %get3A_888 : vector<16xf32>
        %add3A_890 = arith.addf %add3A_885, %mul3A_889 : vector<16xf32>
        %cumsum3A_891 = arith.constant true
        %cumsum3A_892 = vector.broadcast %cumsum3A_891 : i1 to vector<16xi1>
        %cumsum3A_893 = tpu.scan <sum>, %add3A_890 masked %cumsum3A_892 : vector<16xf32>, vector<16xi1> -> vector<16xf32>
        %swap3A_894 = arith.constant 0 : i32
        %swap3A_895 = arith.index_cast %swap3A_894 : i32 to index
        %swap3A_896 = arith.constant 0 : index
        %swap3A_897 = tpu.vector_load %arg12[%swap3A_895, %swap3A_896] {strides = array<i32>} : memref<16x16xf32, #tpu.memory_space<vmem>>, vector<16xf32>,
        tpu.vector_store %arg12[%swap3A_895, %swap3A_896], %cumsum3A_893 {strides = array<i32>} : memref<16x16xf32, #tpu.memory_space<vmem>>, vector<16xf32>,
        %mul3A_898 = arith.constant 16 : i32
        %mul3A_899 = arith.muli %mul3A_898, %scan3A_845 : i32
        %add3A_900 = arith.constant 0 : i32
        %add3A_901 = arith.addi %add3A_900, %mul3A_899 : i32
        %add3A_902 = arith.constant 1 : i32
        %add3A_903 = arith.addi %add3A_901, %add3A_902 : i32
        %get3A_904 = arith.index_cast %add3A_903 : i32 to index
        %get3A_905 = arith.constant 0 : index
        %get3A_906 = tpu.vector_load %arg11[%get3A_904, %get3A_905] {strides = array<i32>} : memref<104x128xf32, #tpu.memory_space<vmem>>, vector<16xf32>,
        %mul3A_907 = arith.mulf %get3A_446, %get3A_906 : vector<16xf32>
        %get3A_908 = arith.index_cast %add3A_903 : i32 to index
        %get3A_909 = arith.constant 16 : index
        %get3A_910 = tpu.vector_load %arg11[%get3A_908, %get3A_909] {strides = array<i32>} : memref<104x128xf32, #tpu.memory_space<vmem>>, vector<16xf32>,
        %mul3A_911 = arith.mulf %get3A_449, %get3A_910 : vector<16xf32>
        %add3A_912 = arith.addf %mul3A_907, %mul3A_911 : vector<16xf32>
        %get3A_913 = arith.index_cast %add3A_903 : i32 to index
        %get3A_914 = arith.constant 32 : index
        %get3A_915 = tpu.vector_load %arg11[%get3A_913, %get3A_914] {strides = array<i32>} : memref<104x128xf32, #tpu.memory_space<vmem>>, vector<16xf32>,
        %mul3A_916 = arith.mulf %get3A_452, %get3A_915 : vector<16xf32>
        %add3A_917 = arith.addf %add3A_912, %mul3A_916 : vector<16xf32>
        %get3A_918 = arith.index_cast %add3A_903 : i32 to index
        %get3A_919 = arith.constant 48 : index
        %get3A_920 = tpu.vector_load %arg11[%get3A_918, %get3A_919] {strides = array<i32>} : memref<104x128xf32, #tpu.memory_space<vmem>>, vector<16xf32>,
        %mul3A_921 = arith.mulf %get3A_455, %get3A_920 : vector<16xf32>
        %add3A_922 = arith.addf %add3A_917, %mul3A_921 : vector<16xf32>
        %get3A_923 = arith.index_cast %add3A_903 : i32 to index
        %get3A_924 = arith.constant 64 : index
        %get3A_925 = tpu.vector_load %arg11[%get3A_923, %get3A_924] {strides = array<i32>} : memref<104x128xf32, #tpu.memory_space<vmem>>, vector<16xf32>,
        %mul3A_926 = arith.mulf %get3A_458, %get3A_925 : vector<16xf32>
        %add3A_927 = arith.addf %add3A_922, %mul3A_926 : vector<16xf32>
        %get3A_928 = arith.index_cast %add3A_903 : i32 to index
        %get3A_929 = arith.constant 80 : index
        %get3A_930 = tpu.vector_load %arg11[%get3A_928, %get3A_929] {strides = array<i32>} : memref<104x128xf32, #tpu.memory_space<vmem>>, vector<16xf32>,
        %mul3A_931 = arith.mulf %get3A_461, %get3A_930 : vector<16xf32>
        %add3A_932 = arith.addf %add3A_927, %mul3A_931 : vector<16xf32>
        %get3A_933 = arith.index_cast %add3A_903 : i32 to index
        %get3A_934 = arith.constant 96 : index
        %get3A_935 = tpu.vector_load %arg11[%get3A_933, %get3A_934] {strides = array<i32>} : memref<104x128xf32, #tpu.memory_space<vmem>>, vector<16xf32>,
        %mul3A_936 = arith.mulf %get3A_464, %get3A_935 : vector<16xf32>
        %add3A_937 = arith.addf %add3A_932, %mul3A_936 : vector<16xf32>
        %get3A_938 = arith.index_cast %add3A_903 : i32 to index
        %get3A_939 = arith.constant 112 : index
        %get3A_940 = tpu.vector_load %arg11[%get3A_938, %get3A_939] {strides = array<i32>} : memref<104x128xf32, #tpu.memory_space<vmem>>, vector<16xf32>,
        %mul3A_941 = arith.mulf %get3A_467, %get3A_940 : vector<16xf32>
        %add3A_942 = arith.addf %add3A_937, %mul3A_941 : vector<16xf32>
        %cumsum3A_943 = arith.constant true
        %cumsum3A_944 = vector.broadcast %cumsum3A_943 : i1 to vector<16xi1>
        %cumsum3A_945 = tpu.scan <sum>, %add3A_942 masked %cumsum3A_944 : vector<16xf32>, vector<16xi1> -> vector<16xf32>
        %swap3A_946 = arith.constant 1 : i32
        %swap3A_947 = arith.index_cast %swap3A_946 : i32 to index
        %swap3A_948 = arith.constant 0 : index
        %swap3A_949 = tpu.vector_load %arg12[%swap3A_947, %swap3A_948] {strides = array<i32>} : memref<16x16xf32, #tpu.memory_space<vmem>>, vector<16xf32>,
        tpu.vector_store %arg12[%swap3A_947, %swap3A_948], %cumsum3A_945 {strides = array<i32>} : memref<16x16xf32, #tpu.memory_space<vmem>>, vector<16xf32>,
        %mul3A_950 = arith.constant 16 : i32
        %mul3A_951 = arith.muli %mul3A_950, %scan3A_845 : i32
        %add3A_952 = arith.constant 0 : i32
        %add3A_953 = arith.addi %add3A_952, %mul3A_951 : i32
        %add3A_954 = arith.constant 2 : i32
        %add3A_955 = arith.addi %add3A_953, %add3A_954 : i32
        %get3A_956 = arith.index_cast %add3A_955 : i32 to index
        %get3A_957 = arith.constant 0 : index
        %get3A_958 = tpu.vector_load %arg11[%get3A_956, %get3A_957] {strides = array<i32>} : memref<104x128xf32, #tpu.memory_space<vmem>>, vector<16xf32>,
        %mul3A_959 = arith.mulf %get3A_446, %get3A_958 : vector<16xf32>
        %get3A_960 = arith.index_cast %add3A_955 : i32 to index
        %get3A_961 = arith.constant 16 : index
        %get3A_962 = tpu.vector_load %arg11[%get3A_960, %get3A_961] {strides = array<i32>} : memref<104x128xf32, #tpu.memory_space<vmem>>, vector<16xf32>,
        %mul3A_963 = arith.mulf %get3A_449, %get3A_962 : vector<16xf32>
        %add3A_964 = arith.addf %mul3A_959, %mul3A_963 : vector<16xf32>
        %get3A_965 = arith.index_cast %add3A_955 : i32 to index
        %get3A_966 = arith.constant 32 : index
        %get3A_967 = tpu.vector_load %arg11[%get3A_965, %get3A_966] {strides = array<i32>} : memref<104x128xf32, #tpu.memory_space<vmem>>, vector<16xf32>,
        %mul3A_968 = arith.mulf %get3A_452, %get3A_967 : vector<16xf32>
        %add3A_969 = arith.addf %add3A_964, %mul3A_968 : vector<16xf32>
        %get3A_970 = arith.index_cast %add3A_955 : i32 to index
        %get3A_971 = arith.constant 48 : index
        %get3A_972 = tpu.vector_load %arg11[%get3A_970, %get3A_971] {strides = array<i32>} : memref<104x128xf32, #tpu.memory_space<vmem>>, vector<16xf32>,
        %mul3A_973 = arith.mulf %get3A_455, %get3A_972 : vector<16xf32>
        %add3A_974 = arith.addf %add3A_969, %mul3A_973 : vector<16xf32>
        %get3A_975 = arith.index_cast %add3A_955 : i32 to index
        %get3A_976 = arith.constant 64 : index
        %get3A_977 = tpu.vector_load %arg11[%get3A_975, %get3A_976] {strides = array<i32>} : memref<104x128xf32, #tpu.memory_space<vmem>>, vector<16xf32>,
        %mul3A_978 = arith.mulf %get3A_458, %get3A_977 : vector<16xf32>
        %add3A_979 = arith.addf %add3A_974, %mul3A_978 : vector<16xf32>
        %get3A_980 = arith.index_cast %add3A_955 : i32 to index
        %get3A_981 = arith.constant 80 : index
        %get3A_982 = tpu.vector_load %arg11[%get3A_980, %get3A_981] {strides = array<i32>} : memref<104x128xf32, #tpu.memory_space<vmem>>, vector<16xf32>,
        %mul3A_983 = arith.mulf %get3A_461, %get3A_982 : vector<16xf32>
        %add3A_984 = arith.addf %add3A_979, %mul3A_983 : vector<16xf32>
        %get3A_985 = arith.index_cast %add3A_955 : i32 to index
        %get3A_986 = arith.constant 96 : index
        %get3A_987 = tpu.vector_load %arg11[%get3A_985, %get3A_986] {strides = array<i32>} : memref<104x128xf32, #tpu.memory_space<vmem>>, vector<16xf32>,
        %mul3A_988 = arith.mulf %get3A_464, %get3A_987 : vector<16xf32>
        %add3A_989 = arith.addf %add3A_984, %mul3A_988 : vector<16xf32>
        %get3A_990 = arith.index_cast %add3A_955 : i32 to index
        %get3A_991 = arith.constant 112 : index
        %get3A_992 = tpu.vector_load %arg11[%get3A_990, %get3A_991] {strides = array<i32>} : memref<104x128xf32, #tpu.memory_space<vmem>>, vector<16xf32>,
        %mul3A_993 = arith.mulf %get3A_467, %get3A_992 : vector<16xf32>
        %add3A_994 = arith.addf %add3A_989, %mul3A_993 : vector<16xf32>
        %cumsum3A_995 = arith.constant true
        %cumsum3A_996 = vector.broadcast %cumsum3A_995 : i1 to vector<16xi1>
        %cumsum3A_997 = tpu.scan <sum>, %add3A_994 masked %cumsum3A_996 : vector<16xf32>, vector<16xi1> -> vector<16xf32>
        %swap3A_998 = arith.constant 2 : i32
        %swap3A_999 = arith.index_cast %swap3A_998 : i32 to index
        %swap3A_1000 = arith.constant 0 : index
        %swap3A_1001 = tpu.vector_load %arg12[%swap3A_999, %swap3A_1000] {strides = array<i32>} : memref<16x16xf32, #tpu.memory_space<vmem>>, vector<16xf32>,
        tpu.vector_store %arg12[%swap3A_999, %swap3A_1000], %cumsum3A_997 {strides = array<i32>} : memref<16x16xf32, #tpu.memory_space<vmem>>, vector<16xf32>,
        %mul3A_1002 = arith.constant 16 : i32
        %mul3A_1003 = arith.muli %mul3A_1002, %scan3A_845 : i32
        %add3A_1004 = arith.constant 0 : i32
        %add3A_1005 = arith.addi %add3A_1004, %mul3A_1003 : i32
        %add3A_1006 = arith.constant 3 : i32
        %add3A_1007 = arith.addi %add3A_1005, %add3A_1006 : i32
        %get3A_1008 = arith.index_cast %add3A_1007 : i32 to index
        %get3A_1009 = arith.constant 0 : index
        %get3A_1010 = tpu.vector_load %arg11[%get3A_1008, %get3A_1009] {strides = array<i32>} : memref<104x128xf32, #tpu.memory_space<vmem>>, vector<16xf32>,
        %mul3A_1011 = arith.mulf %get3A_446, %get3A_1010 : vector<16xf32>
        %get3A_1012 = arith.index_cast %add3A_1007 : i32 to index
        %get3A_1013 = arith.constant 16 : index
        %get3A_1014 = tpu.vector_load %arg11[%get3A_1012, %get3A_1013] {strides = array<i32>} : memref<104x128xf32, #tpu.memory_space<vmem>>, vector<16xf32>,
        %mul3A_1015 = arith.mulf %get3A_449, %get3A_1014 : vector<16xf32>
        %add3A_1016 = arith.addf %mul3A_1011, %mul3A_1015 : vector<16xf32>
        %get3A_1017 = arith.index_cast %add3A_1007 : i32 to index
        %get3A_1018 = arith.constant 32 : index
        %get3A_1019 = tpu.vector_load %arg11[%get3A_1017, %get3A_1018] {strides = array<i32>} : memref<104x128xf32, #tpu.memory_space<vmem>>, vector<16xf32>,
        %mul3A_1020 = arith.mulf %get3A_452, %get3A_1019 : vector<16xf32>
        %add3A_1021 = arith.addf %add3A_1016, %mul3A_1020 : vector<16xf32>
        %get3A_1022 = arith.index_cast %add3A_1007 : i32 to index
        %get3A_1023 = arith.constant 48 : index
        %get3A_1024 = tpu.vector_load %arg11[%get3A_1022, %get3A_1023] {strides = array<i32>} : memref<104x128xf32, #tpu.memory_space<vmem>>, vector<16xf32>,
        %mul3A_1025 = arith.mulf %get3A_455, %get3A_1024 : vector<16xf32>
        %add3A_1026 = arith.addf %add3A_1021, %mul3A_1025 : vector<16xf32>
        %get3A_1027 = arith.index_cast %add3A_1007 : i32 to index
        %get3A_1028 = arith.constant 64 : index
        %get3A_1029 = tpu.vector_load %arg11[%get3A_1027, %get3A_1028] {strides = array<i32>} : memref<104x128xf32, #tpu.memory_space<vmem>>, vector<16xf32>,
        %mul3A_1030 = arith.mulf %get3A_458, %get3A_1029 : vector<16xf32>
        %add3A_1031 = arith.addf %add3A_1026, %mul3A_1030 : vector<16xf32>
        %get3A_1032 = arith.index_cast %add3A_1007 : i32 to index
        %get3A_1033 = arith.constant 80 : index
        %get3A_1034 = tpu.vector_load %arg11[%get3A_1032, %get3A_1033] {strides = array<i32>} : memref<104x128xf32, #tpu.memory_space<vmem>>, vector<16xf32>,
        %mul3A_1035 = arith.mulf %get3A_461, %get3A_1034 : vector<16xf32>
        %add3A_1036 = arith.addf %add3A_1031, %mul3A_1035 : vector<16xf32>
        %get3A_1037 = arith.index_cast %add3A_1007 : i32 to index
        %get3A_1038 = arith.constant 96 : index
        %get3A_1039 = tpu.vector_load %arg11[%get3A_1037, %get3A_1038] {strides = array<i32>} : memref<104x128xf32, #tpu.memory_space<vmem>>, vector<16xf32>,
        %mul3A_1040 = arith.mulf %get3A_464, %get3A_1039 : vector<16xf32>
        %add3A_1041 = arith.addf %add3A_1036, %mul3A_1040 : vector<16xf32>
        %get3A_1042 = arith.index_cast %add3A_1007 : i32 to index
        %get3A_1043 = arith.constant 112 : index
        %get3A_1044 = tpu.vector_load %arg11[%get3A_1042, %get3A_1043] {strides = array<i32>} : memref<104x128xf32, #tpu.memory_space<vmem>>, vector<16xf32>,
        %mul3A_1045 = arith.mulf %get3A_467, %get3A_1044 : vector<16xf32>
        %add3A_1046 = arith.addf %add3A_1041, %mul3A_1045 : vector<16xf32>
        %cumsum3A_1047 = arith.constant true
        %cumsum3A_1048 = vector.broadcast %cumsum3A_1047 : i1 to vector<16xi1>
        %cumsum3A_1049 = tpu.scan <sum>, %add3A_1046 masked %cumsum3A_1048 : vector<16xf32>, vector<16xi1> -> vector<16xf32>
        %swap3A_1050 = arith.constant 3 : i32
        %swap3A_1051 = arith.index_cast %swap3A_1050 : i32 to index
        %swap3A_1052 = arith.constant 0 : index
        %swap3A_1053 = tpu.vector_load %arg12[%swap3A_1051, %swap3A_1052] {strides = array<i32>} : memref<16x16xf32, #tpu.memory_space<vmem>>, vector<16xf32>,
        tpu.vector_store %arg12[%swap3A_1051, %swap3A_1052], %cumsum3A_1049 {strides = array<i32>} : memref<16x16xf32, #tpu.memory_space<vmem>>, vector<16xf32>,
        %mul3A_1054 = arith.constant 16 : i32
        %mul3A_1055 = arith.muli %mul3A_1054, %scan3A_845 : i32
        %add3A_1056 = arith.constant 0 : i32
        %add3A_1057 = arith.addi %add3A_1056, %mul3A_1055 : i32
        %add3A_1058 = arith.constant 4 : i32
        %add3A_1059 = arith.addi %add3A_1057, %add3A_1058 : i32
        %get3A_1060 = arith.index_cast %add3A_1059 : i32 to index
        %get3A_1061 = arith.constant 0 : index
        %get3A_1062 = tpu.vector_load %arg11[%get3A_1060, %get3A_1061] {strides = array<i32>} : memref<104x128xf32, #tpu.memory_space<vmem>>, vector<16xf32>,
        %mul3A_1063 = arith.mulf %get3A_446, %get3A_1062 : vector<16xf32>
        %get3A_1064 = arith.index_cast %add3A_1059 : i32 to index
        %get3A_1065 = arith.constant 16 : index
        %get3A_1066 = tpu.vector_load %arg11[%get3A_1064, %get3A_1065] {strides = array<i32>} : memref<104x128xf32, #tpu.memory_space<vmem>>, vector<16xf32>,
        %mul3A_1067 = arith.mulf %get3A_449, %get3A_1066 : vector<16xf32>
        %add3A_1068 = arith.addf %mul3A_1063, %mul3A_1067 : vector<16xf32>
        %get3A_1069 = arith.index_cast %add3A_1059 : i32 to index
        %get3A_1070 = arith.constant 32 : index
        %get3A_1071 = tpu.vector_load %arg11[%get3A_1069, %get3A_1070] {strides = array<i32>} : memref<104x128xf32, #tpu.memory_space<vmem>>, vector<16xf32>,
        %mul3A_1072 = arith.mulf %get3A_452, %get3A_1071 : vector<16xf32>
        %add3A_1073 = arith.addf %add3A_1068, %mul3A_1072 : vector<16xf32>
        %get3A_1074 = arith.index_cast %add3A_1059 : i32 to index
        %get3A_1075 = arith.constant 48 : index
        %get3A_1076 = tpu.vector_load %arg11[%get3A_1074, %get3A_1075] {strides = array<i32>} : memref<104x128xf32, #tpu.memory_space<vmem>>, vector<16xf32>,
        %mul3A_1077 = arith.mulf %get3A_455, %get3A_1076 : vector<16xf32>
        %add3A_1078 = arith.addf %add3A_1073, %mul3A_1077 : vector<16xf32>
        %get3A_1079 = arith.index_cast %add3A_1059 : i32 to index
        %get3A_1080 = arith.constant 64 : index
        %get3A_1081 = tpu.vector_load %arg11[%get3A_1079, %get3A_1080] {strides = array<i32>} : memref<104x128xf32, #tpu.memory_space<vmem>>, vector<16xf32>,
        %mul3A_1082 = arith.mulf %get3A_458, %get3A_1081 : vector<16xf32>
        %add3A_1083 = arith.addf %add3A_1078, %mul3A_1082 : vector<16xf32>
        %get3A_1084 = arith.index_cast %add3A_1059 : i32 to index
        %get3A_1085 = arith.constant 80 : index
        %get3A_1086 = tpu.vector_load %arg11[%get3A_1084, %get3A_1085] {strides = array<i32>} : memref<104x128xf32, #tpu.memory_space<vmem>>, vector<16xf32>,
        %mul3A_1087 = arith.mulf %get3A_461, %get3A_1086 : vector<16xf32>
        %add3A_1088 = arith.addf %add3A_1083, %mul3A_1087 : vector<16xf32>
        %get3A_1089 = arith.index_cast %add3A_1059 : i32 to index
        %get3A_1090 = arith.constant 96 : index
        %get3A_1091 = tpu.vector_load %arg11[%get3A_1089, %get3A_1090] {strides = array<i32>} : memref<104x128xf32, #tpu.memory_space<vmem>>, vector<16xf32>,
        %mul3A_1092 = arith.mulf %get3A_464, %get3A_1091 : vector<16xf32>
        %add3A_1093 = arith.addf %add3A_1088, %mul3A_1092 : vector<16xf32>
        %get3A_1094 = arith.index_cast %add3A_1059 : i32 to index
        %get3A_1095 = arith.constant 112 : index
        %get3A_1096 = tpu.vector_load %arg11[%get3A_1094, %get3A_1095] {strides = array<i32>} : memref<104x128xf32, #tpu.memory_space<vmem>>, vector<16xf32>,
        %mul3A_1097 = arith.mulf %get3A_467, %get3A_1096 : vector<16xf32>
        %add3A_1098 = arith.addf %add3A_1093, %mul3A_1097 : vector<16xf32>
        %cumsum3A_1099 = arith.constant true
        %cumsum3A_1100 = vector.broadcast %cumsum3A_1099 : i1 to vector<16xi1>
        %cumsum3A_1101 = tpu.scan <sum>, %add3A_1098 masked %cumsum3A_1100 : vector<16xf32>, vector<16xi1> -> vector<16xf32>
        %swap3A_1102 = arith.constant 4 : i32
        %swap3A_1103 = arith.index_cast %swap3A_1102 : i32 to index
        %swap3A_1104 = arith.constant 0 : index
        %swap3A_1105 = tpu.vector_load %arg12[%swap3A_1103, %swap3A_1104] {strides = array<i32>} : memref<16x16xf32, #tpu.memory_space<vmem>>, vector<16xf32>,
        tpu.vector_store %arg12[%swap3A_1103, %swap3A_1104], %cumsum3A_1101 {strides = array<i32>} : memref<16x16xf32, #tpu.memory_space<vmem>>, vector<16xf32>,
        %mul3A_1106 = arith.constant 16 : i32
        %mul3A_1107 = arith.muli %mul3A_1106, %scan3A_845 : i32
        %add3A_1108 = arith.constant 0 : i32
        %add3A_1109 = arith.addi %add3A_1108, %mul3A_1107 : i32
        %add3A_1110 = arith.constant 5 : i32
        %add3A_1111 = arith.addi %add3A_1109, %add3A_1110 : i32
        %get3A_1112 = arith.index_cast %add3A_1111 : i32 to index
        %get3A_1113 = arith.constant 0 : index
        %get3A_1114 = tpu.vector_load %arg11[%get3A_1112, %get3A_1113] {strides = array<i32>} : memref<104x128xf32, #tpu.memory_space<vmem>>, vector<16xf32>,
        %mul3A_1115 = arith.mulf %get3A_446, %get3A_1114 : vector<16xf32>
        %get3A_1116 = arith.index_cast %add3A_1111 : i32 to index
        %get3A_1117 = arith.constant 16 : index
        %get3A_1118 = tpu.vector_load %arg11[%get3A_1116, %get3A_1117] {strides = array<i32>} : memref<104x128xf32, #tpu.memory_space<vmem>>, vector<16xf32>,
        %mul3A_1119 = arith.mulf %get3A_449, %get3A_1118 : vector<16xf32>
        %add3A_1120 = arith.addf %mul3A_1115, %mul3A_1119 : vector<16xf32>
        %get3A_1121 = arith.index_cast %add3A_1111 : i32 to index
        %get3A_1122 = arith.constant 32 : index
        %get3A_1123 = tpu.vector_load %arg11[%get3A_1121, %get3A_1122] {strides = array<i32>} : memref<104x128xf32, #tpu.memory_space<vmem>>, vector<16xf32>,
        %mul3A_1124 = arith.mulf %get3A_452, %get3A_1123 : vector<16xf32>
        %add3A_1125 = arith.addf %add3A_1120, %mul3A_1124 : vector<16xf32>
        %get3A_1126 = arith.index_cast %add3A_1111 : i32 to index
        %get3A_1127 = arith.constant 48 : index
        %get3A_1128 = tpu.vector_load %arg11[%get3A_1126, %get3A_1127] {strides = array<i32>} : memref<104x128xf32, #tpu.memory_space<vmem>>, vector<16xf32>,
        %mul3A_1129 = arith.mulf %get3A_455, %get3A_1128 : vector<16xf32>
        %add3A_1130 = arith.addf %add3A_1125, %mul3A_1129 : vector<16xf32>
        %get3A_1131 = arith.index_cast %add3A_1111 : i32 to index
        %get3A_1132 = arith.constant 64 : index
        %get3A_1133 = tpu.vector_load %arg11[%get3A_1131, %get3A_1132] {strides = array<i32>} : memref<104x128xf32, #tpu.memory_space<vmem>>, vector<16xf32>,
        %mul3A_1134 = arith.mulf %get3A_458, %get3A_1133 : vector<16xf32>
        %add3A_1135 = arith.addf %add3A_1130, %mul3A_1134 : vector<16xf32>
        %get3A_1136 = arith.index_cast %add3A_1111 : i32 to index
        %get3A_1137 = arith.constant 80 : index
        %get3A_1138 = tpu.vector_load %arg11[%get3A_1136, %get3A_1137] {strides = array<i32>} : memref<104x128xf32, #tpu.memory_space<vmem>>, vector<16xf32>,
        %mul3A_1139 = arith.mulf %get3A_461, %get3A_1138 : vector<16xf32>
        %add3A_1140 = arith.addf %add3A_1135, %mul3A_1139 : vector<16xf32>
        %get3A_1141 = arith.index_cast %add3A_1111 : i32 to index
        %get3A_1142 = arith.constant 96 : index
        %get3A_1143 = tpu.vector_load %arg11[%get3A_1141, %get3A_1142] {strides = array<i32>} : memref<104x128xf32, #tpu.memory_space<vmem>>, vector<16xf32>,
        %mul3A_1144 = arith.mulf %get3A_464, %get3A_1143 : vector<16xf32>
        %add3A_1145 = arith.addf %add3A_1140, %mul3A_1144 : vector<16xf32>
        %get3A_1146 = arith.index_cast %add3A_1111 : i32 to index
        %get3A_1147 = arith.constant 112 : index
        %get3A_1148 = tpu.vector_load %arg11[%get3A_1146, %get3A_1147] {strides = array<i32>} : memref<104x128xf32, #tpu.memory_space<vmem>>, vector<16xf32>,
        %mul3A_1149 = arith.mulf %get3A_467, %get3A_1148 : vector<16xf32>
        %add3A_1150 = arith.addf %add3A_1145, %mul3A_1149 : vector<16xf32>
        %cumsum3A_1151 = arith.constant true
        %cumsum3A_1152 = vector.broadcast %cumsum3A_1151 : i1 to vector<16xi1>
        %cumsum3A_1153 = tpu.scan <sum>, %add3A_1150 masked %cumsum3A_1152 : vector<16xf32>, vector<16xi1> -> vector<16xf32>
        %swap3A_1154 = arith.constant 5 : i32
        %swap3A_1155 = arith.index_cast %swap3A_1154 : i32 to index
        %swap3A_1156 = arith.constant 0 : index
        %swap3A_1157 = tpu.vector_load %arg12[%swap3A_1155, %swap3A_1156] {strides = array<i32>} : memref<16x16xf32, #tpu.memory_space<vmem>>, vector<16xf32>,
        tpu.vector_store %arg12[%swap3A_1155, %swap3A_1156], %cumsum3A_1153 {strides = array<i32>} : memref<16x16xf32, #tpu.memory_space<vmem>>, vector<16xf32>,
        %mul3A_1158 = arith.constant 16 : i32
        %mul3A_1159 = arith.muli %mul3A_1158, %scan3A_845 : i32
        %add3A_1160 = arith.constant 0 : i32
        %add3A_1161 = arith.addi %add3A_1160, %mul3A_1159 : i32
        %add3A_1162 = arith.constant 6 : i32
        %add3A_1163 = arith.addi %add3A_1161, %add3A_1162 : i32
        %get3A_1164 = arith.index_cast %add3A_1163 : i32 to index
        %get3A_1165 = arith.constant 0 : index
        %get3A_1166 = tpu.vector_load %arg11[%get3A_1164, %get3A_1165] {strides = array<i32>} : memref<104x128xf32, #tpu.memory_space<vmem>>, vector<16xf32>,
        %mul3A_1167 = arith.mulf %get3A_446, %get3A_1166 : vector<16xf32>
        %get3A_1168 = arith.index_cast %add3A_1163 : i32 to index
        %get3A_1169 = arith.constant 16 : index
        %get3A_1170 = tpu.vector_load %arg11[%get3A_1168, %get3A_1169] {strides = array<i32>} : memref<104x128xf32, #tpu.memory_space<vmem>>, vector<16xf32>,
        %mul3A_1171 = arith.mulf %get3A_449, %get3A_1170 : vector<16xf32>
        %add3A_1172 = arith.addf %mul3A_1167, %mul3A_1171 : vector<16xf32>
        %get3A_1173 = arith.index_cast %add3A_1163 : i32 to index
        %get3A_1174 = arith.constant 32 : index
        %get3A_1175 = tpu.vector_load %arg11[%get3A_1173, %get3A_1174] {strides = array<i32>} : memref<104x128xf32, #tpu.memory_space<vmem>>, vector<16xf32>,
        %mul3A_1176 = arith.mulf %get3A_452, %get3A_1175 : vector<16xf32>
        %add3A_1177 = arith.addf %add3A_1172, %mul3A_1176 : vector<16xf32>
        %get3A_1178 = arith.index_cast %add3A_1163 : i32 to index
        %get3A_1179 = arith.constant 48 : index
        %get3A_1180 = tpu.vector_load %arg11[%get3A_1178, %get3A_1179] {strides = array<i32>} : memref<104x128xf32, #tpu.memory_space<vmem>>, vector<16xf32>,
        %mul3A_1181 = arith.mulf %get3A_455, %get3A_1180 : vector<16xf32>
        %add3A_1182 = arith.addf %add3A_1177, %mul3A_1181 : vector<16xf32>
        %get3A_1183 = arith.index_cast %add3A_1163 : i32 to index
        %get3A_1184 = arith.constant 64 : index
        %get3A_1185 = tpu.vector_load %arg11[%get3A_1183, %get3A_1184] {strides = array<i32>} : memref<104x128xf32, #tpu.memory_space<vmem>>, vector<16xf32>,
        %mul3A_1186 = arith.mulf %get3A_458, %get3A_1185 : vector<16xf32>
        %add3A_1187 = arith.addf %add3A_1182, %mul3A_1186 : vector<16xf32>
        %get3A_1188 = arith.index_cast %add3A_1163 : i32 to index
        %get3A_1189 = arith.constant 80 : index
        %get3A_1190 = tpu.vector_load %arg11[%get3A_1188, %get3A_1189] {strides = array<i32>} : memref<104x128xf32, #tpu.memory_space<vmem>>, vector<16xf32>,
        %mul3A_1191 = arith.mulf %get3A_461, %get3A_1190 : vector<16xf32>
        %add3A_1192 = arith.addf %add3A_1187, %mul3A_1191 : vector<16xf32>
        %get3A_1193 = arith.index_cast %add3A_1163 : i32 to index
        %get3A_1194 = arith.constant 96 : index
        %get3A_1195 = tpu.vector_load %arg11[%get3A_1193, %get3A_1194] {strides = array<i32>} : memref<104x128xf32, #tpu.memory_space<vmem>>, vector<16xf32>,
        %mul3A_1196 = arith.mulf %get3A_464, %get3A_1195 : vector<16xf32>
        %add3A_1197 = arith.addf %add3A_1192, %mul3A_1196 : vector<16xf32>
        %get3A_1198 = arith.index_cast %add3A_1163 : i32 to index
        %get3A_1199 = arith.constant 112 : index
        %get3A_1200 = tpu.vector_load %arg11[%get3A_1198, %get3A_1199] {strides = array<i32>} : memref<104x128xf32, #tpu.memory_space<vmem>>, vector<16xf32>,
        %mul3A_1201 = arith.mulf %get3A_467, %get3A_1200 : vector<16xf32>
        %add3A_1202 = arith.addf %add3A_1197, %mul3A_1201 : vector<16xf32>
        %cumsum3A_1203 = arith.constant true
        %cumsum3A_1204 = vector.broadcast %cumsum3A_1203 : i1 to vector<16xi1>
        %cumsum3A_1205 = tpu.scan <sum>, %add3A_1202 masked %cumsum3A_1204 : vector<16xf32>, vector<16xi1> -> vector<16xf32>
        %swap3A_1206 = arith.constant 6 : i32
        %swap3A_1207 = arith.index_cast %swap3A_1206 : i32 to index
        %swap3A_1208 = arith.constant 0 : index
        %swap3A_1209 = tpu.vector_load %arg12[%swap3A_1207, %swap3A_1208] {strides = array<i32>} : memref<16x16xf32, #tpu.memory_space<vmem>>, vector<16xf32>,
        tpu.vector_store %arg12[%swap3A_1207, %swap3A_1208], %cumsum3A_1205 {strides = array<i32>} : memref<16x16xf32, #tpu.memory_space<vmem>>, vector<16xf32>,
        %mul3A_1210 = arith.constant 16 : i32
        %mul3A_1211 = arith.muli %mul3A_1210, %scan3A_845 : i32
        %add3A_1212 = arith.constant 0 : i32
        %add3A_1213 = arith.addi %add3A_1212, %mul3A_1211 : i32
        %add3A_1214 = arith.constant 7 : i32
        %add3A_1215 = arith.addi %add3A_1213, %add3A_1214 : i32
        %get3A_1216 = arith.index_cast %add3A_1215 : i32 to index
        %get3A_1217 = arith.constant 0 : index
        %get3A_1218 = tpu.vector_load %arg11[%get3A_1216, %get3A_1217] {strides = array<i32>} : memref<104x128xf32, #tpu.memory_space<vmem>>, vector<16xf32>,
        %mul3A_1219 = arith.mulf %get3A_446, %get3A_1218 : vector<16xf32>
        %get3A_1220 = arith.index_cast %add3A_1215 : i32 to index
        %get3A_1221 = arith.constant 16 : index
        %get3A_1222 = tpu.vector_load %arg11[%get3A_1220, %get3A_1221] {strides = array<i32>} : memref<104x128xf32, #tpu.memory_space<vmem>>, vector<16xf32>,
        %mul3A_1223 = arith.mulf %get3A_449, %get3A_1222 : vector<16xf32>
        %add3A_1224 = arith.addf %mul3A_1219, %mul3A_1223 : vector<16xf32>
        %get3A_1225 = arith.index_cast %add3A_1215 : i32 to index
        %get3A_1226 = arith.constant 32 : index
        %get3A_1227 = tpu.vector_load %arg11[%get3A_1225, %get3A_1226] {strides = array<i32>} : memref<104x128xf32, #tpu.memory_space<vmem>>, vector<16xf32>,
        %mul3A_1228 = arith.mulf %get3A_452, %get3A_1227 : vector<16xf32>
        %add3A_1229 = arith.addf %add3A_1224, %mul3A_1228 : vector<16xf32>
        %get3A_1230 = arith.index_cast %add3A_1215 : i32 to index
        %get3A_1231 = arith.constant 48 : index
        %get3A_1232 = tpu.vector_load %arg11[%get3A_1230, %get3A_1231] {strides = array<i32>} : memref<104x128xf32, #tpu.memory_space<vmem>>, vector<16xf32>,
        %mul3A_1233 = arith.mulf %get3A_455, %get3A_1232 : vector<16xf32>
        %add3A_1234 = arith.addf %add3A_1229, %mul3A_1233 : vector<16xf32>
        %get3A_1235 = arith.index_cast %add3A_1215 : i32 to index
        %get3A_1236 = arith.constant 64 : index
        %get3A_1237 = tpu.vector_load %arg11[%get3A_1235, %get3A_1236] {strides = array<i32>} : memref<104x128xf32, #tpu.memory_space<vmem>>, vector<16xf32>,
        %mul3A_1238 = arith.mulf %get3A_458, %get3A_1237 : vector<16xf32>
        %add3A_1239 = arith.addf %add3A_1234, %mul3A_1238 : vector<16xf32>
        %get3A_1240 = arith.index_cast %add3A_1215 : i32 to index
        %get3A_1241 = arith.constant 80 : index
        %get3A_1242 = tpu.vector_load %arg11[%get3A_1240, %get3A_1241] {strides = array<i32>} : memref<104x128xf32, #tpu.memory_space<vmem>>, vector<16xf32>,
        %mul3A_1243 = arith.mulf %get3A_461, %get3A_1242 : vector<16xf32>
        %add3A_1244 = arith.addf %add3A_1239, %mul3A_1243 : vector<16xf32>
        %get3A_1245 = arith.index_cast %add3A_1215 : i32 to index
        %get3A_1246 = arith.constant 96 : index
        %get3A_1247 = tpu.vector_load %arg11[%get3A_1245, %get3A_1246] {strides = array<i32>} : memref<104x128xf32, #tpu.memory_space<vmem>>, vector<16xf32>,
        %mul3A_1248 = arith.mulf %get3A_464, %get3A_1247 : vector<16xf32>
        %add3A_1249 = arith.addf %add3A_1244, %mul3A_1248 : vector<16xf32>
        %get3A_1250 = arith.index_cast %add3A_1215 : i32 to index
        %get3A_1251 = arith.constant 112 : index
        %get3A_1252 = tpu.vector_load %arg11[%get3A_1250, %get3A_1251] {strides = array<i32>} : memref<104x128xf32, #tpu.memory_space<vmem>>, vector<16xf32>,
        %mul3A_1253 = arith.mulf %get3A_467, %get3A_1252 : vector<16xf32>
        %add3A_1254 = arith.addf %add3A_1249, %mul3A_1253 : vector<16xf32>
        %cumsum3A_1255 = arith.constant true
        %cumsum3A_1256 = vector.broadcast %cumsum3A_1255 : i1 to vector<16xi1>
        %cumsum3A_1257 = tpu.scan <sum>, %add3A_1254 masked %cumsum3A_1256 : vector<16xf32>, vector<16xi1> -> vector<16xf32>
        %swap3A_1258 = arith.constant 7 : i32
        %swap3A_1259 = arith.index_cast %swap3A_1258 : i32 to index
        %swap3A_1260 = arith.constant 0 : index
        %swap3A_1261 = tpu.vector_load %arg12[%swap3A_1259, %swap3A_1260] {strides = array<i32>} : memref<16x16xf32, #tpu.memory_space<vmem>>, vector<16xf32>,
        tpu.vector_store %arg12[%swap3A_1259, %swap3A_1260], %cumsum3A_1257 {strides = array<i32>} : memref<16x16xf32, #tpu.memory_space<vmem>>, vector<16xf32>,
        %mul3A_1262 = arith.constant 16 : i32
        %mul3A_1263 = arith.muli %mul3A_1262, %scan3A_845 : i32
        %add3A_1264 = arith.constant 0 : i32
        %add3A_1265 = arith.addi %add3A_1264, %mul3A_1263 : i32
        %add3A_1266 = arith.constant 8 : i32
        %add3A_1267 = arith.addi %add3A_1265, %add3A_1266 : i32
        %get3A_1268 = arith.index_cast %add3A_1267 : i32 to index
        %get3A_1269 = arith.constant 0 : index
        %get3A_1270 = tpu.vector_load %arg11[%get3A_1268, %get3A_1269] {strides = array<i32>} : memref<104x128xf32, #tpu.memory_space<vmem>>, vector<16xf32>,
        %mul3A_1271 = arith.mulf %get3A_446, %get3A_1270 : vector<16xf32>
        %get3A_1272 = arith.index_cast %add3A_1267 : i32 to index
        %get3A_1273 = arith.constant 16 : index
        %get3A_1274 = tpu.vector_load %arg11[%get3A_1272, %get3A_1273] {strides = array<i32>} : memref<104x128xf32, #tpu.memory_space<vmem>>, vector<16xf32>,
        %mul3A_1275 = arith.mulf %get3A_449, %get3A_1274 : vector<16xf32>
        %add3A_1276 = arith.addf %mul3A_1271, %mul3A_1275 : vector<16xf32>
        %get3A_1277 = arith.index_cast %add3A_1267 : i32 to index
        %get3A_1278 = arith.constant 32 : index
        %get3A_1279 = tpu.vector_load %arg11[%get3A_1277, %get3A_1278] {strides = array<i32>} : memref<104x128xf32, #tpu.memory_space<vmem>>, vector<16xf32>,
        %mul3A_1280 = arith.mulf %get3A_452, %get3A_1279 : vector<16xf32>
        %add3A_1281 = arith.addf %add3A_1276, %mul3A_1280 : vector<16xf32>
        %get3A_1282 = arith.index_cast %add3A_1267 : i32 to index
        %get3A_1283 = arith.constant 48 : index
        %get3A_1284 = tpu.vector_load %arg11[%get3A_1282, %get3A_1283] {strides = array<i32>} : memref<104x128xf32, #tpu.memory_space<vmem>>, vector<16xf32>,
        %mul3A_1285 = arith.mulf %get3A_455, %get3A_1284 : vector<16xf32>
        %add3A_1286 = arith.addf %add3A_1281, %mul3A_1285 : vector<16xf32>
        %get3A_1287 = arith.index_cast %add3A_1267 : i32 to index
        %get3A_1288 = arith.constant 64 : index
        %get3A_1289 = tpu.vector_load %arg11[%get3A_1287, %get3A_1288] {strides = array<i32>} : memref<104x128xf32, #tpu.memory_space<vmem>>, vector<16xf32>,
        %mul3A_1290 = arith.mulf %get3A_458, %get3A_1289 : vector<16xf32>
        %add3A_1291 = arith.addf %add3A_1286, %mul3A_1290 : vector<16xf32>
        %get3A_1292 = arith.index_cast %add3A_1267 : i32 to index
        %get3A_1293 = arith.constant 80 : index
        %get3A_1294 = tpu.vector_load %arg11[%get3A_1292, %get3A_1293] {strides = array<i32>} : memref<104x128xf32, #tpu.memory_space<vmem>>, vector<16xf32>,
        %mul3A_1295 = arith.mulf %get3A_461, %get3A_1294 : vector<16xf32>
        %add3A_1296 = arith.addf %add3A_1291, %mul3A_1295 : vector<16xf32>
        %get3A_1297 = arith.index_cast %add3A_1267 : i32 to index
        %get3A_1298 = arith.constant 96 : index
        %get3A_1299 = tpu.vector_load %arg11[%get3A_1297, %get3A_1298] {strides = array<i32>} : memref<104x128xf32, #tpu.memory_space<vmem>>, vector<16xf32>,
        %mul3A_1300 = arith.mulf %get3A_464, %get3A_1299 : vector<16xf32>
        %add3A_1301 = arith.addf %add3A_1296, %mul3A_1300 : vector<16xf32>
        %get3A_1302 = arith.index_cast %add3A_1267 : i32 to index
        %get3A_1303 = arith.constant 112 : index
        %get3A_1304 = tpu.vector_load %arg11[%get3A_1302, %get3A_1303] {strides = array<i32>} : memref<104x128xf32, #tpu.memory_space<vmem>>, vector<16xf32>,
        %mul3A_1305 = arith.mulf %get3A_467, %get3A_1304 : vector<16xf32>
        %add3A_1306 = arith.addf %add3A_1301, %mul3A_1305 : vector<16xf32>
        %cumsum3A_1307 = arith.constant true
        %cumsum3A_1308 = vector.broadcast %cumsum3A_1307 : i1 to vector<16xi1>
        %cumsum3A_1309 = tpu.scan <sum>, %add3A_1306 masked %cumsum3A_1308 : vector<16xf32>, vector<16xi1> -> vector<16xf32>
        %swap3A_1310 = arith.constant 8 : i32
        %swap3A_1311 = arith.index_cast %swap3A_1310 : i32 to index
        %swap3A_1312 = arith.constant 0 : index
        %swap3A_1313 = tpu.vector_load %arg12[%swap3A_1311, %swap3A_1312] {strides = array<i32>} : memref<16x16xf32, #tpu.memory_space<vmem>>, vector<16xf32>,
        tpu.vector_store %arg12[%swap3A_1311, %swap3A_1312], %cumsum3A_1309 {strides = array<i32>} : memref<16x16xf32, #tpu.memory_space<vmem>>, vector<16xf32>,
        %mul3A_1314 = arith.constant 16 : i32
        %mul3A_1315 = arith.muli %mul3A_1314, %scan3A_845 : i32
        %add3A_1316 = arith.constant 0 : i32
        %add3A_1317 = arith.addi %add3A_1316, %mul3A_1315 : i32
        %add3A_1318 = arith.constant 9 : i32
        %add3A_1319 = arith.addi %add3A_1317, %add3A_1318 : i32
        %get3A_1320 = arith.index_cast %add3A_1319 : i32 to index
        %get3A_1321 = arith.constant 0 : index
        %get3A_1322 = tpu.vector_load %arg11[%get3A_1320, %get3A_1321] {strides = array<i32>} : memref<104x128xf32, #tpu.memory_space<vmem>>, vector<16xf32>,
        %mul3A_1323 = arith.mulf %get3A_446, %get3A_1322 : vector<16xf32>
        %get3A_1324 = arith.index_cast %add3A_1319 : i32 to index
        %get3A_1325 = arith.constant 16 : index
        %get3A_1326 = tpu.vector_load %arg11[%get3A_1324, %get3A_1325] {strides = array<i32>} : memref<104x128xf32, #tpu.memory_space<vmem>>, vector<16xf32>,
        %mul3A_1327 = arith.mulf %get3A_449, %get3A_1326 : vector<16xf32>
        %add3A_1328 = arith.addf %mul3A_1323, %mul3A_1327 : vector<16xf32>
        %get3A_1329 = arith.index_cast %add3A_1319 : i32 to index
        %get3A_1330 = arith.constant 32 : index
        %get3A_1331 = tpu.vector_load %arg11[%get3A_1329, %get3A_1330] {strides = array<i32>} : memref<104x128xf32, #tpu.memory_space<vmem>>, vector<16xf32>,
        %mul3A_1332 = arith.mulf %get3A_452, %get3A_1331 : vector<16xf32>
        %add3A_1333 = arith.addf %add3A_1328, %mul3A_1332 : vector<16xf32>
        %get3A_1334 = arith.index_cast %add3A_1319 : i32 to index
        %get3A_1335 = arith.constant 48 : index
        %get3A_1336 = tpu.vector_load %arg11[%get3A_1334, %get3A_1335] {strides = array<i32>} : memref<104x128xf32, #tpu.memory_space<vmem>>, vector<16xf32>,
        %mul3A_1337 = arith.mulf %get3A_455, %get3A_1336 : vector<16xf32>
        %add3A_1338 = arith.addf %add3A_1333, %mul3A_1337 : vector<16xf32>
        %get3A_1339 = arith.index_cast %add3A_1319 : i32 to index
        %get3A_1340 = arith.constant 64 : index
        %get3A_1341 = tpu.vector_load %arg11[%get3A_1339, %get3A_1340] {strides = array<i32>} : memref<104x128xf32, #tpu.memory_space<vmem>>, vector<16xf32>,
        %mul3A_1342 = arith.mulf %get3A_458, %get3A_1341 : vector<16xf32>
        %add3A_1343 = arith.addf %add3A_1338, %mul3A_1342 : vector<16xf32>
        %get3A_1344 = arith.index_cast %add3A_1319 : i32 to index
        %get3A_1345 = arith.constant 80 : index
        %get3A_1346 = tpu.vector_load %arg11[%get3A_1344, %get3A_1345] {strides = array<i32>} : memref<104x128xf32, #tpu.memory_space<vmem>>, vector<16xf32>,
        %mul3A_1347 = arith.mulf %get3A_461, %get3A_1346 : vector<16xf32>
        %add3A_1348 = arith.addf %add3A_1343, %mul3A_1347 : vector<16xf32>
        %get3A_1349 = arith.index_cast %add3A_1319 : i32 to index
        %get3A_1350 = arith.constant 96 : index
        %get3A_1351 = tpu.vector_load %arg11[%get3A_1349, %get3A_1350] {strides = array<i32>} : memref<104x128xf32, #tpu.memory_space<vmem>>, vector<16xf32>,
        %mul3A_1352 = arith.mulf %get3A_464, %get3A_1351 : vector<16xf32>
        %add3A_1353 = arith.addf %add3A_1348, %mul3A_1352 : vector<16xf32>
        %get3A_1354 = arith.index_cast %add3A_1319 : i32 to index
        %get3A_1355 = arith.constant 112 : index
        %get3A_1356 = tpu.vector_load %arg11[%get3A_1354, %get3A_1355] {strides = array<i32>} : memref<104x128xf32, #tpu.memory_space<vmem>>, vector<16xf32>,
        %mul3A_1357 = arith.mulf %get3A_467, %get3A_1356 : vector<16xf32>
        %add3A_1358 = arith.addf %add3A_1353, %mul3A_1357 : vector<16xf32>
        %cumsum3A_1359 = arith.constant true
        %cumsum3A_1360 = vector.broadcast %cumsum3A_1359 : i1 to vector<16xi1>
        %cumsum3A_1361 = tpu.scan <sum>, %add3A_1358 masked %cumsum3A_1360 : vector<16xf32>, vector<16xi1> -> vector<16xf32>
        %swap3A_1362 = arith.constant 9 : i32
        %swap3A_1363 = arith.index_cast %swap3A_1362 : i32 to index
        %swap3A_1364 = arith.constant 0 : index
        %swap3A_1365 = tpu.vector_load %arg12[%swap3A_1363, %swap3A_1364] {strides = array<i32>} : memref<16x16xf32, #tpu.memory_space<vmem>>, vector<16xf32>,
        tpu.vector_store %arg12[%swap3A_1363, %swap3A_1364], %cumsum3A_1361 {strides = array<i32>} : memref<16x16xf32, #tpu.memory_space<vmem>>, vector<16xf32>,
        %mul3A_1366 = arith.constant 16 : i32
        %mul3A_1367 = arith.muli %mul3A_1366, %scan3A_845 : i32
        %add3A_1368 = arith.constant 0 : i32
        %add3A_1369 = arith.addi %add3A_1368, %mul3A_1367 : i32
        %add3A_1370 = arith.constant 10 : i32
        %add3A_1371 = arith.addi %add3A_1369, %add3A_1370 : i32
        %get3A_1372 = arith.index_cast %add3A_1371 : i32 to index
        %get3A_1373 = arith.constant 0 : index
        %get3A_1374 = tpu.vector_load %arg11[%get3A_1372, %get3A_1373] {strides = array<i32>} : memref<104x128xf32, #tpu.memory_space<vmem>>, vector<16xf32>,
        %mul3A_1375 = arith.mulf %get3A_446, %get3A_1374 : vector<16xf32>
        %get3A_1376 = arith.index_cast %add3A_1371 : i32 to index
        %get3A_1377 = arith.constant 16 : index
        %get3A_1378 = tpu.vector_load %arg11[%get3A_1376, %get3A_1377] {strides = array<i32>} : memref<104x128xf32, #tpu.memory_space<vmem>>, vector<16xf32>,
        %mul3A_1379 = arith.mulf %get3A_449, %get3A_1378 : vector<16xf32>
        %add3A_1380 = arith.addf %mul3A_1375, %mul3A_1379 : vector<16xf32>
        %get3A_1381 = arith.index_cast %add3A_1371 : i32 to index
        %get3A_1382 = arith.constant 32 : index
        %get3A_1383 = tpu.vector_load %arg11[%get3A_1381, %get3A_1382] {strides = array<i32>} : memref<104x128xf32, #tpu.memory_space<vmem>>, vector<16xf32>,
        %mul3A_1384 = arith.mulf %get3A_452, %get3A_1383 : vector<16xf32>
        %add3A_1385 = arith.addf %add3A_1380, %mul3A_1384 : vector<16xf32>
        %get3A_1386 = arith.index_cast %add3A_1371 : i32 to index
        %get3A_1387 = arith.constant 48 : index
        %get3A_1388 = tpu.vector_load %arg11[%get3A_1386, %get3A_1387] {strides = array<i32>} : memref<104x128xf32, #tpu.memory_space<vmem>>, vector<16xf32>,
        %mul3A_1389 = arith.mulf %get3A_455, %get3A_1388 : vector<16xf32>
        %add3A_1390 = arith.addf %add3A_1385, %mul3A_1389 : vector<16xf32>
        %get3A_1391 = arith.index_cast %add3A_1371 : i32 to index
        %get3A_1392 = arith.constant 64 : index
        %get3A_1393 = tpu.vector_load %arg11[%get3A_1391, %get3A_1392] {strides = array<i32>} : memref<104x128xf32, #tpu.memory_space<vmem>>, vector<16xf32>,
        %mul3A_1394 = arith.mulf %get3A_458, %get3A_1393 : vector<16xf32>
        %add3A_1395 = arith.addf %add3A_1390, %mul3A_1394 : vector<16xf32>
        %get3A_1396 = arith.index_cast %add3A_1371 : i32 to index
        %get3A_1397 = arith.constant 80 : index
        %get3A_1398 = tpu.vector_load %arg11[%get3A_1396, %get3A_1397] {strides = array<i32>} : memref<104x128xf32, #tpu.memory_space<vmem>>, vector<16xf32>,
        %mul3A_1399 = arith.mulf %get3A_461, %get3A_1398 : vector<16xf32>
        %add3A_1400 = arith.addf %add3A_1395, %mul3A_1399 : vector<16xf32>
        %get3A_1401 = arith.index_cast %add3A_1371 : i32 to index
        %get3A_1402 = arith.constant 96 : index
        %get3A_1403 = tpu.vector_load %arg11[%get3A_1401, %get3A_1402] {strides = array<i32>} : memref<104x128xf32, #tpu.memory_space<vmem>>, vector<16xf32>,
        %mul3A_1404 = arith.mulf %get3A_464, %get3A_1403 : vector<16xf32>
        %add3A_1405 = arith.addf %add3A_1400, %mul3A_1404 : vector<16xf32>
        %get3A_1406 = arith.index_cast %add3A_1371 : i32 to index
        %get3A_1407 = arith.constant 112 : index
        %get3A_1408 = tpu.vector_load %arg11[%get3A_1406, %get3A_1407] {strides = array<i32>} : memref<104x128xf32, #tpu.memory_space<vmem>>, vector<16xf32>,
        %mul3A_1409 = arith.mulf %get3A_467, %get3A_1408 : vector<16xf32>
        %add3A_1410 = arith.addf %add3A_1405, %mul3A_1409 : vector<16xf32>
        %cumsum3A_1411 = arith.constant true
        %cumsum3A_1412 = vector.broadcast %cumsum3A_1411 : i1 to vector<16xi1>
        %cumsum3A_1413 = tpu.scan <sum>, %add3A_1410 masked %cumsum3A_1412 : vector<16xf32>, vector<16xi1> -> vector<16xf32>
        %swap3A_1414 = arith.constant 10 : i32
        %swap3A_1415 = arith.index_cast %swap3A_1414 : i32 to index
        %swap3A_1416 = arith.constant 0 : index
        %swap3A_1417 = tpu.vector_load %arg12[%swap3A_1415, %swap3A_1416] {strides = array<i32>} : memref<16x16xf32, #tpu.memory_space<vmem>>, vector<16xf32>,
        tpu.vector_store %arg12[%swap3A_1415, %swap3A_1416], %cumsum3A_1413 {strides = array<i32>} : memref<16x16xf32, #tpu.memory_space<vmem>>, vector<16xf32>,
        %mul3A_1418 = arith.constant 16 : i32
        %mul3A_1419 = arith.muli %mul3A_1418, %scan3A_845 : i32
        %add3A_1420 = arith.constant 0 : i32
        %add3A_1421 = arith.addi %add3A_1420, %mul3A_1419 : i32
        %add3A_1422 = arith.constant 11 : i32
        %add3A_1423 = arith.addi %add3A_1421, %add3A_1422 : i32
        %get3A_1424 = arith.index_cast %add3A_1423 : i32 to index
        %get3A_1425 = arith.constant 0 : index
        %get3A_1426 = tpu.vector_load %arg11[%get3A_1424, %get3A_1425] {strides = array<i32>} : memref<104x128xf32, #tpu.memory_space<vmem>>, vector<16xf32>,
        %mul3A_1427 = arith.mulf %get3A_446, %get3A_1426 : vector<16xf32>
        %get3A_1428 = arith.index_cast %add3A_1423 : i32 to index
        %get3A_1429 = arith.constant 16 : index
        %get3A_1430 = tpu.vector_load %arg11[%get3A_1428, %get3A_1429] {strides = array<i32>} : memref<104x128xf32, #tpu.memory_space<vmem>>, vector<16xf32>,
        %mul3A_1431 = arith.mulf %get3A_449, %get3A_1430 : vector<16xf32>
        %add3A_1432 = arith.addf %mul3A_1427, %mul3A_1431 : vector<16xf32>
        %get3A_1433 = arith.index_cast %add3A_1423 : i32 to index
        %get3A_1434 = arith.constant 32 : index
        %get3A_1435 = tpu.vector_load %arg11[%get3A_1433, %get3A_1434] {strides = array<i32>} : memref<104x128xf32, #tpu.memory_space<vmem>>, vector<16xf32>,
        %mul3A_1436 = arith.mulf %get3A_452, %get3A_1435 : vector<16xf32>
        %add3A_1437 = arith.addf %add3A_1432, %mul3A_1436 : vector<16xf32>
        %get3A_1438 = arith.index_cast %add3A_1423 : i32 to index
        %get3A_1439 = arith.constant 48 : index
        %get3A_1440 = tpu.vector_load %arg11[%get3A_1438, %get3A_1439] {strides = array<i32>} : memref<104x128xf32, #tpu.memory_space<vmem>>, vector<16xf32>,
        %mul3A_1441 = arith.mulf %get3A_455, %get3A_1440 : vector<16xf32>
        %add3A_1442 = arith.addf %add3A_1437, %mul3A_1441 : vector<16xf32>
        %get3A_1443 = arith.index_cast %add3A_1423 : i32 to index
        %get3A_1444 = arith.constant 64 : index
        %get3A_1445 = tpu.vector_load %arg11[%get3A_1443, %get3A_1444] {strides = array<i32>} : memref<104x128xf32, #tpu.memory_space<vmem>>, vector<16xf32>,
        %mul3A_1446 = arith.mulf %get3A_458, %get3A_1445 : vector<16xf32>
        %add3A_1447 = arith.addf %add3A_1442, %mul3A_1446 : vector<16xf32>
        %get3A_1448 = arith.index_cast %add3A_1423 : i32 to index
        %get3A_1449 = arith.constant 80 : index
        %get3A_1450 = tpu.vector_load %arg11[%get3A_1448, %get3A_1449] {strides = array<i32>} : memref<104x128xf32, #tpu.memory_space<vmem>>, vector<16xf32>,
        %mul3A_1451 = arith.mulf %get3A_461, %get3A_1450 : vector<16xf32>
        %add3A_1452 = arith.addf %add3A_1447, %mul3A_1451 : vector<16xf32>
        %get3A_1453 = arith.index_cast %add3A_1423 : i32 to index
        %get3A_1454 = arith.constant 96 : index
        %get3A_1455 = tpu.vector_load %arg11[%get3A_1453, %get3A_1454] {strides = array<i32>} : memref<104x128xf32, #tpu.memory_space<vmem>>, vector<16xf32>,
        %mul3A_1456 = arith.mulf %get3A_464, %get3A_1455 : vector<16xf32>
        %add3A_1457 = arith.addf %add3A_1452, %mul3A_1456 : vector<16xf32>
        %get3A_1458 = arith.index_cast %add3A_1423 : i32 to index
        %get3A_1459 = arith.constant 112 : index
        %get3A_1460 = tpu.vector_load %arg11[%get3A_1458, %get3A_1459] {strides = array<i32>} : memref<104x128xf32, #tpu.memory_space<vmem>>, vector<16xf32>,
        %mul3A_1461 = arith.mulf %get3A_467, %get3A_1460 : vector<16xf32>
        %add3A_1462 = arith.addf %add3A_1457, %mul3A_1461 : vector<16xf32>
        %cumsum3A_1463 = arith.constant true
        %cumsum3A_1464 = vector.broadcast %cumsum3A_1463 : i1 to vector<16xi1>
        %cumsum3A_1465 = tpu.scan <sum>, %add3A_1462 masked %cumsum3A_1464 : vector<16xf32>, vector<16xi1> -> vector<16xf32>
        %swap3A_1466 = arith.constant 11 : i32
        %swap3A_1467 = arith.index_cast %swap3A_1466 : i32 to index
        %swap3A_1468 = arith.constant 0 : index
        %swap3A_1469 = tpu.vector_load %arg12[%swap3A_1467, %swap3A_1468] {strides = array<i32>} : memref<16x16xf32, #tpu.memory_space<vmem>>, vector<16xf32>,
        tpu.vector_store %arg12[%swap3A_1467, %swap3A_1468], %cumsum3A_1465 {strides = array<i32>} : memref<16x16xf32, #tpu.memory_space<vmem>>, vector<16xf32>,
        %mul3A_1470 = arith.constant 16 : i32
        %mul3A_1471 = arith.muli %mul3A_1470, %scan3A_845 : i32
        %add3A_1472 = arith.constant 0 : i32
        %add3A_1473 = arith.addi %add3A_1472, %mul3A_1471 : i32
        %add3A_1474 = arith.constant 12 : i32
        %add3A_1475 = arith.addi %add3A_1473, %add3A_1474 : i32
        %get3A_1476 = arith.index_cast %add3A_1475 : i32 to index
        %get3A_1477 = arith.constant 0 : index
        %get3A_1478 = tpu.vector_load %arg11[%get3A_1476, %get3A_1477] {strides = array<i32>} : memref<104x128xf32, #tpu.memory_space<vmem>>, vector<16xf32>,
        %mul3A_1479 = arith.mulf %get3A_446, %get3A_1478 : vector<16xf32>
        %get3A_1480 = arith.index_cast %add3A_1475 : i32 to index
        %get3A_1481 = arith.constant 16 : index
        %get3A_1482 = tpu.vector_load %arg11[%get3A_1480, %get3A_1481] {strides = array<i32>} : memref<104x128xf32, #tpu.memory_space<vmem>>, vector<16xf32>,
        %mul3A_1483 = arith.mulf %get3A_449, %get3A_1482 : vector<16xf32>
        %add3A_1484 = arith.addf %mul3A_1479, %mul3A_1483 : vector<16xf32>
        %get3A_1485 = arith.index_cast %add3A_1475 : i32 to index
        %get3A_1486 = arith.constant 32 : index
        %get3A_1487 = tpu.vector_load %arg11[%get3A_1485, %get3A_1486] {strides = array<i32>} : memref<104x128xf32, #tpu.memory_space<vmem>>, vector<16xf32>,
        %mul3A_1488 = arith.mulf %get3A_452, %get3A_1487 : vector<16xf32>
        %add3A_1489 = arith.addf %add3A_1484, %mul3A_1488 : vector<16xf32>
        %get3A_1490 = arith.index_cast %add3A_1475 : i32 to index
        %get3A_1491 = arith.constant 48 : index
        %get3A_1492 = tpu.vector_load %arg11[%get3A_1490, %get3A_1491] {strides = array<i32>} : memref<104x128xf32, #tpu.memory_space<vmem>>, vector<16xf32>,
        %mul3A_1493 = arith.mulf %get3A_455, %get3A_1492 : vector<16xf32>
        %add3A_1494 = arith.addf %add3A_1489, %mul3A_1493 : vector<16xf32>
        %get3A_1495 = arith.index_cast %add3A_1475 : i32 to index
        %get3A_1496 = arith.constant 64 : index
        %get3A_1497 = tpu.vector_load %arg11[%get3A_1495, %get3A_1496] {strides = array<i32>} : memref<104x128xf32, #tpu.memory_space<vmem>>, vector<16xf32>,
        %mul3A_1498 = arith.mulf %get3A_458, %get3A_1497 : vector<16xf32>
        %add3A_1499 = arith.addf %add3A_1494, %mul3A_1498 : vector<16xf32>
        %get3A_1500 = arith.index_cast %add3A_1475 : i32 to index
        %get3A_1501 = arith.constant 80 : index
        %get3A_1502 = tpu.vector_load %arg11[%get3A_1500, %get3A_1501] {strides = array<i32>} : memref<104x128xf32, #tpu.memory_space<vmem>>, vector<16xf32>,
        %mul3A_1503 = arith.mulf %get3A_461, %get3A_1502 : vector<16xf32>
        %add3A_1504 = arith.addf %add3A_1499, %mul3A_1503 : vector<16xf32>
        %get3A_1505 = arith.index_cast %add3A_1475 : i32 to index
        %get3A_1506 = arith.constant 96 : index
        %get3A_1507 = tpu.vector_load %arg11[%get3A_1505, %get3A_1506] {strides = array<i32>} : memref<104x128xf32, #tpu.memory_space<vmem>>, vector<16xf32>,
        %mul3A_1508 = arith.mulf %get3A_464, %get3A_1507 : vector<16xf32>
        %add3A_1509 = arith.addf %add3A_1504, %mul3A_1508 : vector<16xf32>
        %get3A_1510 = arith.index_cast %add3A_1475 : i32 to index
        %get3A_1511 = arith.constant 112 : index
        %get3A_1512 = tpu.vector_load %arg11[%get3A_1510, %get3A_1511] {strides = array<i32>} : memref<104x128xf32, #tpu.memory_space<vmem>>, vector<16xf32>,
        %mul3A_1513 = arith.mulf %get3A_467, %get3A_1512 : vector<16xf32>
        %add3A_1514 = arith.addf %add3A_1509, %mul3A_1513 : vector<16xf32>
        %cumsum3A_1515 = arith.constant true
        %cumsum3A_1516 = vector.broadcast %cumsum3A_1515 : i1 to vector<16xi1>
        %cumsum3A_1517 = tpu.scan <sum>, %add3A_1514 masked %cumsum3A_1516 : vector<16xf32>, vector<16xi1> -> vector<16xf32>
        %swap3A_1518 = arith.constant 12 : i32
        %swap3A_1519 = arith.index_cast %swap3A_1518 : i32 to index
        %swap3A_1520 = arith.constant 0 : index
        %swap3A_1521 = tpu.vector_load %arg12[%swap3A_1519, %swap3A_1520] {strides = array<i32>} : memref<16x16xf32, #tpu.memory_space<vmem>>, vector<16xf32>,
        tpu.vector_store %arg12[%swap3A_1519, %swap3A_1520], %cumsum3A_1517 {strides = array<i32>} : memref<16x16xf32, #tpu.memory_space<vmem>>, vector<16xf32>,
        %mul3A_1522 = arith.constant 16 : i32
        %mul3A_1523 = arith.muli %mul3A_1522, %scan3A_845 : i32
        %add3A_1524 = arith.constant 0 : i32
        %add3A_1525 = arith.addi %add3A_1524, %mul3A_1523 : i32
        %add3A_1526 = arith.constant 13 : i32
        %add3A_1527 = arith.addi %add3A_1525, %add3A_1526 : i32
        %get3A_1528 = arith.index_cast %add3A_1527 : i32 to index
        %get3A_1529 = arith.constant 0 : index
        %get3A_1530 = tpu.vector_load %arg11[%get3A_1528, %get3A_1529] {strides = array<i32>} : memref<104x128xf32, #tpu.memory_space<vmem>>, vector<16xf32>,
        %mul3A_1531 = arith.mulf %get3A_446, %get3A_1530 : vector<16xf32>
        %get3A_1532 = arith.index_cast %add3A_1527 : i32 to index
        %get3A_1533 = arith.constant 16 : index
        %get3A_1534 = tpu.vector_load %arg11[%get3A_1532, %get3A_1533] {strides = array<i32>} : memref<104x128xf32, #tpu.memory_space<vmem>>, vector<16xf32>,
        %mul3A_1535 = arith.mulf %get3A_449, %get3A_1534 : vector<16xf32>
        %add3A_1536 = arith.addf %mul3A_1531, %mul3A_1535 : vector<16xf32>
        %get3A_1537 = arith.index_cast %add3A_1527 : i32 to index
        %get3A_1538 = arith.constant 32 : index
        %get3A_1539 = tpu.vector_load %arg11[%get3A_1537, %get3A_1538] {strides = array<i32>} : memref<104x128xf32, #tpu.memory_space<vmem>>, vector<16xf32>,
        %mul3A_1540 = arith.mulf %get3A_452, %get3A_1539 : vector<16xf32>
        %add3A_1541 = arith.addf %add3A_1536, %mul3A_1540 : vector<16xf32>
        %get3A_1542 = arith.index_cast %add3A_1527 : i32 to index
        %get3A_1543 = arith.constant 48 : index
        %get3A_1544 = tpu.vector_load %arg11[%get3A_1542, %get3A_1543] {strides = array<i32>} : memref<104x128xf32, #tpu.memory_space<vmem>>, vector<16xf32>,
        %mul3A_1545 = arith.mulf %get3A_455, %get3A_1544 : vector<16xf32>
        %add3A_1546 = arith.addf %add3A_1541, %mul3A_1545 : vector<16xf32>
        %get3A_1547 = arith.index_cast %add3A_1527 : i32 to index
        %get3A_1548 = arith.constant 64 : index
        %get3A_1549 = tpu.vector_load %arg11[%get3A_1547, %get3A_1548] {strides = array<i32>} : memref<104x128xf32, #tpu.memory_space<vmem>>, vector<16xf32>,
        %mul3A_1550 = arith.mulf %get3A_458, %get3A_1549 : vector<16xf32>
        %add3A_1551 = arith.addf %add3A_1546, %mul3A_1550 : vector<16xf32>
        %get3A_1552 = arith.index_cast %add3A_1527 : i32 to index
        %get3A_1553 = arith.constant 80 : index
        %get3A_1554 = tpu.vector_load %arg11[%get3A_1552, %get3A_1553] {strides = array<i32>} : memref<104x128xf32, #tpu.memory_space<vmem>>, vector<16xf32>,
        %mul3A_1555 = arith.mulf %get3A_461, %get3A_1554 : vector<16xf32>
        %add3A_1556 = arith.addf %add3A_1551, %mul3A_1555 : vector<16xf32>
        %get3A_1557 = arith.index_cast %add3A_1527 : i32 to index
        %get3A_1558 = arith.constant 96 : index
        %get3A_1559 = tpu.vector_load %arg11[%get3A_1557, %get3A_1558] {strides = array<i32>} : memref<104x128xf32, #tpu.memory_space<vmem>>, vector<16xf32>,
        %mul3A_1560 = arith.mulf %get3A_464, %get3A_1559 : vector<16xf32>
        %add3A_1561 = arith.addf %add3A_1556, %mul3A_1560 : vector<16xf32>
        %get3A_1562 = arith.index_cast %add3A_1527 : i32 to index
        %get3A_1563 = arith.constant 112 : index
        %get3A_1564 = tpu.vector_load %arg11[%get3A_1562, %get3A_1563] {strides = array<i32>} : memref<104x128xf32, #tpu.memory_space<vmem>>, vector<16xf32>,
        %mul3A_1565 = arith.mulf %get3A_467, %get3A_1564 : vector<16xf32>
        %add3A_1566 = arith.addf %add3A_1561, %mul3A_1565 : vector<16xf32>
        %cumsum3A_1567 = arith.constant true
        %cumsum3A_1568 = vector.broadcast %cumsum3A_1567 : i1 to vector<16xi1>
        %cumsum3A_1569 = tpu.scan <sum>, %add3A_1566 masked %cumsum3A_1568 : vector<16xf32>, vector<16xi1> -> vector<16xf32>
        %swap3A_1570 = arith.constant 13 : i32
        %swap3A_1571 = arith.index_cast %swap3A_1570 : i32 to index
        %swap3A_1572 = arith.constant 0 : index
        %swap3A_1573 = tpu.vector_load %arg12[%swap3A_1571, %swap3A_1572] {strides = array<i32>} : memref<16x16xf32, #tpu.memory_space<vmem>>, vector<16xf32>,
        tpu.vector_store %arg12[%swap3A_1571, %swap3A_1572], %cumsum3A_1569 {strides = array<i32>} : memref<16x16xf32, #tpu.memory_space<vmem>>, vector<16xf32>,
        %mul3A_1574 = arith.constant 16 : i32
        %mul3A_1575 = arith.muli %mul3A_1574, %scan3A_845 : i32
        %add3A_1576 = arith.constant 0 : i32
        %add3A_1577 = arith.addi %add3A_1576, %mul3A_1575 : i32
        %add3A_1578 = arith.constant 14 : i32
        %add3A_1579 = arith.addi %add3A_1577, %add3A_1578 : i32
        %get3A_1580 = arith.index_cast %add3A_1579 : i32 to index
        %get3A_1581 = arith.constant 0 : index
        %get3A_1582 = tpu.vector_load %arg11[%get3A_1580, %get3A_1581] {strides = array<i32>} : memref<104x128xf32, #tpu.memory_space<vmem>>, vector<16xf32>,
        %mul3A_1583 = arith.mulf %get3A_446, %get3A_1582 : vector<16xf32>
        %get3A_1584 = arith.index_cast %add3A_1579 : i32 to index
        %get3A_1585 = arith.constant 16 : index
        %get3A_1586 = tpu.vector_load %arg11[%get3A_1584, %get3A_1585] {strides = array<i32>} : memref<104x128xf32, #tpu.memory_space<vmem>>, vector<16xf32>,
        %mul3A_1587 = arith.mulf %get3A_449, %get3A_1586 : vector<16xf32>
        %add3A_1588 = arith.addf %mul3A_1583, %mul3A_1587 : vector<16xf32>
        %get3A_1589 = arith.index_cast %add3A_1579 : i32 to index
        %get3A_1590 = arith.constant 32 : index
        %get3A_1591 = tpu.vector_load %arg11[%get3A_1589, %get3A_1590] {strides = array<i32>} : memref<104x128xf32, #tpu.memory_space<vmem>>, vector<16xf32>,
        %mul3A_1592 = arith.mulf %get3A_452, %get3A_1591 : vector<16xf32>
        %add3A_1593 = arith.addf %add3A_1588, %mul3A_1592 : vector<16xf32>
        %get3A_1594 = arith.index_cast %add3A_1579 : i32 to index
        %get3A_1595 = arith.constant 48 : index
        %get3A_1596 = tpu.vector_load %arg11[%get3A_1594, %get3A_1595] {strides = array<i32>} : memref<104x128xf32, #tpu.memory_space<vmem>>, vector<16xf32>,
        %mul3A_1597 = arith.mulf %get3A_455, %get3A_1596 : vector<16xf32>
        %add3A_1598 = arith.addf %add3A_1593, %mul3A_1597 : vector<16xf32>
        %get3A_1599 = arith.index_cast %add3A_1579 : i32 to index
        %get3A_1600 = arith.constant 64 : index
        %get3A_1601 = tpu.vector_load %arg11[%get3A_1599, %get3A_1600] {strides = array<i32>} : memref<104x128xf32, #tpu.memory_space<vmem>>, vector<16xf32>,
        %mul3A_1602 = arith.mulf %get3A_458, %get3A_1601 : vector<16xf32>
        %add3A_1603 = arith.addf %add3A_1598, %mul3A_1602 : vector<16xf32>
        %get3A_1604 = arith.index_cast %add3A_1579 : i32 to index
        %get3A_1605 = arith.constant 80 : index
        %get3A_1606 = tpu.vector_load %arg11[%get3A_1604, %get3A_1605] {strides = array<i32>} : memref<104x128xf32, #tpu.memory_space<vmem>>, vector<16xf32>,
        %mul3A_1607 = arith.mulf %get3A_461, %get3A_1606 : vector<16xf32>
        %add3A_1608 = arith.addf %add3A_1603, %mul3A_1607 : vector<16xf32>
        %get3A_1609 = arith.index_cast %add3A_1579 : i32 to index
        %get3A_1610 = arith.constant 96 : index
        %get3A_1611 = tpu.vector_load %arg11[%get3A_1609, %get3A_1610] {strides = array<i32>} : memref<104x128xf32, #tpu.memory_space<vmem>>, vector<16xf32>,
        %mul3A_1612 = arith.mulf %get3A_464, %get3A_1611 : vector<16xf32>
        %add3A_1613 = arith.addf %add3A_1608, %mul3A_1612 : vector<16xf32>
        %get3A_1614 = arith.index_cast %add3A_1579 : i32 to index
        %get3A_1615 = arith.constant 112 : index
        %get3A_1616 = tpu.vector_load %arg11[%get3A_1614, %get3A_1615] {strides = array<i32>} : memref<104x128xf32, #tpu.memory_space<vmem>>, vector<16xf32>,
        %mul3A_1617 = arith.mulf %get3A_467, %get3A_1616 : vector<16xf32>
        %add3A_1618 = arith.addf %add3A_1613, %mul3A_1617 : vector<16xf32>
        %cumsum3A_1619 = arith.constant true
        %cumsum3A_1620 = vector.broadcast %cumsum3A_1619 : i1 to vector<16xi1>
        %cumsum3A_1621 = tpu.scan <sum>, %add3A_1618 masked %cumsum3A_1620 : vector<16xf32>, vector<16xi1> -> vector<16xf32>
        %swap3A_1622 = arith.constant 14 : i32
        %swap3A_1623 = arith.index_cast %swap3A_1622 : i32 to index
        %swap3A_1624 = arith.constant 0 : index
        %swap3A_1625 = tpu.vector_load %arg12[%swap3A_1623, %swap3A_1624] {strides = array<i32>} : memref<16x16xf32, #tpu.memory_space<vmem>>, vector<16xf32>,
        tpu.vector_store %arg12[%swap3A_1623, %swap3A_1624], %cumsum3A_1621 {strides = array<i32>} : memref<16x16xf32, #tpu.memory_space<vmem>>, vector<16xf32>,
        %mul3A_1626 = arith.constant 16 : i32
        %mul3A_1627 = arith.muli %mul3A_1626, %scan3A_845 : i32
        %add3A_1628 = arith.constant 0 : i32
        %add3A_1629 = arith.addi %add3A_1628, %mul3A_1627 : i32
        %add3A_1630 = arith.constant 15 : i32
        %add3A_1631 = arith.addi %add3A_1629, %add3A_1630 : i32
        %get3A_1632 = arith.index_cast %add3A_1631 : i32 to index
        %get3A_1633 = arith.constant 0 : index
        %get3A_1634 = tpu.vector_load %arg11[%get3A_1632, %get3A_1633] {strides = array<i32>} : memref<104x128xf32, #tpu.memory_space<vmem>>, vector<16xf32>,
        %mul3A_1635 = arith.mulf %get3A_446, %get3A_1634 : vector<16xf32>
        %get3A_1636 = arith.index_cast %add3A_1631 : i32 to index
        %get3A_1637 = arith.constant 16 : index
        %get3A_1638 = tpu.vector_load %arg11[%get3A_1636, %get3A_1637] {strides = array<i32>} : memref<104x128xf32, #tpu.memory_space<vmem>>, vector<16xf32>,
        %mul3A_1639 = arith.mulf %get3A_449, %get3A_1638 : vector<16xf32>
        %add3A_1640 = arith.addf %mul3A_1635, %mul3A_1639 : vector<16xf32>
        %get3A_1641 = arith.index_cast %add3A_1631 : i32 to index
        %get3A_1642 = arith.constant 32 : index
        %get3A_1643 = tpu.vector_load %arg11[%get3A_1641, %get3A_1642] {strides = array<i32>} : memref<104x128xf32, #tpu.memory_space<vmem>>, vector<16xf32>,
        %mul3A_1644 = arith.mulf %get3A_452, %get3A_1643 : vector<16xf32>
        %add3A_1645 = arith.addf %add3A_1640, %mul3A_1644 : vector<16xf32>
        %get3A_1646 = arith.index_cast %add3A_1631 : i32 to index
        %get3A_1647 = arith.constant 48 : index
        %get3A_1648 = tpu.vector_load %arg11[%get3A_1646, %get3A_1647] {strides = array<i32>} : memref<104x128xf32, #tpu.memory_space<vmem>>, vector<16xf32>,
        %mul3A_1649 = arith.mulf %get3A_455, %get3A_1648 : vector<16xf32>
        %add3A_1650 = arith.addf %add3A_1645, %mul3A_1649 : vector<16xf32>
        %get3A_1651 = arith.index_cast %add3A_1631 : i32 to index
        %get3A_1652 = arith.constant 64 : index
        %get3A_1653 = tpu.vector_load %arg11[%get3A_1651, %get3A_1652] {strides = array<i32>} : memref<104x128xf32, #tpu.memory_space<vmem>>, vector<16xf32>,
        %mul3A_1654 = arith.mulf %get3A_458, %get3A_1653 : vector<16xf32>
        %add3A_1655 = arith.addf %add3A_1650, %mul3A_1654 : vector<16xf32>
        %get3A_1656 = arith.index_cast %add3A_1631 : i32 to index
        %get3A_1657 = arith.constant 80 : index
        %get3A_1658 = tpu.vector_load %arg11[%get3A_1656, %get3A_1657] {strides = array<i32>} : memref<104x128xf32, #tpu.memory_space<vmem>>, vector<16xf32>,
        %mul3A_1659 = arith.mulf %get3A_461, %get3A_1658 : vector<16xf32>
        %add3A_1660 = arith.addf %add3A_1655, %mul3A_1659 : vector<16xf32>
        %get3A_1661 = arith.index_cast %add3A_1631 : i32 to index
        %get3A_1662 = arith.constant 96 : index
        %get3A_1663 = tpu.vector_load %arg11[%get3A_1661, %get3A_1662] {strides = array<i32>} : memref<104x128xf32, #tpu.memory_space<vmem>>, vector<16xf32>,
        %mul3A_1664 = arith.mulf %get3A_464, %get3A_1663 : vector<16xf32>
        %add3A_1665 = arith.addf %add3A_1660, %mul3A_1664 : vector<16xf32>
        %get3A_1666 = arith.index_cast %add3A_1631 : i32 to index
        %get3A_1667 = arith.constant 112 : index
        %get3A_1668 = tpu.vector_load %arg11[%get3A_1666, %get3A_1667] {strides = array<i32>} : memref<104x128xf32, #tpu.memory_space<vmem>>, vector<16xf32>,
        %mul3A_1669 = arith.mulf %get3A_467, %get3A_1668 : vector<16xf32>
        %add3A_1670 = arith.addf %add3A_1665, %mul3A_1669 : vector<16xf32>
        %cumsum3A_1671 = arith.constant true
        %cumsum3A_1672 = vector.broadcast %cumsum3A_1671 : i1 to vector<16xi1>
        %cumsum3A_1673 = tpu.scan <sum>, %add3A_1670 masked %cumsum3A_1672 : vector<16xf32>, vector<16xi1> -> vector<16xf32>
        %swap3A_1674 = arith.constant 15 : i32
        %swap3A_1675 = arith.index_cast %swap3A_1674 : i32 to index
        %swap3A_1676 = arith.constant 0 : index
        %swap3A_1677 = tpu.vector_load %arg12[%swap3A_1675, %swap3A_1676] {strides = array<i32>} : memref<16x16xf32, #tpu.memory_space<vmem>>, vector<16xf32>,
        tpu.vector_store %arg12[%swap3A_1675, %swap3A_1676], %cumsum3A_1673 {strides = array<i32>} : memref<16x16xf32, #tpu.memory_space<vmem>>, vector<16xf32>,
        %gather3A_1678 = tpu.vector_load_idx %arg12[%iota3A, %broadcast_in_dim3A_23] : memref<16x16xf32, #tpu.memory_space<vmem>>[vector<16xi32>, vector<16xi32>], vector<16xf32>,
        %mul3A_1679 = arith.constant 16 : i32
        %mul3A_1680 = arith.muli %mul3A_1679, %scan3A_845 : i32
        %swap3A_1681 = arith.index_cast %add3A_443 : i32 to index
        %swap3A_1682 = arith.index_cast %mul3A_1680 : i32 to index
        %swap3A_1683 = tpu.vector_load %arg13[%swap3A_1681, %swap3A_1682] {strides = array<i32>} : memref<128x64xf32, #tpu.memory_space<vmem>>, vector<16xf32>,
        tpu.vector_store %arg13[%swap3A_1681, %swap3A_1682], %gather3A_1678 {strides = array<i32>} : memref<128x64xf32, #tpu.memory_space<vmem>>, vector<16xf32>,
      }
      %scan3A_473 = arith.constant 3 : i32
      %get3A_474 = arith.constant 48 : i32
      %get3A_475 = arith.index_cast %get3A_474 : i32 to index
      %get3A_476 = arith.constant 0 : index
      %get3A_477 = tpu.vector_load %arg11[%get3A_475, %get3A_476] {strides = array<i32>} : memref<104x128xf32, #tpu.memory_space<vmem>>, vector<16xf32>,
      %mul3A_478 = arith.mulf %get3A_446, %get3A_477 : vector<16xf32>
      %get3A_479 = arith.constant 48 : i32
      %get3A_480 = arith.index_cast %get3A_479 : i32 to index
      %get3A_481 = arith.constant 16 : index
      %get3A_482 = tpu.vector_load %arg11[%get3A_480, %get3A_481] {strides = array<i32>} : memref<104x128xf32, #tpu.memory_space<vmem>>, vector<16xf32>,
      %mul3A_483 = arith.mulf %get3A_449, %get3A_482 : vector<16xf32>
      %add3A_484 = arith.addf %mul3A_478, %mul3A_483 : vector<16xf32>
      %get3A_485 = arith.constant 48 : i32
      %get3A_486 = arith.index_cast %get3A_485 : i32 to index
      %get3A_487 = arith.constant 32 : index
      %get3A_488 = tpu.vector_load %arg11[%get3A_486, %get3A_487] {strides = array<i32>} : memref<104x128xf32, #tpu.memory_space<vmem>>, vector<16xf32>,
      %mul3A_489 = arith.mulf %get3A_452, %get3A_488 : vector<16xf32>
      %add3A_490 = arith.addf %add3A_484, %mul3A_489 : vector<16xf32>
      %get3A_491 = arith.constant 48 : i32
      %get3A_492 = arith.index_cast %get3A_491 : i32 to index
      %get3A_493 = arith.constant 48 : index
      %get3A_494 = tpu.vector_load %arg11[%get3A_492, %get3A_493] {strides = array<i32>} : memref<104x128xf32, #tpu.memory_space<vmem>>, vector<16xf32>,
      %mul3A_495 = arith.mulf %get3A_455, %get3A_494 : vector<16xf32>
      %add3A_496 = arith.addf %add3A_490, %mul3A_495 : vector<16xf32>
      %get3A_497 = arith.constant 48 : i32
      %get3A_498 = arith.index_cast %get3A_497 : i32 to index
      %get3A_499 = arith.constant 64 : index
      %get3A_500 = tpu.vector_load %arg11[%get3A_498, %get3A_499] {strides = array<i32>} : memref<104x128xf32, #tpu.memory_space<vmem>>, vector<16xf32>,
      %mul3A_501 = arith.mulf %get3A_458, %get3A_500 : vector<16xf32>
      %add3A_502 = arith.addf %add3A_496, %mul3A_501 : vector<16xf32>
      %get3A_503 = arith.constant 48 : i32
      %get3A_504 = arith.index_cast %get3A_503 : i32 to index
      %get3A_505 = arith.constant 80 : index
      %get3A_506 = tpu.vector_load %arg11[%get3A_504, %get3A_505] {strides = array<i32>} : memref<104x128xf32, #tpu.memory_space<vmem>>, vector<16xf32>,
      %mul3A_507 = arith.mulf %get3A_461, %get3A_506 : vector<16xf32>
      %add3A_508 = arith.addf %add3A_502, %mul3A_507 : vector<16xf32>
      %get3A_509 = arith.constant 48 : i32
      %get3A_510 = arith.index_cast %get3A_509 : i32 to index
      %get3A_511 = arith.constant 96 : index
      %get3A_512 = tpu.vector_load %arg11[%get3A_510, %get3A_511] {strides = array<i32>} : memref<104x128xf32, #tpu.memory_space<vmem>>, vector<16xf32>,
      %mul3A_513 = arith.mulf %get3A_464, %get3A_512 : vector<16xf32>
      %add3A_514 = arith.addf %add3A_508, %mul3A_513 : vector<16xf32>
      %get3A_515 = arith.constant 48 : i32
      %get3A_516 = arith.index_cast %get3A_515 : i32 to index
      %get3A_517 = arith.constant 112 : index
      %get3A_518 = tpu.vector_load %arg11[%get3A_516, %get3A_517] {strides = array<i32>} : memref<104x128xf32, #tpu.memory_space<vmem>>, vector<16xf32>,
      %mul3A_519 = arith.mulf %get3A_467, %get3A_518 : vector<16xf32>
      %add3A_520 = arith.addf %add3A_514, %mul3A_519 : vector<16xf32>
      %cumsum3A_521 = arith.constant true
      %cumsum3A_522 = vector.broadcast %cumsum3A_521 : i1 to vector<16xi1>
      %cumsum3A_523 = tpu.scan <sum>, %add3A_520 masked %cumsum3A_522 : vector<16xf32>, vector<16xi1> -> vector<16xf32>
      %swap3A_524 = arith.constant 0 : i32
      %swap3A_525 = arith.index_cast %swap3A_524 : i32 to index
      %swap3A_526 = arith.constant 0 : index
      %swap3A_527 = tpu.vector_load %arg12[%swap3A_525, %swap3A_526] {strides = array<i32>} : memref<16x16xf32, #tpu.memory_space<vmem>>, vector<16xf32>,
      tpu.vector_store %arg12[%swap3A_525, %swap3A_526], %cumsum3A_523 {strides = array<i32>} : memref<16x16xf32, #tpu.memory_space<vmem>>, vector<16xf32>,
      %get3A_528 = arith.constant 49 : i32
      %get3A_529 = arith.index_cast %get3A_528 : i32 to index
      %get3A_530 = arith.constant 0 : index
      %get3A_531 = tpu.vector_load %arg11[%get3A_529, %get3A_530] {strides = array<i32>} : memref<104x128xf32, #tpu.memory_space<vmem>>, vector<16xf32>,
      %mul3A_532 = arith.mulf %get3A_446, %get3A_531 : vector<16xf32>
      %get3A_533 = arith.constant 49 : i32
      %get3A_534 = arith.index_cast %get3A_533 : i32 to index
      %get3A_535 = arith.constant 16 : index
      %get3A_536 = tpu.vector_load %arg11[%get3A_534, %get3A_535] {strides = array<i32>} : memref<104x128xf32, #tpu.memory_space<vmem>>, vector<16xf32>,
      %mul3A_537 = arith.mulf %get3A_449, %get3A_536 : vector<16xf32>
      %add3A_538 = arith.addf %mul3A_532, %mul3A_537 : vector<16xf32>
      %get3A_539 = arith.constant 49 : i32
      %get3A_540 = arith.index_cast %get3A_539 : i32 to index
      %get3A_541 = arith.constant 32 : index
      %get3A_542 = tpu.vector_load %arg11[%get3A_540, %get3A_541] {strides = array<i32>} : memref<104x128xf32, #tpu.memory_space<vmem>>, vector<16xf32>,
      %mul3A_543 = arith.mulf %get3A_452, %get3A_542 : vector<16xf32>
      %add3A_544 = arith.addf %add3A_538, %mul3A_543 : vector<16xf32>
      %get3A_545 = arith.constant 49 : i32
      %get3A_546 = arith.index_cast %get3A_545 : i32 to index
      %get3A_547 = arith.constant 48 : index
      %get3A_548 = tpu.vector_load %arg11[%get3A_546, %get3A_547] {strides = array<i32>} : memref<104x128xf32, #tpu.memory_space<vmem>>, vector<16xf32>,
      %mul3A_549 = arith.mulf %get3A_455, %get3A_548 : vector<16xf32>
      %add3A_550 = arith.addf %add3A_544, %mul3A_549 : vector<16xf32>
      %get3A_551 = arith.constant 49 : i32
      %get3A_552 = arith.index_cast %get3A_551 : i32 to index
      %get3A_553 = arith.constant 64 : index
      %get3A_554 = tpu.vector_load %arg11[%get3A_552, %get3A_553] {strides = array<i32>} : memref<104x128xf32, #tpu.memory_space<vmem>>, vector<16xf32>,
      %mul3A_555 = arith.mulf %get3A_458, %get3A_554 : vector<16xf32>
      %add3A_556 = arith.addf %add3A_550, %mul3A_555 : vector<16xf32>
      %get3A_557 = arith.constant 49 : i32
      %get3A_558 = arith.index_cast %get3A_557 : i32 to index
      %get3A_559 = arith.constant 80 : index
      %get3A_560 = tpu.vector_load %arg11[%get3A_558, %get3A_559] {strides = array<i32>} : memref<104x128xf32, #tpu.memory_space<vmem>>, vector<16xf32>,
      %mul3A_561 = arith.mulf %get3A_461, %get3A_560 : vector<16xf32>
      %add3A_562 = arith.addf %add3A_556, %mul3A_561 : vector<16xf32>
      %get3A_563 = arith.constant 49 : i32
      %get3A_564 = arith.index_cast %get3A_563 : i32 to index
      %get3A_565 = arith.constant 96 : index
      %get3A_566 = tpu.vector_load %arg11[%get3A_564, %get3A_565] {strides = array<i32>} : memref<104x128xf32, #tpu.memory_space<vmem>>, vector<16xf32>,
      %mul3A_567 = arith.mulf %get3A_464, %get3A_566 : vector<16xf32>
      %add3A_568 = arith.addf %add3A_562, %mul3A_567 : vector<16xf32>
      %get3A_569 = arith.constant 49 : i32
      %get3A_570 = arith.index_cast %get3A_569 : i32 to index
      %get3A_571 = arith.constant 112 : index
      %get3A_572 = tpu.vector_load %arg11[%get3A_570, %get3A_571] {strides = array<i32>} : memref<104x128xf32, #tpu.memory_space<vmem>>, vector<16xf32>,
      %mul3A_573 = arith.mulf %get3A_467, %get3A_572 : vector<16xf32>
      %add3A_574 = arith.addf %add3A_568, %mul3A_573 : vector<16xf32>
      %cumsum3A_575 = arith.constant true
      %cumsum3A_576 = vector.broadcast %cumsum3A_575 : i1 to vector<16xi1>
      %cumsum3A_577 = tpu.scan <sum>, %add3A_574 masked %cumsum3A_576 : vector<16xf32>, vector<16xi1> -> vector<16xf32>
      %swap3A_578 = arith.constant 1 : i32
      %swap3A_579 = arith.index_cast %swap3A_578 : i32 to index
      %swap3A_580 = arith.constant 0 : index
      %swap3A_581 = tpu.vector_load %arg12[%swap3A_579, %swap3A_580] {strides = array<i32>} : memref<16x16xf32, #tpu.memory_space<vmem>>, vector<16xf32>,
      tpu.vector_store %arg12[%swap3A_579, %swap3A_580], %cumsum3A_577 {strides = array<i32>} : memref<16x16xf32, #tpu.memory_space<vmem>>, vector<16xf32>,
      %get3A_582 = arith.constant 50 : i32
      %get3A_583 = arith.index_cast %get3A_582 : i32 to index
      %get3A_584 = arith.constant 0 : index
      %get3A_585 = tpu.vector_load %arg11[%get3A_583, %get3A_584] {strides = array<i32>} : memref<104x128xf32, #tpu.memory_space<vmem>>, vector<16xf32>,
      %mul3A_586 = arith.mulf %get3A_446, %get3A_585 : vector<16xf32>
      %get3A_587 = arith.constant 50 : i32
      %get3A_588 = arith.index_cast %get3A_587 : i32 to index
      %get3A_589 = arith.constant 16 : index
      %get3A_590 = tpu.vector_load %arg11[%get3A_588, %get3A_589] {strides = array<i32>} : memref<104x128xf32, #tpu.memory_space<vmem>>, vector<16xf32>,
      %mul3A_591 = arith.mulf %get3A_449, %get3A_590 : vector<16xf32>
      %add3A_592 = arith.addf %mul3A_586, %mul3A_591 : vector<16xf32>
      %get3A_593 = arith.constant 50 : i32
      %get3A_594 = arith.index_cast %get3A_593 : i32 to index
      %get3A_595 = arith.constant 32 : index
      %get3A_596 = tpu.vector_load %arg11[%get3A_594, %get3A_595] {strides = array<i32>} : memref<104x128xf32, #tpu.memory_space<vmem>>, vector<16xf32>,
      %mul3A_597 = arith.mulf %get3A_452, %get3A_596 : vector<16xf32>
      %add3A_598 = arith.addf %add3A_592, %mul3A_597 : vector<16xf32>
      %get3A_599 = arith.constant 50 : i32
      %get3A_600 = arith.index_cast %get3A_599 : i32 to index
      %get3A_601 = arith.constant 48 : index
      %get3A_602 = tpu.vector_load %arg11[%get3A_600, %get3A_601] {strides = array<i32>} : memref<104x128xf32, #tpu.memory_space<vmem>>, vector<16xf32>,
      %mul3A_603 = arith.mulf %get3A_455, %get3A_602 : vector<16xf32>
      %add3A_604 = arith.addf %add3A_598, %mul3A_603 : vector<16xf32>
      %get3A_605 = arith.constant 50 : i32
      %get3A_606 = arith.index_cast %get3A_605 : i32 to index
      %get3A_607 = arith.constant 64 : index
      %get3A_608 = tpu.vector_load %arg11[%get3A_606, %get3A_607] {strides = array<i32>} : memref<104x128xf32, #tpu.memory_space<vmem>>, vector<16xf32>,
      %mul3A_609 = arith.mulf %get3A_458, %get3A_608 : vector<16xf32>
      %add3A_610 = arith.addf %add3A_604, %mul3A_609 : vector<16xf32>
      %get3A_611 = arith.constant 50 : i32
      %get3A_612 = arith.index_cast %get3A_611 : i32 to index
      %get3A_613 = arith.constant 80 : index
      %get3A_614 = tpu.vector_load %arg11[%get3A_612, %get3A_613] {strides = array<i32>} : memref<104x128xf32, #tpu.memory_space<vmem>>, vector<16xf32>,
      %mul3A_615 = arith.mulf %get3A_461, %get3A_614 : vector<16xf32>
      %add3A_616 = arith.addf %add3A_610, %mul3A_615 : vector<16xf32>
      %get3A_617 = arith.constant 50 : i32
      %get3A_618 = arith.index_cast %get3A_617 : i32 to index
      %get3A_619 = arith.constant 96 : index
      %get3A_620 = tpu.vector_load %arg11[%get3A_618, %get3A_619] {strides = array<i32>} : memref<104x128xf32, #tpu.memory_space<vmem>>, vector<16xf32>,
      %mul3A_621 = arith.mulf %get3A_464, %get3A_620 : vector<16xf32>
      %add3A_622 = arith.addf %add3A_616, %mul3A_621 : vector<16xf32>
      %get3A_623 = arith.constant 50 : i32
      %get3A_624 = arith.index_cast %get3A_623 : i32 to index
      %get3A_625 = arith.constant 112 : index
      %get3A_626 = tpu.vector_load %arg11[%get3A_624, %get3A_625] {strides = array<i32>} : memref<104x128xf32, #tpu.memory_space<vmem>>, vector<16xf32>,
      %mul3A_627 = arith.mulf %get3A_467, %get3A_626 : vector<16xf32>
      %add3A_628 = arith.addf %add3A_622, %mul3A_627 : vector<16xf32>
      %cumsum3A_629 = arith.constant true
      %cumsum3A_630 = vector.broadcast %cumsum3A_629 : i1 to vector<16xi1>
      %cumsum3A_631 = tpu.scan <sum>, %add3A_628 masked %cumsum3A_630 : vector<16xf32>, vector<16xi1> -> vector<16xf32>
      %swap3A_632 = arith.constant 2 : i32
      %swap3A_633 = arith.index_cast %swap3A_632 : i32 to index
      %swap3A_634 = arith.constant 0 : index
      %swap3A_635 = tpu.vector_load %arg12[%swap3A_633, %swap3A_634] {strides = array<i32>} : memref<16x16xf32, #tpu.memory_space<vmem>>, vector<16xf32>,
      tpu.vector_store %arg12[%swap3A_633, %swap3A_634], %cumsum3A_631 {strides = array<i32>} : memref<16x16xf32, #tpu.memory_space<vmem>>, vector<16xf32>,
      %gather3A_636 = tpu.vector_load_idx %arg12[%iota3A, %broadcast_in_dim3A_23] : memref<16x16xf32, #tpu.memory_space<vmem>>[vector<16xi32>, vector<16xi32>], vector<16xf32>,
      %swap3A_637 = arith.index_cast %add3A_443 : i32 to index
      %swap3A_638 = arith.constant 48 : index
      %swap3A_639 = tpu.vector_load %arg13[%swap3A_637, %swap3A_638] {strides = array<i32>} : memref<128x64xf32, #tpu.memory_space<vmem>>, vector<16xf32>,
      tpu.vector_store %arg13[%swap3A_637, %swap3A_638], %gather3A_636 {strides = array<i32>} : memref<128x64xf32, #tpu.memory_space<vmem>>, vector<16xf32>,
      %mul3A_640 = arith.constant 2 : i32
      %mul3A_641 = arith.muli %mul3A_31, %mul3A_640 : i32
      %add3A_642 = arith.constant 3 : i32
      %add3A_643 = arith.addi %mul3A_641, %add3A_642 : i32
      %get3A_644 = arith.index_cast %add3A_643 : i32 to index
      %get3A_645 = arith.constant 0 : index
      %get3A_646 = tpu.vector_load %arg9[%get3A_644, %get3A_645] {strides = array<i32>} : memref<128x128xf32, #tpu.memory_space<vmem>>, vector<16xf32>,
      %get3A_647 = arith.index_cast %add3A_643 : i32 to index
      %get3A_648 = arith.constant 16 : index
      %get3A_649 = tpu.vector_load %arg9[%get3A_647, %get3A_648] {strides = array<i32>} : memref<128x128xf32, #tpu.memory_space<vmem>>, vector<16xf32>,
      %get3A_650 = arith.index_cast %add3A_643 : i32 to index
      %get3A_651 = arith.constant 32 : index
      %get3A_652 = tpu.vector_load %arg9[%get3A_650, %get3A_651] {strides = array<i32>} : memref<128x128xf32, #tpu.memory_space<vmem>>, vector<16xf32>,
      %get3A_653 = arith.index_cast %add3A_643 : i32 to index
      %get3A_654 = arith.constant 48 : index
      %get3A_655 = tpu.vector_load %arg9[%get3A_653, %get3A_654] {strides = array<i32>} : memref<128x128xf32, #tpu.memory_space<vmem>>, vector<16xf32>,
      %get3A_656 = arith.index_cast %add3A_643 : i32 to index
      %get3A_657 = arith.constant 64 : index
      %get3A_658 = tpu.vector_load %arg9[%get3A_656, %get3A_657] {strides = array<i32>} : memref<128x128xf32, #tpu.memory_space<vmem>>, vector<16xf32>,
      %get3A_659 = arith.index_cast %add3A_643 : i32 to index
      %get3A_660 = arith.constant 80 : index
      %get3A_661 = tpu.vector_load %arg9[%get3A_659, %get3A_660] {strides = array<i32>} : memref<128x128xf32, #tpu.memory_space<vmem>>, vector<16xf32>,
      %get3A_662 = arith.index_cast %add3A_643 : i32 to index
      %get3A_663 = arith.constant 96 : index
      %get3A_664 = tpu.vector_load %arg9[%get3A_662, %get3A_663] {strides = array<i32>} : memref<128x128xf32, #tpu.memory_space<vmem>>, vector<16xf32>,
      %get3A_665 = arith.index_cast %add3A_643 : i32 to index
      %get3A_666 = arith.constant 112 : index
      %get3A_667 = tpu.vector_load %arg9[%get3A_665, %get3A_666] {strides = array<i32>} : memref<128x128xf32, #tpu.memory_space<vmem>>, vector<16xf32>,
      %scan3A_668 = arith.constant 0 : i32
      %scan3A_669 = arith.constant 0 : i32
      %scan3A_670 = arith.constant 3 : i32
      %scan3A_671 = arith.addi %scan3A_669, %scan3A_670 : i32
      %scan3A_672 = arith.constant 1 : i32
      scf.for %scan3A_845 = %scan3A_669 to %scan3A_671 step %scan3A_672  : i32 {
        %mul3A_846 = arith.constant 16 : i32
        %mul3A_847 = arith.muli %mul3A_846, %scan3A_845 : i32
        %add3A_848 = arith.constant 51 : i32
        %add3A_849 = arith.addi %add3A_848, %mul3A_847 : i32
        %add3A_850 = arith.constant 0 : i32
        %add3A_851 = arith.addi %add3A_849, %add3A_850 : i32
        %get3A_852 = arith.index_cast %add3A_851 : i32 to index
        %get3A_853 = arith.constant 0 : index
        %get3A_854 = tpu.vector_load %arg11[%get3A_852, %get3A_853] {strides = array<i32>} : memref<104x128xf32, #tpu.memory_space<vmem>>, vector<16xf32>,
        %mul3A_855 = arith.mulf %get3A_646, %get3A_854 : vector<16xf32>
        %get3A_856 = arith.index_cast %add3A_851 : i32 to index
        %get3A_857 = arith.constant 16 : index
        %get3A_858 = tpu.vector_load %arg11[%get3A_856, %get3A_857] {strides = array<i32>} : memref<104x128xf32, #tpu.memory_space<vmem>>, vector<16xf32>,
        %mul3A_859 = arith.mulf %get3A_649, %get3A_858 : vector<16xf32>
        %add3A_860 = arith.addf %mul3A_855, %mul3A_859 : vector<16xf32>
        %get3A_861 = arith.index_cast %add3A_851 : i32 to index
        %get3A_862 = arith.constant 32 : index
        %get3A_863 = tpu.vector_load %arg11[%get3A_861, %get3A_862] {strides = array<i32>} : memref<104x128xf32, #tpu.memory_space<vmem>>, vector<16xf32>,
        %mul3A_864 = arith.mulf %get3A_652, %get3A_863 : vector<16xf32>
        %add3A_865 = arith.addf %add3A_860, %mul3A_864 : vector<16xf32>
        %get3A_866 = arith.index_cast %add3A_851 : i32 to index
        %get3A_867 = arith.constant 48 : index
        %get3A_868 = tpu.vector_load %arg11[%get3A_866, %get3A_867] {strides = array<i32>} : memref<104x128xf32, #tpu.memory_space<vmem>>, vector<16xf32>,
        %mul3A_869 = arith.mulf %get3A_655, %get3A_868 : vector<16xf32>
        %add3A_870 = arith.addf %add3A_865, %mul3A_869 : vector<16xf32>
        %get3A_871 = arith.index_cast %add3A_851 : i32 to index
        %get3A_872 = arith.constant 64 : index
        %get3A_873 = tpu.vector_load %arg11[%get3A_871, %get3A_872] {strides = array<i32>} : memref<104x128xf32, #tpu.memory_space<vmem>>, vector<16xf32>,
        %mul3A_874 = arith.mulf %get3A_658, %get3A_873 : vector<16xf32>
        %add3A_875 = arith.addf %add3A_870, %mul3A_874 : vector<16xf32>
        %get3A_876 = arith.index_cast %add3A_851 : i32 to index
        %get3A_877 = arith.constant 80 : index
        %get3A_878 = tpu.vector_load %arg11[%get3A_876, %get3A_877] {strides = array<i32>} : memref<104x128xf32, #tpu.memory_space<vmem>>, vector<16xf32>,
        %mul3A_879 = arith.mulf %get3A_661, %get3A_878 : vector<16xf32>
        %add3A_880 = arith.addf %add3A_875, %mul3A_879 : vector<16xf32>
        %get3A_881 = arith.index_cast %add3A_851 : i32 to index
        %get3A_882 = arith.constant 96 : index
        %get3A_883 = tpu.vector_load %arg11[%get3A_881, %get3A_882] {strides = array<i32>} : memref<104x128xf32, #tpu.memory_space<vmem>>, vector<16xf32>,
        %mul3A_884 = arith.mulf %get3A_664, %get3A_883 : vector<16xf32>
        %add3A_885 = arith.addf %add3A_880, %mul3A_884 : vector<16xf32>
        %get3A_886 = arith.index_cast %add3A_851 : i32 to index
        %get3A_887 = arith.constant 112 : index
        %get3A_888 = tpu.vector_load %arg11[%get3A_886, %get3A_887] {strides = array<i32>} : memref<104x128xf32, #tpu.memory_space<vmem>>, vector<16xf32>,
        %mul3A_889 = arith.mulf %get3A_667, %get3A_888 : vector<16xf32>
        %add3A_890 = arith.addf %add3A_885, %mul3A_889 : vector<16xf32>
        %cumsum3A_891 = arith.constant true
        %cumsum3A_892 = vector.broadcast %cumsum3A_891 : i1 to vector<16xi1>
        %cumsum3A_893 = tpu.scan <sum>, %add3A_890 masked %cumsum3A_892 : vector<16xf32>, vector<16xi1> -> vector<16xf32>
        %swap3A_894 = arith.constant 0 : i32
        %swap3A_895 = arith.index_cast %swap3A_894 : i32 to index
        %swap3A_896 = arith.constant 0 : index
        %swap3A_897 = tpu.vector_load %arg12[%swap3A_895, %swap3A_896] {strides = array<i32>} : memref<16x16xf32, #tpu.memory_space<vmem>>, vector<16xf32>,
        tpu.vector_store %arg12[%swap3A_895, %swap3A_896], %cumsum3A_893 {strides = array<i32>} : memref<16x16xf32, #tpu.memory_space<vmem>>, vector<16xf32>,
        %mul3A_898 = arith.constant 16 : i32
        %mul3A_899 = arith.muli %mul3A_898, %scan3A_845 : i32
        %add3A_900 = arith.constant 51 : i32
        %add3A_901 = arith.addi %add3A_900, %mul3A_899 : i32
        %add3A_902 = arith.constant 1 : i32
        %add3A_903 = arith.addi %add3A_901, %add3A_902 : i32
        %get3A_904 = arith.index_cast %add3A_903 : i32 to index
        %get3A_905 = arith.constant 0 : index
        %get3A_906 = tpu.vector_load %arg11[%get3A_904, %get3A_905] {strides = array<i32>} : memref<104x128xf32, #tpu.memory_space<vmem>>, vector<16xf32>,
        %mul3A_907 = arith.mulf %get3A_646, %get3A_906 : vector<16xf32>
        %get3A_908 = arith.index_cast %add3A_903 : i32 to index
        %get3A_909 = arith.constant 16 : index
        %get3A_910 = tpu.vector_load %arg11[%get3A_908, %get3A_909] {strides = array<i32>} : memref<104x128xf32, #tpu.memory_space<vmem>>, vector<16xf32>,
        %mul3A_911 = arith.mulf %get3A_649, %get3A_910 : vector<16xf32>
        %add3A_912 = arith.addf %mul3A_907, %mul3A_911 : vector<16xf32>
        %get3A_913 = arith.index_cast %add3A_903 : i32 to index
        %get3A_914 = arith.constant 32 : index
        %get3A_915 = tpu.vector_load %arg11[%get3A_913, %get3A_914] {strides = array<i32>} : memref<104x128xf32, #tpu.memory_space<vmem>>, vector<16xf32>,
        %mul3A_916 = arith.mulf %get3A_652, %get3A_915 : vector<16xf32>
        %add3A_917 = arith.addf %add3A_912, %mul3A_916 : vector<16xf32>
        %get3A_918 = arith.index_cast %add3A_903 : i32 to index
        %get3A_919 = arith.constant 48 : index
        %get3A_920 = tpu.vector_load %arg11[%get3A_918, %get3A_919] {strides = array<i32>} : memref<104x128xf32, #tpu.memory_space<vmem>>, vector<16xf32>,
        %mul3A_921 = arith.mulf %get3A_655, %get3A_920 : vector<16xf32>
        %add3A_922 = arith.addf %add3A_917, %mul3A_921 : vector<16xf32>
        %get3A_923 = arith.index_cast %add3A_903 : i32 to index
        %get3A_924 = arith.constant 64 : index
        %get3A_925 = tpu.vector_load %arg11[%get3A_923, %get3A_924] {strides = array<i32>} : memref<104x128xf32, #tpu.memory_space<vmem>>, vector<16xf32>,
        %mul3A_926 = arith.mulf %get3A_658, %get3A_925 : vector<16xf32>
        %add3A_927 = arith.addf %add3A_922, %mul3A_926 : vector<16xf32>
        %get3A_928 = arith.index_cast %add3A_903 : i32 to index
        %get3A_929 = arith.constant 80 : index
        %get3A_930 = tpu.vector_load %arg11[%get3A_928, %get3A_929] {strides = array<i32>} : memref<104x128xf32, #tpu.memory_space<vmem>>, vector<16xf32>,
        %mul3A_931 = arith.mulf %get3A_661, %get3A_930 : vector<16xf32>
        %add3A_932 = arith.addf %add3A_927, %mul3A_931 : vector<16xf32>
        %get3A_933 = arith.index_cast %add3A_903 : i32 to index
        %get3A_934 = arith.constant 96 : index
        %get3A_935 = tpu.vector_load %arg11[%get3A_933, %get3A_934] {strides = array<i32>} : memref<104x128xf32, #tpu.memory_space<vmem>>, vector<16xf32>,
        %mul3A_936 = arith.mulf %get3A_664, %get3A_935 : vector<16xf32>
        %add3A_937 = arith.addf %add3A_932, %mul3A_936 : vector<16xf32>
        %get3A_938 = arith.index_cast %add3A_903 : i32 to index
        %get3A_939 = arith.constant 112 : index
        %get3A_940 = tpu.vector_load %arg11[%get3A_938, %get3A_939] {strides = array<i32>} : memref<104x128xf32, #tpu.memory_space<vmem>>, vector<16xf32>,
        %mul3A_941 = arith.mulf %get3A_667, %get3A_940 : vector<16xf32>
        %add3A_942 = arith.addf %add3A_937, %mul3A_941 : vector<16xf32>
        %cumsum3A_943 = arith.constant true
        %cumsum3A_944 = vector.broadcast %cumsum3A_943 : i1 to vector<16xi1>
        %cumsum3A_945 = tpu.scan <sum>, %add3A_942 masked %cumsum3A_944 : vector<16xf32>, vector<16xi1> -> vector<16xf32>
        %swap3A_946 = arith.constant 1 : i32
        %swap3A_947 = arith.index_cast %swap3A_946 : i32 to index
        %swap3A_948 = arith.constant 0 : index
        %swap3A_949 = tpu.vector_load %arg12[%swap3A_947, %swap3A_948] {strides = array<i32>} : memref<16x16xf32, #tpu.memory_space<vmem>>, vector<16xf32>,
        tpu.vector_store %arg12[%swap3A_947, %swap3A_948], %cumsum3A_945 {strides = array<i32>} : memref<16x16xf32, #tpu.memory_space<vmem>>, vector<16xf32>,
        %mul3A_950 = arith.constant 16 : i32
        %mul3A_951 = arith.muli %mul3A_950, %scan3A_845 : i32
        %add3A_952 = arith.constant 51 : i32
        %add3A_953 = arith.addi %add3A_952, %mul3A_951 : i32
        %add3A_954 = arith.constant 2 : i32
        %add3A_955 = arith.addi %add3A_953, %add3A_954 : i32
        %get3A_956 = arith.index_cast %add3A_955 : i32 to index
        %get3A_957 = arith.constant 0 : index
        %get3A_958 = tpu.vector_load %arg11[%get3A_956, %get3A_957] {strides = array<i32>} : memref<104x128xf32, #tpu.memory_space<vmem>>, vector<16xf32>,
        %mul3A_959 = arith.mulf %get3A_646, %get3A_958 : vector<16xf32>
        %get3A_960 = arith.index_cast %add3A_955 : i32 to index
        %get3A_961 = arith.constant 16 : index
        %get3A_962 = tpu.vector_load %arg11[%get3A_960, %get3A_961] {strides = array<i32>} : memref<104x128xf32, #tpu.memory_space<vmem>>, vector<16xf32>,
        %mul3A_963 = arith.mulf %get3A_649, %get3A_962 : vector<16xf32>
        %add3A_964 = arith.addf %mul3A_959, %mul3A_963 : vector<16xf32>
        %get3A_965 = arith.index_cast %add3A_955 : i32 to index
        %get3A_966 = arith.constant 32 : index
        %get3A_967 = tpu.vector_load %arg11[%get3A_965, %get3A_966] {strides = array<i32>} : memref<104x128xf32, #tpu.memory_space<vmem>>, vector<16xf32>,
        %mul3A_968 = arith.mulf %get3A_652, %get3A_967 : vector<16xf32>
        %add3A_969 = arith.addf %add3A_964, %mul3A_968 : vector<16xf32>
        %get3A_970 = arith.index_cast %add3A_955 : i32 to index
        %get3A_971 = arith.constant 48 : index
        %get3A_972 = tpu.vector_load %arg11[%get3A_970, %get3A_971] {strides = array<i32>} : memref<104x128xf32, #tpu.memory_space<vmem>>, vector<16xf32>,
        %mul3A_973 = arith.mulf %get3A_655, %get3A_972 : vector<16xf32>
        %add3A_974 = arith.addf %add3A_969, %mul3A_973 : vector<16xf32>
        %get3A_975 = arith.index_cast %add3A_955 : i32 to index
        %get3A_976 = arith.constant 64 : index
        %get3A_977 = tpu.vector_load %arg11[%get3A_975, %get3A_976] {strides = array<i32>} : memref<104x128xf32, #tpu.memory_space<vmem>>, vector<16xf32>,
        %mul3A_978 = arith.mulf %get3A_658, %get3A_977 : vector<16xf32>
        %add3A_979 = arith.addf %add3A_974, %mul3A_978 : vector<16xf32>
        %get3A_980 = arith.index_cast %add3A_955 : i32 to index
        %get3A_981 = arith.constant 80 : index
        %get3A_982 = tpu.vector_load %arg11[%get3A_980, %get3A_981] {strides = array<i32>} : memref<104x128xf32, #tpu.memory_space<vmem>>, vector<16xf32>,
        %mul3A_983 = arith.mulf %get3A_661, %get3A_982 : vector<16xf32>
        %add3A_984 = arith.addf %add3A_979, %mul3A_983 : vector<16xf32>
        %get3A_985 = arith.index_cast %add3A_955 : i32 to index
        %get3A_986 = arith.constant 96 : index
        %get3A_987 = tpu.vector_load %arg11[%get3A_985, %get3A_986] {strides = array<i32>} : memref<104x128xf32, #tpu.memory_space<vmem>>, vector<16xf32>,
        %mul3A_988 = arith.mulf %get3A_664, %get3A_987 : vector<16xf32>
        %add3A_989 = arith.addf %add3A_984, %mul3A_988 : vector<16xf32>
        %get3A_990 = arith.index_cast %add3A_955 : i32 to index
        %get3A_991 = arith.constant 112 : index
        %get3A_992 = tpu.vector_load %arg11[%get3A_990, %get3A_991] {strides = array<i32>} : memref<104x128xf32, #tpu.memory_space<vmem>>, vector<16xf32>,
        %mul3A_993 = arith.mulf %get3A_667, %get3A_992 : vector<16xf32>
        %add3A_994 = arith.addf %add3A_989, %mul3A_993 : vector<16xf32>
        %cumsum3A_995 = arith.constant true
        %cumsum3A_996 = vector.broadcast %cumsum3A_995 : i1 to vector<16xi1>
        %cumsum3A_997 = tpu.scan <sum>, %add3A_994 masked %cumsum3A_996 : vector<16xf32>, vector<16xi1> -> vector<16xf32>
        %swap3A_998 = arith.constant 2 : i32
        %swap3A_999 = arith.index_cast %swap3A_998 : i32 to index
        %swap3A_1000 = arith.constant 0 : index
        %swap3A_1001 = tpu.vector_load %arg12[%swap3A_999, %swap3A_1000] {strides = array<i32>} : memref<16x16xf32, #tpu.memory_space<vmem>>, vector<16xf32>,
        tpu.vector_store %arg12[%swap3A_999, %swap3A_1000], %cumsum3A_997 {strides = array<i32>} : memref<16x16xf32, #tpu.memory_space<vmem>>, vector<16xf32>,
        %mul3A_1002 = arith.constant 16 : i32
        %mul3A_1003 = arith.muli %mul3A_1002, %scan3A_845 : i32
        %add3A_1004 = arith.constant 51 : i32
        %add3A_1005 = arith.addi %add3A_1004, %mul3A_1003 : i32
        %add3A_1006 = arith.constant 3 : i32
        %add3A_1007 = arith.addi %add3A_1005, %add3A_1006 : i32
        %get3A_1008 = arith.index_cast %add3A_1007 : i32 to index
        %get3A_1009 = arith.constant 0 : index
        %get3A_1010 = tpu.vector_load %arg11[%get3A_1008, %get3A_1009] {strides = array<i32>} : memref<104x128xf32, #tpu.memory_space<vmem>>, vector<16xf32>,
        %mul3A_1011 = arith.mulf %get3A_646, %get3A_1010 : vector<16xf32>
        %get3A_1012 = arith.index_cast %add3A_1007 : i32 to index
        %get3A_1013 = arith.constant 16 : index
        %get3A_1014 = tpu.vector_load %arg11[%get3A_1012, %get3A_1013] {strides = array<i32>} : memref<104x128xf32, #tpu.memory_space<vmem>>, vector<16xf32>,
        %mul3A_1015 = arith.mulf %get3A_649, %get3A_1014 : vector<16xf32>
        %add3A_1016 = arith.addf %mul3A_1011, %mul3A_1015 : vector<16xf32>
        %get3A_1017 = arith.index_cast %add3A_1007 : i32 to index
        %get3A_1018 = arith.constant 32 : index
        %get3A_1019 = tpu.vector_load %arg11[%get3A_1017, %get3A_1018] {strides = array<i32>} : memref<104x128xf32, #tpu.memory_space<vmem>>, vector<16xf32>,
        %mul3A_1020 = arith.mulf %get3A_652, %get3A_1019 : vector<16xf32>
        %add3A_1021 = arith.addf %add3A_1016, %mul3A_1020 : vector<16xf32>
        %get3A_1022 = arith.index_cast %add3A_1007 : i32 to index
        %get3A_1023 = arith.constant 48 : index
        %get3A_1024 = tpu.vector_load %arg11[%get3A_1022, %get3A_1023] {strides = array<i32>} : memref<104x128xf32, #tpu.memory_space<vmem>>, vector<16xf32>,
        %mul3A_1025 = arith.mulf %get3A_655, %get3A_1024 : vector<16xf32>
        %add3A_1026 = arith.addf %add3A_1021, %mul3A_1025 : vector<16xf32>
        %get3A_1027 = arith.index_cast %add3A_1007 : i32 to index
        %get3A_1028 = arith.constant 64 : index
        %get3A_1029 = tpu.vector_load %arg11[%get3A_1027, %get3A_1028] {strides = array<i32>} : memref<104x128xf32, #tpu.memory_space<vmem>>, vector<16xf32>,
        %mul3A_1030 = arith.mulf %get3A_658, %get3A_1029 : vector<16xf32>
        %add3A_1031 = arith.addf %add3A_1026, %mul3A_1030 : vector<16xf32>
        %get3A_1032 = arith.index_cast %add3A_1007 : i32 to index
        %get3A_1033 = arith.constant 80 : index
        %get3A_1034 = tpu.vector_load %arg11[%get3A_1032, %get3A_1033] {strides = array<i32>} : memref<104x128xf32, #tpu.memory_space<vmem>>, vector<16xf32>,
        %mul3A_1035 = arith.mulf %get3A_661, %get3A_1034 : vector<16xf32>
        %add3A_1036 = arith.addf %add3A_1031, %mul3A_1035 : vector<16xf32>
        %get3A_1037 = arith.index_cast %add3A_1007 : i32 to index
        %get3A_1038 = arith.constant 96 : index
        %get3A_1039 = tpu.vector_load %arg11[%get3A_1037, %get3A_1038] {strides = array<i32>} : memref<104x128xf32, #tpu.memory_space<vmem>>, vector<16xf32>,
        %mul3A_1040 = arith.mulf %get3A_664, %get3A_1039 : vector<16xf32>
        %add3A_1041 = arith.addf %add3A_1036, %mul3A_1040 : vector<16xf32>
        %get3A_1042 = arith.index_cast %add3A_1007 : i32 to index
        %get3A_1043 = arith.constant 112 : index
        %get3A_1044 = tpu.vector_load %arg11[%get3A_1042, %get3A_1043] {strides = array<i32>} : memref<104x128xf32, #tpu.memory_space<vmem>>, vector<16xf32>,
        %mul3A_1045 = arith.mulf %get3A_667, %get3A_1044 : vector<16xf32>
        %add3A_1046 = arith.addf %add3A_1041, %mul3A_1045 : vector<16xf32>
        %cumsum3A_1047 = arith.constant true
        %cumsum3A_1048 = vector.broadcast %cumsum3A_1047 : i1 to vector<16xi1>
        %cumsum3A_1049 = tpu.scan <sum>, %add3A_1046 masked %cumsum3A_1048 : vector<16xf32>, vector<16xi1> -> vector<16xf32>
        %swap3A_1050 = arith.constant 3 : i32
        %swap3A_1051 = arith.index_cast %swap3A_1050 : i32 to index
        %swap3A_1052 = arith.constant 0 : index
        %swap3A_1053 = tpu.vector_load %arg12[%swap3A_1051, %swap3A_1052] {strides = array<i32>} : memref<16x16xf32, #tpu.memory_space<vmem>>, vector<16xf32>,
        tpu.vector_store %arg12[%swap3A_1051, %swap3A_1052], %cumsum3A_1049 {strides = array<i32>} : memref<16x16xf32, #tpu.memory_space<vmem>>, vector<16xf32>,
        %mul3A_1054 = arith.constant 16 : i32
        %mul3A_1055 = arith.muli %mul3A_1054, %scan3A_845 : i32
        %add3A_1056 = arith.constant 51 : i32
        %add3A_1057 = arith.addi %add3A_1056, %mul3A_1055 : i32
        %add3A_1058 = arith.constant 4 : i32
        %add3A_1059 = arith.addi %add3A_1057, %add3A_1058 : i32
        %get3A_1060 = arith.index_cast %add3A_1059 : i32 to index
        %get3A_1061 = arith.constant 0 : index
        %get3A_1062 = tpu.vector_load %arg11[%get3A_1060, %get3A_1061] {strides = array<i32>} : memref<104x128xf32, #tpu.memory_space<vmem>>, vector<16xf32>,
        %mul3A_1063 = arith.mulf %get3A_646, %get3A_1062 : vector<16xf32>
        %get3A_1064 = arith.index_cast %add3A_1059 : i32 to index
        %get3A_1065 = arith.constant 16 : index
        %get3A_1066 = tpu.vector_load %arg11[%get3A_1064, %get3A_1065] {strides = array<i32>} : memref<104x128xf32, #tpu.memory_space<vmem>>, vector<16xf32>,
        %mul3A_1067 = arith.mulf %get3A_649, %get3A_1066 : vector<16xf32>
        %add3A_1068 = arith.addf %mul3A_1063, %mul3A_1067 : vector<16xf32>
        %get3A_1069 = arith.index_cast %add3A_1059 : i32 to index
        %get3A_1070 = arith.constant 32 : index
        %get3A_1071 = tpu.vector_load %arg11[%get3A_1069, %get3A_1070] {strides = array<i32>} : memref<104x128xf32, #tpu.memory_space<vmem>>, vector<16xf32>,
        %mul3A_1072 = arith.mulf %get3A_652, %get3A_1071 : vector<16xf32>
        %add3A_1073 = arith.addf %add3A_1068, %mul3A_1072 : vector<16xf32>
        %get3A_1074 = arith.index_cast %add3A_1059 : i32 to index
        %get3A_1075 = arith.constant 48 : index
        %get3A_1076 = tpu.vector_load %arg11[%get3A_1074, %get3A_1075] {strides = array<i32>} : memref<104x128xf32, #tpu.memory_space<vmem>>, vector<16xf32>,
        %mul3A_1077 = arith.mulf %get3A_655, %get3A_1076 : vector<16xf32>
        %add3A_1078 = arith.addf %add3A_1073, %mul3A_1077 : vector<16xf32>
        %get3A_1079 = arith.index_cast %add3A_1059 : i32 to index
        %get3A_1080 = arith.constant 64 : index
        %get3A_1081 = tpu.vector_load %arg11[%get3A_1079, %get3A_1080] {strides = array<i32>} : memref<104x128xf32, #tpu.memory_space<vmem>>, vector<16xf32>,
        %mul3A_1082 = arith.mulf %get3A_658, %get3A_1081 : vector<16xf32>
        %add3A_1083 = arith.addf %add3A_1078, %mul3A_1082 : vector<16xf32>
        %get3A_1084 = arith.index_cast %add3A_1059 : i32 to index
        %get3A_1085 = arith.constant 80 : index
        %get3A_1086 = tpu.vector_load %arg11[%get3A_1084, %get3A_1085] {strides = array<i32>} : memref<104x128xf32, #tpu.memory_space<vmem>>, vector<16xf32>,
        %mul3A_1087 = arith.mulf %get3A_661, %get3A_1086 : vector<16xf32>
        %add3A_1088 = arith.addf %add3A_1083, %mul3A_1087 : vector<16xf32>
        %get3A_1089 = arith.index_cast %add3A_1059 : i32 to index
        %get3A_1090 = arith.constant 96 : index
        %get3A_1091 = tpu.vector_load %arg11[%get3A_1089, %get3A_1090] {strides = array<i32>} : memref<104x128xf32, #tpu.memory_space<vmem>>, vector<16xf32>,
        %mul3A_1092 = arith.mulf %get3A_664, %get3A_1091 : vector<16xf32>
        %add3A_1093 = arith.addf %add3A_1088, %mul3A_1092 : vector<16xf32>
        %get3A_1094 = arith.index_cast %add3A_1059 : i32 to index
        %get3A_1095 = arith.constant 112 : index
        %get3A_1096 = tpu.vector_load %arg11[%get3A_1094, %get3A_1095] {strides = array<i32>} : memref<104x128xf32, #tpu.memory_space<vmem>>, vector<16xf32>,
        %mul3A_1097 = arith.mulf %get3A_667, %get3A_1096 : vector<16xf32>
        %add3A_1098 = arith.addf %add3A_1093, %mul3A_1097 : vector<16xf32>
        %cumsum3A_1099 = arith.constant true
        %cumsum3A_1100 = vector.broadcast %cumsum3A_1099 : i1 to vector<16xi1>
        %cumsum3A_1101 = tpu.scan <sum>, %add3A_1098 masked %cumsum3A_1100 : vector<16xf32>, vector<16xi1> -> vector<16xf32>
        %swap3A_1102 = arith.constant 4 : i32
        %swap3A_1103 = arith.index_cast %swap3A_1102 : i32 to index
        %swap3A_1104 = arith.constant 0 : index
        %swap3A_1105 = tpu.vector_load %arg12[%swap3A_1103, %swap3A_1104] {strides = array<i32>} : memref<16x16xf32, #tpu.memory_space<vmem>>, vector<16xf32>,
        tpu.vector_store %arg12[%swap3A_1103, %swap3A_1104], %cumsum3A_1101 {strides = array<i32>} : memref<16x16xf32, #tpu.memory_space<vmem>>, vector<16xf32>,
        %mul3A_1106 = arith.constant 16 : i32
        %mul3A_1107 = arith.muli %mul3A_1106, %scan3A_845 : i32
        %add3A_1108 = arith.constant 51 : i32
        %add3A_1109 = arith.addi %add3A_1108, %mul3A_1107 : i32
        %add3A_1110 = arith.constant 5 : i32
        %add3A_1111 = arith.addi %add3A_1109, %add3A_1110 : i32
        %get3A_1112 = arith.index_cast %add3A_1111 : i32 to index
        %get3A_1113 = arith.constant 0 : index
        %get3A_1114 = tpu.vector_load %arg11[%get3A_1112, %get3A_1113] {strides = array<i32>} : memref<104x128xf32, #tpu.memory_space<vmem>>, vector<16xf32>,
        %mul3A_1115 = arith.mulf %get3A_646, %get3A_1114 : vector<16xf32>
        %get3A_1116 = arith.index_cast %add3A_1111 : i32 to index
        %get3A_1117 = arith.constant 16 : index
        %get3A_1118 = tpu.vector_load %arg11[%get3A_1116, %get3A_1117] {strides = array<i32>} : memref<104x128xf32, #tpu.memory_space<vmem>>, vector<16xf32>,
        %mul3A_1119 = arith.mulf %get3A_649, %get3A_1118 : vector<16xf32>
        %add3A_1120 = arith.addf %mul3A_1115, %mul3A_1119 : vector<16xf32>
        %get3A_1121 = arith.index_cast %add3A_1111 : i32 to index
        %get3A_1122 = arith.constant 32 : index
        %get3A_1123 = tpu.vector_load %arg11[%get3A_1121, %get3A_1122] {strides = array<i32>} : memref<104x128xf32, #tpu.memory_space<vmem>>, vector<16xf32>,
        %mul3A_1124 = arith.mulf %get3A_652, %get3A_1123 : vector<16xf32>
        %add3A_1125 = arith.addf %add3A_1120, %mul3A_1124 : vector<16xf32>
        %get3A_1126 = arith.index_cast %add3A_1111 : i32 to index
        %get3A_1127 = arith.constant 48 : index
        %get3A_1128 = tpu.vector_load %arg11[%get3A_1126, %get3A_1127] {strides = array<i32>} : memref<104x128xf32, #tpu.memory_space<vmem>>, vector<16xf32>,
        %mul3A_1129 = arith.mulf %get3A_655, %get3A_1128 : vector<16xf32>
        %add3A_1130 = arith.addf %add3A_1125, %mul3A_1129 : vector<16xf32>
        %get3A_1131 = arith.index_cast %add3A_1111 : i32 to index
        %get3A_1132 = arith.constant 64 : index
        %get3A_1133 = tpu.vector_load %arg11[%get3A_1131, %get3A_1132] {strides = array<i32>} : memref<104x128xf32, #tpu.memory_space<vmem>>, vector<16xf32>,
        %mul3A_1134 = arith.mulf %get3A_658, %get3A_1133 : vector<16xf32>
        %add3A_1135 = arith.addf %add3A_1130, %mul3A_1134 : vector<16xf32>
        %get3A_1136 = arith.index_cast %add3A_1111 : i32 to index
        %get3A_1137 = arith.constant 80 : index
        %get3A_1138 = tpu.vector_load %arg11[%get3A_1136, %get3A_1137] {strides = array<i32>} : memref<104x128xf32, #tpu.memory_space<vmem>>, vector<16xf32>,
        %mul3A_1139 = arith.mulf %get3A_661, %get3A_1138 : vector<16xf32>
        %add3A_1140 = arith.addf %add3A_1135, %mul3A_1139 : vector<16xf32>
        %get3A_1141 = arith.index_cast %add3A_1111 : i32 to index
        %get3A_1142 = arith.constant 96 : index
        %get3A_1143 = tpu.vector_load %arg11[%get3A_1141, %get3A_1142] {strides = array<i32>} : memref<104x128xf32, #tpu.memory_space<vmem>>, vector<16xf32>,
        %mul3A_1144 = arith.mulf %get3A_664, %get3A_1143 : vector<16xf32>
        %add3A_1145 = arith.addf %add3A_1140, %mul3A_1144 : vector<16xf32>
        %get3A_1146 = arith.index_cast %add3A_1111 : i32 to index
        %get3A_1147 = arith.constant 112 : index
        %get3A_1148 = tpu.vector_load %arg11[%get3A_1146, %get3A_1147] {strides = array<i32>} : memref<104x128xf32, #tpu.memory_space<vmem>>, vector<16xf32>,
        %mul3A_1149 = arith.mulf %get3A_667, %get3A_1148 : vector<16xf32>
        %add3A_1150 = arith.addf %add3A_1145, %mul3A_1149 : vector<16xf32>
        %cumsum3A_1151 = arith.constant true
        %cumsum3A_1152 = vector.broadcast %cumsum3A_1151 : i1 to vector<16xi1>
        %cumsum3A_1153 = tpu.scan <sum>, %add3A_1150 masked %cumsum3A_1152 : vector<16xf32>, vector<16xi1> -> vector<16xf32>
        %swap3A_1154 = arith.constant 5 : i32
        %swap3A_1155 = arith.index_cast %swap3A_1154 : i32 to index
        %swap3A_1156 = arith.constant 0 : index
        %swap3A_1157 = tpu.vector_load %arg12[%swap3A_1155, %swap3A_1156] {strides = array<i32>} : memref<16x16xf32, #tpu.memory_space<vmem>>, vector<16xf32>,
        tpu.vector_store %arg12[%swap3A_1155, %swap3A_1156], %cumsum3A_1153 {strides = array<i32>} : memref<16x16xf32, #tpu.memory_space<vmem>>, vector<16xf32>,
        %mul3A_1158 = arith.constant 16 : i32
        %mul3A_1159 = arith.muli %mul3A_1158, %scan3A_845 : i32
        %add3A_1160 = arith.constant 51 : i32
        %add3A_1161 = arith.addi %add3A_1160, %mul3A_1159 : i32
        %add3A_1162 = arith.constant 6 : i32
        %add3A_1163 = arith.addi %add3A_1161, %add3A_1162 : i32
        %get3A_1164 = arith.index_cast %add3A_1163 : i32 to index
        %get3A_1165 = arith.constant 0 : index
        %get3A_1166 = tpu.vector_load %arg11[%get3A_1164, %get3A_1165] {strides = array<i32>} : memref<104x128xf32, #tpu.memory_space<vmem>>, vector<16xf32>,
        %mul3A_1167 = arith.mulf %get3A_646, %get3A_1166 : vector<16xf32>
        %get3A_1168 = arith.index_cast %add3A_1163 : i32 to index
        %get3A_1169 = arith.constant 16 : index
        %get3A_1170 = tpu.vector_load %arg11[%get3A_1168, %get3A_1169] {strides = array<i32>} : memref<104x128xf32, #tpu.memory_space<vmem>>, vector<16xf32>,
        %mul3A_1171 = arith.mulf %get3A_649, %get3A_1170 : vector<16xf32>
        %add3A_1172 = arith.addf %mul3A_1167, %mul3A_1171 : vector<16xf32>
        %get3A_1173 = arith.index_cast %add3A_1163 : i32 to index
        %get3A_1174 = arith.constant 32 : index
        %get3A_1175 = tpu.vector_load %arg11[%get3A_1173, %get3A_1174] {strides = array<i32>} : memref<104x128xf32, #tpu.memory_space<vmem>>, vector<16xf32>,
        %mul3A_1176 = arith.mulf %get3A_652, %get3A_1175 : vector<16xf32>
        %add3A_1177 = arith.addf %add3A_1172, %mul3A_1176 : vector<16xf32>
        %get3A_1178 = arith.index_cast %add3A_1163 : i32 to index
        %get3A_1179 = arith.constant 48 : index
        %get3A_1180 = tpu.vector_load %arg11[%get3A_1178, %get3A_1179] {strides = array<i32>} : memref<104x128xf32, #tpu.memory_space<vmem>>, vector<16xf32>,
        %mul3A_1181 = arith.mulf %get3A_655, %get3A_1180 : vector<16xf32>
        %add3A_1182 = arith.addf %add3A_1177, %mul3A_1181 : vector<16xf32>
        %get3A_1183 = arith.index_cast %add3A_1163 : i32 to index
        %get3A_1184 = arith.constant 64 : index
        %get3A_1185 = tpu.vector_load %arg11[%get3A_1183, %get3A_1184] {strides = array<i32>} : memref<104x128xf32, #tpu.memory_space<vmem>>, vector<16xf32>,
        %mul3A_1186 = arith.mulf %get3A_658, %get3A_1185 : vector<16xf32>
        %add3A_1187 = arith.addf %add3A_1182, %mul3A_1186 : vector<16xf32>
        %get3A_1188 = arith.index_cast %add3A_1163 : i32 to index
        %get3A_1189 = arith.constant 80 : index
        %get3A_1190 = tpu.vector_load %arg11[%get3A_1188, %get3A_1189] {strides = array<i32>} : memref<104x128xf32, #tpu.memory_space<vmem>>, vector<16xf32>,
        %mul3A_1191 = arith.mulf %get3A_661, %get3A_1190 : vector<16xf32>
        %add3A_1192 = arith.addf %add3A_1187, %mul3A_1191 : vector<16xf32>
        %get3A_1193 = arith.index_cast %add3A_1163 : i32 to index
        %get3A_1194 = arith.constant 96 : index
        %get3A_1195 = tpu.vector_load %arg11[%get3A_1193, %get3A_1194] {strides = array<i32>} : memref<104x128xf32, #tpu.memory_space<vmem>>, vector<16xf32>,
        %mul3A_1196 = arith.mulf %get3A_664, %get3A_1195 : vector<16xf32>
        %add3A_1197 = arith.addf %add3A_1192, %mul3A_1196 : vector<16xf32>
        %get3A_1198 = arith.index_cast %add3A_1163 : i32 to index
        %get3A_1199 = arith.constant 112 : index
        %get3A_1200 = tpu.vector_load %arg11[%get3A_1198, %get3A_1199] {strides = array<i32>} : memref<104x128xf32, #tpu.memory_space<vmem>>, vector<16xf32>,
        %mul3A_1201 = arith.mulf %get3A_667, %get3A_1200 : vector<16xf32>
        %add3A_1202 = arith.addf %add3A_1197, %mul3A_1201 : vector<16xf32>
        %cumsum3A_1203 = arith.constant true
        %cumsum3A_1204 = vector.broadcast %cumsum3A_1203 : i1 to vector<16xi1>
        %cumsum3A_1205 = tpu.scan <sum>, %add3A_1202 masked %cumsum3A_1204 : vector<16xf32>, vector<16xi1> -> vector<16xf32>
        %swap3A_1206 = arith.constant 6 : i32
        %swap3A_1207 = arith.index_cast %swap3A_1206 : i32 to index
        %swap3A_1208 = arith.constant 0 : index
        %swap3A_1209 = tpu.vector_load %arg12[%swap3A_1207, %swap3A_1208] {strides = array<i32>} : memref<16x16xf32, #tpu.memory_space<vmem>>, vector<16xf32>,
        tpu.vector_store %arg12[%swap3A_1207, %swap3A_1208], %cumsum3A_1205 {strides = array<i32>} : memref<16x16xf32, #tpu.memory_space<vmem>>, vector<16xf32>,
        %mul3A_1210 = arith.constant 16 : i32
        %mul3A_1211 = arith.muli %mul3A_1210, %scan3A_845 : i32
        %add3A_1212 = arith.constant 51 : i32
        %add3A_1213 = arith.addi %add3A_1212, %mul3A_1211 : i32
        %add3A_1214 = arith.constant 7 : i32
        %add3A_1215 = arith.addi %add3A_1213, %add3A_1214 : i32
        %get3A_1216 = arith.index_cast %add3A_1215 : i32 to index
        %get3A_1217 = arith.constant 0 : index
        %get3A_1218 = tpu.vector_load %arg11[%get3A_1216, %get3A_1217] {strides = array<i32>} : memref<104x128xf32, #tpu.memory_space<vmem>>, vector<16xf32>,
        %mul3A_1219 = arith.mulf %get3A_646, %get3A_1218 : vector<16xf32>
        %get3A_1220 = arith.index_cast %add3A_1215 : i32 to index
        %get3A_1221 = arith.constant 16 : index
        %get3A_1222 = tpu.vector_load %arg11[%get3A_1220, %get3A_1221] {strides = array<i32>} : memref<104x128xf32, #tpu.memory_space<vmem>>, vector<16xf32>,
        %mul3A_1223 = arith.mulf %get3A_649, %get3A_1222 : vector<16xf32>
        %add3A_1224 = arith.addf %mul3A_1219, %mul3A_1223 : vector<16xf32>
        %get3A_1225 = arith.index_cast %add3A_1215 : i32 to index
        %get3A_1226 = arith.constant 32 : index
        %get3A_1227 = tpu.vector_load %arg11[%get3A_1225, %get3A_1226] {strides = array<i32>} : memref<104x128xf32, #tpu.memory_space<vmem>>, vector<16xf32>,
        %mul3A_1228 = arith.mulf %get3A_652, %get3A_1227 : vector<16xf32>
        %add3A_1229 = arith.addf %add3A_1224, %mul3A_1228 : vector<16xf32>
        %get3A_1230 = arith.index_cast %add3A_1215 : i32 to index
        %get3A_1231 = arith.constant 48 : index
        %get3A_1232 = tpu.vector_load %arg11[%get3A_1230, %get3A_1231] {strides = array<i32>} : memref<104x128xf32, #tpu.memory_space<vmem>>, vector<16xf32>,
        %mul3A_1233 = arith.mulf %get3A_655, %get3A_1232 : vector<16xf32>
        %add3A_1234 = arith.addf %add3A_1229, %mul3A_1233 : vector<16xf32>
        %get3A_1235 = arith.index_cast %add3A_1215 : i32 to index
        %get3A_1236 = arith.constant 64 : index
        %get3A_1237 = tpu.vector_load %arg11[%get3A_1235, %get3A_1236] {strides = array<i32>} : memref<104x128xf32, #tpu.memory_space<vmem>>, vector<16xf32>,
        %mul3A_1238 = arith.mulf %get3A_658, %get3A_1237 : vector<16xf32>
        %add3A_1239 = arith.addf %add3A_1234, %mul3A_1238 : vector<16xf32>
        %get3A_1240 = arith.index_cast %add3A_1215 : i32 to index
        %get3A_1241 = arith.constant 80 : index
        %get3A_1242 = tpu.vector_load %arg11[%get3A_1240, %get3A_1241] {strides = array<i32>} : memref<104x128xf32, #tpu.memory_space<vmem>>, vector<16xf32>,
        %mul3A_1243 = arith.mulf %get3A_661, %get3A_1242 : vector<16xf32>
        %add3A_1244 = arith.addf %add3A_1239, %mul3A_1243 : vector<16xf32>
        %get3A_1245 = arith.index_cast %add3A_1215 : i32 to index
        %get3A_1246 = arith.constant 96 : index
        %get3A_1247 = tpu.vector_load %arg11[%get3A_1245, %get3A_1246] {strides = array<i32>} : memref<104x128xf32, #tpu.memory_space<vmem>>, vector<16xf32>,
        %mul3A_1248 = arith.mulf %get3A_664, %get3A_1247 : vector<16xf32>
        %add3A_1249 = arith.addf %add3A_1244, %mul3A_1248 : vector<16xf32>
        %get3A_1250 = arith.index_cast %add3A_1215 : i32 to index
        %get3A_1251 = arith.constant 112 : index
        %get3A_1252 = tpu.vector_load %arg11[%get3A_1250, %get3A_1251] {strides = array<i32>} : memref<104x128xf32, #tpu.memory_space<vmem>>, vector<16xf32>,
        %mul3A_1253 = arith.mulf %get3A_667, %get3A_1252 : vector<16xf32>
        %add3A_1254 = arith.addf %add3A_1249, %mul3A_1253 : vector<16xf32>
        %cumsum3A_1255 = arith.constant true
        %cumsum3A_1256 = vector.broadcast %cumsum3A_1255 : i1 to vector<16xi1>
        %cumsum3A_1257 = tpu.scan <sum>, %add3A_1254 masked %cumsum3A_1256 : vector<16xf32>, vector<16xi1> -> vector<16xf32>
        %swap3A_1258 = arith.constant 7 : i32
        %swap3A_1259 = arith.index_cast %swap3A_1258 : i32 to index
        %swap3A_1260 = arith.constant 0 : index
        %swap3A_1261 = tpu.vector_load %arg12[%swap3A_1259, %swap3A_1260] {strides = array<i32>} : memref<16x16xf32, #tpu.memory_space<vmem>>, vector<16xf32>,
        tpu.vector_store %arg12[%swap3A_1259, %swap3A_1260], %cumsum3A_1257 {strides = array<i32>} : memref<16x16xf32, #tpu.memory_space<vmem>>, vector<16xf32>,
        %mul3A_1262 = arith.constant 16 : i32
        %mul3A_1263 = arith.muli %mul3A_1262, %scan3A_845 : i32
        %add3A_1264 = arith.constant 51 : i32
        %add3A_1265 = arith.addi %add3A_1264, %mul3A_1263 : i32
        %add3A_1266 = arith.constant 8 : i32
        %add3A_1267 = arith.addi %add3A_1265, %add3A_1266 : i32
        %get3A_1268 = arith.index_cast %add3A_1267 : i32 to index
        %get3A_1269 = arith.constant 0 : index
        %get3A_1270 = tpu.vector_load %arg11[%get3A_1268, %get3A_1269] {strides = array<i32>} : memref<104x128xf32, #tpu.memory_space<vmem>>, vector<16xf32>,
        %mul3A_1271 = arith.mulf %get3A_646, %get3A_1270 : vector<16xf32>
        %get3A_1272 = arith.index_cast %add3A_1267 : i32 to index
        %get3A_1273 = arith.constant 16 : index
        %get3A_1274 = tpu.vector_load %arg11[%get3A_1272, %get3A_1273] {strides = array<i32>} : memref<104x128xf32, #tpu.memory_space<vmem>>, vector<16xf32>,
        %mul3A_1275 = arith.mulf %get3A_649, %get3A_1274 : vector<16xf32>
        %add3A_1276 = arith.addf %mul3A_1271, %mul3A_1275 : vector<16xf32>
        %get3A_1277 = arith.index_cast %add3A_1267 : i32 to index
        %get3A_1278 = arith.constant 32 : index
        %get3A_1279 = tpu.vector_load %arg11[%get3A_1277, %get3A_1278] {strides = array<i32>} : memref<104x128xf32, #tpu.memory_space<vmem>>, vector<16xf32>,
        %mul3A_1280 = arith.mulf %get3A_652, %get3A_1279 : vector<16xf32>
        %add3A_1281 = arith.addf %add3A_1276, %mul3A_1280 : vector<16xf32>
        %get3A_1282 = arith.index_cast %add3A_1267 : i32 to index
        %get3A_1283 = arith.constant 48 : index
        %get3A_1284 = tpu.vector_load %arg11[%get3A_1282, %get3A_1283] {strides = array<i32>} : memref<104x128xf32, #tpu.memory_space<vmem>>, vector<16xf32>,
        %mul3A_1285 = arith.mulf %get3A_655, %get3A_1284 : vector<16xf32>
        %add3A_1286 = arith.addf %add3A_1281, %mul3A_1285 : vector<16xf32>
        %get3A_1287 = arith.index_cast %add3A_1267 : i32 to index
        %get3A_1288 = arith.constant 64 : index
        %get3A_1289 = tpu.vector_load %arg11[%get3A_1287, %get3A_1288] {strides = array<i32>} : memref<104x128xf32, #tpu.memory_space<vmem>>, vector<16xf32>,
        %mul3A_1290 = arith.mulf %get3A_658, %get3A_1289 : vector<16xf32>
        %add3A_1291 = arith.addf %add3A_1286, %mul3A_1290 : vector<16xf32>
        %get3A_1292 = arith.index_cast %add3A_1267 : i32 to index
        %get3A_1293 = arith.constant 80 : index
        %get3A_1294 = tpu.vector_load %arg11[%get3A_1292, %get3A_1293] {strides = array<i32>} : memref<104x128xf32, #tpu.memory_space<vmem>>, vector<16xf32>,
        %mul3A_1295 = arith.mulf %get3A_661, %get3A_1294 : vector<16xf32>
        %add3A_1296 = arith.addf %add3A_1291, %mul3A_1295 : vector<16xf32>
        %get3A_1297 = arith.index_cast %add3A_1267 : i32 to index
        %get3A_1298 = arith.constant 96 : index
        %get3A_1299 = tpu.vector_load %arg11[%get3A_1297, %get3A_1298] {strides = array<i32>} : memref<104x128xf32, #tpu.memory_space<vmem>>, vector<16xf32>,
        %mul3A_1300 = arith.mulf %get3A_664, %get3A_1299 : vector<16xf32>
        %add3A_1301 = arith.addf %add3A_1296, %mul3A_1300 : vector<16xf32>
        %get3A_1302 = arith.index_cast %add3A_1267 : i32 to index
        %get3A_1303 = arith.constant 112 : index
        %get3A_1304 = tpu.vector_load %arg11[%get3A_1302, %get3A_1303] {strides = array<i32>} : memref<104x128xf32, #tpu.memory_space<vmem>>, vector<16xf32>,
        %mul3A_1305 = arith.mulf %get3A_667, %get3A_1304 : vector<16xf32>
        %add3A_1306 = arith.addf %add3A_1301, %mul3A_1305 : vector<16xf32>
        %cumsum3A_1307 = arith.constant true
        %cumsum3A_1308 = vector.broadcast %cumsum3A_1307 : i1 to vector<16xi1>
        %cumsum3A_1309 = tpu.scan <sum>, %add3A_1306 masked %cumsum3A_1308 : vector<16xf32>, vector<16xi1> -> vector<16xf32>
        %swap3A_1310 = arith.constant 8 : i32
        %swap3A_1311 = arith.index_cast %swap3A_1310 : i32 to index
        %swap3A_1312 = arith.constant 0 : index
        %swap3A_1313 = tpu.vector_load %arg12[%swap3A_1311, %swap3A_1312] {strides = array<i32>} : memref<16x16xf32, #tpu.memory_space<vmem>>, vector<16xf32>,
        tpu.vector_store %arg12[%swap3A_1311, %swap3A_1312], %cumsum3A_1309 {strides = array<i32>} : memref<16x16xf32, #tpu.memory_space<vmem>>, vector<16xf32>,
        %mul3A_1314 = arith.constant 16 : i32
        %mul3A_1315 = arith.muli %mul3A_1314, %scan3A_845 : i32
        %add3A_1316 = arith.constant 51 : i32
        %add3A_1317 = arith.addi %add3A_1316, %mul3A_1315 : i32
        %add3A_1318 = arith.constant 9 : i32
        %add3A_1319 = arith.addi %add3A_1317, %add3A_1318 : i32
        %get3A_1320 = arith.index_cast %add3A_1319 : i32 to index
        %get3A_1321 = arith.constant 0 : index
        %get3A_1322 = tpu.vector_load %arg11[%get3A_1320, %get3A_1321] {strides = array<i32>} : memref<104x128xf32, #tpu.memory_space<vmem>>, vector<16xf32>,
        %mul3A_1323 = arith.mulf %get3A_646, %get3A_1322 : vector<16xf32>
        %get3A_1324 = arith.index_cast %add3A_1319 : i32 to index
        %get3A_1325 = arith.constant 16 : index
        %get3A_1326 = tpu.vector_load %arg11[%get3A_1324, %get3A_1325] {strides = array<i32>} : memref<104x128xf32, #tpu.memory_space<vmem>>, vector<16xf32>,
        %mul3A_1327 = arith.mulf %get3A_649, %get3A_1326 : vector<16xf32>
        %add3A_1328 = arith.addf %mul3A_1323, %mul3A_1327 : vector<16xf32>
        %get3A_1329 = arith.index_cast %add3A_1319 : i32 to index
        %get3A_1330 = arith.constant 32 : index
        %get3A_1331 = tpu.vector_load %arg11[%get3A_1329, %get3A_1330] {strides = array<i32>} : memref<104x128xf32, #tpu.memory_space<vmem>>, vector<16xf32>,
        %mul3A_1332 = arith.mulf %get3A_652, %get3A_1331 : vector<16xf32>
        %add3A_1333 = arith.addf %add3A_1328, %mul3A_1332 : vector<16xf32>
        %get3A_1334 = arith.index_cast %add3A_1319 : i32 to index
        %get3A_1335 = arith.constant 48 : index
        %get3A_1336 = tpu.vector_load %arg11[%get3A_1334, %get3A_1335] {strides = array<i32>} : memref<104x128xf32, #tpu.memory_space<vmem>>, vector<16xf32>,
        %mul3A_1337 = arith.mulf %get3A_655, %get3A_1336 : vector<16xf32>
        %add3A_1338 = arith.addf %add3A_1333, %mul3A_1337 : vector<16xf32>
        %get3A_1339 = arith.index_cast %add3A_1319 : i32 to index
        %get3A_1340 = arith.constant 64 : index
        %get3A_1341 = tpu.vector_load %arg11[%get3A_1339, %get3A_1340] {strides = array<i32>} : memref<104x128xf32, #tpu.memory_space<vmem>>, vector<16xf32>,
        %mul3A_1342 = arith.mulf %get3A_658, %get3A_1341 : vector<16xf32>
        %add3A_1343 = arith.addf %add3A_1338, %mul3A_1342 : vector<16xf32>
        %get3A_1344 = arith.index_cast %add3A_1319 : i32 to index
        %get3A_1345 = arith.constant 80 : index
        %get3A_1346 = tpu.vector_load %arg11[%get3A_1344, %get3A_1345] {strides = array<i32>} : memref<104x128xf32, #tpu.memory_space<vmem>>, vector<16xf32>,
        %mul3A_1347 = arith.mulf %get3A_661, %get3A_1346 : vector<16xf32>
        %add3A_1348 = arith.addf %add3A_1343, %mul3A_1347 : vector<16xf32>
        %get3A_1349 = arith.index_cast %add3A_1319 : i32 to index
        %get3A_1350 = arith.constant 96 : index
        %get3A_1351 = tpu.vector_load %arg11[%get3A_1349, %get3A_1350] {strides = array<i32>} : memref<104x128xf32, #tpu.memory_space<vmem>>, vector<16xf32>,
        %mul3A_1352 = arith.mulf %get3A_664, %get3A_1351 : vector<16xf32>
        %add3A_1353 = arith.addf %add3A_1348, %mul3A_1352 : vector<16xf32>
        %get3A_1354 = arith.index_cast %add3A_1319 : i32 to index
        %get3A_1355 = arith.constant 112 : index
        %get3A_1356 = tpu.vector_load %arg11[%get3A_1354, %get3A_1355] {strides = array<i32>} : memref<104x128xf32, #tpu.memory_space<vmem>>, vector<16xf32>,
        %mul3A_1357 = arith.mulf %get3A_667, %get3A_1356 : vector<16xf32>
        %add3A_1358 = arith.addf %add3A_1353, %mul3A_1357 : vector<16xf32>
        %cumsum3A_1359 = arith.constant true
        %cumsum3A_1360 = vector.broadcast %cumsum3A_1359 : i1 to vector<16xi1>
        %cumsum3A_1361 = tpu.scan <sum>, %add3A_1358 masked %cumsum3A_1360 : vector<16xf32>, vector<16xi1> -> vector<16xf32>
        %swap3A_1362 = arith.constant 9 : i32
        %swap3A_1363 = arith.index_cast %swap3A_1362 : i32 to index
        %swap3A_1364 = arith.constant 0 : index
        %swap3A_1365 = tpu.vector_load %arg12[%swap3A_1363, %swap3A_1364] {strides = array<i32>} : memref<16x16xf32, #tpu.memory_space<vmem>>, vector<16xf32>,
        tpu.vector_store %arg12[%swap3A_1363, %swap3A_1364], %cumsum3A_1361 {strides = array<i32>} : memref<16x16xf32, #tpu.memory_space<vmem>>, vector<16xf32>,
        %mul3A_1366 = arith.constant 16 : i32
        %mul3A_1367 = arith.muli %mul3A_1366, %scan3A_845 : i32
        %add3A_1368 = arith.constant 51 : i32
        %add3A_1369 = arith.addi %add3A_1368, %mul3A_1367 : i32
        %add3A_1370 = arith.constant 10 : i32
        %add3A_1371 = arith.addi %add3A_1369, %add3A_1370 : i32
        %get3A_1372 = arith.index_cast %add3A_1371 : i32 to index
        %get3A_1373 = arith.constant 0 : index
        %get3A_1374 = tpu.vector_load %arg11[%get3A_1372, %get3A_1373] {strides = array<i32>} : memref<104x128xf32, #tpu.memory_space<vmem>>, vector<16xf32>,
        %mul3A_1375 = arith.mulf %get3A_646, %get3A_1374 : vector<16xf32>
        %get3A_1376 = arith.index_cast %add3A_1371 : i32 to index
        %get3A_1377 = arith.constant 16 : index
        %get3A_1378 = tpu.vector_load %arg11[%get3A_1376, %get3A_1377] {strides = array<i32>} : memref<104x128xf32, #tpu.memory_space<vmem>>, vector<16xf32>,
        %mul3A_1379 = arith.mulf %get3A_649, %get3A_1378 : vector<16xf32>
        %add3A_1380 = arith.addf %mul3A_1375, %mul3A_1379 : vector<16xf32>
        %get3A_1381 = arith.index_cast %add3A_1371 : i32 to index
        %get3A_1382 = arith.constant 32 : index
        %get3A_1383 = tpu.vector_load %arg11[%get3A_1381, %get3A_1382] {strides = array<i32>} : memref<104x128xf32, #tpu.memory_space<vmem>>, vector<16xf32>,
        %mul3A_1384 = arith.mulf %get3A_652, %get3A_1383 : vector<16xf32>
        %add3A_1385 = arith.addf %add3A_1380, %mul3A_1384 : vector<16xf32>
        %get3A_1386 = arith.index_cast %add3A_1371 : i32 to index
        %get3A_1387 = arith.constant 48 : index
        %get3A_1388 = tpu.vector_load %arg11[%get3A_1386, %get3A_1387] {strides = array<i32>} : memref<104x128xf32, #tpu.memory_space<vmem>>, vector<16xf32>,
        %mul3A_1389 = arith.mulf %get3A_655, %get3A_1388 : vector<16xf32>
        %add3A_1390 = arith.addf %add3A_1385, %mul3A_1389 : vector<16xf32>
        %get3A_1391 = arith.index_cast %add3A_1371 : i32 to index
        %get3A_1392 = arith.constant 64 : index
        %get3A_1393 = tpu.vector_load %arg11[%get3A_1391, %get3A_1392] {strides = array<i32>} : memref<104x128xf32, #tpu.memory_space<vmem>>, vector<16xf32>,
        %mul3A_1394 = arith.mulf %get3A_658, %get3A_1393 : vector<16xf32>
        %add3A_1395 = arith.addf %add3A_1390, %mul3A_1394 : vector<16xf32>
        %get3A_1396 = arith.index_cast %add3A_1371 : i32 to index
        %get3A_1397 = arith.constant 80 : index
        %get3A_1398 = tpu.vector_load %arg11[%get3A_1396, %get3A_1397] {strides = array<i32>} : memref<104x128xf32, #tpu.memory_space<vmem>>, vector<16xf32>,
        %mul3A_1399 = arith.mulf %get3A_661, %get3A_1398 : vector<16xf32>
        %add3A_1400 = arith.addf %add3A_1395, %mul3A_1399 : vector<16xf32>
        %get3A_1401 = arith.index_cast %add3A_1371 : i32 to index
        %get3A_1402 = arith.constant 96 : index
        %get3A_1403 = tpu.vector_load %arg11[%get3A_1401, %get3A_1402] {strides = array<i32>} : memref<104x128xf32, #tpu.memory_space<vmem>>, vector<16xf32>,
        %mul3A_1404 = arith.mulf %get3A_664, %get3A_1403 : vector<16xf32>
        %add3A_1405 = arith.addf %add3A_1400, %mul3A_1404 : vector<16xf32>
        %get3A_1406 = arith.index_cast %add3A_1371 : i32 to index
        %get3A_1407 = arith.constant 112 : index
        %get3A_1408 = tpu.vector_load %arg11[%get3A_1406, %get3A_1407] {strides = array<i32>} : memref<104x128xf32, #tpu.memory_space<vmem>>, vector<16xf32>,
        %mul3A_1409 = arith.mulf %get3A_667, %get3A_1408 : vector<16xf32>
        %add3A_1410 = arith.addf %add3A_1405, %mul3A_1409 : vector<16xf32>
        %cumsum3A_1411 = arith.constant true
        %cumsum3A_1412 = vector.broadcast %cumsum3A_1411 : i1 to vector<16xi1>
        %cumsum3A_1413 = tpu.scan <sum>, %add3A_1410 masked %cumsum3A_1412 : vector<16xf32>, vector<16xi1> -> vector<16xf32>
        %swap3A_1414 = arith.constant 10 : i32
        %swap3A_1415 = arith.index_cast %swap3A_1414 : i32 to index
        %swap3A_1416 = arith.constant 0 : index
        %swap3A_1417 = tpu.vector_load %arg12[%swap3A_1415, %swap3A_1416] {strides = array<i32>} : memref<16x16xf32, #tpu.memory_space<vmem>>, vector<16xf32>,
        tpu.vector_store %arg12[%swap3A_1415, %swap3A_1416], %cumsum3A_1413 {strides = array<i32>} : memref<16x16xf32, #tpu.memory_space<vmem>>, vector<16xf32>,
        %mul3A_1418 = arith.constant 16 : i32
        %mul3A_1419 = arith.muli %mul3A_1418, %scan3A_845 : i32
        %add3A_1420 = arith.constant 51 : i32
        %add3A_1421 = arith.addi %add3A_1420, %mul3A_1419 : i32
        %add3A_1422 = arith.constant 11 : i32
        %add3A_1423 = arith.addi %add3A_1421, %add3A_1422 : i32
        %get3A_1424 = arith.index_cast %add3A_1423 : i32 to index
        %get3A_1425 = arith.constant 0 : index
        %get3A_1426 = tpu.vector_load %arg11[%get3A_1424, %get3A_1425] {strides = array<i32>} : memref<104x128xf32, #tpu.memory_space<vmem>>, vector<16xf32>,
        %mul3A_1427 = arith.mulf %get3A_646, %get3A_1426 : vector<16xf32>
        %get3A_1428 = arith.index_cast %add3A_1423 : i32 to index
        %get3A_1429 = arith.constant 16 : index
        %get3A_1430 = tpu.vector_load %arg11[%get3A_1428, %get3A_1429] {strides = array<i32>} : memref<104x128xf32, #tpu.memory_space<vmem>>, vector<16xf32>,
        %mul3A_1431 = arith.mulf %get3A_649, %get3A_1430 : vector<16xf32>
        %add3A_1432 = arith.addf %mul3A_1427, %mul3A_1431 : vector<16xf32>
        %get3A_1433 = arith.index_cast %add3A_1423 : i32 to index
        %get3A_1434 = arith.constant 32 : index
        %get3A_1435 = tpu.vector_load %arg11[%get3A_1433, %get3A_1434] {strides = array<i32>} : memref<104x128xf32, #tpu.memory_space<vmem>>, vector<16xf32>,
        %mul3A_1436 = arith.mulf %get3A_652, %get3A_1435 : vector<16xf32>
        %add3A_1437 = arith.addf %add3A_1432, %mul3A_1436 : vector<16xf32>
        %get3A_1438 = arith.index_cast %add3A_1423 : i32 to index
        %get3A_1439 = arith.constant 48 : index
        %get3A_1440 = tpu.vector_load %arg11[%get3A_1438, %get3A_1439] {strides = array<i32>} : memref<104x128xf32, #tpu.memory_space<vmem>>, vector<16xf32>,
        %mul3A_1441 = arith.mulf %get3A_655, %get3A_1440 : vector<16xf32>
        %add3A_1442 = arith.addf %add3A_1437, %mul3A_1441 : vector<16xf32>
        %get3A_1443 = arith.index_cast %add3A_1423 : i32 to index
        %get3A_1444 = arith.constant 64 : index
        %get3A_1445 = tpu.vector_load %arg11[%get3A_1443, %get3A_1444] {strides = array<i32>} : memref<104x128xf32, #tpu.memory_space<vmem>>, vector<16xf32>,
        %mul3A_1446 = arith.mulf %get3A_658, %get3A_1445 : vector<16xf32>
        %add3A_1447 = arith.addf %add3A_1442, %mul3A_1446 : vector<16xf32>
        %get3A_1448 = arith.index_cast %add3A_1423 : i32 to index
        %get3A_1449 = arith.constant 80 : index
        %get3A_1450 = tpu.vector_load %arg11[%get3A_1448, %get3A_1449] {strides = array<i32>} : memref<104x128xf32, #tpu.memory_space<vmem>>, vector<16xf32>,
        %mul3A_1451 = arith.mulf %get3A_661, %get3A_1450 : vector<16xf32>
        %add3A_1452 = arith.addf %add3A_1447, %mul3A_1451 : vector<16xf32>
        %get3A_1453 = arith.index_cast %add3A_1423 : i32 to index
        %get3A_1454 = arith.constant 96 : index
        %get3A_1455 = tpu.vector_load %arg11[%get3A_1453, %get3A_1454] {strides = array<i32>} : memref<104x128xf32, #tpu.memory_space<vmem>>, vector<16xf32>,
        %mul3A_1456 = arith.mulf %get3A_664, %get3A_1455 : vector<16xf32>
        %add3A_1457 = arith.addf %add3A_1452, %mul3A_1456 : vector<16xf32>
        %get3A_1458 = arith.index_cast %add3A_1423 : i32 to index
        %get3A_1459 = arith.constant 112 : index
        %get3A_1460 = tpu.vector_load %arg11[%get3A_1458, %get3A_1459] {strides = array<i32>} : memref<104x128xf32, #tpu.memory_space<vmem>>, vector<16xf32>,
        %mul3A_1461 = arith.mulf %get3A_667, %get3A_1460 : vector<16xf32>
        %add3A_1462 = arith.addf %add3A_1457, %mul3A_1461 : vector<16xf32>
        %cumsum3A_1463 = arith.constant true
        %cumsum3A_1464 = vector.broadcast %cumsum3A_1463 : i1 to vector<16xi1>
        %cumsum3A_1465 = tpu.scan <sum>, %add3A_1462 masked %cumsum3A_1464 : vector<16xf32>, vector<16xi1> -> vector<16xf32>
        %swap3A_1466 = arith.constant 11 : i32
        %swap3A_1467 = arith.index_cast %swap3A_1466 : i32 to index
        %swap3A_1468 = arith.constant 0 : index
        %swap3A_1469 = tpu.vector_load %arg12[%swap3A_1467, %swap3A_1468] {strides = array<i32>} : memref<16x16xf32, #tpu.memory_space<vmem>>, vector<16xf32>,
        tpu.vector_store %arg12[%swap3A_1467, %swap3A_1468], %cumsum3A_1465 {strides = array<i32>} : memref<16x16xf32, #tpu.memory_space<vmem>>, vector<16xf32>,
        %mul3A_1470 = arith.constant 16 : i32
        %mul3A_1471 = arith.muli %mul3A_1470, %scan3A_845 : i32
        %add3A_1472 = arith.constant 51 : i32
        %add3A_1473 = arith.addi %add3A_1472, %mul3A_1471 : i32
        %add3A_1474 = arith.constant 12 : i32
        %add3A_1475 = arith.addi %add3A_1473, %add3A_1474 : i32
        %get3A_1476 = arith.index_cast %add3A_1475 : i32 to index
        %get3A_1477 = arith.constant 0 : index
        %get3A_1478 = tpu.vector_load %arg11[%get3A_1476, %get3A_1477] {strides = array<i32>} : memref<104x128xf32, #tpu.memory_space<vmem>>, vector<16xf32>,
        %mul3A_1479 = arith.mulf %get3A_646, %get3A_1478 : vector<16xf32>
        %get3A_1480 = arith.index_cast %add3A_1475 : i32 to index
        %get3A_1481 = arith.constant 16 : index
        %get3A_1482 = tpu.vector_load %arg11[%get3A_1480, %get3A_1481] {strides = array<i32>} : memref<104x128xf32, #tpu.memory_space<vmem>>, vector<16xf32>,
        %mul3A_1483 = arith.mulf %get3A_649, %get3A_1482 : vector<16xf32>
        %add3A_1484 = arith.addf %mul3A_1479, %mul3A_1483 : vector<16xf32>
        %get3A_1485 = arith.index_cast %add3A_1475 : i32 to index
        %get3A_1486 = arith.constant 32 : index
        %get3A_1487 = tpu.vector_load %arg11[%get3A_1485, %get3A_1486] {strides = array<i32>} : memref<104x128xf32, #tpu.memory_space<vmem>>, vector<16xf32>,
        %mul3A_1488 = arith.mulf %get3A_652, %get3A_1487 : vector<16xf32>
        %add3A_1489 = arith.addf %add3A_1484, %mul3A_1488 : vector<16xf32>
        %get3A_1490 = arith.index_cast %add3A_1475 : i32 to index
        %get3A_1491 = arith.constant 48 : index
        %get3A_1492 = tpu.vector_load %arg11[%get3A_1490, %get3A_1491] {strides = array<i32>} : memref<104x128xf32, #tpu.memory_space<vmem>>, vector<16xf32>,
        %mul3A_1493 = arith.mulf %get3A_655, %get3A_1492 : vector<16xf32>
        %add3A_1494 = arith.addf %add3A_1489, %mul3A_1493 : vector<16xf32>
        %get3A_1495 = arith.index_cast %add3A_1475 : i32 to index
        %get3A_1496 = arith.constant 64 : index
        %get3A_1497 = tpu.vector_load %arg11[%get3A_1495, %get3A_1496] {strides = array<i32>} : memref<104x128xf32, #tpu.memory_space<vmem>>, vector<16xf32>,
        %mul3A_1498 = arith.mulf %get3A_658, %get3A_1497 : vector<16xf32>
        %add3A_1499 = arith.addf %add3A_1494, %mul3A_1498 : vector<16xf32>
        %get3A_1500 = arith.index_cast %add3A_1475 : i32 to index
        %get3A_1501 = arith.constant 80 : index
        %get3A_1502 = tpu.vector_load %arg11[%get3A_1500, %get3A_1501] {strides = array<i32>} : memref<104x128xf32, #tpu.memory_space<vmem>>, vector<16xf32>,
        %mul3A_1503 = arith.mulf %get3A_661, %get3A_1502 : vector<16xf32>
        %add3A_1504 = arith.addf %add3A_1499, %mul3A_1503 : vector<16xf32>
        %get3A_1505 = arith.index_cast %add3A_1475 : i32 to index
        %get3A_1506 = arith.constant 96 : index
        %get3A_1507 = tpu.vector_load %arg11[%get3A_1505, %get3A_1506] {strides = array<i32>} : memref<104x128xf32, #tpu.memory_space<vmem>>, vector<16xf32>,
        %mul3A_1508 = arith.mulf %get3A_664, %get3A_1507 : vector<16xf32>
        %add3A_1509 = arith.addf %add3A_1504, %mul3A_1508 : vector<16xf32>
        %get3A_1510 = arith.index_cast %add3A_1475 : i32 to index
        %get3A_1511 = arith.constant 112 : index
        %get3A_1512 = tpu.vector_load %arg11[%get3A_1510, %get3A_1511] {strides = array<i32>} : memref<104x128xf32, #tpu.memory_space<vmem>>, vector<16xf32>,
        %mul3A_1513 = arith.mulf %get3A_667, %get3A_1512 : vector<16xf32>
        %add3A_1514 = arith.addf %add3A_1509, %mul3A_1513 : vector<16xf32>
        %cumsum3A_1515 = arith.constant true
        %cumsum3A_1516 = vector.broadcast %cumsum3A_1515 : i1 to vector<16xi1>
        %cumsum3A_1517 = tpu.scan <sum>, %add3A_1514 masked %cumsum3A_1516 : vector<16xf32>, vector<16xi1> -> vector<16xf32>
        %swap3A_1518 = arith.constant 12 : i32
        %swap3A_1519 = arith.index_cast %swap3A_1518 : i32 to index
        %swap3A_1520 = arith.constant 0 : index
        %swap3A_1521 = tpu.vector_load %arg12[%swap3A_1519, %swap3A_1520] {strides = array<i32>} : memref<16x16xf32, #tpu.memory_space<vmem>>, vector<16xf32>,
        tpu.vector_store %arg12[%swap3A_1519, %swap3A_1520], %cumsum3A_1517 {strides = array<i32>} : memref<16x16xf32, #tpu.memory_space<vmem>>, vector<16xf32>,
        %mul3A_1522 = arith.constant 16 : i32
        %mul3A_1523 = arith.muli %mul3A_1522, %scan3A_845 : i32
        %add3A_1524 = arith.constant 51 : i32
        %add3A_1525 = arith.addi %add3A_1524, %mul3A_1523 : i32
        %add3A_1526 = arith.constant 13 : i32
        %add3A_1527 = arith.addi %add3A_1525, %add3A_1526 : i32
        %get3A_1528 = arith.index_cast %add3A_1527 : i32 to index
        %get3A_1529 = arith.constant 0 : index
        %get3A_1530 = tpu.vector_load %arg11[%get3A_1528, %get3A_1529] {strides = array<i32>} : memref<104x128xf32, #tpu.memory_space<vmem>>, vector<16xf32>,
        %mul3A_1531 = arith.mulf %get3A_646, %get3A_1530 : vector<16xf32>
        %get3A_1532 = arith.index_cast %add3A_1527 : i32 to index
        %get3A_1533 = arith.constant 16 : index
        %get3A_1534 = tpu.vector_load %arg11[%get3A_1532, %get3A_1533] {strides = array<i32>} : memref<104x128xf32, #tpu.memory_space<vmem>>, vector<16xf32>,
        %mul3A_1535 = arith.mulf %get3A_649, %get3A_1534 : vector<16xf32>
        %add3A_1536 = arith.addf %mul3A_1531, %mul3A_1535 : vector<16xf32>
        %get3A_1537 = arith.index_cast %add3A_1527 : i32 to index
        %get3A_1538 = arith.constant 32 : index
        %get3A_1539 = tpu.vector_load %arg11[%get3A_1537, %get3A_1538] {strides = array<i32>} : memref<104x128xf32, #tpu.memory_space<vmem>>, vector<16xf32>,
        %mul3A_1540 = arith.mulf %get3A_652, %get3A_1539 : vector<16xf32>
        %add3A_1541 = arith.addf %add3A_1536, %mul3A_1540 : vector<16xf32>
        %get3A_1542 = arith.index_cast %add3A_1527 : i32 to index
        %get3A_1543 = arith.constant 48 : index
        %get3A_1544 = tpu.vector_load %arg11[%get3A_1542, %get3A_1543] {strides = array<i32>} : memref<104x128xf32, #tpu.memory_space<vmem>>, vector<16xf32>,
        %mul3A_1545 = arith.mulf %get3A_655, %get3A_1544 : vector<16xf32>
        %add3A_1546 = arith.addf %add3A_1541, %mul3A_1545 : vector<16xf32>
        %get3A_1547 = arith.index_cast %add3A_1527 : i32 to index
        %get3A_1548 = arith.constant 64 : index
        %get3A_1549 = tpu.vector_load %arg11[%get3A_1547, %get3A_1548] {strides = array<i32>} : memref<104x128xf32, #tpu.memory_space<vmem>>, vector<16xf32>,
        %mul3A_1550 = arith.mulf %get3A_658, %get3A_1549 : vector<16xf32>
        %add3A_1551 = arith.addf %add3A_1546, %mul3A_1550 : vector<16xf32>
        %get3A_1552 = arith.index_cast %add3A_1527 : i32 to index
        %get3A_1553 = arith.constant 80 : index
        %get3A_1554 = tpu.vector_load %arg11[%get3A_1552, %get3A_1553] {strides = array<i32>} : memref<104x128xf32, #tpu.memory_space<vmem>>, vector<16xf32>,
        %mul3A_1555 = arith.mulf %get3A_661, %get3A_1554 : vector<16xf32>
        %add3A_1556 = arith.addf %add3A_1551, %mul3A_1555 : vector<16xf32>
        %get3A_1557 = arith.index_cast %add3A_1527 : i32 to index
        %get3A_1558 = arith.constant 96 : index
        %get3A_1559 = tpu.vector_load %arg11[%get3A_1557, %get3A_1558] {strides = array<i32>} : memref<104x128xf32, #tpu.memory_space<vmem>>, vector<16xf32>,
        %mul3A_1560 = arith.mulf %get3A_664, %get3A_1559 : vector<16xf32>
        %add3A_1561 = arith.addf %add3A_1556, %mul3A_1560 : vector<16xf32>
        %get3A_1562 = arith.index_cast %add3A_1527 : i32 to index
        %get3A_1563 = arith.constant 112 : index
        %get3A_1564 = tpu.vector_load %arg11[%get3A_1562, %get3A_1563] {strides = array<i32>} : memref<104x128xf32, #tpu.memory_space<vmem>>, vector<16xf32>,
        %mul3A_1565 = arith.mulf %get3A_667, %get3A_1564 : vector<16xf32>
        %add3A_1566 = arith.addf %add3A_1561, %mul3A_1565 : vector<16xf32>
        %cumsum3A_1567 = arith.constant true
        %cumsum3A_1568 = vector.broadcast %cumsum3A_1567 : i1 to vector<16xi1>
        %cumsum3A_1569 = tpu.scan <sum>, %add3A_1566 masked %cumsum3A_1568 : vector<16xf32>, vector<16xi1> -> vector<16xf32>
        %swap3A_1570 = arith.constant 13 : i32
        %swap3A_1571 = arith.index_cast %swap3A_1570 : i32 to index
        %swap3A_1572 = arith.constant 0 : index
        %swap3A_1573 = tpu.vector_load %arg12[%swap3A_1571, %swap3A_1572] {strides = array<i32>} : memref<16x16xf32, #tpu.memory_space<vmem>>, vector<16xf32>,
        tpu.vector_store %arg12[%swap3A_1571, %swap3A_1572], %cumsum3A_1569 {strides = array<i32>} : memref<16x16xf32, #tpu.memory_space<vmem>>, vector<16xf32>,
        %mul3A_1574 = arith.constant 16 : i32
        %mul3A_1575 = arith.muli %mul3A_1574, %scan3A_845 : i32
        %add3A_1576 = arith.constant 51 : i32
        %add3A_1577 = arith.addi %add3A_1576, %mul3A_1575 : i32
        %add3A_1578 = arith.constant 14 : i32
        %add3A_1579 = arith.addi %add3A_1577, %add3A_1578 : i32
        %get3A_1580 = arith.index_cast %add3A_1579 : i32 to index
        %get3A_1581 = arith.constant 0 : index
        %get3A_1582 = tpu.vector_load %arg11[%get3A_1580, %get3A_1581] {strides = array<i32>} : memref<104x128xf32, #tpu.memory_space<vmem>>, vector<16xf32>,
        %mul3A_1583 = arith.mulf %get3A_646, %get3A_1582 : vector<16xf32>
        %get3A_1584 = arith.index_cast %add3A_1579 : i32 to index
        %get3A_1585 = arith.constant 16 : index
        %get3A_1586 = tpu.vector_load %arg11[%get3A_1584, %get3A_1585] {strides = array<i32>} : memref<104x128xf32, #tpu.memory_space<vmem>>, vector<16xf32>,
        %mul3A_1587 = arith.mulf %get3A_649, %get3A_1586 : vector<16xf32>
        %add3A_1588 = arith.addf %mul3A_1583, %mul3A_1587 : vector<16xf32>
        %get3A_1589 = arith.index_cast %add3A_1579 : i32 to index
        %get3A_1590 = arith.constant 32 : index
        %get3A_1591 = tpu.vector_load %arg11[%get3A_1589, %get3A_1590] {strides = array<i32>} : memref<104x128xf32, #tpu.memory_space<vmem>>, vector<16xf32>,
        %mul3A_1592 = arith.mulf %get3A_652, %get3A_1591 : vector<16xf32>
        %add3A_1593 = arith.addf %add3A_1588, %mul3A_1592 : vector<16xf32>
        %get3A_1594 = arith.index_cast %add3A_1579 : i32 to index
        %get3A_1595 = arith.constant 48 : index
        %get3A_1596 = tpu.vector_load %arg11[%get3A_1594, %get3A_1595] {strides = array<i32>} : memref<104x128xf32, #tpu.memory_space<vmem>>, vector<16xf32>,
        %mul3A_1597 = arith.mulf %get3A_655, %get3A_1596 : vector<16xf32>
        %add3A_1598 = arith.addf %add3A_1593, %mul3A_1597 : vector<16xf32>
        %get3A_1599 = arith.index_cast %add3A_1579 : i32 to index
        %get3A_1600 = arith.constant 64 : index
        %get3A_1601 = tpu.vector_load %arg11[%get3A_1599, %get3A_1600] {strides = array<i32>} : memref<104x128xf32, #tpu.memory_space<vmem>>, vector<16xf32>,
        %mul3A_1602 = arith.mulf %get3A_658, %get3A_1601 : vector<16xf32>
        %add3A_1603 = arith.addf %add3A_1598, %mul3A_1602 : vector<16xf32>
        %get3A_1604 = arith.index_cast %add3A_1579 : i32 to index
        %get3A_1605 = arith.constant 80 : index
        %get3A_1606 = tpu.vector_load %arg11[%get3A_1604, %get3A_1605] {strides = array<i32>} : memref<104x128xf32, #tpu.memory_space<vmem>>, vector<16xf32>,
        %mul3A_1607 = arith.mulf %get3A_661, %get3A_1606 : vector<16xf32>
        %add3A_1608 = arith.addf %add3A_1603, %mul3A_1607 : vector<16xf32>
        %get3A_1609 = arith.index_cast %add3A_1579 : i32 to index
        %get3A_1610 = arith.constant 96 : index
        %get3A_1611 = tpu.vector_load %arg11[%get3A_1609, %get3A_1610] {strides = array<i32>} : memref<104x128xf32, #tpu.memory_space<vmem>>, vector<16xf32>,
        %mul3A_1612 = arith.mulf %get3A_664, %get3A_1611 : vector<16xf32>
        %add3A_1613 = arith.addf %add3A_1608, %mul3A_1612 : vector<16xf32>
        %get3A_1614 = arith.index_cast %add3A_1579 : i32 to index
        %get3A_1615 = arith.constant 112 : index
        %get3A_1616 = tpu.vector_load %arg11[%get3A_1614, %get3A_1615] {strides = array<i32>} : memref<104x128xf32, #tpu.memory_space<vmem>>, vector<16xf32>,
        %mul3A_1617 = arith.mulf %get3A_667, %get3A_1616 : vector<16xf32>
        %add3A_1618 = arith.addf %add3A_1613, %mul3A_1617 : vector<16xf32>
        %cumsum3A_1619 = arith.constant true
        %cumsum3A_1620 = vector.broadcast %cumsum3A_1619 : i1 to vector<16xi1>
        %cumsum3A_1621 = tpu.scan <sum>, %add3A_1618 masked %cumsum3A_1620 : vector<16xf32>, vector<16xi1> -> vector<16xf32>
        %swap3A_1622 = arith.constant 14 : i32
        %swap3A_1623 = arith.index_cast %swap3A_1622 : i32 to index
        %swap3A_1624 = arith.constant 0 : index
        %swap3A_1625 = tpu.vector_load %arg12[%swap3A_1623, %swap3A_1624] {strides = array<i32>} : memref<16x16xf32, #tpu.memory_space<vmem>>, vector<16xf32>,
        tpu.vector_store %arg12[%swap3A_1623, %swap3A_1624], %cumsum3A_1621 {strides = array<i32>} : memref<16x16xf32, #tpu.memory_space<vmem>>, vector<16xf32>,
        %mul3A_1626 = arith.constant 16 : i32
        %mul3A_1627 = arith.muli %mul3A_1626, %scan3A_845 : i32
        %add3A_1628 = arith.constant 51 : i32
        %add3A_1629 = arith.addi %add3A_1628, %mul3A_1627 : i32
        %add3A_1630 = arith.constant 15 : i32
        %add3A_1631 = arith.addi %add3A_1629, %add3A_1630 : i32
        %get3A_1632 = arith.index_cast %add3A_1631 : i32 to index
        %get3A_1633 = arith.constant 0 : index
        %get3A_1634 = tpu.vector_load %arg11[%get3A_1632, %get3A_1633] {strides = array<i32>} : memref<104x128xf32, #tpu.memory_space<vmem>>, vector<16xf32>,
        %mul3A_1635 = arith.mulf %get3A_646, %get3A_1634 : vector<16xf32>
        %get3A_1636 = arith.index_cast %add3A_1631 : i32 to index
        %get3A_1637 = arith.constant 16 : index
        %get3A_1638 = tpu.vector_load %arg11[%get3A_1636, %get3A_1637] {strides = array<i32>} : memref<104x128xf32, #tpu.memory_space<vmem>>, vector<16xf32>,
        %mul3A_1639 = arith.mulf %get3A_649, %get3A_1638 : vector<16xf32>
        %add3A_1640 = arith.addf %mul3A_1635, %mul3A_1639 : vector<16xf32>
        %get3A_1641 = arith.index_cast %add3A_1631 : i32 to index
        %get3A_1642 = arith.constant 32 : index
        %get3A_1643 = tpu.vector_load %arg11[%get3A_1641, %get3A_1642] {strides = array<i32>} : memref<104x128xf32, #tpu.memory_space<vmem>>, vector<16xf32>,
        %mul3A_1644 = arith.mulf %get3A_652, %get3A_1643 : vector<16xf32>
        %add3A_1645 = arith.addf %add3A_1640, %mul3A_1644 : vector<16xf32>
        %get3A_1646 = arith.index_cast %add3A_1631 : i32 to index
        %get3A_1647 = arith.constant 48 : index
        %get3A_1648 = tpu.vector_load %arg11[%get3A_1646, %get3A_1647] {strides = array<i32>} : memref<104x128xf32, #tpu.memory_space<vmem>>, vector<16xf32>,
        %mul3A_1649 = arith.mulf %get3A_655, %get3A_1648 : vector<16xf32>
        %add3A_1650 = arith.addf %add3A_1645, %mul3A_1649 : vector<16xf32>
        %get3A_1651 = arith.index_cast %add3A_1631 : i32 to index
        %get3A_1652 = arith.constant 64 : index
        %get3A_1653 = tpu.vector_load %arg11[%get3A_1651, %get3A_1652] {strides = array<i32>} : memref<104x128xf32, #tpu.memory_space<vmem>>, vector<16xf32>,
        %mul3A_1654 = arith.mulf %get3A_658, %get3A_1653 : vector<16xf32>
        %add3A_1655 = arith.addf %add3A_1650, %mul3A_1654 : vector<16xf32>
        %get3A_1656 = arith.index_cast %add3A_1631 : i32 to index
        %get3A_1657 = arith.constant 80 : index
        %get3A_1658 = tpu.vector_load %arg11[%get3A_1656, %get3A_1657] {strides = array<i32>} : memref<104x128xf32, #tpu.memory_space<vmem>>, vector<16xf32>,
        %mul3A_1659 = arith.mulf %get3A_661, %get3A_1658 : vector<16xf32>
        %add3A_1660 = arith.addf %add3A_1655, %mul3A_1659 : vector<16xf32>
        %get3A_1661 = arith.index_cast %add3A_1631 : i32 to index
        %get3A_1662 = arith.constant 96 : index
        %get3A_1663 = tpu.vector_load %arg11[%get3A_1661, %get3A_1662] {strides = array<i32>} : memref<104x128xf32, #tpu.memory_space<vmem>>, vector<16xf32>,
        %mul3A_1664 = arith.mulf %get3A_664, %get3A_1663 : vector<16xf32>
        %add3A_1665 = arith.addf %add3A_1660, %mul3A_1664 : vector<16xf32>
        %get3A_1666 = arith.index_cast %add3A_1631 : i32 to index
        %get3A_1667 = arith.constant 112 : index
        %get3A_1668 = tpu.vector_load %arg11[%get3A_1666, %get3A_1667] {strides = array<i32>} : memref<104x128xf32, #tpu.memory_space<vmem>>, vector<16xf32>,
        %mul3A_1669 = arith.mulf %get3A_667, %get3A_1668 : vector<16xf32>
        %add3A_1670 = arith.addf %add3A_1665, %mul3A_1669 : vector<16xf32>
        %cumsum3A_1671 = arith.constant true
        %cumsum3A_1672 = vector.broadcast %cumsum3A_1671 : i1 to vector<16xi1>
        %cumsum3A_1673 = tpu.scan <sum>, %add3A_1670 masked %cumsum3A_1672 : vector<16xf32>, vector<16xi1> -> vector<16xf32>
        %swap3A_1674 = arith.constant 15 : i32
        %swap3A_1675 = arith.index_cast %swap3A_1674 : i32 to index
        %swap3A_1676 = arith.constant 0 : index
        %swap3A_1677 = tpu.vector_load %arg12[%swap3A_1675, %swap3A_1676] {strides = array<i32>} : memref<16x16xf32, #tpu.memory_space<vmem>>, vector<16xf32>,
        tpu.vector_store %arg12[%swap3A_1675, %swap3A_1676], %cumsum3A_1673 {strides = array<i32>} : memref<16x16xf32, #tpu.memory_space<vmem>>, vector<16xf32>,
        %gather3A_1678 = tpu.vector_load_idx %arg12[%iota3A, %broadcast_in_dim3A_23] : memref<16x16xf32, #tpu.memory_space<vmem>>[vector<16xi32>, vector<16xi32>], vector<16xf32>,
        %mul3A_1679 = arith.constant 16 : i32
        %mul3A_1680 = arith.muli %mul3A_1679, %scan3A_845 : i32
        %swap3A_1681 = arith.index_cast %add3A_643 : i32 to index
        %swap3A_1682 = arith.index_cast %mul3A_1680 : i32 to index
        %swap3A_1683 = tpu.vector_load %arg13[%swap3A_1681, %swap3A_1682] {strides = array<i32>} : memref<128x64xf32, #tpu.memory_space<vmem>>, vector<16xf32>,
        tpu.vector_store %arg13[%swap3A_1681, %swap3A_1682], %gather3A_1678 {strides = array<i32>} : memref<128x64xf32, #tpu.memory_space<vmem>>, vector<16xf32>,
      }
      %scan3A_673 = arith.constant 3 : i32
      %get3A_674 = arith.constant 99 : i32
      %get3A_675 = arith.index_cast %get3A_674 : i32 to index
      %get3A_676 = arith.constant 0 : index
      %get3A_677 = tpu.vector_load %arg11[%get3A_675, %get3A_676] {strides = array<i32>} : memref<104x128xf32, #tpu.memory_space<vmem>>, vector<16xf32>,
      %mul3A_678 = arith.mulf %get3A_646, %get3A_677 : vector<16xf32>
      %get3A_679 = arith.constant 99 : i32
      %get3A_680 = arith.index_cast %get3A_679 : i32 to index
      %get3A_681 = arith.constant 16 : index
      %get3A_682 = tpu.vector_load %arg11[%get3A_680, %get3A_681] {strides = array<i32>} : memref<104x128xf32, #tpu.memory_space<vmem>>, vector<16xf32>,
      %mul3A_683 = arith.mulf %get3A_649, %get3A_682 : vector<16xf32>
      %add3A_684 = arith.addf %mul3A_678, %mul3A_683 : vector<16xf32>
      %get3A_685 = arith.constant 99 : i32
      %get3A_686 = arith.index_cast %get3A_685 : i32 to index
      %get3A_687 = arith.constant 32 : index
      %get3A_688 = tpu.vector_load %arg11[%get3A_686, %get3A_687] {strides = array<i32>} : memref<104x128xf32, #tpu.memory_space<vmem>>, vector<16xf32>,
      %mul3A_689 = arith.mulf %get3A_652, %get3A_688 : vector<16xf32>
      %add3A_690 = arith.addf %add3A_684, %mul3A_689 : vector<16xf32>
      %get3A_691 = arith.constant 99 : i32
      %get3A_692 = arith.index_cast %get3A_691 : i32 to index
      %get3A_693 = arith.constant 48 : index
      %get3A_694 = tpu.vector_load %arg11[%get3A_692, %get3A_693] {strides = array<i32>} : memref<104x128xf32, #tpu.memory_space<vmem>>, vector<16xf32>,
      %mul3A_695 = arith.mulf %get3A_655, %get3A_694 : vector<16xf32>
      %add3A_696 = arith.addf %add3A_690, %mul3A_695 : vector<16xf32>
      %get3A_697 = arith.constant 99 : i32
      %get3A_698 = arith.index_cast %get3A_697 : i32 to index
      %get3A_699 = arith.constant 64 : index
      %get3A_700 = tpu.vector_load %arg11[%get3A_698, %get3A_699] {strides = array<i32>} : memref<104x128xf32, #tpu.memory_space<vmem>>, vector<16xf32>,
      %mul3A_701 = arith.mulf %get3A_658, %get3A_700 : vector<16xf32>
      %add3A_702 = arith.addf %add3A_696, %mul3A_701 : vector<16xf32>
      %get3A_703 = arith.constant 99 : i32
      %get3A_704 = arith.index_cast %get3A_703 : i32 to index
      %get3A_705 = arith.constant 80 : index
      %get3A_706 = tpu.vector_load %arg11[%get3A_704, %get3A_705] {strides = array<i32>} : memref<104x128xf32, #tpu.memory_space<vmem>>, vector<16xf32>,
      %mul3A_707 = arith.mulf %get3A_661, %get3A_706 : vector<16xf32>
      %add3A_708 = arith.addf %add3A_702, %mul3A_707 : vector<16xf32>
      %get3A_709 = arith.constant 99 : i32
      %get3A_710 = arith.index_cast %get3A_709 : i32 to index
      %get3A_711 = arith.constant 96 : index
      %get3A_712 = tpu.vector_load %arg11[%get3A_710, %get3A_711] {strides = array<i32>} : memref<104x128xf32, #tpu.memory_space<vmem>>, vector<16xf32>,
      %mul3A_713 = arith.mulf %get3A_664, %get3A_712 : vector<16xf32>
      %add3A_714 = arith.addf %add3A_708, %mul3A_713 : vector<16xf32>
      %get3A_715 = arith.constant 99 : i32
      %get3A_716 = arith.index_cast %get3A_715 : i32 to index
      %get3A_717 = arith.constant 112 : index
      %get3A_718 = tpu.vector_load %arg11[%get3A_716, %get3A_717] {strides = array<i32>} : memref<104x128xf32, #tpu.memory_space<vmem>>, vector<16xf32>,
      %mul3A_719 = arith.mulf %get3A_667, %get3A_718 : vector<16xf32>
      %add3A_720 = arith.addf %add3A_714, %mul3A_719 : vector<16xf32>
      %cumsum3A_721 = arith.constant true
      %cumsum3A_722 = vector.broadcast %cumsum3A_721 : i1 to vector<16xi1>
      %cumsum3A_723 = tpu.scan <sum>, %add3A_720 masked %cumsum3A_722 : vector<16xf32>, vector<16xi1> -> vector<16xf32>
      %swap3A_724 = arith.constant 0 : i32
      %swap3A_725 = arith.index_cast %swap3A_724 : i32 to index
      %swap3A_726 = arith.constant 0 : index
      %swap3A_727 = tpu.vector_load %arg12[%swap3A_725, %swap3A_726] {strides = array<i32>} : memref<16x16xf32, #tpu.memory_space<vmem>>, vector<16xf32>,
      tpu.vector_store %arg12[%swap3A_725, %swap3A_726], %cumsum3A_723 {strides = array<i32>} : memref<16x16xf32, #tpu.memory_space<vmem>>, vector<16xf32>,
      %get3A_728 = arith.constant 100 : i32
      %get3A_729 = arith.index_cast %get3A_728 : i32 to index
      %get3A_730 = arith.constant 0 : index
      %get3A_731 = tpu.vector_load %arg11[%get3A_729, %get3A_730] {strides = array<i32>} : memref<104x128xf32, #tpu.memory_space<vmem>>, vector<16xf32>,
      %mul3A_732 = arith.mulf %get3A_646, %get3A_731 : vector<16xf32>
      %get3A_733 = arith.constant 100 : i32
      %get3A_734 = arith.index_cast %get3A_733 : i32 to index
      %get3A_735 = arith.constant 16 : index
      %get3A_736 = tpu.vector_load %arg11[%get3A_734, %get3A_735] {strides = array<i32>} : memref<104x128xf32, #tpu.memory_space<vmem>>, vector<16xf32>,
      %mul3A_737 = arith.mulf %get3A_649, %get3A_736 : vector<16xf32>
      %add3A_738 = arith.addf %mul3A_732, %mul3A_737 : vector<16xf32>
      %get3A_739 = arith.constant 100 : i32
      %get3A_740 = arith.index_cast %get3A_739 : i32 to index
      %get3A_741 = arith.constant 32 : index
      %get3A_742 = tpu.vector_load %arg11[%get3A_740, %get3A_741] {strides = array<i32>} : memref<104x128xf32, #tpu.memory_space<vmem>>, vector<16xf32>,
      %mul3A_743 = arith.mulf %get3A_652, %get3A_742 : vector<16xf32>
      %add3A_744 = arith.addf %add3A_738, %mul3A_743 : vector<16xf32>
      %get3A_745 = arith.constant 100 : i32
      %get3A_746 = arith.index_cast %get3A_745 : i32 to index
      %get3A_747 = arith.constant 48 : index
      %get3A_748 = tpu.vector_load %arg11[%get3A_746, %get3A_747] {strides = array<i32>} : memref<104x128xf32, #tpu.memory_space<vmem>>, vector<16xf32>,
      %mul3A_749 = arith.mulf %get3A_655, %get3A_748 : vector<16xf32>
      %add3A_750 = arith.addf %add3A_744, %mul3A_749 : vector<16xf32>
      %get3A_751 = arith.constant 100 : i32
      %get3A_752 = arith.index_cast %get3A_751 : i32 to index
      %get3A_753 = arith.constant 64 : index
      %get3A_754 = tpu.vector_load %arg11[%get3A_752, %get3A_753] {strides = array<i32>} : memref<104x128xf32, #tpu.memory_space<vmem>>, vector<16xf32>,
      %mul3A_755 = arith.mulf %get3A_658, %get3A_754 : vector<16xf32>
      %add3A_756 = arith.addf %add3A_750, %mul3A_755 : vector<16xf32>
      %get3A_757 = arith.constant 100 : i32
      %get3A_758 = arith.index_cast %get3A_757 : i32 to index
      %get3A_759 = arith.constant 80 : index
      %get3A_760 = tpu.vector_load %arg11[%get3A_758, %get3A_759] {strides = array<i32>} : memref<104x128xf32, #tpu.memory_space<vmem>>, vector<16xf32>,
      %mul3A_761 = arith.mulf %get3A_661, %get3A_760 : vector<16xf32>
      %add3A_762 = arith.addf %add3A_756, %mul3A_761 : vector<16xf32>
      %get3A_763 = arith.constant 100 : i32
      %get3A_764 = arith.index_cast %get3A_763 : i32 to index
      %get3A_765 = arith.constant 96 : index
      %get3A_766 = tpu.vector_load %arg11[%get3A_764, %get3A_765] {strides = array<i32>} : memref<104x128xf32, #tpu.memory_space<vmem>>, vector<16xf32>,
      %mul3A_767 = arith.mulf %get3A_664, %get3A_766 : vector<16xf32>
      %add3A_768 = arith.addf %add3A_762, %mul3A_767 : vector<16xf32>
      %get3A_769 = arith.constant 100 : i32
      %get3A_770 = arith.index_cast %get3A_769 : i32 to index
      %get3A_771 = arith.constant 112 : index
      %get3A_772 = tpu.vector_load %arg11[%get3A_770, %get3A_771] {strides = array<i32>} : memref<104x128xf32, #tpu.memory_space<vmem>>, vector<16xf32>,
      %mul3A_773 = arith.mulf %get3A_667, %get3A_772 : vector<16xf32>
      %add3A_774 = arith.addf %add3A_768, %mul3A_773 : vector<16xf32>
      %cumsum3A_775 = arith.constant true
      %cumsum3A_776 = vector.broadcast %cumsum3A_775 : i1 to vector<16xi1>
      %cumsum3A_777 = tpu.scan <sum>, %add3A_774 masked %cumsum3A_776 : vector<16xf32>, vector<16xi1> -> vector<16xf32>
      %swap3A_778 = arith.constant 1 : i32
      %swap3A_779 = arith.index_cast %swap3A_778 : i32 to index
      %swap3A_780 = arith.constant 0 : index
      %swap3A_781 = tpu.vector_load %arg12[%swap3A_779, %swap3A_780] {strides = array<i32>} : memref<16x16xf32, #tpu.memory_space<vmem>>, vector<16xf32>,
      tpu.vector_store %arg12[%swap3A_779, %swap3A_780], %cumsum3A_777 {strides = array<i32>} : memref<16x16xf32, #tpu.memory_space<vmem>>, vector<16xf32>,
      %get3A_782 = arith.constant 101 : i32
      %get3A_783 = arith.index_cast %get3A_782 : i32 to index
      %get3A_784 = arith.constant 0 : index
      %get3A_785 = tpu.vector_load %arg11[%get3A_783, %get3A_784] {strides = array<i32>} : memref<104x128xf32, #tpu.memory_space<vmem>>, vector<16xf32>,
      %mul3A_786 = arith.mulf %get3A_646, %get3A_785 : vector<16xf32>
      %get3A_787 = arith.constant 101 : i32
      %get3A_788 = arith.index_cast %get3A_787 : i32 to index
      %get3A_789 = arith.constant 16 : index
      %get3A_790 = tpu.vector_load %arg11[%get3A_788, %get3A_789] {strides = array<i32>} : memref<104x128xf32, #tpu.memory_space<vmem>>, vector<16xf32>,
      %mul3A_791 = arith.mulf %get3A_649, %get3A_790 : vector<16xf32>
      %add3A_792 = arith.addf %mul3A_786, %mul3A_791 : vector<16xf32>
      %get3A_793 = arith.constant 101 : i32
      %get3A_794 = arith.index_cast %get3A_793 : i32 to index
      %get3A_795 = arith.constant 32 : index
      %get3A_796 = tpu.vector_load %arg11[%get3A_794, %get3A_795] {strides = array<i32>} : memref<104x128xf32, #tpu.memory_space<vmem>>, vector<16xf32>,
      %mul3A_797 = arith.mulf %get3A_652, %get3A_796 : vector<16xf32>
      %add3A_798 = arith.addf %add3A_792, %mul3A_797 : vector<16xf32>
      %get3A_799 = arith.constant 101 : i32
      %get3A_800 = arith.index_cast %get3A_799 : i32 to index
      %get3A_801 = arith.constant 48 : index
      %get3A_802 = tpu.vector_load %arg11[%get3A_800, %get3A_801] {strides = array<i32>} : memref<104x128xf32, #tpu.memory_space<vmem>>, vector<16xf32>,
      %mul3A_803 = arith.mulf %get3A_655, %get3A_802 : vector<16xf32>
      %add3A_804 = arith.addf %add3A_798, %mul3A_803 : vector<16xf32>
      %get3A_805 = arith.constant 101 : i32
      %get3A_806 = arith.index_cast %get3A_805 : i32 to index
      %get3A_807 = arith.constant 64 : index
      %get3A_808 = tpu.vector_load %arg11[%get3A_806, %get3A_807] {strides = array<i32>} : memref<104x128xf32, #tpu.memory_space<vmem>>, vector<16xf32>,
      %mul3A_809 = arith.mulf %get3A_658, %get3A_808 : vector<16xf32>
      %add3A_810 = arith.addf %add3A_804, %mul3A_809 : vector<16xf32>
      %get3A_811 = arith.constant 101 : i32
      %get3A_812 = arith.index_cast %get3A_811 : i32 to index
      %get3A_813 = arith.constant 80 : index
      %get3A_814 = tpu.vector_load %arg11[%get3A_812, %get3A_813] {strides = array<i32>} : memref<104x128xf32, #tpu.memory_space<vmem>>, vector<16xf32>,
      %mul3A_815 = arith.mulf %get3A_661, %get3A_814 : vector<16xf32>
      %add3A_816 = arith.addf %add3A_810, %mul3A_815 : vector<16xf32>
      %get3A_817 = arith.constant 101 : i32
      %get3A_818 = arith.index_cast %get3A_817 : i32 to index
      %get3A_819 = arith.constant 96 : index
      %get3A_820 = tpu.vector_load %arg11[%get3A_818, %get3A_819] {strides = array<i32>} : memref<104x128xf32, #tpu.memory_space<vmem>>, vector<16xf32>,
      %mul3A_821 = arith.mulf %get3A_664, %get3A_820 : vector<16xf32>
      %add3A_822 = arith.addf %add3A_816, %mul3A_821 : vector<16xf32>
      %get3A_823 = arith.constant 101 : i32
      %get3A_824 = arith.index_cast %get3A_823 : i32 to index
      %get3A_825 = arith.constant 112 : index
      %get3A_826 = tpu.vector_load %arg11[%get3A_824, %get3A_825] {strides = array<i32>} : memref<104x128xf32, #tpu.memory_space<vmem>>, vector<16xf32>,
      %mul3A_827 = arith.mulf %get3A_667, %get3A_826 : vector<16xf32>
      %add3A_828 = arith.addf %add3A_822, %mul3A_827 : vector<16xf32>
      %cumsum3A_829 = arith.constant true
      %cumsum3A_830 = vector.broadcast %cumsum3A_829 : i1 to vector<16xi1>
      %cumsum3A_831 = tpu.scan <sum>, %add3A_828 masked %cumsum3A_830 : vector<16xf32>, vector<16xi1> -> vector<16xf32>
      %swap3A_832 = arith.constant 2 : i32
      %swap3A_833 = arith.index_cast %swap3A_832 : i32 to index
      %swap3A_834 = arith.constant 0 : index
      %swap3A_835 = tpu.vector_load %arg12[%swap3A_833, %swap3A_834] {strides = array<i32>} : memref<16x16xf32, #tpu.memory_space<vmem>>, vector<16xf32>,
      tpu.vector_store %arg12[%swap3A_833, %swap3A_834], %cumsum3A_831 {strides = array<i32>} : memref<16x16xf32, #tpu.memory_space<vmem>>, vector<16xf32>,
      %gather3A_836 = tpu.vector_load_idx %arg12[%iota3A, %broadcast_in_dim3A_23] : memref<16x16xf32, #tpu.memory_space<vmem>>[vector<16xi32>, vector<16xi32>], vector<16xf32>,
      %swap3A_837 = arith.index_cast %add3A_643 : i32 to index
      %swap3A_838 = arith.constant 48 : index
      %swap3A_839 = tpu.vector_load %arg13[%swap3A_837, %swap3A_838] {strides = array<i32>} : memref<128x64xf32, #tpu.memory_space<vmem>>, vector<16xf32>,
      tpu.vector_store %arg13[%swap3A_837, %swap3A_838], %gather3A_836 {strides = array<i32>} : memref<128x64xf32, #tpu.memory_space<vmem>>, vector<16xf32>,
      %lt3A_840 = arith.constant 31 : i32
      %lt3A_841 = arith.cmpi slt, %scan3A_29, %lt3A_840 : i32
      %convert_element_type3A_842 = arith.extui %lt3A_841 : i1 to i32
      %cond3A_843 = arith.constant 0 : i32
      %cond3A_844 = arith.cmpi ne, %convert_element_type3A_842, %cond3A_843 : i32
      scf.if %cond3A_844 {
        %add3A_845 = arith.constant 3 : i32
        %add3A_846 = arith.addi %mul3A_31, %add3A_845 : i32
        %dma_start3A_847 = arith.constant 0 : i32
        %dma_start3A_848 = tpu.memref_slice %arg8[%add3A_846, %dma_start3A_847] : memref<64x104xi32, #tpu.memory_space<vmem>> -> memref<1x104xi32, #tpu.memory_space<vmem>>
        %dma_start3A_849 = tpu.memref_squeeze %dma_start3A_848 : memref<1x104xi32, #tpu.memory_space<vmem>> -> memref<104xi32, #tpu.memory_space<vmem>>
        %dma_start3A_850 = arith.constant 0 : i32
        %dma_start3A_851 = arith.constant 0 : i32
        %dma_start3A_852 = tpu.memref_slice %arg5[%dma_start3A_850, %dma_start3A_851] : memref<100000x128xf32, #tpu.memory_space<hbm>> -> memref<100000x128xf32, #tpu.memory_space<hbm>>
        tpu.enqueue_indirect_dma source(%dma_start3A_852 : memref<100000x128xf32, #tpu.memory_space<hbm>>) target(%arg11 : memref<104x128xf32, #tpu.memory_space<vmem>>) offsets(%dma_start3A_849 : memref<104xi32, #tpu.memory_space<vmem>>) semaphore(%arg16 : memref<!tpu.dma_semaphore, #tpu.memory_space<semaphore_mem>>)
      } else {
      }
    }
    %scan3A_28 = arith.constant 32 : i32
    "tpu.region"() ({
      %run_scoped3A = tpu.sem_alloc : memref<!tpu.dma_semaphore, #tpu.memory_space<semaphore_mem>>
      %dma_start3A_29 = arith.constant 0 : i32
      %dma_start3A_30 = tpu.memref_slice %arg6[%mul3A_2, %dma_start3A_29] : memref<4096x64xf32, #tpu.memory_space<hbm>> -> memref<128x64xf32, #tpu.memory_space<hbm>>
      %dma_start3A_31 = arith.constant 0 : i32
      %dma_start3A_32 = tpu.memref_slice %arg6[%mul3A_2, %dma_start3A_31] : memref<4096x64xf32, #tpu.memory_space<hbm>> -> memref<128x64xf32, #tpu.memory_space<hbm>>
      tpu.enqueue_dma source(%arg13 : memref<128x64xf32, #tpu.memory_space<vmem>>) target(%dma_start3A_32 : memref<128x64xf32, #tpu.memory_space<hbm>>) target_semaphore(%run_scoped3A : memref<!tpu.dma_semaphore, #tpu.memory_space<semaphore_mem>>)
      %dma_wait3A_33 = arith.constant 0 : i32
      %dma_wait3A_34 = tpu.memref_slice %arg6[%mul3A_2, %dma_wait3A_33] : memref<4096x64xf32, #tpu.memory_space<hbm>> -> memref<128x64xf32, #tpu.memory_space<hbm>>
      %dma_wait3A_35 = arith.constant 0 : i32
      %dma_wait3A_36 = tpu.memref_slice %arg6[%mul3A_2, %dma_wait3A_35] : memref<4096x64xf32, #tpu.memory_space<hbm>> -> memref<128x64xf32, #tpu.memory_space<hbm>>
      tpu.wait_dma2 semaphore(%run_scoped3A : memref<!tpu.dma_semaphore, #tpu.memory_space<semaphore_mem>>) src(%arg13 : memref<128x64xf32, #tpu.memory_space<vmem>>) dst(%dma_wait3A_36 : memref<128x64xf32, #tpu.memory_space<hbm>>)
      tpu.yield
    }) : () -> ()
    return
  }
}

module attributes {stable_mosaic.version = 14 : i64} {
  func.func @_tc_loss_body(%arg0: memref<4096x64xf32, #tpu.memory_space<vmem>>, %arg1: memref<1x1xf32, #tpu.memory_space<smem>>) attributes {dimension_semantics = [], scalar_prefetch = 0 : i64, scratch_operands = 0 : i64, tpu.core_type = #tpu.core_type<tc>} {
    %get3A = arith.constant 0 : index
    %get3A_0 = arith.constant 0 : index
    %get3A_1 = vector.load %arg0[%get3A, %get3A_0] : memref<4096x64xf32, #tpu.memory_space<vmem>>, vector<4096x64xf32>
    %jit3A = arith.constant -1.000000e+01 : f32
    %jit3A_2 = arith.constant 1.000000e+01 : f32
    %max3A = vector.broadcast %jit3A : f32 to vector<4096x64xf32>
    %max3A_3 = arith.maximumf %max3A, %get3A_1 : vector<4096x64xf32>
    %min3A = vector.broadcast %jit3A_2 : f32 to vector<4096x64xf32>
    %min3A_4 = arith.minimumf %min3A, %max3A_3 : vector<4096x64xf32>
    %iota3A = tpu.iota {dimensions = array<i32: 1>} : vector<4096x64xi32>
    %eq3A = arith.constant 0 : i32
    %eq3A_5 = vector.broadcast %eq3A : i32 to vector<4096x64xi32>
    %eq3A_6 = arith.cmpi eq, %iota3A, %eq3A_5 : vector<4096x64xi32>
    %neg3A = arith.constant 0.000000e+00 : f32
    %neg3A_7 = vector.broadcast %neg3A : f32 to vector<4096x64xf32>
    %neg3A_8 = arith.subf %neg3A_7, %min3A_4 : vector<4096x64xf32>
    %select_n3A = arith.select %eq3A_6, %neg3A_8, %min3A_4 : vector<4096x64xi1>, vector<4096x64xf32>
    %exp3A = math.exp %select_n3A : vector<4096x64xf32>
    %log1p3A = math.log1p %exp3A : vector<4096x64xf32>
    %le3A = arith.constant 50 : i32
    %le3A_9 = vector.broadcast %le3A : i32 to vector<4096x64xi32>
    %le3A_10 = arith.cmpi sle, %iota3A, %le3A_9 : vector<4096x64xi32>
    %jit3A_11 = arith.constant 0.000000e+00 : f32
    %broadcast_in_dim3A = vector.broadcast %jit3A_11 : f32 to vector<4096x64xf32>
    %select_n3A_12 = arith.select %le3A_10, %log1p3A, %broadcast_in_dim3A : vector<4096x64xi1>, vector<4096x64xf32>
    %reduce_sum3A = vector.shape_cast %select_n3A_12 : vector<4096x64xf32> to vector<1x4096x64xf32>
    %reduce_sum3A_13 = arith.constant dense<0.000000e+00> : vector<1xf32>
    %reduce_sum3A_14 = vector.multi_reduction <add>, %reduce_sum3A, %reduce_sum3A_13 [1, 2] : vector<1x4096x64xf32> to vector<1xf32>
    %reduce_sum3A_15 = vector.shape_cast %reduce_sum3A_14 : vector<1xf32> to vector<1x1x1xf32>
    %reduce_sum3A_16 = vector.extract %reduce_sum3A_15[0, 0, 0] : f32 from vector<1x1x1xf32>
    %mul3A = arith.constant 2.44140625E-4 : f32
    %mul3A_17 = arith.mulf %reduce_sum3A_16, %mul3A : f32
    %swap3A = arith.constant 0 : index
    %swap3A_18 = arith.constant 0 : index
    %swap3A_19 = memref.load %arg1[%swap3A, %swap3A_18] : memref<1x1xf32, #tpu.memory_space<smem>>
    memref.store %mul3A_17, %arg1[%swap3A, %swap3A_18] : memref<1x1xf32, #tpu.memory_space<smem>>
    return
  }
}

</mosaic_0001>

<sc_bundles>
// kernel: kernel.4.cloned.1.call-start
scs
__scs_entry_jumppad:
0x0: {  	(pc) =	sbr.rel $0x88, $3  }
0x1: {  	(tag) =	ssettag $0x0;
	lr =	simm.s32 $0x1  }
0x2: {  	[smem:$0x3F9C] =	sst lr;
	_ =	strace $0xD0000000  }
0x3: {  	_ = 	snop  }
0x4: {  	_ = 	snop  }
0x5: {  	_ = 	snop  }
0x6: {  	_ = 	snop  }
0x7: {  	_ = 	snop  }
__scs_overlays_trampoline_lowered:
0x8: {  	[smem:$0x3FAB] =	sst s0  }
0x9: {  	[smem:$0x3FAC] =	sst s1  }
0xa: {  	[smem:$0x3FAD] =	sst s2  }
0xb: {  	[smem:$0x3FAE] =	sst s3  }
0xc: {  	[smem:$0x3FAF] =	sst s4  }
0xd: {  	[smem:$0x3FB0] =	sst s5  }
0xe: {  	[smem:$0x3FB1] =	sst s6  }
0xf: {  	[smem:$0x3FB2] =	sst s7  }
0x10: {  	[smem:$0x3FB3] =	sst s8  }
0x11: {  	[smem:$0x3FB4] =	sst s9;
	s0 =	simm.s32 @!p0 $0x0  }
0x12: {  	s1 =	sld [smem:$0x3F9A];
	s0 =	simm.s32 @p0 $0x1  }
0x13: {  	[smem:$0x3FB5] =	sst s0;
	s0 =	simm.s32 @!p1 $0x0  }
0x14: {  	s2 =	sld [smem:$0x3F99];
	s0 =	simm.s32 @p1 $0x1  }
0x15: {  	[smem:$0x3FB6] =	sst s0;
	s0 =	simm.s32 @!p2 $0x0  }
0x16: {  	s3 =	sld [smem:$0x3FDB];
	s0 =	simm.s32 @p2 $0x1  }
0x17: {  	s4 =	simm.s32 $0x1BF5;
	[smem:$0x3FB8] =	sst s0  }
0x18: {  	s0 =	sld [smem:$0x3F9B];
	_ =	swait.ge [sflag:s4], $0x0  }
0x19: {  	s7 =	sld [smem:$0x3F9C]  }
0x1a: {  	s8 =	sadd.s32 $0xFFFFE003, lr  }
0x1b: {  	s9 =	sadd.s32 $0xFFFFFEF7, lr;
	s5 =	simm.s32 $0xFFFFFFFF;
	p2 =	slt.u32 s8, $0xFFFFF086  }
0x1c: {  	p1 =	slt.u32 s9, $0xF7A;
	s5 =	simm.s32 @!p2 $0x0  }
0x1d: {  	s5 =	simm.s32 @p1 $0x1;
	p0 =	seq.s32 s7, s2  }
0x1e: {  	s7 =	smul.u32 @!p0 $0xF7A, s2;
	p2 =	seq.s32 @!p0 s5, $0x0  }
0x1f: {  	s9 =	smul.u32 $0xF7A, s1;
	s8 =	simm.s32 @!p0 $0x1BF5;
	p2 =	por !p2, p0  }
0x20: {  	[sflag:s8] =	ssyncset.s32 @!p0 $0xFFFFF086;
	s6 =	sadd.s32 @!p0 s3, s7;
	s7 =	simm.s32 @!p0 $0x108  }
0x21: {  	s3 =	sadd.s32 s3, s9;
	s6 =	sadd.s32 @!p0 $0x88, s6;
	s7 =	simm.s32 @p2 $0x1082  }
0x22: {  	[simem:s7], [sflag:s8] =	dma.local @!p0 [hbm:s6], $0xF7A  }
0x23: {  	s9 =	sor.u32 $0xD0000000, s2;
	s6 =	simm.s32 $0x108;
	_ =	swait.ge @!p0 [sflag:s8], $0x0  }
0x24: {  	s3 =	sadd.s32 $0x88, s3;
	s6 =	simm.s32 @!p1 $0x1082;
	[sflag:s4] =	ssyncset.s32 $0xFFFFF086  }
0x25: {  	[simem:s6], [sflag:s4] =	dma.local [hbm:s3], $0xF7A  }
0x26: {  	[smem:$0x3F9C] =	sst s1;
	(tag) =	ssettag s2;
	_ =	strace s9  }
0x27: {  	s1 =	sld [smem:$0x3FAC]  }
0x28: {  	s2 =	sld [smem:$0x3FAD]  }
0x29: {  	s4 =	sld [smem:$0x3FAF]  }
0x2a: {  	p0 =	seq.s32 s5, $0x0;
	s5 =	sld [smem:$0x3FB0]  }
0x2b: {  	s6 =	sld [smem:$0x3FB1]  }
0x2c: {  	s7 =	sld [smem:$0x3FB2]  }
0x2d: {  	s3 =	simm.s32 $0x108;
	s8 =	sld [smem:$0x3FB3]  }
0x2e: {  	s3 =	simm.s32 @!p0 $0x1082;
	s9 =	sld [smem:$0x3FB4]  }
0x2f: {  	lr =	sadd.s32 s0, s3;
	s0 =	sld [smem:$0x3FAB]  }
0x30: {  	s3 =	sld [smem:$0x3FAE]  }
0x31: {  	[smem:$0x3FB7] =	sst s10  }
0x32: {  	s10 =	sld [smem:$0x3FB5];
	_ =	sdelay $0x3  }
0x33: {  	p0 =	seq.s32 s10, $0x1;
	s10 =	sld [smem:$0x3FB7];
	_ =	sdelay $0x3  }
0x34: {  	[smem:$0x3FB7] =	sst s10  }
0x35: {  	s10 =	sld [smem:$0x3FB6];
	_ =	sdelay $0x3  }
0x36: {  	p1 =	seq.s32 s10, $0x1;
	s10 =	sld [smem:$0x3FB7];
	_ =	sdelay $0x3  }
0x37: {  	[smem:$0x3FB7] =	sst s10  }
0x38: {  	s10 =	sld [smem:$0x3FB8]  }
0x39: {  	_ = 	snop;
	(pc) =	sbr.ind lr, $3  }
0x3a: {  	_ = 	snop  }
0x3b: {  	_ = 	snop  }
0x3c: {  	p2 =	seq.s32 s10, $0x1;
	s10 =	sld [smem:$0x3FB7]  }
0x3d: {  	_ =	shalt  }
0x3e: {  	_ =	shalt  }
0x3f: {  	_ =	shalt  }
0x40: {  	_ =	shalt  }
0x41: {  	_ =	shalt  }
0x42: {  	_ =	shalt  }
0x43: {  	_ =	shalt  }
0x44: {  	_ =	shalt  }
0x45: {  	_ =	shalt  }
0x46: {  	_ =	shalt  }
0x47: {  	_ =	shalt  }
0x48: {  	_ =	shalt  }
0x49: {  	_ =	shalt  }
0x4a: {  	_ =	shalt  }
0x4b: {  	_ =	shalt  }
0x4c: {  	_ =	shalt  }
0x4d: {  	_ =	shalt  }
0x4e: {  	_ =	shalt  }
0x4f: {  	_ =	shalt  }
0x50: {  	_ =	shalt  }
0x51: {  	_ =	shalt  }
0x52: {  	_ =	shalt  }
0x53: {  	_ =	shalt  }
0x54: {  	_ =	shalt  }
0x55: {  	_ =	shalt  }
0x56: {  	_ =	shalt  }
0x57: {  	_ =	shalt  }
0x58: {  	_ =	shalt  }
0x59: {  	_ =	shalt  }
0x5a: {  	_ =	shalt  }
0x5b: {  	_ =	shalt  }
0x5c: {  	_ =	shalt  }
0x5d: {  	_ =	shalt  }
0x5e: {  	_ =	shalt  }
0x5f: {  	_ =	shalt  }
0x60: {  	_ =	shalt  }
0x61: {  	_ =	shalt  }
0x62: {  	_ =	shalt  }
0x63: {  	_ =	shalt  }
0x64: {  	_ =	shalt  }
0x65: {  	_ =	shalt  }
0x66: {  	_ =	shalt  }
0x67: {  	_ =	shalt  }
0x68: {  	_ =	shalt  }
0x69: {  	_ =	shalt  }
0x6a: {  	_ =	shalt  }
0x6b: {  	_ =	shalt  }
0x6c: {  	_ =	shalt  }
0x6d: {  	_ =	shalt  }
0x6e: {  	_ =	shalt  }
0x6f: {  	_ =	shalt  }
0x70: {  	_ =	shalt  }
0x71: {  	_ =	shalt  }
0x72: {  	_ =	shalt  }
0x73: {  	_ =	shalt  }
0x74: {  	_ =	shalt  }
0x75: {  	_ =	shalt  }
0x76: {  	_ =	shalt  }
0x77: {  	_ =	shalt  }
0x78: {  	_ =	shalt  }
0x79: {  	_ =	shalt  }
0x7a: {  	_ =	shalt  }
0x7b: {  	_ =	shalt  }
0x7c: {  	_ =	shalt  }
0x7d: {  	_ =	shalt  }
0x7e: {  	_ =	shalt  }
0x7f: {  	_ =	shalt  }
0x80: {  	_ =	shalt  }
0x81: {  	_ =	shalt  }
0x82: {  	_ =	shalt  }
0x83: {  	_ =	shalt  }
0x84: {  	_ =	shalt  }
0x85: {  	_ =	shalt  }
0x86: {  	_ =	shalt  }
0x87: {  	_ =	shalt  }
.Lfunc_end0:
.L_simem_size_0:
called_computation_lowered:
.L_overlay_start_0:
0x88: {  	s2 =	sld [smem:$0x3FD9]  }
0x89: {  	s3 =	sld [smem:$0x3FFE];
	_ =	sdelay $0x1  }
0x8a: {  	s1 =	srdreg.scid  }
0x8b: {  	s0 =	sand.u32 $0x1, s1  }
0x8c: {  	s17 =	sshll.u32 s0, $0xA;
	s2 =	sadd.s32 s3, s2  }
0x8d: {  	s2 =	sadd.s32 s2, s17  }
0x8e: {  	[smem:$0x3FC3] =	sst s2  }
0x8f: {  	_ = 	snop  }
0x90: {  	s2 =	sld [smem:$0x3FC9]  }
0x91: {  	s18 =	sld [smem:$0x3FC6]  }
0x92: {  	s4 =	sld [smem:$0x3FC5];
	(tm) =	ssettm $0x1  }
0x93: {  	s5 =	sld [smem:$0x3FFB];
	_ =	sdelay $0x3  }
0x94: {  	_ =	strace s5  }
0x95: {  	s5 =	sld [smem:$0x3FFC];
	_ =	sdelay $0x3  }
0x96: {  	_ =	strace s5  }
0x97: {  	s5 =	sld [smem:$0x3FFD];
	_ =	sdelay $0x3  }
0x98: {  	_ =	strace s5  }
0x99: {  	_ =	strace $0x8FFFFFFF  }
0x9a: {  	s19 =	sld [smem:$0x3FDB];
	_ =	sdelay $0x1  }
0x9b: {  	s6 =	simm.s32 $_scs_section_size  }
0x9c: {  	s7 =	simm.s32 $_size__tile_overlayer_lowered;
	s8 =	simm.s32 $_tile_overlayer_lowered  }
0x9d: {  	s22 =	simm.s32 $0x1BFF;
	s21 =	sshll.u32 s8, $0x1;
	s5 =	sadd.s32 s6, s19  }
0x9e: {  	s9 =	simm.s32 $0x0;
	s20 =	sshll.u32 s7, $0x1;
	s7 =	sadd.s32 s21, s5  }
0x9f: {  	[timem:s9], [sflag:s22] =	dma.local [hbm:s7], s20  }
0xa0: {  	_ =	swait.ge [sflag:s22], s20  }
0xa1: {  	s6 =	ssub.s32 $0x0, s20;
	[sflag:s22] =	ssyncset.done $0x0  }
0xa2: {  	[sflag:s22] =	ssyncadd.s32 s6;
	_ =	sdelay $0x1  }
0xa3: {  	s23 =	simm.s32 $0x1B8B  }
0xa4: {  	_ =	swait.ge [sflag:s23], $0x1  }
0xa5: {  	[sflag:s23] =	ssyncset.done $0x0  }
0xa6: {  	s25 =	simm.s32 $0x1B8E;
	s24 =	sld [smem:$0x3FFE];
	[sflag:s23] =	ssyncadd.s32 $0xFFFFFFFF  }
0xa7: {  	s26 =	simm.s32 $execute0_lowered;
	[smem:$0x3FD2] =	sst s25  }
0xa8: {  	s7 =	sshll.u32 s26, $0x1;
	_ =	strace $0x80000046;
	[dreg:$0x1] =	wrdreg $0xFFFFFFFF  }
0xa9: {  	s28 =	simm.s32 $_size_execute0_lowered;
	s5 =	sadd.s32 s5, s7;
	[dreg:$0x0] =	wrdreg $0x0  }
0xaa: {  	s7 =	sshll.u32 s28, $0x1;
	[dreg:$0x2] =	wrdreg s5  }
0xab: {  	[dreg:$0x3] =	wrdreg s7  }
0xac: {  	[dreg:$0x4] =	wrdreg $0xC0  }
0xad: {  	_ =	task [dreg:s9], $0x5FFFF  }
0xae: {  	[dreg:$0x1] =	wrdreg $0xFFFFFFFF  }
0xaf: {  	[dreg:$0x0] =	wrdreg $0x60  }
0xb0: {  	[dreg:$0x2] =	wrdreg s2  }
0xb1: {  	[dreg:$0x3] =	wrdreg s24  }
0xb2: {  	[dreg:$0x4] =	wrdreg s18  }
0xb3: {  	[dreg:$0x5] =	wrdreg s4  }
0xb4: {  	[dreg:$0x6] =	wrdreg $0x9  }
0xb5: {  	_ =	task.clear_ibuf [dreg:s9], $0x7FFFF;
	_ =	strace $0x90000046  }
0xb6: {  	s29 =	simm.s32 $0x9;
	_ =	strace $0x80000048  }
0xb7: {  	_ =	swait.ge [sflag:s29], $0x1  }
0xb8: {  	[sflag:s29] =	ssyncadd.s32 $0xFFFFFFFF  }
0xb9: {  	_ =	strace $0x90000048  }
0xba: {  	_ =	sfence  }
0xbb: {  	s30 =	sld [smem:$0x0];
	_ =	sdelay $0x2  }
0xbc: {  	s31 =	sshll.u32 s1, $0xD;
	s1 =	sshrl.u32 s1, $0x2  }
0xbd: {  	s3 =	sand.u32 $0x4000, s31;
	s1 =	sadd.s32 s1, s30  }
0xbe: {  	s0 =	sor.u32 s3, s0;
	s1 =	sshll.u32 s1, $0x11  }
0xbf: {  	s0 =	sor.u32 s1, s0  }
0xc0: {  	s0 =	sadd.s32 $0x8F2B, s0  }
0xc1: {  	[sflag:s0] =	ssyncadd.remote.s32 $0x1  }
0xc2: {  	_ =	sfence.sel $0xFFFF  }
0xc3: {  	[dreg:$0x0] =	wrdreg $0xFFFFFFFF;
	(pc) =	sbr.abs _section_cstart, $3  }
0xc4: {  	[dreg:$0x1] =	wrdreg $0xFFFFFFFF  }
0xc5: {  	_ =	task.clear_ibuf [dreg:s9], $0x2FFFF;
	_ =	strace $0x9FFFFFFF  }
0xc6: {  	(tm) =	ssettm $0x7FFFFFFF  }
0xc7: {  	_ =	shalt  }
tec
execute0_lowered:
.L_overlay_start_1:
0x0: {  	(tag) =	ssettag $0x1  }
0x1: {  	s5 =	rddreg [dreg:$0x0]  }
0x2: {  	s6 =	rddreg [dreg:$0x1]  }
0x3: {  	s2 =	rddreg [dreg:$0x2]  }
0x4: {  	s3 =	rddreg [dreg:$0x3];
	s7 =	srdreg.scid  }
0x5: {  	s1 =	stileid.u32;
	s4 =	simm.s32 $0x0;
	s12 =	simm.s32 $0x68  }
0x6: {  	s13 =	simm.s32 $0x6080;
	s14 =	simm.s32 $0x100;
	s15 =	simm.s32 $0x9480  }
0x7: {  	s16 =	simm.s32 $0x1;
	s17 =	simm.s32 $0x2;
	s18 =	simm.s32 $0xC880  }
0x8: {  	s19 =	simm.s32 $0x3;
	s20 =	simm.s32 $0xD080;
	s21 =	simm.s32 $0x0  }
0x9: {  	s7 =	sand.u32 $0x1, s7;
	s8 =	sshll.u32 s1, $0x1;
	[smem:$0x7FF] =	sst s4  }
0xa: {  	s8 =	sor.u32 s7, s8;
	_ =	strace $0x80000047;
	s7 =	ssub.s32 $0x2, s7  }
.Ltmp0:
0xb: {  	s9 =	sshll.u32 s8, $0xA;
	s10 =	sshll.u32 s8, $0xB;
	(pc) =	sbr.rel .LBB2_1-.Ltmp0, $4  }
0xc: {  	v0 =	vlaneseq.u32;
	s31 =	sshrl.u32 s7, $0x1;
	s8 =	sshll.u32 s8, $0x4;
	s9 =	sadd.s32 s9, s6  }
0xd: {  	v0 =	vmul.u32 $0x80, v0;
	s10 =	sadd.s32 s10, s6;
	s11 =	ssub.s32 s7, s31;
	s5 =	sadd.s32 s5, s8  }
0xe: {  	s6 =	sadd.s32 $0x600, s9;
	s7 =	sadd.s32 $0x8600, s10;
	s8 =	smax.u32 s11, $0x1  }
0xf: {  	v0 =	vor.u32 $0xF, v0;
	s9 =	simm.s32 $0x4;
	s10 =	simm.s32 $0x80;
	s11 =	simm.s32 $0x2080  }
.LBB2_12:
0x10: {  	s21 =	sadd.s32 $0x1, s21  }
0x11: {  	p0 =	sne.s32 s21, s8  }
.Ltmp1:
0x12: {  	_ = 	snop;
	(pc) =	sbr.rel @!p0 .LBB2_13-.Ltmp1, $4  }
0x13: {  	[hbm4b:s7+s4] =	stream.linear.scatter [tilespmem:s20], [sflag:$0x4], $0x4000, $0x38;
	[tilespmem:$0x11080] =	vst v63  }
0x14: {  	_ =	swait.ge [sflag:s9], $0x4000  }
0x15: {  	[sflag:s9] =	ssyncset.done $0x0  }
0x16: {  	[sflag:s9] =	ssyncadd.s32 $0xFFFFC000  }
.LBB2_1:
0x17: {  	[tilespmem:s4], [sflag:$0x4] =	stream.linear.gather [hbm4b:s5+s4], $0x80, $0x38;
	[tilespmem:$0x11080] =	vst v63  }
0x18: {  	_ =	swait.ge [sflag:s9], $0x80  }
0x19: {  	[sflag:s9] =	ssyncset.done $0x0  }
0x1a: {  	[sflag:s9] =	ssyncadd.s32 $0xFFFFFF80  }
0x1b: {  	[tilespmem:s10], [sflag:$0x4] =	stream.linear.gather [hbm4b:s6+s4], $0x2000, $0x38;
	[tilespmem:$0x11080] =	vst v63  }
0x1c: {  	_ =	swait.ge [sflag:s9], $0x2000  }
0x1d: {  	[sflag:s9] =	ssyncset.done $0x0  }
0x1e: {  	[sflag:s9] =	ssyncadd.s32 $0xFFFFE000  }
0x1f: {  	[tilespmem:s11], [sflag:$0x1] =	stream.indirect.gather [hbm4b:s2+s10], $0x80, s4, s10, $0xb8;
	[tilespmem:$0x11080] =	vst v63  }
0x20: {  	_ = 	snop  }
0x21: {  	[tilespmem:s13], [sflag:$0x2] =	stream.indirect.gather [hbm4b:s3+s12], $0x80, s10, s12, $0xb8;
	[tilespmem:$0x11080] =	vst v63  }
0x22: {  	_ = 	snop  }
0x23: {  	[tilespmem:s15], [sflag:$0x3] =	stream.indirect.gather [hbm4b:s3+s12], $0x80, s14, s12, $0xb8;
	[tilespmem:$0x11080] =	vst v63  }
0x24: {  	s22 =	simm.s32 $0xD100;
	_ =	swait.ge [sflag:s16], $0x4000  }
0x25: {  	s23 =	simm.s32 $0xD180;
	s24 =	simm.s32 $0xD200;
	[sflag:s16] =	ssyncset.done $0x0  }
0x26: {  	s25 =	simm.s32 $0xD080;
	s26 =	simm.s32 $0x0;
	[sflag:s16] =	ssyncadd.s32 $0xFFFFC000  }
.LBB2_2:
0x27: {  	_ =	swait.ge [sflag:s17], $0x3400  }
0x28: {  	[sflag:s17] =	ssyncset.done $0x0  }
0x29: {  	s28 =	sshll.u32 s26, $0x9;
	[sflag:s17] =	ssyncadd.s32 $0xFFFFCC00  }
0x2a: {  	v7 =	vld [tilespmem:s28+$0x2080]  }
0x2b: {  	v8 =	vld [tilespmem:s28+$0x2090]  }
0x2c: {  	v6 =	vld [tilespmem:s28+$0x20A0]  }
0x2d: {  	v5 =	vld [tilespmem:s28+$0x20B0]  }
0x2e: {  	v4 =	vld [tilespmem:s28+$0x20C0]  }
0x2f: {  	v3 =	vld [tilespmem:s28+$0x20D0]  }
0x30: {  	v2 =	vld [tilespmem:s28+$0x20E0]  }
0x31: {  	s30 =	simm.s32 $0x0;
	s31 =	simm.s32 $0x6480;
	v9 =	vmov s25;
	s29 =	sor.u32 $0x30, s28;
	v1 =	vld [tilespmem:s28+$0x20F0]  }
.LBB2_3:
0x32: {  	v10 =	vld [tilespmem:s31+$0xFFFFFC00]  }
0x33: {  	v11 =	vld [tilespmem:s31+$0xFFFFFC10];
	_ =	sdelay $0x1  }
0x34: {  	v12 =	vld [tilespmem:s31+$0xFFFFFC20];
	_ =	sdelay $0x1  }
0x35: {  	v13 =	vld [tilespmem:s31+$0xFFFFFC30]  }
0x36: {  	v10 =	vmul.f32 v10, v7;
	v11 =	vmul.f32 v11, v8  }
0x37: {  	v14 =	vld [tilespmem:s31+$0xFFFFFC40]  }
0x38: {  	v10 =	vadd.f32 v11, v10;
	v11 =	vmul.f32 v12, v6  }
0x39: {  	v19 =	vld [tilespmem:s31+$0xFFFFFC50]  }
0x3a: {  	v10 =	vadd.f32 v11, v10;
	v11 =	vmul.f32 v13, v5  }
0x3b: {  	v20 =	vld [tilespmem:s31+$0xFFFFFC60]  }
0x3c: {  	v10 =	vadd.f32 v11, v10;
	v11 =	vmul.f32 v14, v4  }
0x3d: {  	v21 =	vld [tilespmem:s31+$0xFFFFFC70]  }
0x3e: {  	v10 =	vadd.f32 v11, v10;
	v11 =	vmul.f32 v19, v3;
	_ =	sdelay $0x1  }
0x3f: {  	v10 =	vadd.f32 v11, v10;
	v11 =	vmul.f32 v20, v2;
	_ =	sdelay $0x1  }
0x40: {  	v10 =	vadd.f32 v11, v10;
	v11 =	vmul.f32 v21, v1;
	_ =	sdelay $0x1  }
0x41: {  	v10 =	vadd.f32 v11, v10;
	_ =	sdelay $0x1  }
0x42: {  	(xrf2) =	vadd.scan.msk.f32 $0xffff, v10;
	_ =	sdelay $0x9  }
0x43: {  	v10, _, _ =	vpop (xrf2)  }
0x44: {  	[tilespmem:$0xC880] =	vst v10  }
0x45: {  	v10 =	vld [tilespmem:s31+$0xFFFFFC80]  }
0x46: {  	v11 =	vld [tilespmem:s31+$0xFFFFFC90];
	_ =	sdelay $0x1  }
0x47: {  	v22 =	vld [tilespmem:s31+$0xFFFFFCA0];
	_ =	sdelay $0x1  }
0x48: {  	v23 =	vld [tilespmem:s31+$0xFFFFFCB0]  }
0x49: {  	v10 =	vmul.f32 v10, v7;
	v11 =	vmul.f32 v11, v8  }
0x4a: {  	v24 =	vld [tilespmem:s31+$0xFFFFFCC0]  }
0x4b: {  	v10 =	vadd.f32 v11, v10;
	v11 =	vmul.f32 v22, v6  }
0x4c: {  	v25 =	vld [tilespmem:s31+$0xFFFFFCD0]  }
0x4d: {  	v10 =	vadd.f32 v11, v10;
	v11 =	vmul.f32 v23, v5  }
0x4e: {  	v26 =	vld [tilespmem:s31+$0xFFFFFCE0]  }
0x4f: {  	v10 =	vadd.f32 v11, v10;
	v11 =	vmul.f32 v24, v4  }
0x50: {  	v27 =	vld [tilespmem:s31+$0xFFFFFCF0]  }
0x51: {  	v10 =	vadd.f32 v11, v10;
	v11 =	vmul.f32 v25, v3;
	_ =	sdelay $0x1  }
0x52: {  	v10 =	vadd.f32 v11, v10;
	v11 =	vmul.f32 v26, v2;
	_ =	sdelay $0x1  }
0x53: {  	v10 =	vadd.f32 v11, v10;
	v11 =	vmul.f32 v27, v1;
	_ =	sdelay $0x1  }
0x54: {  	v10 =	vadd.f32 v11, v10;
	_ =	sdelay $0x1  }
0x55: {  	(xrf2) =	vadd.scan.msk.f32 $0xffff, v10;
	_ =	sdelay $0x9  }
0x56: {  	v10, _, _ =	vpop (xrf2)  }
0x57: {  	[tilespmem:$0xC900] =	vst v10  }
0x58: {  	v10 =	vld [tilespmem:s31+$0xFFFFFD00]  }
0x59: {  	v11 =	vld [tilespmem:s31+$0xFFFFFD10];
	_ =	sdelay $0x1  }
0x5a: {  	v28 =	vld [tilespmem:s31+$0xFFFFFD20];
	_ =	sdelay $0x1  }
0x5b: {  	v29 =	vld [tilespmem:s31+$0xFFFFFD30]  }
0x5c: {  	v10 =	vmul.f32 v10, v7;
	v11 =	vmul.f32 v11, v8  }
0x5d: {  	v30 =	vld [tilespmem:s31+$0xFFFFFD40]  }
0x5e: {  	v10 =	vadd.f32 v11, v10;
	v11 =	vmul.f32 v28, v6  }
0x5f: {  	v31 =	vld [tilespmem:s31+$0xFFFFFD50]  }
0x60: {  	v10 =	vadd.f32 v11, v10;
	v11 =	vmul.f32 v29, v5  }
0x61: {  	v32 =	vld [tilespmem:s31+$0xFFFFFD60]  }
0x62: {  	v10 =	vadd.f32 v11, v10;
	v11 =	vmul.f32 v30, v4  }
0x63: {  	v33 =	vld [tilespmem:s31+$0xFFFFFD70]  }
0x64: {  	v10 =	vadd.f32 v11, v10;
	v11 =	vmul.f32 v31, v3;
	_ =	sdelay $0x1  }
0x65: {  	v10 =	vadd.f32 v11, v10;
	v11 =	vmul.f32 v32, v2;
	_ =	sdelay $0x1  }
0x66: {  	v10 =	vadd.f32 v11, v10;
	v11 =	vmul.f32 v33, v1;
	_ =	sdelay $0x1  }
0x67: {  	v10 =	vadd.f32 v11, v10;
	_ =	sdelay $0x1  }
0x68: {  	(xrf2) =	vadd.scan.msk.f32 $0xffff, v10;
	_ =	sdelay $0x9  }
0x69: {  	v10, _, _ =	vpop (xrf2)  }
0x6a: {  	[tilespmem:$0xC980] =	vst v10  }
0x6b: {  	v10 =	vld [tilespmem:s31+$0xFFFFFD80]  }
0x6c: {  	v11 =	vld [tilespmem:s31+$0xFFFFFD90];
	_ =	sdelay $0x1  }
0x6d: {  	v34 =	vld [tilespmem:s31+$0xFFFFFDA0];
	_ =	sdelay $0x1  }
0x6e: {  	v35 =	vld [tilespmem:s31+$0xFFFFFDB0]  }
0x6f: {  	v10 =	vmul.f32 v10, v7;
	v11 =	vmul.f32 v11, v8  }
0x70: {  	v36 =	vld [tilespmem:s31+$0xFFFFFDC0]  }
0x71: {  	v10 =	vadd.f32 v11, v10;
	v11 =	vmul.f32 v34, v6  }
0x72: {  	v37 =	vld [tilespmem:s31+$0xFFFFFDD0]  }
0x73: {  	v10 =	vadd.f32 v11, v10;
	v11 =	vmul.f32 v35, v5  }
0x74: {  	v38 =	vld [tilespmem:s31+$0xFFFFFDE0]  }
0x75: {  	v10 =	vadd.f32 v11, v10;
	v11 =	vmul.f32 v36, v4  }
0x76: {  	v39 =	vld [tilespmem:s31+$0xFFFFFDF0]  }
0x77: {  	v10 =	vadd.f32 v11, v10;
	v11 =	vmul.f32 v37, v3;
	_ =	sdelay $0x1  }
0x78: {  	v10 =	vadd.f32 v11, v10;
	v11 =	vmul.f32 v38, v2;
	_ =	sdelay $0x1  }
0x79: {  	v10 =	vadd.f32 v11, v10;
	v11 =	vmul.f32 v39, v1;
	_ =	sdelay $0x1  }
0x7a: {  	v10 =	vadd.f32 v11, v10;
	_ =	sdelay $0x1  }
0x7b: {  	(xrf2) =	vadd.scan.msk.f32 $0xffff, v10;
	_ =	sdelay $0x9  }
0x7c: {  	v10, _, _ =	vpop (xrf2)  }
0x7d: {  	[tilespmem:$0xCA00] =	vst v10  }
0x7e: {  	v10 =	vld [tilespmem:s31+$0xFFFFFE00]  }
0x7f: {  	v11 =	vld [tilespmem:s31+$0xFFFFFE10];
	_ =	sdelay $0x1  }
0x80: {  	v40 =	vld [tilespmem:s31+$0xFFFFFE20];
	_ =	sdelay $0x1  }
0x81: {  	v41 =	vld [tilespmem:s31+$0xFFFFFE30]  }
0x82: {  	v10 =	vmul.f32 v10, v7;
	v11 =	vmul.f32 v11, v8  }
0x83: {  	v42 =	vld [tilespmem:s31+$0xFFFFFE40]  }
0x84: {  	v10 =	vadd.f32 v11, v10;
	v11 =	vmul.f32 v40, v6  }
0x85: {  	v43 =	vld [tilespmem:s31+$0xFFFFFE50]  }
0x86: {  	v10 =	vadd.f32 v11, v10;
	v11 =	vmul.f32 v41, v5  }
0x87: {  	v44 =	vld [tilespmem:s31+$0xFFFFFE60]  }
0x88: {  	v10 =	vadd.f32 v11, v10;
	v11 =	vmul.f32 v42, v4  }
0x89: {  	v45 =	vld [tilespmem:s31+$0xFFFFFE70]  }
0x8a: {  	v10 =	vadd.f32 v11, v10;
	v11 =	vmul.f32 v43, v3;
	_ =	sdelay $0x1  }
0x8b: {  	v10 =	vadd.f32 v11, v10;
	v11 =	vmul.f32 v44, v2;
	_ =	sdelay $0x1  }
0x8c: {  	v10 =	vadd.f32 v11, v10;
	v11 =	vmul.f32 v45, v1;
	_ =	sdelay $0x1  }
0x8d: {  	v10 =	vadd.f32 v11, v10;
	_ =	sdelay $0x1  }
0x8e: {  	(xrf2) =	vadd.scan.msk.f32 $0xffff, v10;
	_ =	sdelay $0x9  }
0x8f: {  	v10, _, _ =	vpop (xrf2)  }
0x90: {  	[tilespmem:$0xCA80] =	vst v10  }
0x91: {  	v10 =	vld [tilespmem:s31+$0xFFFFFE80]  }
0x92: {  	v11 =	vld [tilespmem:s31+$0xFFFFFE90];
	_ =	sdelay $0x1  }
0x93: {  	v46 =	vld [tilespmem:s31+$0xFFFFFEA0];
	_ =	sdelay $0x1  }
0x94: {  	v47 =	vld [tilespmem:s31+$0xFFFFFEB0]  }
0x95: {  	v10 =	vmul.f32 v10, v7;
	v11 =	vmul.f32 v11, v8  }
0x96: {  	v48 =	vld [tilespmem:s31+$0xFFFFFEC0]  }
0x97: {  	v10 =	vadd.f32 v11, v10;
	v11 =	vmul.f32 v46, v6  }
0x98: {  	v49 =	vld [tilespmem:s31+$0xFFFFFED0]  }
0x99: {  	v10 =	vadd.f32 v11, v10;
	v11 =	vmul.f32 v47, v5  }
0x9a: {  	v50 =	vld [tilespmem:s31+$0xFFFFFEE0]  }
0x9b: {  	v10 =	vadd.f32 v11, v10;
	v11 =	vmul.f32 v48, v4  }
0x9c: {  	v51 =	vld [tilespmem:s31+$0xFFFFFEF0]  }
0x9d: {  	v10 =	vadd.f32 v11, v10;
	v11 =	vmul.f32 v49, v3;
	_ =	sdelay $0x1  }
0x9e: {  	v10 =	vadd.f32 v11, v10;
	v11 =	vmul.f32 v50, v2;
	_ =	sdelay $0x1  }
0x9f: {  	v10 =	vadd.f32 v11, v10;
	v11 =	vmul.f32 v51, v1;
	_ =	sdelay $0x1  }
0xa0: {  	v10 =	vadd.f32 v11, v10;
	_ =	sdelay $0x1  }
0xa1: {  	(xrf2) =	vadd.scan.msk.f32 $0xffff, v10;
	_ =	sdelay $0x9  }
0xa2: {  	v10, _, _ =	vpop (xrf2)  }
0xa3: {  	[tilespmem:$0xCB00] =	vst v10  }
0xa4: {  	v10 =	vld [tilespmem:s31+$0xFFFFFF00]  }
0xa5: {  	v11 =	vld [tilespmem:s31+$0xFFFFFF10];
	_ =	sdelay $0x1  }
0xa6: {  	v52 =	vld [tilespmem:s31+$0xFFFFFF20];
	_ =	sdelay $0x1  }
0xa7: {  	v53 =	vld [tilespmem:s31+$0xFFFFFF30]  }
0xa8: {  	v10 =	vmul.f32 v10, v7;
	v11 =	vmul.f32 v11, v8  }
0xa9: {  	v54 =	vld [tilespmem:s31+$0xFFFFFF40]  }
0xaa: {  	v10 =	vadd.f32 v11, v10;
	v11 =	vmul.f32 v52, v6  }
0xab: {  	v55 =	vld [tilespmem:s31+$0xFFFFFF50]  }
0xac: {  	v10 =	vadd.f32 v11, v10;
	v11 =	vmul.f32 v53, v5  }
0xad: {  	v56 =	vld [tilespmem:s31+$0xFFFFFF60]  }
0xae: {  	v10 =	vadd.f32 v11, v10;
	v11 =	vmul.f32 v54, v4  }
0xaf: {  	v57 =	vld [tilespmem:s31+$0xFFFFFF70]  }
0xb0: {  	v10 =	vadd.f32 v11, v10;
	v11 =	vmul.f32 v55, v3;
	_ =	sdelay $0x1  }
0xb1: {  	v10 =	vadd.f32 v11, v10;
	v11 =	vmul.f32 v56, v2;
	_ =	sdelay $0x1  }
0xb2: {  	v10 =	vadd.f32 v11, v10;
	v11 =	vmul.f32 v57, v1;
	_ =	sdelay $0x1  }
0xb3: {  	v10 =	vadd.f32 v11, v10;
	_ =	sdelay $0x1  }
0xb4: {  	(xrf2) =	vadd.scan.msk.f32 $0xffff, v10;
	_ =	sdelay $0x9  }
0xb5: {  	v10, _, _ =	vpop (xrf2)  }
0xb6: {  	[tilespmem:$0xCB80] =	vst v10  }
0xb7: {  	v10 =	vld [tilespmem:s31+$0xFFFFFF80]  }
0xb8: {  	v11 =	vld [tilespmem:s31+$0xFFFFFF90];
	_ =	sdelay $0x1  }
0xb9: {  	v58 =	vld [tilespmem:s31+$0xFFFFFFA0];
	_ =	sdelay $0x1  }
0xba: {  	v59 =	vld [tilespmem:s31+$0xFFFFFFB0]  }
0xbb: {  	v10 =	vmul.f32 v10, v7;
	v11 =	vmul.f32 v11, v8  }
0xbc: {  	v60 =	vld [tilespmem:s31+$0xFFFFFFC0]  }
0xbd: {  	v10 =	vadd.f32 v11, v10;
	v11 =	vmul.f32 v58, v6  }
0xbe: {  	v61 =	vld [tilespmem:s31+$0xFFFFFFD0]  }
0xbf: {  	v10 =	vadd.f32 v11, v10;
	v11 =	vmul.f32 v59, v5  }
0xc0: {  	v62 =	vld [tilespmem:s31+$0xFFFFFFE0]  }
0xc1: {  	v10 =	vadd.f32 v11, v10;
	v11 =	vmul.f32 v60, v4  }
0xc2: {  	v63 =	vld [tilespmem:s31+$0xFFFFFFF0]  }
0xc3: {  	v10 =	vadd.f32 v11, v10;
	v11 =	vmul.f32 v61, v3;
	_ =	sdelay $0x1  }
0xc4: {  	v10 =	vadd.f32 v11, v10;
	v11 =	vmul.f32 v62, v2;
	_ =	sdelay $0x1  }
0xc5: {  	v10 =	vadd.f32 v11, v10;
	v11 =	vmul.f32 v63, v1;
	_ =	sdelay $0x1  }
0xc6: {  	v10 =	vadd.f32 v11, v10;
	_ =	sdelay $0x1  }
0xc7: {  	(xrf2) =	vadd.scan.msk.f32 $0xffff, v10;
	_ =	sdelay $0x9  }
0xc8: {  	v10, _, _ =	vpop (xrf2)  }
0xc9: {  	[tilespmem:$0xCC00] =	vst v10  }
0xca: {  	v10 =	vld [tilespmem:s31+$0x0]  }
0xcb: {  	v11 =	vld [tilespmem:s31+$0x10];
	_ =	sdelay $0x1  }
0xcc: {  	v16 =	vld [tilespmem:s31+$0x20];
	_ =	sdelay $0x1  }
0xcd: {  	v17 =	vld [tilespmem:s31+$0x30]  }
0xce: {  	v10 =	vmul.f32 v10, v7;
	v11 =	vmul.f32 v11, v8  }
0xcf: {  	v18 =	vld [tilespmem:s31+$0x40]  }
0xd0: {  	v10 =	vadd.f32 v11, v10;
	v11 =	vmul.f32 v16, v6  }
0xd1: {  	v19 =	vld [tilespmem:s31+$0x50]  }
0xd2: {  	v10 =	vadd.f32 v11, v10;
	v11 =	vmul.f32 v17, v5  }
0xd3: {  	v20 =	vld [tilespmem:s31+$0x60]  }
0xd4: {  	v10 =	vadd.f32 v11, v10;
	v11 =	vmul.f32 v18, v4  }
0xd5: {  	v21 =	vld [tilespmem:s31+$0x70]  }
0xd6: {  	v10 =	vadd.f32 v11, v10;
	v11 =	vmul.f32 v19, v3;
	_ =	sdelay $0x1  }
0xd7: {  	v10 =	vadd.f32 v11, v10;
	v11 =	vmul.f32 v20, v2;
	_ =	sdelay $0x1  }
0xd8: {  	v10 =	vadd.f32 v11, v10;
	v11 =	vmul.f32 v21, v1;
	_ =	sdelay $0x1  }
0xd9: {  	v10 =	vadd.f32 v11, v10;
	_ =	sdelay $0x1  }
0xda: {  	(xrf2) =	vadd.scan.msk.f32 $0xffff, v10;
	_ =	sdelay $0x9  }
0xdb: {  	v10, _, _ =	vpop (xrf2)  }
0xdc: {  	[tilespmem:$0xCC80] =	vst v10  }
0xdd: {  	v10 =	vld [tilespmem:s31+$0x80]  }
0xde: {  	v11 =	vld [tilespmem:s31+$0x90];
	_ =	sdelay $0x1  }
0xdf: {  	v22 =	vld [tilespmem:s31+$0xA0];
	_ =	sdelay $0x1  }
0xe0: {  	v23 =	vld [tilespmem:s31+$0xB0]  }
0xe1: {  	v10 =	vmul.f32 v10, v7;
	v11 =	vmul.f32 v11, v8  }
0xe2: {  	v24 =	vld [tilespmem:s31+$0xC0]  }
0xe3: {  	v10 =	vadd.f32 v11, v10;
	v11 =	vmul.f32 v22, v6  }
0xe4: {  	v25 =	vld [tilespmem:s31+$0xD0]  }
0xe5: {  	v10 =	vadd.f32 v11, v10;
	v11 =	vmul.f32 v23, v5  }
0xe6: {  	v26 =	vld [tilespmem:s31+$0xE0]  }
0xe7: {  	v10 =	vadd.f32 v11, v10;
	v11 =	vmul.f32 v24, v4  }
0xe8: {  	v27 =	vld [tilespmem:s31+$0xF0]  }
0xe9: {  	v10 =	vadd.f32 v11, v10;
	v11 =	vmul.f32 v25, v3;
	_ =	sdelay $0x1  }
0xea: {  	v10 =	vadd.f32 v11, v10;
	v11 =	vmul.f32 v26, v2;
	_ =	sdelay $0x1  }
0xeb: {  	v10 =	vadd.f32 v11, v10;
	v11 =	vmul.f32 v27, v1;
	_ =	sdelay $0x1  }
0xec: {  	v10 =	vadd.f32 v11, v10;
	_ =	sdelay $0x1  }
0xed: {  	(xrf2) =	vadd.scan.msk.f32 $0xffff, v10;
	_ =	sdelay $0x9  }
0xee: {  	v10, _, _ =	vpop (xrf2)  }
0xef: {  	[tilespmem:$0xCD00] =	vst v10  }
0xf0: {  	v10 =	vld [tilespmem:s31+$0x100]  }
0xf1: {  	v11 =	vld [tilespmem:s31+$0x110];
	_ =	sdelay $0x1  }
0xf2: {  	v28 =	vld [tilespmem:s31+$0x120];
	_ =	sdelay $0x1  }
0xf3: {  	v29 =	vld [tilespmem:s31+$0x130]  }
0xf4: {  	v10 =	vmul.f32 v10, v7;
	v11 =	vmul.f32 v11, v8  }
0xf5: {  	v30 =	vld [tilespmem:s31+$0x140]  }
0xf6: {  	v10 =	vadd.f32 v11, v10;
	v11 =	vmul.f32 v28, v6  }
0xf7: {  	v31 =	vld [tilespmem:s31+$0x150]  }
0xf8: {  	v10 =	vadd.f32 v11, v10;
	v11 =	vmul.f32 v29, v5  }
0xf9: {  	v32 =	vld [tilespmem:s31+$0x160]  }
0xfa: {  	v10 =	vadd.f32 v11, v10;
	v11 =	vmul.f32 v30, v4  }
0xfb: {  	v33 =	vld [tilespmem:s31+$0x170]  }
0xfc: {  	v10 =	vadd.f32 v11, v10;
	v11 =	vmul.f32 v31, v3;
	_ =	sdelay $0x1  }
0xfd: {  	v10 =	vadd.f32 v11, v10;
	v11 =	vmul.f32 v32, v2;
	_ =	sdelay $0x1  }
0xfe: {  	v10 =	vadd.f32 v11, v10;
	v11 =	vmul.f32 v33, v1;
	_ =	sdelay $0x1  }
0xff: {  	v10 =	vadd.f32 v11, v10;
	_ =	sdelay $0x1  }
0x100: {  	(xrf2) =	vadd.scan.msk.f32 $0xffff, v10;
	_ =	sdelay $0x9  }
0x101: {  	v10, _, _ =	vpop (xrf2)  }
0x102: {  	[tilespmem:$0xCD80] =	vst v10  }
0x103: {  	v10 =	vld [tilespmem:s31+$0x180]  }
0x104: {  	v11 =	vld [tilespmem:s31+$0x190];
	_ =	sdelay $0x1  }
0x105: {  	v34 =	vld [tilespmem:s31+$0x1A0];
	_ =	sdelay $0x1  }
0x106: {  	v35 =	vld [tilespmem:s31+$0x1B0]  }
0x107: {  	v10 =	vmul.f32 v10, v7;
	v11 =	vmul.f32 v11, v8  }
0x108: {  	v36 =	vld [tilespmem:s31+$0x1C0]  }
0x109: {  	v10 =	vadd.f32 v11, v10;
	v11 =	vmul.f32 v34, v6  }
0x10a: {  	v37 =	vld [tilespmem:s31+$0x1D0]  }
0x10b: {  	v10 =	vadd.f32 v11, v10;
	v11 =	vmul.f32 v35, v5  }
0x10c: {  	v38 =	vld [tilespmem:s31+$0x1E0]  }
0x10d: {  	v10 =	vadd.f32 v11, v10;
	v11 =	vmul.f32 v36, v4  }
0x10e: {  	v39 =	vld [tilespmem:s31+$0x1F0]  }
0x10f: {  	v10 =	vadd.f32 v11, v10;
	v11 =	vmul.f32 v37, v3;
	_ =	sdelay $0x1  }
0x110: {  	v10 =	vadd.f32 v11, v10;
	v11 =	vmul.f32 v38, v2;
	_ =	sdelay $0x1  }
0x111: {  	v10 =	vadd.f32 v11, v10;
	v11 =	vmul.f32 v39, v1;
	_ =	sdelay $0x1  }
0x112: {  	v10 =	vadd.f32 v11, v10;
	_ =	sdelay $0x1  }
0x113: {  	(xrf2) =	vadd.scan.msk.f32 $0xffff, v10;
	_ =	sdelay $0x9  }
0x114: {  	v10, _, _ =	vpop (xrf2)  }
0x115: {  	[tilespmem:$0xCE00] =	vst v10  }
0x116: {  	v10 =	vld [tilespmem:s31+$0x200]  }
0x117: {  	v11 =	vld [tilespmem:s31+$0x210];
	_ =	sdelay $0x1  }
0x118: {  	v40 =	vld [tilespmem:s31+$0x220];
	_ =	sdelay $0x1  }
0x119: {  	v41 =	vld [tilespmem:s31+$0x230]  }
0x11a: {  	v10 =	vmul.f32 v10, v7;
	v11 =	vmul.f32 v11, v8  }
0x11b: {  	v42 =	vld [tilespmem:s31+$0x240]  }
0x11c: {  	v10 =	vadd.f32 v11, v10;
	v11 =	vmul.f32 v40, v6  }
0x11d: {  	v43 =	vld [tilespmem:s31+$0x250]  }
0x11e: {  	v10 =	vadd.f32 v11, v10;
	v11 =	vmul.f32 v41, v5  }
0x11f: {  	v44 =	vld [tilespmem:s31+$0x260]  }
0x120: {  	v10 =	vadd.f32 v11, v10;
	v11 =	vmul.f32 v42, v4  }
0x121: {  	v45 =	vld [tilespmem:s31+$0x270]  }
0x122: {  	v10 =	vadd.f32 v11, v10;
	v11 =	vmul.f32 v43, v3;
	_ =	sdelay $0x1  }
0x123: {  	v10 =	vadd.f32 v11, v10;
	v11 =	vmul.f32 v44, v2;
	_ =	sdelay $0x1  }
0x124: {  	v10 =	vadd.f32 v11, v10;
	v11 =	vmul.f32 v45, v1;
	_ =	sdelay $0x1  }
0x125: {  	v10 =	vadd.f32 v11, v10;
	_ =	sdelay $0x1  }
0x126: {  	(xrf2) =	vadd.scan.msk.f32 $0xffff, v10;
	_ =	sdelay $0x9  }
0x127: {  	v10, _, _ =	vpop (xrf2)  }
0x128: {  	[tilespmem:$0xCE80] =	vst v10  }
0x129: {  	v10 =	vld [tilespmem:s31+$0x280]  }
0x12a: {  	v11 =	vld [tilespmem:s31+$0x290];
	_ =	sdelay $0x1  }
0x12b: {  	v46 =	vld [tilespmem:s31+$0x2A0];
	_ =	sdelay $0x1  }
0x12c: {  	v47 =	vld [tilespmem:s31+$0x2B0]  }
0x12d: {  	v10 =	vmul.f32 v10, v7;
	v11 =	vmul.f32 v11, v8  }
0x12e: {  	v48 =	vld [tilespmem:s31+$0x2C0]  }
0x12f: {  	v10 =	vadd.f32 v11, v10;
	v11 =	vmul.f32 v46, v6  }
0x130: {  	v49 =	vld [tilespmem:s31+$0x2D0]  }
0x131: {  	v10 =	vadd.f32 v11, v10;
	v11 =	vmul.f32 v47, v5  }
0x132: {  	v50 =	vld [tilespmem:s31+$0x2E0]  }
0x133: {  	v10 =	vadd.f32 v11, v10;
	v11 =	vmul.f32 v48, v4  }
0x134: {  	v51 =	vld [tilespmem:s31+$0x2F0]  }
0x135: {  	v10 =	vadd.f32 v11, v10;
	v11 =	vmul.f32 v49, v3;
	_ =	sdelay $0x1  }
0x136: {  	v10 =	vadd.f32 v11, v10;
	v11 =	vmul.f32 v50, v2;
	_ =	sdelay $0x1  }
0x137: {  	v10 =	vadd.f32 v11, v10;
	v11 =	vmul.f32 v51, v1;
	_ =	sdelay $0x1  }
0x138: {  	v10 =	vadd.f32 v11, v10;
	_ =	sdelay $0x1  }
0x139: {  	(xrf2) =	vadd.scan.msk.f32 $0xffff, v10;
	_ =	sdelay $0x9  }
0x13a: {  	v10, _, _ =	vpop (xrf2)  }
0x13b: {  	[tilespmem:$0xCF00] =	vst v10  }
0x13c: {  	v10 =	vld [tilespmem:s31+$0x300]  }
0x13d: {  	v11 =	vld [tilespmem:s31+$0x310];
	_ =	sdelay $0x1  }
0x13e: {  	v52 =	vld [tilespmem:s31+$0x320];
	_ =	sdelay $0x1  }
0x13f: {  	v53 =	vld [tilespmem:s31+$0x330]  }
0x140: {  	v10 =	vmul.f32 v10, v7;
	v11 =	vmul.f32 v11, v8  }
0x141: {  	v54 =	vld [tilespmem:s31+$0x340]  }
0x142: {  	v10 =	vadd.f32 v11, v10;
	v11 =	vmul.f32 v52, v6  }
0x143: {  	v55 =	vld [tilespmem:s31+$0x350]  }
0x144: {  	v10 =	vadd.f32 v11, v10;
	v11 =	vmul.f32 v53, v5  }
0x145: {  	v56 =	vld [tilespmem:s31+$0x360]  }
0x146: {  	v10 =	vadd.f32 v11, v10;
	v11 =	vmul.f32 v54, v4  }
0x147: {  	v57 =	vld [tilespmem:s31+$0x370]  }
0x148: {  	v10 =	vadd.f32 v11, v10;
	v11 =	vmul.f32 v55, v3;
	_ =	sdelay $0x1  }
0x149: {  	v10 =	vadd.f32 v11, v10;
	v11 =	vmul.f32 v56, v2;
	_ =	sdelay $0x1  }
0x14a: {  	v10 =	vadd.f32 v11, v10;
	v11 =	vmul.f32 v57, v1;
	_ =	sdelay $0x1  }
0x14b: {  	v10 =	vadd.f32 v11, v10;
	_ =	sdelay $0x1  }
0x14c: {  	(xrf2) =	vadd.scan.msk.f32 $0xffff, v10;
	_ =	sdelay $0x9  }
0x14d: {  	v10, _, _ =	vpop (xrf2)  }
0x14e: {  	[tilespmem:$0xCF80] =	vst v10  }
0x14f: {  	v10 =	vld [tilespmem:s31+$0x380]  }
0x150: {  	v11 =	vld [tilespmem:s31+$0x390];
	_ =	sdelay $0x1  }
0x151: {  	v58 =	vld [tilespmem:s31+$0x3A0];
	_ =	sdelay $0x1  }
0x152: {  	v59 =	vld [tilespmem:s31+$0x3B0]  }
0x153: {  	v10 =	vmul.f32 v10, v7;
	v11 =	vmul.f32 v11, v8  }
0x154: {  	v60 =	vld [tilespmem:s31+$0x3C0]  }
0x155: {  	v10 =	vadd.f32 v11, v10;
	v11 =	vmul.f32 v58, v6  }
0x156: {  	v61 =	vld [tilespmem:s31+$0x3D0]  }
0x157: {  	v10 =	vadd.f32 v11, v10;
	v11 =	vmul.f32 v59, v5  }
0x158: {  	v62 =	vld [tilespmem:s31+$0x3E0]  }
0x159: {  	v10 =	vadd.f32 v11, v10;
	v11 =	vmul.f32 v60, v4  }
0x15a: {  	v63 =	vld [tilespmem:s31+$0x3F0]  }
0x15b: {  	v10 =	vadd.f32 v11, v10;
	v11 =	vmul.f32 v61, v3;
	_ =	sdelay $0x1  }
0x15c: {  	v10 =	vadd.f32 v11, v10;
	v11 =	vmul.f32 v62, v2;
	_ =	sdelay $0x1  }
0x15d: {  	v10 =	vadd.f32 v11, v10;
	v11 =	vmul.f32 v63, v1;
	_ =	sdelay $0x1  }
0x15e: {  	v10 =	vadd.f32 v11, v10;
	_ =	sdelay $0x1  }
0x15f: {  	(xrf2) =	vadd.scan.msk.f32 $0xffff, v10;
	_ =	sdelay $0x9  }
0x160: {  	v10, _, _ =	vpop (xrf2)  }
0x161: {  	[tilespmem:$0xD000] =	vst v10  }
0x162: {  	p0 =	sne.s32 s30, $0x80;
	v10 =	vld.idx.msk [tilespmem:v0+s18+$0x0], $0xffff  }
.Ltmp2:
0x163: {  	_ = 	snop;
	(pc) =	sbr.rel @p0 .LBB2_3-.Ltmp2, $3  }
0x164: {  	_ =	sdelay $0x1  }
0x165: {  	s0 =	sshra.s32 s30, $0x2  }
0x166: {  	s30 =	sadd.s32 $0x40, s30;
	s31 =	sadd.s32 $0x800, s31;
	[tilespmem:v9+s0+$0x0 ss:$0x1] =	vst.idx.msk $0xffff, v10  }
0x167: {  	v9 =	vld [tilespmem:$0x7880]  }
0x168: {  	v10 =	vld [tilespmem:$0x7890]  }
0x169: {  	v11 =	vld [tilespmem:$0x78A0]  }
0x16a: {  	v12 =	vld [tilespmem:$0x78B0]  }
0x16b: {  	v13 =	vld [tilespmem:$0x78C0]  }
0x16c: {  	v14 =	vld [tilespmem:$0x78D0]  }
0x16d: {  	v15 =	vld [tilespmem:$0x78E0]  }
0x16e: {  	v17 =	vld [tilespmem:$0x7900]  }
0x16f: {  	v18 =	vld [tilespmem:$0x7910]  }
0x170: {  	v19 =	vld [tilespmem:$0x7980]  }
0x171: {  	v20 =	vld [tilespmem:$0x7990];
	v9 =	vmul.f32 v9, v7;
	v10 =	vmul.f32 v10, v8  }
0x172: {  	v21 =	vld [tilespmem:$0x79A0]  }
0x173: {  	v9 =	vadd.f32 v10, v9;
	v10 =	vmul.f32 v11, v6;
	v11 =	vld [tilespmem:$0x7920]  }
0x174: {  	v59 =	vld [tilespmem:$0x7930];
	v17 =	vmul.f32 v17, v7  }
0x175: {  	v22 =	vld [tilespmem:$0x79B0];
	v18 =	vmul.f32 v18, v8;
	v9 =	vadd.f32 v10, v9;
	v10 =	vmul.f32 v12, v5  }
0x176: {  	v60 =	vld [tilespmem:$0x79C0];
	v7 =	vmul.f32 v19, v7;
	v8 =	vmul.f32 v20, v8  }
0x177: {  	v9 =	vadd.f32 v10, v9;
	v10 =	vld [tilespmem:$0x7940]  }
0x178: {  	v17 =	vadd.f32 v18, v17;
	v7 =	vadd.f32 v8, v7;
	v8 =	vld [tilespmem:$0x7950];
	v11 =	vmul.f32 v11, v6  }
0x179: {  	v16 =	vld [tilespmem:$0x78F0];
	v13 =	vmul.f32 v13, v4;
	v6 =	vmul.f32 v21, v6  }
0x17a: {  	v61 =	vld [tilespmem:$0x79D0];
	v12 =	vmul.f32 v59, v5;
	v11 =	vadd.f32 v11, v17  }
0x17b: {  	v62 =	vld [tilespmem:$0x7960];
	v5 =	vmul.f32 v22, v5;
	v9 =	vadd.f32 v13, v9;
	v6 =	vadd.f32 v6, v7  }
0x17c: {  	v63 =	vld [tilespmem:$0x79E0];
	v7 =	vmul.f32 v14, v3;
	v11 =	vadd.f32 v12, v11;
	v10 =	vmul.f32 v10, v4  }
0x17d: {  	v8 =	vmul.f32 v8, v3;
	v5 =	vadd.f32 v5, v6;
	v4 =	vmul.f32 v60, v4;
	v6 =	vld [tilespmem:$0x7970]  }
0x17e: {  	v7 =	vadd.f32 v7, v9;
	v9 =	vmul.f32 v15, v2;
	v10 =	vadd.f32 v10, v11;
	v11 =	vld [tilespmem:$0x79F0]  }
0x17f: {  	v3 =	vmul.f32 v61, v3;
	v4 =	vadd.f32 v4, v5  }
0x180: {  	v5 =	vadd.f32 v9, v7;
	v7 =	vadd.f32 v8, v10;
	v8 =	vmul.f32 v62, v2  }
0x181: {  	v3 =	vadd.f32 v3, v4;
	v4 =	vmul.f32 v16, v1;
	v2 =	vmul.f32 v63, v2  }
0x182: {  	v6 =	vmul.f32 v6, v1;
	v7 =	vadd.f32 v8, v7  }
0x183: {  	v4 =	vadd.f32 v4, v5;
	v2 =	vadd.f32 v2, v3;
	v1 =	vmul.f32 v11, v1  }
0x184: {  	v3 =	vadd.f32 v6, v7  }
0x185: {  	(xrf2) =	vadd.scan.msk.f32 $0xffff, v4;
	v1 =	vadd.f32 v1, v2  }
0x186: {  	(xrf2) =	vadd.scan.msk.f32 $0xffff, v3  }
0x187: {  	(xrf2) =	vadd.scan.msk.f32 $0xffff, v1;
	_ =	sdelay $0x7  }
0x188: {  	v1, _, _ =	vpop (xrf2)  }
0x189: {  	[tilespmem:$0xC880] =	vst v1;
	v2, _, _ =	vpop (xrf2)  }
0x18a: {  	[tilespmem:$0xC900] =	vst v2;
	v1, _, _ =	vpop (xrf2)  }
0x18b: {  	[tilespmem:$0xC980] =	vst v1  }
0x18c: {  	v1 =	vld.idx.msk [tilespmem:v0+s18+$0x0], $0xffff;
	_ =	sdelay $0x4  }
0x18d: {  	[tilespmem:s29+$0xD080] =	vst v1  }
0x18e: {  	v7 =	vld [tilespmem:s28+$0x2100]  }
0x18f: {  	v8 =	vld [tilespmem:s28+$0x2110]  }
0x190: {  	v6 =	vld [tilespmem:s28+$0x2120]  }
0x191: {  	v5 =	vld [tilespmem:s28+$0x2130]  }
0x192: {  	v4 =	vld [tilespmem:s28+$0x2140]  }
0x193: {  	v3 =	vld [tilespmem:s28+$0x2150]  }
0x194: {  	v2 =	vld [tilespmem:s28+$0x2160]  }
0x195: {  	s30 =	simm.s32 $0x0;
	s31 =	simm.s32 $0x81F0;
	v9 =	vmov s22;
	s29 =	sor.u32 $0xB0, s28;
	v1 =	vld [tilespmem:s28+$0x2170]  }
.LBB2_5:
0x196: {  	v10 =	vld [tilespmem:s31+$0xFFFFF810]  }
0x197: {  	v11 =	vld [tilespmem:s31+$0xFFFFF820];
	_ =	sdelay $0x1  }
0x198: {  	v12 =	vld [tilespmem:s31+$0xFFFFF830];
	_ =	sdelay $0x1  }
0x199: {  	v13 =	vld [tilespmem:s31+$0xFFFFF840]  }
0x19a: {  	v10 =	vmul.f32 v10, v7;
	v11 =	vmul.f32 v11, v8  }
0x19b: {  	v14 =	vld [tilespmem:s31+$0xFFFFF850]  }
0x19c: {  	v10 =	vadd.f32 v11, v10;
	v11 =	vmul.f32 v12, v6  }
0x19d: {  	v19 =	vld [tilespmem:s31+$0xFFFFF860]  }
0x19e: {  	v10 =	vadd.f32 v11, v10;
	v11 =	vmul.f32 v13, v5  }
0x19f: {  	v20 =	vld [tilespmem:s31+$0xFFFFF870]  }
0x1a0: {  	v10 =	vadd.f32 v11, v10;
	v11 =	vmul.f32 v14, v4  }
0x1a1: {  	v21 =	vld [tilespmem:s31+$0xFFFFF880]  }
0x1a2: {  	v10 =	vadd.f32 v11, v10;
	v11 =	vmul.f32 v19, v3;
	_ =	sdelay $0x1  }
0x1a3: {  	v10 =	vadd.f32 v11, v10;
	v11 =	vmul.f32 v20, v2;
	_ =	sdelay $0x1  }
0x1a4: {  	v10 =	vadd.f32 v11, v10;
	v11 =	vmul.f32 v21, v1;
	_ =	sdelay $0x1  }
0x1a5: {  	v10 =	vadd.f32 v11, v10;
	_ =	sdelay $0x1  }
0x1a6: {  	(xrf2) =	vadd.scan.msk.f32 $0xffff, v10;
	_ =	sdelay $0x9  }
0x1a7: {  	v10, _, _ =	vpop (xrf2)  }
0x1a8: {  	[tilespmem:$0xC880] =	vst v10  }
0x1a9: {  	v10 =	vld [tilespmem:s31+$0xFFFFF890]  }
0x1aa: {  	v11 =	vld [tilespmem:s31+$0xFFFFF8A0];
	_ =	sdelay $0x1  }
0x1ab: {  	v22 =	vld [tilespmem:s31+$0xFFFFF8B0];
	_ =	sdelay $0x1  }
0x1ac: {  	v23 =	vld [tilespmem:s31+$0xFFFFF8C0]  }
0x1ad: {  	v10 =	vmul.f32 v10, v7;
	v11 =	vmul.f32 v11, v8  }
0x1ae: {  	v24 =	vld [tilespmem:s31+$0xFFFFF8D0]  }
0x1af: {  	v10 =	vadd.f32 v11, v10;
	v11 =	vmul.f32 v22, v6  }
0x1b0: {  	v25 =	vld [tilespmem:s31+$0xFFFFF8E0]  }
0x1b1: {  	v10 =	vadd.f32 v11, v10;
	v11 =	vmul.f32 v23, v5  }
0x1b2: {  	v26 =	vld [tilespmem:s31+$0xFFFFF8F0]  }
0x1b3: {  	v10 =	vadd.f32 v11, v10;
	v11 =	vmul.f32 v24, v4  }
0x1b4: {  	v27 =	vld [tilespmem:s31+$0xFFFFF900]  }
0x1b5: {  	v10 =	vadd.f32 v11, v10;
	v11 =	vmul.f32 v25, v3;
	_ =	sdelay $0x1  }
0x1b6: {  	v10 =	vadd.f32 v11, v10;
	v11 =	vmul.f32 v26, v2;
	_ =	sdelay $0x1  }
0x1b7: {  	v10 =	vadd.f32 v11, v10;
	v11 =	vmul.f32 v27, v1;
	_ =	sdelay $0x1  }
0x1b8: {  	v10 =	vadd.f32 v11, v10;
	_ =	sdelay $0x1  }
0x1b9: {  	(xrf2) =	vadd.scan.msk.f32 $0xffff, v10;
	_ =	sdelay $0x9  }
0x1ba: {  	v10, _, _ =	vpop (xrf2)  }
0x1bb: {  	[tilespmem:$0xC900] =	vst v10  }
0x1bc: {  	v10 =	vld [tilespmem:s31+$0xFFFFF910]  }
0x1bd: {  	v11 =	vld [tilespmem:s31+$0xFFFFF920];
	_ =	sdelay $0x1  }
0x1be: {  	v28 =	vld [tilespmem:s31+$0xFFFFF930];
	_ =	sdelay $0x1  }
0x1bf: {  	v29 =	vld [tilespmem:s31+$0xFFFFF940]  }
0x1c0: {  	v10 =	vmul.f32 v10, v7;
	v11 =	vmul.f32 v11, v8  }
0x1c1: {  	v30 =	vld [tilespmem:s31+$0xFFFFF950]  }
0x1c2: {  	v10 =	vadd.f32 v11, v10;
	v11 =	vmul.f32 v28, v6  }
0x1c3: {  	v31 =	vld [tilespmem:s31+$0xFFFFF960]  }
0x1c4: {  	v10 =	vadd.f32 v11, v10;
	v11 =	vmul.f32 v29, v5  }
0x1c5: {  	v32 =	vld [tilespmem:s31+$0xFFFFF970]  }
0x1c6: {  	v10 =	vadd.f32 v11, v10;
	v11 =	vmul.f32 v30, v4  }
0x1c7: {  	v33 =	vld [tilespmem:s31+$0xFFFFF980]  }
0x1c8: {  	v10 =	vadd.f32 v11, v10;
	v11 =	vmul.f32 v31, v3;
	_ =	sdelay $0x1  }
0x1c9: {  	v10 =	vadd.f32 v11, v10;
	v11 =	vmul.f32 v32, v2;
	_ =	sdelay $0x1  }
0x1ca: {  	v10 =	vadd.f32 v11, v10;
	v11 =	vmul.f32 v33, v1;
	_ =	sdelay $0x1  }
0x1cb: {  	v10 =	vadd.f32 v11, v10;
	_ =	sdelay $0x1  }
0x1cc: {  	(xrf2) =	vadd.scan.msk.f32 $0xffff, v10;
	_ =	sdelay $0x9  }
0x1cd: {  	v10, _, _ =	vpop (xrf2)  }
0x1ce: {  	[tilespmem:$0xC980] =	vst v10  }
0x1cf: {  	v10 =	vld [tilespmem:s31+$0xFFFFF990]  }
0x1d0: {  	v11 =	vld [tilespmem:s31+$0xFFFFF9A0];
	_ =	sdelay $0x1  }
0x1d1: {  	v34 =	vld [tilespmem:s31+$0xFFFFF9B0];
	_ =	sdelay $0x1  }
0x1d2: {  	v35 =	vld [tilespmem:s31+$0xFFFFF9C0]  }
0x1d3: {  	v10 =	vmul.f32 v10, v7;
	v11 =	vmul.f32 v11, v8  }
0x1d4: {  	v36 =	vld [tilespmem:s31+$0xFFFFF9D0]  }
0x1d5: {  	v10 =	vadd.f32 v11, v10;
	v11 =	vmul.f32 v34, v6  }
0x1d6: {  	v37 =	vld [tilespmem:s31+$0xFFFFF9E0]  }
0x1d7: {  	v10 =	vadd.f32 v11, v10;
	v11 =	vmul.f32 v35, v5  }
0x1d8: {  	v38 =	vld [tilespmem:s31+$0xFFFFF9F0]  }
0x1d9: {  	v10 =	vadd.f32 v11, v10;
	v11 =	vmul.f32 v36, v4  }
0x1da: {  	v39 =	vld [tilespmem:s31+$0xFFFFFA00]  }
0x1db: {  	v10 =	vadd.f32 v11, v10;
	v11 =	vmul.f32 v37, v3;
	_ =	sdelay $0x1  }
0x1dc: {  	v10 =	vadd.f32 v11, v10;
	v11 =	vmul.f32 v38, v2;
	_ =	sdelay $0x1  }
0x1dd: {  	v10 =	vadd.f32 v11, v10;
	v11 =	vmul.f32 v39, v1;
	_ =	sdelay $0x1  }
0x1de: {  	v10 =	vadd.f32 v11, v10;
	_ =	sdelay $0x1  }
0x1df: {  	(xrf2) =	vadd.scan.msk.f32 $0xffff, v10;
	_ =	sdelay $0x9  }
0x1e0: {  	v10, _, _ =	vpop (xrf2)  }
0x1e1: {  	[tilespmem:$0xCA00] =	vst v10  }
0x1e2: {  	v10 =	vld [tilespmem:s31+$0xFFFFFA10]  }
0x1e3: {  	v11 =	vld [tilespmem:s31+$0xFFFFFA20];
	_ =	sdelay $0x1  }
0x1e4: {  	v40 =	vld [tilespmem:s31+$0xFFFFFA30];
	_ =	sdelay $0x1  }
0x1e5: {  	v41 =	vld [tilespmem:s31+$0xFFFFFA40]  }
0x1e6: {  	v10 =	vmul.f32 v10, v7;
	v11 =	vmul.f32 v11, v8  }
0x1e7: {  	v42 =	vld [tilespmem:s31+$0xFFFFFA50]  }
0x1e8: {  	v10 =	vadd.f32 v11, v10;
	v11 =	vmul.f32 v40, v6  }
0x1e9: {  	v43 =	vld [tilespmem:s31+$0xFFFFFA60]  }
0x1ea: {  	v10 =	vadd.f32 v11, v10;
	v11 =	vmul.f32 v41, v5  }
0x1eb: {  	v44 =	vld [tilespmem:s31+$0xFFFFFA70]  }
0x1ec: {  	v10 =	vadd.f32 v11, v10;
	v11 =	vmul.f32 v42, v4  }
0x1ed: {  	v45 =	vld [tilespmem:s31+$0xFFFFFA80]  }
0x1ee: {  	v10 =	vadd.f32 v11, v10;
	v11 =	vmul.f32 v43, v3;
	_ =	sdelay $0x1  }
0x1ef: {  	v10 =	vadd.f32 v11, v10;
	v11 =	vmul.f32 v44, v2;
	_ =	sdelay $0x1  }
0x1f0: {  	v10 =	vadd.f32 v11, v10;
	v11 =	vmul.f32 v45, v1;
	_ =	sdelay $0x1  }
0x1f1: {  	v10 =	vadd.f32 v11, v10;
	_ =	sdelay $0x1  }
0x1f2: {  	(xrf2) =	vadd.scan.msk.f32 $0xffff, v10;
	_ =	sdelay $0x9  }
0x1f3: {  	v10, _, _ =	vpop (xrf2)  }
0x1f4: {  	[tilespmem:$0xCA80] =	vst v10  }
0x1f5: {  	v10 =	vld [tilespmem:s31+$0xFFFFFA90]  }
0x1f6: {  	v11 =	vld [tilespmem:s31+$0xFFFFFAA0];
	_ =	sdelay $0x1  }
0x1f7: {  	v46 =	vld [tilespmem:s31+$0xFFFFFAB0];
	_ =	sdelay $0x1  }
0x1f8: {  	v47 =	vld [tilespmem:s31+$0xFFFFFAC0]  }
0x1f9: {  	v10 =	vmul.f32 v10, v7;
	v11 =	vmul.f32 v11, v8  }
0x1fa: {  	v48 =	vld [tilespmem:s31+$0xFFFFFAD0]  }
0x1fb: {  	v10 =	vadd.f32 v11, v10;
	v11 =	vmul.f32 v46, v6  }
0x1fc: {  	v49 =	vld [tilespmem:s31+$0xFFFFFAE0]  }
0x1fd: {  	v10 =	vadd.f32 v11, v10;
	v11 =	vmul.f32 v47, v5  }
0x1fe: {  	v50 =	vld [tilespmem:s31+$0xFFFFFAF0]  }
0x1ff: {  	v10 =	vadd.f32 v11, v10;
	v11 =	vmul.f32 v48, v4  }
0x200: {  	v51 =	vld [tilespmem:s31+$0xFFFFFB00]  }
0x201: {  	v10 =	vadd.f32 v11, v10;
	v11 =	vmul.f32 v49, v3;
	_ =	sdelay $0x1  }
0x202: {  	v10 =	vadd.f32 v11, v10;
	v11 =	vmul.f32 v50, v2;
	_ =	sdelay $0x1  }
0x203: {  	v10 =	vadd.f32 v11, v10;
	v11 =	vmul.f32 v51, v1;
	_ =	sdelay $0x1  }
0x204: {  	v10 =	vadd.f32 v11, v10;
	_ =	sdelay $0x1  }
0x205: {  	(xrf2) =	vadd.scan.msk.f32 $0xffff, v10;
	_ =	sdelay $0x9  }
0x206: {  	v10, _, _ =	vpop (xrf2)  }
0x207: {  	[tilespmem:$0xCB00] =	vst v10  }
0x208: {  	v10 =	vld [tilespmem:s31+$0xFFFFFB10]  }
0x209: {  	v11 =	vld [tilespmem:s31+$0xFFFFFB20];
	_ =	sdelay $0x1  }
0x20a: {  	v52 =	vld [tilespmem:s31+$0xFFFFFB30];
	_ =	sdelay $0x1  }
0x20b: {  	v53 =	vld [tilespmem:s31+$0xFFFFFB40]  }
0x20c: {  	v10 =	vmul.f32 v10, v7;
	v11 =	vmul.f32 v11, v8  }
0x20d: {  	v54 =	vld [tilespmem:s31+$0xFFFFFB50]  }
0x20e: {  	v10 =	vadd.f32 v11, v10;
	v11 =	vmul.f32 v52, v6  }
0x20f: {  	v55 =	vld [tilespmem:s31+$0xFFFFFB60]  }
0x210: {  	v10 =	vadd.f32 v11, v10;
	v11 =	vmul.f32 v53, v5  }
0x211: {  	v56 =	vld [tilespmem:s31+$0xFFFFFB70]  }
0x212: {  	v10 =	vadd.f32 v11, v10;
	v11 =	vmul.f32 v54, v4  }
0x213: {  	v57 =	vld [tilespmem:s31+$0xFFFFFB80]  }
0x214: {  	v10 =	vadd.f32 v11, v10;
	v11 =	vmul.f32 v55, v3;
	_ =	sdelay $0x1  }
0x215: {  	v10 =	vadd.f32 v11, v10;
	v11 =	vmul.f32 v56, v2;
	_ =	sdelay $0x1  }
0x216: {  	v10 =	vadd.f32 v11, v10;
	v11 =	vmul.f32 v57, v1;
	_ =	sdelay $0x1  }
0x217: {  	v10 =	vadd.f32 v11, v10;
	_ =	sdelay $0x1  }
0x218: {  	(xrf2) =	vadd.scan.msk.f32 $0xffff, v10;
	_ =	sdelay $0x9  }
0x219: {  	v10, _, _ =	vpop (xrf2)  }
0x21a: {  	[tilespmem:$0xCB80] =	vst v10  }
0x21b: {  	v10 =	vld [tilespmem:s31+$0xFFFFFB90]  }
0x21c: {  	v11 =	vld [tilespmem:s31+$0xFFFFFBA0];
	_ =	sdelay $0x1  }
0x21d: {  	v58 =	vld [tilespmem:s31+$0xFFFFFBB0];
	_ =	sdelay $0x1  }
0x21e: {  	v59 =	vld [tilespmem:s31+$0xFFFFFBC0]  }
0x21f: {  	v10 =	vmul.f32 v10, v7;
	v11 =	vmul.f32 v11, v8  }
0x220: {  	v60 =	vld [tilespmem:s31+$0xFFFFFBD0]  }
0x221: {  	v10 =	vadd.f32 v11, v10;
	v11 =	vmul.f32 v58, v6  }
0x222: {  	v61 =	vld [tilespmem:s31+$0xFFFFFBE0]  }
0x223: {  	v10 =	vadd.f32 v11, v10;
	v11 =	vmul.f32 v59, v5  }
0x224: {  	v62 =	vld [tilespmem:s31+$0xFFFFFBF0]  }
0x225: {  	v10 =	vadd.f32 v11, v10;
	v11 =	vmul.f32 v60, v4  }
0x226: {  	v63 =	vld [tilespmem:s31+$0xFFFFFC00]  }
0x227: {  	v10 =	vadd.f32 v11, v10;
	v11 =	vmul.f32 v61, v3;
	_ =	sdelay $0x1  }
0x228: {  	v10 =	vadd.f32 v11, v10;
	v11 =	vmul.f32 v62, v2;
	_ =	sdelay $0x1  }
0x229: {  	v10 =	vadd.f32 v11, v10;
	v11 =	vmul.f32 v63, v1;
	_ =	sdelay $0x1  }
0x22a: {  	v10 =	vadd.f32 v11, v10;
	_ =	sdelay $0x1  }
0x22b: {  	(xrf2) =	vadd.scan.msk.f32 $0xffff, v10;
	_ =	sdelay $0x9  }
0x22c: {  	v10, _, _ =	vpop (xrf2)  }
0x22d: {  	[tilespmem:$0xCC00] =	vst v10  }
0x22e: {  	v10 =	vld [tilespmem:s31+$0xFFFFFC10]  }
0x22f: {  	v11 =	vld [tilespmem:s31+$0xFFFFFC20];
	_ =	sdelay $0x1  }
0x230: {  	v16 =	vld [tilespmem:s31+$0xFFFFFC30];
	_ =	sdelay $0x1  }
0x231: {  	v17 =	vld [tilespmem:s31+$0xFFFFFC40]  }
0x232: {  	v10 =	vmul.f32 v10, v7;
	v11 =	vmul.f32 v11, v8  }
0x233: {  	v18 =	vld [tilespmem:s31+$0xFFFFFC50]  }
0x234: {  	v10 =	vadd.f32 v11, v10;
	v11 =	vmul.f32 v16, v6  }
0x235: {  	v19 =	vld [tilespmem:s31+$0xFFFFFC60]  }
0x236: {  	v10 =	vadd.f32 v11, v10;
	v11 =	vmul.f32 v17, v5  }
0x237: {  	v20 =	vld [tilespmem:s31+$0xFFFFFC70]  }
0x238: {  	v10 =	vadd.f32 v11, v10;
	v11 =	vmul.f32 v18, v4  }
0x239: {  	v21 =	vld [tilespmem:s31+$0xFFFFFC80]  }
0x23a: {  	v10 =	vadd.f32 v11, v10;
	v11 =	vmul.f32 v19, v3;
	_ =	sdelay $0x1  }
0x23b: {  	v10 =	vadd.f32 v11, v10;
	v11 =	vmul.f32 v20, v2;
	_ =	sdelay $0x1  }
0x23c: {  	v10 =	vadd.f32 v11, v10;
	v11 =	vmul.f32 v21, v1;
	_ =	sdelay $0x1  }
0x23d: {  	v10 =	vadd.f32 v11, v10;
	_ =	sdelay $0x1  }
0x23e: {  	(xrf2) =	vadd.scan.msk.f32 $0xffff, v10;
	_ =	sdelay $0x9  }
0x23f: {  	v10, _, _ =	vpop (xrf2)  }
0x240: {  	[tilespmem:$0xCC80] =	vst v10  }
0x241: {  	v10 =	vld [tilespmem:s31+$0xFFFFFC90]  }
0x242: {  	v11 =	vld [tilespmem:s31+$0xFFFFFCA0];
	_ =	sdelay $0x1  }
0x243: {  	v22 =	vld [tilespmem:s31+$0xFFFFFCB0];
	_ =	sdelay $0x1  }
0x244: {  	v23 =	vld [tilespmem:s31+$0xFFFFFCC0]  }
0x245: {  	v10 =	vmul.f32 v10, v7;
	v11 =	vmul.f32 v11, v8  }
0x246: {  	v24 =	vld [tilespmem:s31+$0xFFFFFCD0]  }
0x247: {  	v10 =	vadd.f32 v11, v10;
	v11 =	vmul.f32 v22, v6  }
0x248: {  	v25 =	vld [tilespmem:s31+$0xFFFFFCE0]  }
0x249: {  	v10 =	vadd.f32 v11, v10;
	v11 =	vmul.f32 v23, v5  }
0x24a: {  	v26 =	vld [tilespmem:s31+$0xFFFFFCF0]  }
0x24b: {  	v10 =	vadd.f32 v11, v10;
	v11 =	vmul.f32 v24, v4  }
0x24c: {  	v27 =	vld [tilespmem:s31+$0xFFFFFD00]  }
0x24d: {  	v10 =	vadd.f32 v11, v10;
	v11 =	vmul.f32 v25, v3;
	_ =	sdelay $0x1  }
0x24e: {  	v10 =	vadd.f32 v11, v10;
	v11 =	vmul.f32 v26, v2;
	_ =	sdelay $0x1  }
0x24f: {  	v10 =	vadd.f32 v11, v10;
	v11 =	vmul.f32 v27, v1;
	_ =	sdelay $0x1  }
0x250: {  	v10 =	vadd.f32 v11, v10;
	_ =	sdelay $0x1  }
0x251: {  	(xrf2) =	vadd.scan.msk.f32 $0xffff, v10;
	_ =	sdelay $0x9  }
0x252: {  	v10, _, _ =	vpop (xrf2)  }
0x253: {  	[tilespmem:$0xCD00] =	vst v10  }
0x254: {  	v10 =	vld [tilespmem:s31+$0xFFFFFD10]  }
0x255: {  	v11 =	vld [tilespmem:s31+$0xFFFFFD20];
	_ =	sdelay $0x1  }
0x256: {  	v28 =	vld [tilespmem:s31+$0xFFFFFD30];
	_ =	sdelay $0x1  }
0x257: {  	v29 =	vld [tilespmem:s31+$0xFFFFFD40]  }
0x258: {  	v10 =	vmul.f32 v10, v7;
	v11 =	vmul.f32 v11, v8  }
0x259: {  	v30 =	vld [tilespmem:s31+$0xFFFFFD50]  }
0x25a: {  	v10 =	vadd.f32 v11, v10;
	v11 =	vmul.f32 v28, v6  }
0x25b: {  	v31 =	vld [tilespmem:s31+$0xFFFFFD60]  }
0x25c: {  	v10 =	vadd.f32 v11, v10;
	v11 =	vmul.f32 v29, v5  }
0x25d: {  	v32 =	vld [tilespmem:s31+$0xFFFFFD70]  }
0x25e: {  	v10 =	vadd.f32 v11, v10;
	v11 =	vmul.f32 v30, v4  }
0x25f: {  	v33 =	vld [tilespmem:s31+$0xFFFFFD80]  }
0x260: {  	v10 =	vadd.f32 v11, v10;
	v11 =	vmul.f32 v31, v3;
	_ =	sdelay $0x1  }
0x261: {  	v10 =	vadd.f32 v11, v10;
	v11 =	vmul.f32 v32, v2;
	_ =	sdelay $0x1  }
0x262: {  	v10 =	vadd.f32 v11, v10;
	v11 =	vmul.f32 v33, v1;
	_ =	sdelay $0x1  }
0x263: {  	v10 =	vadd.f32 v11, v10;
	_ =	sdelay $0x1  }
0x264: {  	(xrf2) =	vadd.scan.msk.f32 $0xffff, v10;
	_ =	sdelay $0x9  }
0x265: {  	v10, _, _ =	vpop (xrf2)  }
0x266: {  	[tilespmem:$0xCD80] =	vst v10  }
0x267: {  	v10 =	vld [tilespmem:s31+$0xFFFFFD90]  }
0x268: {  	v11 =	vld [tilespmem:s31+$0xFFFFFDA0];
	_ =	sdelay $0x1  }
0x269: {  	v34 =	vld [tilespmem:s31+$0xFFFFFDB0];
	_ =	sdelay $0x1  }
0x26a: {  	v35 =	vld [tilespmem:s31+$0xFFFFFDC0]  }
0x26b: {  	v10 =	vmul.f32 v10, v7;
	v11 =	vmul.f32 v11, v8  }
0x26c: {  	v36 =	vld [tilespmem:s31+$0xFFFFFDD0]  }
0x26d: {  	v10 =	vadd.f32 v11, v10;
	v11 =	vmul.f32 v34, v6  }
0x26e: {  	v37 =	vld [tilespmem:s31+$0xFFFFFDE0]  }
0x26f: {  	v10 =	vadd.f32 v11, v10;
	v11 =	vmul.f32 v35, v5  }
0x270: {  	v38 =	vld [tilespmem:s31+$0xFFFFFDF0]  }
0x271: {  	v10 =	vadd.f32 v11, v10;
	v11 =	vmul.f32 v36, v4  }
0x272: {  	v39 =	vld [tilespmem:s31+$0xFFFFFE00]  }
0x273: {  	v10 =	vadd.f32 v11, v10;
	v11 =	vmul.f32 v37, v3;
	_ =	sdelay $0x1  }
0x274: {  	v10 =	vadd.f32 v11, v10;
	v11 =	vmul.f32 v38, v2;
	_ =	sdelay $0x1  }
0x275: {  	v10 =	vadd.f32 v11, v10;
	v11 =	vmul.f32 v39, v1;
	_ =	sdelay $0x1  }
0x276: {  	v10 =	vadd.f32 v11, v10;
	_ =	sdelay $0x1  }
0x277: {  	(xrf2) =	vadd.scan.msk.f32 $0xffff, v10;
	_ =	sdelay $0x9  }
0x278: {  	v10, _, _ =	vpop (xrf2)  }
0x279: {  	[tilespmem:$0xCE00] =	vst v10  }
0x27a: {  	v10 =	vld [tilespmem:s31+$0xFFFFFE10]  }
0x27b: {  	v11 =	vld [tilespmem:s31+$0xFFFFFE20];
	_ =	sdelay $0x1  }
0x27c: {  	v40 =	vld [tilespmem:s31+$0xFFFFFE30];
	_ =	sdelay $0x1  }
0x27d: {  	v41 =	vld [tilespmem:s31+$0xFFFFFE40]  }
0x27e: {  	v10 =	vmul.f32 v10, v7;
	v11 =	vmul.f32 v11, v8  }
0x27f: {  	v42 =	vld [tilespmem:s31+$0xFFFFFE50]  }
0x280: {  	v10 =	vadd.f32 v11, v10;
	v11 =	vmul.f32 v40, v6  }
0x281: {  	v43 =	vld [tilespmem:s31+$0xFFFFFE60]  }
0x282: {  	v10 =	vadd.f32 v11, v10;
	v11 =	vmul.f32 v41, v5  }
0x283: {  	v44 =	vld [tilespmem:s31+$0xFFFFFE70]  }
0x284: {  	v10 =	vadd.f32 v11, v10;
	v11 =	vmul.f32 v42, v4  }
0x285: {  	v45 =	vld [tilespmem:s31+$0xFFFFFE80]  }
0x286: {  	v10 =	vadd.f32 v11, v10;
	v11 =	vmul.f32 v43, v3;
	_ =	sdelay $0x1  }
0x287: {  	v10 =	vadd.f32 v11, v10;
	v11 =	vmul.f32 v44, v2;
	_ =	sdelay $0x1  }
0x288: {  	v10 =	vadd.f32 v11, v10;
	v11 =	vmul.f32 v45, v1;
	_ =	sdelay $0x1  }
0x289: {  	v10 =	vadd.f32 v11, v10;
	_ =	sdelay $0x1  }
0x28a: {  	(xrf2) =	vadd.scan.msk.f32 $0xffff, v10;
	_ =	sdelay $0x9  }
0x28b: {  	v10, _, _ =	vpop (xrf2)  }
0x28c: {  	[tilespmem:$0xCE80] =	vst v10  }
0x28d: {  	v10 =	vld [tilespmem:s31+$0xFFFFFE90]  }
0x28e: {  	v11 =	vld [tilespmem:s31+$0xFFFFFEA0];
	_ =	sdelay $0x1  }
0x28f: {  	v46 =	vld [tilespmem:s31+$0xFFFFFEB0];
	_ =	sdelay $0x1  }
0x290: {  	v47 =	vld [tilespmem:s31+$0xFFFFFEC0]  }
0x291: {  	v10 =	vmul.f32 v10, v7;
	v11 =	vmul.f32 v11, v8  }
0x292: {  	v48 =	vld [tilespmem:s31+$0xFFFFFED0]  }
0x293: {  	v10 =	vadd.f32 v11, v10;
	v11 =	vmul.f32 v46, v6  }
0x294: {  	v49 =	vld [tilespmem:s31+$0xFFFFFEE0]  }
0x295: {  	v10 =	vadd.f32 v11, v10;
	v11 =	vmul.f32 v47, v5  }
0x296: {  	v50 =	vld [tilespmem:s31+$0xFFFFFEF0]  }
0x297: {  	v10 =	vadd.f32 v11, v10;
	v11 =	vmul.f32 v48, v4  }
0x298: {  	v51 =	vld [tilespmem:s31+$0xFFFFFF00]  }
0x299: {  	v10 =	vadd.f32 v11, v10;
	v11 =	vmul.f32 v49, v3;
	_ =	sdelay $0x1  }
0x29a: {  	v10 =	vadd.f32 v11, v10;
	v11 =	vmul.f32 v50, v2;
	_ =	sdelay $0x1  }
0x29b: {  	v10 =	vadd.f32 v11, v10;
	v11 =	vmul.f32 v51, v1;
	_ =	sdelay $0x1  }
0x29c: {  	v10 =	vadd.f32 v11, v10;
	_ =	sdelay $0x1  }
0x29d: {  	(xrf2) =	vadd.scan.msk.f32 $0xffff, v10;
	_ =	sdelay $0x9  }
0x29e: {  	v10, _, _ =	vpop (xrf2)  }
0x29f: {  	[tilespmem:$0xCF00] =	vst v10  }
0x2a0: {  	v10 =	vld [tilespmem:s31+$0xFFFFFF10]  }
0x2a1: {  	v11 =	vld [tilespmem:s31+$0xFFFFFF20];
	_ =	sdelay $0x1  }
0x2a2: {  	v52 =	vld [tilespmem:s31+$0xFFFFFF30];
	_ =	sdelay $0x1  }
0x2a3: {  	v53 =	vld [tilespmem:s31+$0xFFFFFF40]  }
0x2a4: {  	v10 =	vmul.f32 v10, v7;
	v11 =	vmul.f32 v11, v8  }
0x2a5: {  	v54 =	vld [tilespmem:s31+$0xFFFFFF50]  }
0x2a6: {  	v10 =	vadd.f32 v11, v10;
	v11 =	vmul.f32 v52, v6  }
0x2a7: {  	v55 =	vld [tilespmem:s31+$0xFFFFFF60]  }
0x2a8: {  	v10 =	vadd.f32 v11, v10;
	v11 =	vmul.f32 v53, v5  }
0x2a9: {  	v56 =	vld [tilespmem:s31+$0xFFFFFF70]  }
0x2aa: {  	v10 =	vadd.f32 v11, v10;
	v11 =	vmul.f32 v54, v4  }
0x2ab: {  	v57 =	vld [tilespmem:s31+$0xFFFFFF80]  }
0x2ac: {  	v10 =	vadd.f32 v11, v10;
	v11 =	vmul.f32 v55, v3;
	_ =	sdelay $0x1  }
0x2ad: {  	v10 =	vadd.f32 v11, v10;
	v11 =	vmul.f32 v56, v2;
	_ =	sdelay $0x1  }
0x2ae: {  	v10 =	vadd.f32 v11, v10;
	v11 =	vmul.f32 v57, v1;
	_ =	sdelay $0x1  }
0x2af: {  	v10 =	vadd.f32 v11, v10;
	_ =	sdelay $0x1  }
0x2b0: {  	(xrf2) =	vadd.scan.msk.f32 $0xffff, v10;
	_ =	sdelay $0x9  }
0x2b1: {  	v10, _, _ =	vpop (xrf2)  }
0x2b2: {  	[tilespmem:$0xCF80] =	vst v10  }
0x2b3: {  	v10 =	vld [tilespmem:s31+$0xFFFFFF90]  }
0x2b4: {  	v11 =	vld [tilespmem:s31+$0xFFFFFFA0];
	_ =	sdelay $0x1  }
0x2b5: {  	v58 =	vld [tilespmem:s31+$0xFFFFFFB0];
	_ =	sdelay $0x1  }
0x2b6: {  	v59 =	vld [tilespmem:s31+$0xFFFFFFC0]  }
0x2b7: {  	v10 =	vmul.f32 v10, v7;
	v11 =	vmul.f32 v11, v8  }
0x2b8: {  	v60 =	vld [tilespmem:s31+$0xFFFFFFD0]  }
0x2b9: {  	v10 =	vadd.f32 v11, v10;
	v11 =	vmul.f32 v58, v6  }
0x2ba: {  	v61 =	vld [tilespmem:s31+$0xFFFFFFE0]  }
0x2bb: {  	v10 =	vadd.f32 v11, v10;
	v11 =	vmul.f32 v59, v5  }
0x2bc: {  	v62 =	vld [tilespmem:s31+$0xFFFFFFF0]  }
0x2bd: {  	v10 =	vadd.f32 v11, v10;
	v11 =	vmul.f32 v60, v4  }
0x2be: {  	v63 =	vld [tilespmem:s31+$0x0]  }
0x2bf: {  	v10 =	vadd.f32 v11, v10;
	v11 =	vmul.f32 v61, v3;
	_ =	sdelay $0x1  }
0x2c0: {  	v10 =	vadd.f32 v11, v10;
	v11 =	vmul.f32 v62, v2;
	_ =	sdelay $0x1  }
0x2c1: {  	v10 =	vadd.f32 v11, v10;
	v11 =	vmul.f32 v63, v1;
	_ =	sdelay $0x1  }
0x2c2: {  	v10 =	vadd.f32 v11, v10;
	_ =	sdelay $0x1  }
0x2c3: {  	(xrf2) =	vadd.scan.msk.f32 $0xffff, v10;
	_ =	sdelay $0x9  }
0x2c4: {  	v10, _, _ =	vpop (xrf2)  }
0x2c5: {  	[tilespmem:$0xD000] =	vst v10  }
0x2c6: {  	p0 =	sne.s32 s30, $0x80;
	v10 =	vld.idx.msk [tilespmem:v0+s18+$0x0], $0xffff  }
.Ltmp3:
0x2c7: {  	_ = 	snop;
	(pc) =	sbr.rel @p0 .LBB2_5-.Ltmp3, $3  }
0x2c8: {  	_ =	sdelay $0x1  }
0x2c9: {  	s0 =	sshra.s32 s30, $0x2  }
0x2ca: {  	s30 =	sadd.s32 $0x40, s30;
	s31 =	sadd.s32 $0x800, s31;
	[tilespmem:v9+s0+$0x0 ss:$0x1] =	vst.idx.msk $0xffff, v10  }
0x2cb: {  	v9 =	vld [tilespmem:$0x9200]  }
0x2cc: {  	v10 =	vld [tilespmem:$0x9210]  }
0x2cd: {  	v11 =	vld [tilespmem:$0x9220]  }
0x2ce: {  	v12 =	vld [tilespmem:$0x9230]  }
0x2cf: {  	v13 =	vld [tilespmem:$0x9240]  }
0x2d0: {  	v14 =	vld [tilespmem:$0x9250]  }
0x2d1: {  	v15 =	vld [tilespmem:$0x9260]  }
0x2d2: {  	v17 =	vld [tilespmem:$0x9280]  }
0x2d3: {  	v18 =	vld [tilespmem:$0x9290]  }
0x2d4: {  	v19 =	vld [tilespmem:$0x9300]  }
0x2d5: {  	v20 =	vld [tilespmem:$0x9310];
	v9 =	vmul.f32 v9, v7;
	v10 =	vmul.f32 v10, v8  }
0x2d6: {  	v21 =	vld [tilespmem:$0x9320]  }
0x2d7: {  	v9 =	vadd.f32 v10, v9;
	v10 =	vmul.f32 v11, v6;
	v11 =	vld [tilespmem:$0x92A0]  }
0x2d8: {  	v59 =	vld [tilespmem:$0x92B0];
	v17 =	vmul.f32 v17, v7  }
0x2d9: {  	v22 =	vld [tilespmem:$0x9330];
	v18 =	vmul.f32 v18, v8;
	v9 =	vadd.f32 v10, v9;
	v10 =	vmul.f32 v12, v5  }
0x2da: {  	v60 =	vld [tilespmem:$0x9340];
	v7 =	vmul.f32 v19, v7;
	v8 =	vmul.f32 v20, v8  }
0x2db: {  	v9 =	vadd.f32 v10, v9;
	v10 =	vld [tilespmem:$0x92C0]  }
0x2dc: {  	v17 =	vadd.f32 v18, v17;
	v7 =	vadd.f32 v8, v7;
	v8 =	vld [tilespmem:$0x92D0];
	v11 =	vmul.f32 v11, v6  }
0x2dd: {  	v16 =	vld [tilespmem:$0x9270];
	v13 =	vmul.f32 v13, v4;
	v6 =	vmul.f32 v21, v6  }
0x2de: {  	v61 =	vld [tilespmem:$0x9350];
	v12 =	vmul.f32 v59, v5;
	v11 =	vadd.f32 v11, v17  }
0x2df: {  	v62 =	vld [tilespmem:$0x92E0];
	v5 =	vmul.f32 v22, v5;
	v9 =	vadd.f32 v13, v9;
	v6 =	vadd.f32 v6, v7  }
0x2e0: {  	v63 =	vld [tilespmem:$0x9360];
	v7 =	vmul.f32 v14, v3;
	v11 =	vadd.f32 v12, v11;
	v10 =	vmul.f32 v10, v4  }
0x2e1: {  	v8 =	vmul.f32 v8, v3;
	v5 =	vadd.f32 v5, v6;
	v4 =	vmul.f32 v60, v4;
	v6 =	vld [tilespmem:$0x92F0]  }
0x2e2: {  	v7 =	vadd.f32 v7, v9;
	v9 =	vmul.f32 v15, v2;
	v10 =	vadd.f32 v10, v11;
	v11 =	vld [tilespmem:$0x9370]  }
0x2e3: {  	v3 =	vmul.f32 v61, v3;
	v4 =	vadd.f32 v4, v5  }
0x2e4: {  	v5 =	vadd.f32 v9, v7;
	v7 =	vadd.f32 v8, v10;
	v8 =	vmul.f32 v62, v2  }
0x2e5: {  	v3 =	vadd.f32 v3, v4;
	v4 =	vmul.f32 v16, v1;
	v2 =	vmul.f32 v63, v2  }
0x2e6: {  	v6 =	vmul.f32 v6, v1;
	v7 =	vadd.f32 v8, v7  }
0x2e7: {  	v4 =	vadd.f32 v4, v5;
	v2 =	vadd.f32 v2, v3;
	v1 =	vmul.f32 v11, v1  }
0x2e8: {  	v3 =	vadd.f32 v6, v7  }
0x2e9: {  	(xrf2) =	vadd.scan.msk.f32 $0xffff, v4;
	v1 =	vadd.f32 v1, v2  }
0x2ea: {  	(xrf2) =	vadd.scan.msk.f32 $0xffff, v3  }
0x2eb: {  	(xrf2) =	vadd.scan.msk.f32 $0xffff, v1;
	_ =	sdelay $0x7  }
0x2ec: {  	v1, _, _ =	vpop (xrf2)  }
0x2ed: {  	[tilespmem:$0xC880] =	vst v1;
	v2, _, _ =	vpop (xrf2)  }
0x2ee: {  	[tilespmem:$0xC900] =	vst v2;
	v1, _, _ =	vpop (xrf2)  }
0x2ef: {  	[tilespmem:$0xC980] =	vst v1  }
0x2f0: {  	v1 =	vld.idx.msk [tilespmem:v0+s18+$0x0], $0xffff;
	_ =	sdelay $0x1  }
0x2f1: {  	p0 =	seq.s32 s26, $0x1F  }
0x2f2: {  	s0 =	sshll.u32 @!p0 s26, $0x8  }
0x2f3: {  	s0 =	sand.u32 @!p0 $0x3FFFFF00, s0  }
0x2f4: {  	s30 =	simm.s32 @!p0 $0x6080;
	s0 =	sadd.s32 @!p0 $0x180, s0;
	[tilespmem:s29+$0xD080] =	vst v1;
	s29 =	simm.s32 @!p0 $0x68  }
0x2f5: {  	[tilespmem:s30], [sflag:$0x2] =	stream.indirect.gather @!p0 [hbm4b:s3+s29], $0x80, s0, s29, $0xb8;
	[tilespmem:$0x11080] =	vst v63  }
0x2f6: {  	_ =	swait.ge [sflag:s19], $0x3400  }
0x2f7: {  	[sflag:s19] =	ssyncset.done $0x0  }
0x2f8: {  	[sflag:s19] =	ssyncadd.s32 $0xFFFFCC00  }
0x2f9: {  	v7 =	vld [tilespmem:s28+$0x2180]  }
0x2fa: {  	v8 =	vld [tilespmem:s28+$0x2190]  }
0x2fb: {  	v6 =	vld [tilespmem:s28+$0x21A0]  }
0x2fc: {  	v5 =	vld [tilespmem:s28+$0x21B0]  }
0x2fd: {  	v4 =	vld [tilespmem:s28+$0x21C0]  }
0x2fe: {  	v3 =	vld [tilespmem:s28+$0x21D0]  }
0x2ff: {  	v2 =	vld [tilespmem:s28+$0x21E0]  }
0x300: {  	s31 =	simm.s32 $0x9880;
	v9 =	vmov s23;
	s29 =	sor.u32 $0x130, s28;
	s30 =	simm.s32 $0x0;
	v1 =	vld [tilespmem:s28+$0x21F0]  }
.LBB2_7:
0x301: {  	v10 =	vld [tilespmem:s31+$0xFFFFFC00]  }
0x302: {  	v11 =	vld [tilespmem:s31+$0xFFFFFC10];
	_ =	sdelay $0x1  }
0x303: {  	v12 =	vld [tilespmem:s31+$0xFFFFFC20];
	_ =	sdelay $0x1  }
0x304: {  	v13 =	vld [tilespmem:s31+$0xFFFFFC30]  }
0x305: {  	v10 =	vmul.f32 v10, v7;
	v11 =	vmul.f32 v11, v8  }
0x306: {  	v14 =	vld [tilespmem:s31+$0xFFFFFC40]  }
0x307: {  	v10 =	vadd.f32 v11, v10;
	v11 =	vmul.f32 v12, v6  }
0x308: {  	v19 =	vld [tilespmem:s31+$0xFFFFFC50]  }
0x309: {  	v10 =	vadd.f32 v11, v10;
	v11 =	vmul.f32 v13, v5  }
0x30a: {  	v20 =	vld [tilespmem:s31+$0xFFFFFC60]  }
0x30b: {  	v10 =	vadd.f32 v11, v10;
	v11 =	vmul.f32 v14, v4  }
0x30c: {  	v21 =	vld [tilespmem:s31+$0xFFFFFC70]  }
0x30d: {  	v10 =	vadd.f32 v11, v10;
	v11 =	vmul.f32 v19, v3;
	_ =	sdelay $0x1  }
0x30e: {  	v10 =	vadd.f32 v11, v10;
	v11 =	vmul.f32 v20, v2;
	_ =	sdelay $0x1  }
0x30f: {  	v10 =	vadd.f32 v11, v10;
	v11 =	vmul.f32 v21, v1;
	_ =	sdelay $0x1  }
0x310: {  	v10 =	vadd.f32 v11, v10;
	_ =	sdelay $0x1  }
0x311: {  	(xrf2) =	vadd.scan.msk.f32 $0xffff, v10;
	_ =	sdelay $0x9  }
0x312: {  	v10, _, _ =	vpop (xrf2)  }
0x313: {  	[tilespmem:$0xC880] =	vst v10  }
0x314: {  	v10 =	vld [tilespmem:s31+$0xFFFFFC80]  }
0x315: {  	v11 =	vld [tilespmem:s31+$0xFFFFFC90];
	_ =	sdelay $0x1  }
0x316: {  	v22 =	vld [tilespmem:s31+$0xFFFFFCA0];
	_ =	sdelay $0x1  }
0x317: {  	v23 =	vld [tilespmem:s31+$0xFFFFFCB0]  }
0x318: {  	v10 =	vmul.f32 v10, v7;
	v11 =	vmul.f32 v11, v8  }
0x319: {  	v24 =	vld [tilespmem:s31+$0xFFFFFCC0]  }
0x31a: {  	v10 =	vadd.f32 v11, v10;
	v11 =	vmul.f32 v22, v6  }
0x31b: {  	v25 =	vld [tilespmem:s31+$0xFFFFFCD0]  }
0x31c: {  	v10 =	vadd.f32 v11, v10;
	v11 =	vmul.f32 v23, v5  }
0x31d: {  	v26 =	vld [tilespmem:s31+$0xFFFFFCE0]  }
0x31e: {  	v10 =	vadd.f32 v11, v10;
	v11 =	vmul.f32 v24, v4  }
0x31f: {  	v27 =	vld [tilespmem:s31+$0xFFFFFCF0]  }
0x320: {  	v10 =	vadd.f32 v11, v10;
	v11 =	vmul.f32 v25, v3;
	_ =	sdelay $0x1  }
0x321: {  	v10 =	vadd.f32 v11, v10;
	v11 =	vmul.f32 v26, v2;
	_ =	sdelay $0x1  }
0x322: {  	v10 =	vadd.f32 v11, v10;
	v11 =	vmul.f32 v27, v1;
	_ =	sdelay $0x1  }
0x323: {  	v10 =	vadd.f32 v11, v10;
	_ =	sdelay $0x1  }
0x324: {  	(xrf2) =	vadd.scan.msk.f32 $0xffff, v10;
	_ =	sdelay $0x9  }
0x325: {  	v10, _, _ =	vpop (xrf2)  }
0x326: {  	[tilespmem:$0xC900] =	vst v10  }
0x327: {  	v10 =	vld [tilespmem:s31+$0xFFFFFD00]  }
0x328: {  	v11 =	vld [tilespmem:s31+$0xFFFFFD10];
	_ =	sdelay $0x1  }
0x329: {  	v28 =	vld [tilespmem:s31+$0xFFFFFD20];
	_ =	sdelay $0x1  }
0x32a: {  	v29 =	vld [tilespmem:s31+$0xFFFFFD30]  }
0x32b: {  	v10 =	vmul.f32 v10, v7;
	v11 =	vmul.f32 v11, v8  }
0x32c: {  	v30 =	vld [tilespmem:s31+$0xFFFFFD40]  }
0x32d: {  	v10 =	vadd.f32 v11, v10;
	v11 =	vmul.f32 v28, v6  }
0x32e: {  	v31 =	vld [tilespmem:s31+$0xFFFFFD50]  }
0x32f: {  	v10 =	vadd.f32 v11, v10;
	v11 =	vmul.f32 v29, v5  }
0x330: {  	v32 =	vld [tilespmem:s31+$0xFFFFFD60]  }
0x331: {  	v10 =	vadd.f32 v11, v10;
	v11 =	vmul.f32 v30, v4  }
0x332: {  	v33 =	vld [tilespmem:s31+$0xFFFFFD70]  }
0x333: {  	v10 =	vadd.f32 v11, v10;
	v11 =	vmul.f32 v31, v3;
	_ =	sdelay $0x1  }
0x334: {  	v10 =	vadd.f32 v11, v10;
	v11 =	vmul.f32 v32, v2;
	_ =	sdelay $0x1  }
0x335: {  	v10 =	vadd.f32 v11, v10;
	v11 =	vmul.f32 v33, v1;
	_ =	sdelay $0x1  }
0x336: {  	v10 =	vadd.f32 v11, v10;
	_ =	sdelay $0x1  }
0x337: {  	(xrf2) =	vadd.scan.msk.f32 $0xffff, v10;
	_ =	sdelay $0x9  }
0x338: {  	v10, _, _ =	vpop (xrf2)  }
0x339: {  	[tilespmem:$0xC980] =	vst v10  }
0x33a: {  	v10 =	vld [tilespmem:s31+$0xFFFFFD80]  }
0x33b: {  	v11 =	vld [tilespmem:s31+$0xFFFFFD90];
	_ =	sdelay $0x1  }
0x33c: {  	v34 =	vld [tilespmem:s31+$0xFFFFFDA0];
	_ =	sdelay $0x1  }
0x33d: {  	v35 =	vld [tilespmem:s31+$0xFFFFFDB0]  }
0x33e: {  	v10 =	vmul.f32 v10, v7;
	v11 =	vmul.f32 v11, v8  }
0x33f: {  	v36 =	vld [tilespmem:s31+$0xFFFFFDC0]  }
0x340: {  	v10 =	vadd.f32 v11, v10;
	v11 =	vmul.f32 v34, v6  }
0x341: {  	v37 =	vld [tilespmem:s31+$0xFFFFFDD0]  }
0x342: {  	v10 =	vadd.f32 v11, v10;
	v11 =	vmul.f32 v35, v5  }
0x343: {  	v38 =	vld [tilespmem:s31+$0xFFFFFDE0]  }
0x344: {  	v10 =	vadd.f32 v11, v10;
	v11 =	vmul.f32 v36, v4  }
0x345: {  	v39 =	vld [tilespmem:s31+$0xFFFFFDF0]  }
0x346: {  	v10 =	vadd.f32 v11, v10;
	v11 =	vmul.f32 v37, v3;
	_ =	sdelay $0x1  }
0x347: {  	v10 =	vadd.f32 v11, v10;
	v11 =	vmul.f32 v38, v2;
	_ =	sdelay $0x1  }
0x348: {  	v10 =	vadd.f32 v11, v10;
	v11 =	vmul.f32 v39, v1;
	_ =	sdelay $0x1  }
0x349: {  	v10 =	vadd.f32 v11, v10;
	_ =	sdelay $0x1  }
0x34a: {  	(xrf2) =	vadd.scan.msk.f32 $0xffff, v10;
	_ =	sdelay $0x9  }
0x34b: {  	v10, _, _ =	vpop (xrf2)  }
0x34c: {  	[tilespmem:$0xCA00] =	vst v10  }
0x34d: {  	v10 =	vld [tilespmem:s31+$0xFFFFFE00]  }
0x34e: {  	v11 =	vld [tilespmem:s31+$0xFFFFFE10];
	_ =	sdelay $0x1  }
0x34f: {  	v40 =	vld [tilespmem:s31+$0xFFFFFE20];
	_ =	sdelay $0x1  }
0x350: {  	v41 =	vld [tilespmem:s31+$0xFFFFFE30]  }
0x351: {  	v10 =	vmul.f32 v10, v7;
	v11 =	vmul.f32 v11, v8  }
0x352: {  	v42 =	vld [tilespmem:s31+$0xFFFFFE40]  }
0x353: {  	v10 =	vadd.f32 v11, v10;
	v11 =	vmul.f32 v40, v6  }
0x354: {  	v43 =	vld [tilespmem:s31+$0xFFFFFE50]  }
0x355: {  	v10 =	vadd.f32 v11, v10;
	v11 =	vmul.f32 v41, v5  }
0x356: {  	v44 =	vld [tilespmem:s31+$0xFFFFFE60]  }
0x357: {  	v10 =	vadd.f32 v11, v10;
	v11 =	vmul.f32 v42, v4  }
0x358: {  	v45 =	vld [tilespmem:s31+$0xFFFFFE70]  }
0x359: {  	v10 =	vadd.f32 v11, v10;
	v11 =	vmul.f32 v43, v3;
	_ =	sdelay $0x1  }
0x35a: {  	v10 =	vadd.f32 v11, v10;
	v11 =	vmul.f32 v44, v2;
	_ =	sdelay $0x1  }
0x35b: {  	v10 =	vadd.f32 v11, v10;
	v11 =	vmul.f32 v45, v1;
	_ =	sdelay $0x1  }
0x35c: {  	v10 =	vadd.f32 v11, v10;
	_ =	sdelay $0x1  }
0x35d: {  	(xrf2) =	vadd.scan.msk.f32 $0xffff, v10;
	_ =	sdelay $0x9  }
0x35e: {  	v10, _, _ =	vpop (xrf2)  }
0x35f: {  	[tilespmem:$0xCA80] =	vst v10  }
0x360: {  	v10 =	vld [tilespmem:s31+$0xFFFFFE80]  }
0x361: {  	v11 =	vld [tilespmem:s31+$0xFFFFFE90];
	_ =	sdelay $0x1  }
0x362: {  	v46 =	vld [tilespmem:s31+$0xFFFFFEA0];
	_ =	sdelay $0x1  }
0x363: {  	v47 =	vld [tilespmem:s31+$0xFFFFFEB0]  }
0x364: {  	v10 =	vmul.f32 v10, v7;
	v11 =	vmul.f32 v11, v8  }
0x365: {  	v48 =	vld [tilespmem:s31+$0xFFFFFEC0]  }
0x366: {  	v10 =	vadd.f32 v11, v10;
	v11 =	vmul.f32 v46, v6  }
0x367: {  	v49 =	vld [tilespmem:s31+$0xFFFFFED0]  }
0x368: {  	v10 =	vadd.f32 v11, v10;
	v11 =	vmul.f32 v47, v5  }
0x369: {  	v50 =	vld [tilespmem:s31+$0xFFFFFEE0]  }
0x36a: {  	v10 =	vadd.f32 v11, v10;
	v11 =	vmul.f32 v48, v4  }
0x36b: {  	v51 =	vld [tilespmem:s31+$0xFFFFFEF0]  }
0x36c: {  	v10 =	vadd.f32 v11, v10;
	v11 =	vmul.f32 v49, v3;
	_ =	sdelay $0x1  }
0x36d: {  	v10 =	vadd.f32 v11, v10;
	v11 =	vmul.f32 v50, v2;
	_ =	sdelay $0x1  }
0x36e: {  	v10 =	vadd.f32 v11, v10;
	v11 =	vmul.f32 v51, v1;
	_ =	sdelay $0x1  }
0x36f: {  	v10 =	vadd.f32 v11, v10;
	_ =	sdelay $0x1  }
0x370: {  	(xrf2) =	vadd.scan.msk.f32 $0xffff, v10;
	_ =	sdelay $0x9  }
0x371: {  	v10, _, _ =	vpop (xrf2)  }
0x372: {  	[tilespmem:$0xCB00] =	vst v10  }
0x373: {  	v10 =	vld [tilespmem:s31+$0xFFFFFF00]  }
0x374: {  	v11 =	vld [tilespmem:s31+$0xFFFFFF10];
	_ =	sdelay $0x1  }
0x375: {  	v52 =	vld [tilespmem:s31+$0xFFFFFF20];
	_ =	sdelay $0x1  }
0x376: {  	v53 =	vld [tilespmem:s31+$0xFFFFFF30]  }
0x377: {  	v10 =	vmul.f32 v10, v7;
	v11 =	vmul.f32 v11, v8  }
0x378: {  	v54 =	vld [tilespmem:s31+$0xFFFFFF40]  }
0x379: {  	v10 =	vadd.f32 v11, v10;
	v11 =	vmul.f32 v52, v6  }
0x37a: {  	v55 =	vld [tilespmem:s31+$0xFFFFFF50]  }
0x37b: {  	v10 =	vadd.f32 v11, v10;
	v11 =	vmul.f32 v53, v5  }
0x37c: {  	v56 =	vld [tilespmem:s31+$0xFFFFFF60]  }
0x37d: {  	v10 =	vadd.f32 v11, v10;
	v11 =	vmul.f32 v54, v4  }
0x37e: {  	v57 =	vld [tilespmem:s31+$0xFFFFFF70]  }
0x37f: {  	v10 =	vadd.f32 v11, v10;
	v11 =	vmul.f32 v55, v3;
	_ =	sdelay $0x1  }
0x380: {  	v10 =	vadd.f32 v11, v10;
	v11 =	vmul.f32 v56, v2;
	_ =	sdelay $0x1  }
0x381: {  	v10 =	vadd.f32 v11, v10;
	v11 =	vmul.f32 v57, v1;
	_ =	sdelay $0x1  }
0x382: {  	v10 =	vadd.f32 v11, v10;
	_ =	sdelay $0x1  }
0x383: {  	(xrf2) =	vadd.scan.msk.f32 $0xffff, v10;
	_ =	sdelay $0x9  }
0x384: {  	v10, _, _ =	vpop (xrf2)  }
0x385: {  	[tilespmem:$0xCB80] =	vst v10  }
0x386: {  	v10 =	vld [tilespmem:s31+$0xFFFFFF80]  }
0x387: {  	v11 =	vld [tilespmem:s31+$0xFFFFFF90];
	_ =	sdelay $0x1  }
0x388: {  	v58 =	vld [tilespmem:s31+$0xFFFFFFA0];
	_ =	sdelay $0x1  }
0x389: {  	v59 =	vld [tilespmem:s31+$0xFFFFFFB0]  }
0x38a: {  	v10 =	vmul.f32 v10, v7;
	v11 =	vmul.f32 v11, v8  }
0x38b: {  	v60 =	vld [tilespmem:s31+$0xFFFFFFC0]  }
0x38c: {  	v10 =	vadd.f32 v11, v10;
	v11 =	vmul.f32 v58, v6  }
0x38d: {  	v61 =	vld [tilespmem:s31+$0xFFFFFFD0]  }
0x38e: {  	v10 =	vadd.f32 v11, v10;
	v11 =	vmul.f32 v59, v5  }
0x38f: {  	v62 =	vld [tilespmem:s31+$0xFFFFFFE0]  }
0x390: {  	v10 =	vadd.f32 v11, v10;
	v11 =	vmul.f32 v60, v4  }
0x391: {  	v63 =	vld [tilespmem:s31+$0xFFFFFFF0]  }
0x392: {  	v10 =	vadd.f32 v11, v10;
	v11 =	vmul.f32 v61, v3;
	_ =	sdelay $0x1  }
0x393: {  	v10 =	vadd.f32 v11, v10;
	v11 =	vmul.f32 v62, v2;
	_ =	sdelay $0x1  }
0x394: {  	v10 =	vadd.f32 v11, v10;
	v11 =	vmul.f32 v63, v1;
	_ =	sdelay $0x1  }
0x395: {  	v10 =	vadd.f32 v11, v10;
	_ =	sdelay $0x1  }
0x396: {  	(xrf2) =	vadd.scan.msk.f32 $0xffff, v10;
	_ =	sdelay $0x9  }
0x397: {  	v10, _, _ =	vpop (xrf2)  }
0x398: {  	[tilespmem:$0xCC00] =	vst v10  }
0x399: {  	v10 =	vld [tilespmem:s31+$0x0]  }
0x39a: {  	v11 =	vld [tilespmem:s31+$0x10];
	_ =	sdelay $0x1  }
0x39b: {  	v16 =	vld [tilespmem:s31+$0x20];
	_ =	sdelay $0x1  }
0x39c: {  	v17 =	vld [tilespmem:s31+$0x30]  }
0x39d: {  	v10 =	vmul.f32 v10, v7;
	v11 =	vmul.f32 v11, v8  }
0x39e: {  	v18 =	vld [tilespmem:s31+$0x40]  }
0x39f: {  	v10 =	vadd.f32 v11, v10;
	v11 =	vmul.f32 v16, v6  }
0x3a0: {  	v19 =	vld [tilespmem:s31+$0x50]  }
0x3a1: {  	v10 =	vadd.f32 v11, v10;
	v11 =	vmul.f32 v17, v5  }
0x3a2: {  	v20 =	vld [tilespmem:s31+$0x60]  }
0x3a3: {  	v10 =	vadd.f32 v11, v10;
	v11 =	vmul.f32 v18, v4  }
0x3a4: {  	v21 =	vld [tilespmem:s31+$0x70]  }
0x3a5: {  	v10 =	vadd.f32 v11, v10;
	v11 =	vmul.f32 v19, v3;
	_ =	sdelay $0x1  }
0x3a6: {  	v10 =	vadd.f32 v11, v10;
	v11 =	vmul.f32 v20, v2;
	_ =	sdelay $0x1  }
0x3a7: {  	v10 =	vadd.f32 v11, v10;
	v11 =	vmul.f32 v21, v1;
	_ =	sdelay $0x1  }
0x3a8: {  	v10 =	vadd.f32 v11, v10;
	_ =	sdelay $0x1  }
0x3a9: {  	(xrf2) =	vadd.scan.msk.f32 $0xffff, v10;
	_ =	sdelay $0x9  }
0x3aa: {  	v10, _, _ =	vpop (xrf2)  }
0x3ab: {  	[tilespmem:$0xCC80] =	vst v10  }
0x3ac: {  	v10 =	vld [tilespmem:s31+$0x80]  }
0x3ad: {  	v11 =	vld [tilespmem:s31+$0x90];
	_ =	sdelay $0x1  }
0x3ae: {  	v22 =	vld [tilespmem:s31+$0xA0];
	_ =	sdelay $0x1  }
0x3af: {  	v23 =	vld [tilespmem:s31+$0xB0]  }
0x3b0: {  	v10 =	vmul.f32 v10, v7;
	v11 =	vmul.f32 v11, v8  }
0x3b1: {  	v24 =	vld [tilespmem:s31+$0xC0]  }
0x3b2: {  	v10 =	vadd.f32 v11, v10;
	v11 =	vmul.f32 v22, v6  }
0x3b3: {  	v25 =	vld [tilespmem:s31+$0xD0]  }
0x3b4: {  	v10 =	vadd.f32 v11, v10;
	v11 =	vmul.f32 v23, v5  }
0x3b5: {  	v26 =	vld [tilespmem:s31+$0xE0]  }
0x3b6: {  	v10 =	vadd.f32 v11, v10;
	v11 =	vmul.f32 v24, v4  }
0x3b7: {  	v27 =	vld [tilespmem:s31+$0xF0]  }
0x3b8: {  	v10 =	vadd.f32 v11, v10;
	v11 =	vmul.f32 v25, v3;
	_ =	sdelay $0x1  }
0x3b9: {  	v10 =	vadd.f32 v11, v10;
	v11 =	vmul.f32 v26, v2;
	_ =	sdelay $0x1  }
0x3ba: {  	v10 =	vadd.f32 v11, v10;
	v11 =	vmul.f32 v27, v1;
	_ =	sdelay $0x1  }
0x3bb: {  	v10 =	vadd.f32 v11, v10;
	_ =	sdelay $0x1  }
0x3bc: {  	(xrf2) =	vadd.scan.msk.f32 $0xffff, v10;
	_ =	sdelay $0x9  }
0x3bd: {  	v10, _, _ =	vpop (xrf2)  }
0x3be: {  	[tilespmem:$0xCD00] =	vst v10  }
0x3bf: {  	v10 =	vld [tilespmem:s31+$0x100]  }
0x3c0: {  	v11 =	vld [tilespmem:s31+$0x110];
	_ =	sdelay $0x1  }
0x3c1: {  	v28 =	vld [tilespmem:s31+$0x120];
	_ =	sdelay $0x1  }
0x3c2: {  	v29 =	vld [tilespmem:s31+$0x130]  }
0x3c3: {  	v10 =	vmul.f32 v10, v7;
	v11 =	vmul.f32 v11, v8  }
0x3c4: {  	v30 =	vld [tilespmem:s31+$0x140]  }
0x3c5: {  	v10 =	vadd.f32 v11, v10;
	v11 =	vmul.f32 v28, v6  }
0x3c6: {  	v31 =	vld [tilespmem:s31+$0x150]  }
0x3c7: {  	v10 =	vadd.f32 v11, v10;
	v11 =	vmul.f32 v29, v5  }
0x3c8: {  	v32 =	vld [tilespmem:s31+$0x160]  }
0x3c9: {  	v10 =	vadd.f32 v11, v10;
	v11 =	vmul.f32 v30, v4  }
0x3ca: {  	v33 =	vld [tilespmem:s31+$0x170]  }
0x3cb: {  	v10 =	vadd.f32 v11, v10;
	v11 =	vmul.f32 v31, v3;
	_ =	sdelay $0x1  }
0x3cc: {  	v10 =	vadd.f32 v11, v10;
	v11 =	vmul.f32 v32, v2;
	_ =	sdelay $0x1  }
0x3cd: {  	v10 =	vadd.f32 v11, v10;
	v11 =	vmul.f32 v33, v1;
	_ =	sdelay $0x1  }
0x3ce: {  	v10 =	vadd.f32 v11, v10;
	_ =	sdelay $0x1  }
0x3cf: {  	(xrf2) =	vadd.scan.msk.f32 $0xffff, v10;
	_ =	sdelay $0x9  }
0x3d0: {  	v10, _, _ =	vpop (xrf2)  }
0x3d1: {  	[tilespmem:$0xCD80] =	vst v10  }
0x3d2: {  	v10 =	vld [tilespmem:s31+$0x180]  }
0x3d3: {  	v11 =	vld [tilespmem:s31+$0x190];
	_ =	sdelay $0x1  }
0x3d4: {  	v34 =	vld [tilespmem:s31+$0x1A0];
	_ =	sdelay $0x1  }
0x3d5: {  	v35 =	vld [tilespmem:s31+$0x1B0]  }
0x3d6: {  	v10 =	vmul.f32 v10, v7;
	v11 =	vmul.f32 v11, v8  }
0x3d7: {  	v36 =	vld [tilespmem:s31+$0x1C0]  }
0x3d8: {  	v10 =	vadd.f32 v11, v10;
	v11 =	vmul.f32 v34, v6  }
0x3d9: {  	v37 =	vld [tilespmem:s31+$0x1D0]  }
0x3da: {  	v10 =	vadd.f32 v11, v10;
	v11 =	vmul.f32 v35, v5  }
0x3db: {  	v38 =	vld [tilespmem:s31+$0x1E0]  }
0x3dc: {  	v10 =	vadd.f32 v11, v10;
	v11 =	vmul.f32 v36, v4  }
0x3dd: {  	v39 =	vld [tilespmem:s31+$0x1F0]  }
0x3de: {  	v10 =	vadd.f32 v11, v10;
	v11 =	vmul.f32 v37, v3;
	_ =	sdelay $0x1  }
0x3df: {  	v10 =	vadd.f32 v11, v10;
	v11 =	vmul.f32 v38, v2;
	_ =	sdelay $0x1  }
0x3e0: {  	v10 =	vadd.f32 v11, v10;
	v11 =	vmul.f32 v39, v1;
	_ =	sdelay $0x1  }
0x3e1: {  	v10 =	vadd.f32 v11, v10;
	_ =	sdelay $0x1  }
0x3e2: {  	(xrf2) =	vadd.scan.msk.f32 $0xffff, v10;
	_ =	sdelay $0x9  }
0x3e3: {  	v10, _, _ =	vpop (xrf2)  }
0x3e4: {  	[tilespmem:$0xCE00] =	vst v10  }
0x3e5: {  	v10 =	vld [tilespmem:s31+$0x200]  }
0x3e6: {  	v11 =	vld [tilespmem:s31+$0x210];
	_ =	sdelay $0x1  }
0x3e7: {  	v40 =	vld [tilespmem:s31+$0x220];
	_ =	sdelay $0x1  }
0x3e8: {  	v41 =	vld [tilespmem:s31+$0x230]  }
0x3e9: {  	v10 =	vmul.f32 v10, v7;
	v11 =	vmul.f32 v11, v8  }
0x3ea: {  	v42 =	vld [tilespmem:s31+$0x240]  }
0x3eb: {  	v10 =	vadd.f32 v11, v10;
	v11 =	vmul.f32 v40, v6  }
0x3ec: {  	v43 =	vld [tilespmem:s31+$0x250]  }
0x3ed: {  	v10 =	vadd.f32 v11, v10;
	v11 =	vmul.f32 v41, v5  }
0x3ee: {  	v44 =	vld [tilespmem:s31+$0x260]  }
0x3ef: {  	v10 =	vadd.f32 v11, v10;
	v11 =	vmul.f32 v42, v4  }
0x3f0: {  	v45 =	vld [tilespmem:s31+$0x270]  }
0x3f1: {  	v10 =	vadd.f32 v11, v10;
	v11 =	vmul.f32 v43, v3;
	_ =	sdelay $0x1  }
0x3f2: {  	v10 =	vadd.f32 v11, v10;
	v11 =	vmul.f32 v44, v2;
	_ =	sdelay $0x1  }
0x3f3: {  	v10 =	vadd.f32 v11, v10;
	v11 =	vmul.f32 v45, v1;
	_ =	sdelay $0x1  }
0x3f4: {  	v10 =	vadd.f32 v11, v10;
	_ =	sdelay $0x1  }
0x3f5: {  	(xrf2) =	vadd.scan.msk.f32 $0xffff, v10;
	_ =	sdelay $0x9  }
0x3f6: {  	v10, _, _ =	vpop (xrf2)  }
0x3f7: {  	[tilespmem:$0xCE80] =	vst v10  }
0x3f8: {  	v10 =	vld [tilespmem:s31+$0x280]  }
0x3f9: {  	v11 =	vld [tilespmem:s31+$0x290];
	_ =	sdelay $0x1  }
0x3fa: {  	v46 =	vld [tilespmem:s31+$0x2A0];
	_ =	sdelay $0x1  }
0x3fb: {  	v47 =	vld [tilespmem:s31+$0x2B0]  }
0x3fc: {  	v10 =	vmul.f32 v10, v7;
	v11 =	vmul.f32 v11, v8  }
0x3fd: {  	v48 =	vld [tilespmem:s31+$0x2C0]  }
0x3fe: {  	v10 =	vadd.f32 v11, v10;
	v11 =	vmul.f32 v46, v6  }
0x3ff: {  	v49 =	vld [tilespmem:s31+$0x2D0]  }
0x400: {  	v10 =	vadd.f32 v11, v10;
	v11 =	vmul.f32 v47, v5  }
0x401: {  	v50 =	vld [tilespmem:s31+$0x2E0]  }
0x402: {  	v10 =	vadd.f32 v11, v10;
	v11 =	vmul.f32 v48, v4  }
0x403: {  	v51 =	vld [tilespmem:s31+$0x2F0]  }
0x404: {  	v10 =	vadd.f32 v11, v10;
	v11 =	vmul.f32 v49, v3;
	_ =	sdelay $0x1  }
0x405: {  	v10 =	vadd.f32 v11, v10;
	v11 =	vmul.f32 v50, v2;
	_ =	sdelay $0x1  }
0x406: {  	v10 =	vadd.f32 v11, v10;
	v11 =	vmul.f32 v51, v1;
	_ =	sdelay $0x1  }
0x407: {  	v10 =	vadd.f32 v11, v10;
	_ =	sdelay $0x1  }
0x408: {  	(xrf2) =	vadd.scan.msk.f32 $0xffff, v10;
	_ =	sdelay $0x9  }
0x409: {  	v10, _, _ =	vpop (xrf2)  }
0x40a: {  	[tilespmem:$0xCF00] =	vst v10  }
0x40b: {  	v10 =	vld [tilespmem:s31+$0x300]  }
0x40c: {  	v11 =	vld [tilespmem:s31+$0x310];
	_ =	sdelay $0x1  }
0x40d: {  	v52 =	vld [tilespmem:s31+$0x320];
	_ =	sdelay $0x1  }
0x40e: {  	v53 =	vld [tilespmem:s31+$0x330]  }
0x40f: {  	v10 =	vmul.f32 v10, v7;
	v11 =	vmul.f32 v11, v8  }
0x410: {  	v54 =	vld [tilespmem:s31+$0x340]  }
0x411: {  	v10 =	vadd.f32 v11, v10;
	v11 =	vmul.f32 v52, v6  }
0x412: {  	v55 =	vld [tilespmem:s31+$0x350]  }
0x413: {  	v10 =	vadd.f32 v11, v10;
	v11 =	vmul.f32 v53, v5  }
0x414: {  	v56 =	vld [tilespmem:s31+$0x360]  }
0x415: {  	v10 =	vadd.f32 v11, v10;
	v11 =	vmul.f32 v54, v4  }
0x416: {  	v57 =	vld [tilespmem:s31+$0x370]  }
0x417: {  	v10 =	vadd.f32 v11, v10;
	v11 =	vmul.f32 v55, v3;
	_ =	sdelay $0x1  }
0x418: {  	v10 =	vadd.f32 v11, v10;
	v11 =	vmul.f32 v56, v2;
	_ =	sdelay $0x1  }
0x419: {  	v10 =	vadd.f32 v11, v10;
	v11 =	vmul.f32 v57, v1;
	_ =	sdelay $0x1  }
0x41a: {  	v10 =	vadd.f32 v11, v10;
	_ =	sdelay $0x1  }
0x41b: {  	(xrf2) =	vadd.scan.msk.f32 $0xffff, v10;
	_ =	sdelay $0x9  }
0x41c: {  	v10, _, _ =	vpop (xrf2)  }
0x41d: {  	[tilespmem:$0xCF80] =	vst v10  }
0x41e: {  	v10 =	vld [tilespmem:s31+$0x380]  }
0x41f: {  	v11 =	vld [tilespmem:s31+$0x390];
	_ =	sdelay $0x1  }
0x420: {  	v58 =	vld [tilespmem:s31+$0x3A0];
	_ =	sdelay $0x1  }
0x421: {  	v59 =	vld [tilespmem:s31+$0x3B0]  }
0x422: {  	v10 =	vmul.f32 v10, v7;
	v11 =	vmul.f32 v11, v8  }
0x423: {  	v60 =	vld [tilespmem:s31+$0x3C0]  }
0x424: {  	v10 =	vadd.f32 v11, v10;
	v11 =	vmul.f32 v58, v6  }
0x425: {  	v61 =	vld [tilespmem:s31+$0x3D0]  }
0x426: {  	v10 =	vadd.f32 v11, v10;
	v11 =	vmul.f32 v59, v5  }
0x427: {  	v62 =	vld [tilespmem:s31+$0x3E0]  }
0x428: {  	v10 =	vadd.f32 v11, v10;
	v11 =	vmul.f32 v60, v4  }
0x429: {  	v63 =	vld [tilespmem:s31+$0x3F0]  }
0x42a: {  	v10 =	vadd.f32 v11, v10;
	v11 =	vmul.f32 v61, v3;
	_ =	sdelay $0x1  }
0x42b: {  	v10 =	vadd.f32 v11, v10;
	v11 =	vmul.f32 v62, v2;
	_ =	sdelay $0x1  }
0x42c: {  	v10 =	vadd.f32 v11, v10;
	v11 =	vmul.f32 v63, v1;
	_ =	sdelay $0x1  }
0x42d: {  	v10 =	vadd.f32 v11, v10;
	_ =	sdelay $0x1  }
0x42e: {  	(xrf2) =	vadd.scan.msk.f32 $0xffff, v10;
	_ =	sdelay $0x9  }
0x42f: {  	v10, _, _ =	vpop (xrf2)  }
0x430: {  	[tilespmem:$0xD000] =	vst v10  }
0x431: {  	p1 =	sne.s32 s30, $0x80;
	v10 =	vld.idx.msk [tilespmem:v0+s18+$0x0], $0xffff  }
.Ltmp4:
0x432: {  	_ = 	snop;
	(pc) =	sbr.rel @p1 .LBB2_7-.Ltmp4, $3  }
0x433: {  	_ =	sdelay $0x1  }
0x434: {  	s0 =	sshra.s32 s30, $0x2  }
0x435: {  	s30 =	sadd.s32 $0x40, s30;
	s31 =	sadd.s32 $0x800, s31;
	[tilespmem:v9+s0+$0x0 ss:$0x1] =	vst.idx.msk $0xffff, v10  }
0x436: {  	v9 =	vld [tilespmem:$0xAC80]  }
0x437: {  	v10 =	vld [tilespmem:$0xAC90]  }
0x438: {  	v11 =	vld [tilespmem:$0xACA0]  }
0x439: {  	v12 =	vld [tilespmem:$0xACB0]  }
0x43a: {  	v13 =	vld [tilespmem:$0xACC0]  }
0x43b: {  	v14 =	vld [tilespmem:$0xACD0]  }
0x43c: {  	v15 =	vld [tilespmem:$0xACE0]  }
0x43d: {  	v17 =	vld [tilespmem:$0xAD00]  }
0x43e: {  	v18 =	vld [tilespmem:$0xAD10]  }
0x43f: {  	v19 =	vld [tilespmem:$0xAD80]  }
0x440: {  	v20 =	vld [tilespmem:$0xAD90];
	v9 =	vmul.f32 v9, v7;
	v10 =	vmul.f32 v10, v8  }
0x441: {  	v21 =	vld [tilespmem:$0xADA0]  }
0x442: {  	v9 =	vadd.f32 v10, v9;
	v10 =	vmul.f32 v11, v6;
	v11 =	vld [tilespmem:$0xAD20]  }
0x443: {  	v59 =	vld [tilespmem:$0xAD30];
	v17 =	vmul.f32 v17, v7  }
0x444: {  	v22 =	vld [tilespmem:$0xADB0];
	v18 =	vmul.f32 v18, v8;
	v9 =	vadd.f32 v10, v9;
	v10 =	vmul.f32 v12, v5  }
0x445: {  	v60 =	vld [tilespmem:$0xADC0];
	v7 =	vmul.f32 v19, v7;
	v8 =	vmul.f32 v20, v8  }
0x446: {  	v9 =	vadd.f32 v10, v9;
	v10 =	vld [tilespmem:$0xAD40]  }
0x447: {  	v17 =	vadd.f32 v18, v17;
	v7 =	vadd.f32 v8, v7;
	v8 =	vld [tilespmem:$0xAD50];
	v11 =	vmul.f32 v11, v6  }
0x448: {  	v16 =	vld [tilespmem:$0xACF0];
	v13 =	vmul.f32 v13, v4;
	v6 =	vmul.f32 v21, v6  }
0x449: {  	v61 =	vld [tilespmem:$0xADD0];
	v12 =	vmul.f32 v59, v5;
	v11 =	vadd.f32 v11, v17  }
0x44a: {  	v62 =	vld [tilespmem:$0xAD60];
	v5 =	vmul.f32 v22, v5;
	v9 =	vadd.f32 v13, v9;
	v6 =	vadd.f32 v6, v7  }
0x44b: {  	v63 =	vld [tilespmem:$0xADE0];
	v7 =	vmul.f32 v14, v3;
	v11 =	vadd.f32 v12, v11;
	v10 =	vmul.f32 v10, v4  }
0x44c: {  	v8 =	vmul.f32 v8, v3;
	v5 =	vadd.f32 v5, v6;
	v4 =	vmul.f32 v60, v4;
	v6 =	vld [tilespmem:$0xAD70]  }
0x44d: {  	v7 =	vadd.f32 v7, v9;
	v9 =	vmul.f32 v15, v2;
	v10 =	vadd.f32 v10, v11;
	v11 =	vld [tilespmem:$0xADF0]  }
0x44e: {  	v3 =	vmul.f32 v61, v3;
	v4 =	vadd.f32 v4, v5  }
0x44f: {  	v5 =	vadd.f32 v9, v7;
	v7 =	vadd.f32 v8, v10;
	v8 =	vmul.f32 v62, v2  }
0x450: {  	v3 =	vadd.f32 v3, v4;
	v4 =	vmul.f32 v16, v1;
	v2 =	vmul.f32 v63, v2  }
0x451: {  	v6 =	vmul.f32 v6, v1;
	v7 =	vadd.f32 v8, v7  }
0x452: {  	v4 =	vadd.f32 v4, v5;
	v2 =	vadd.f32 v2, v3;
	v1 =	vmul.f32 v11, v1  }
0x453: {  	v3 =	vadd.f32 v6, v7  }
0x454: {  	(xrf2) =	vadd.scan.msk.f32 $0xffff, v4;
	v1 =	vadd.f32 v1, v2  }
0x455: {  	(xrf2) =	vadd.scan.msk.f32 $0xffff, v3  }
0x456: {  	(xrf2) =	vadd.scan.msk.f32 $0xffff, v1;
	_ =	sdelay $0x7  }
0x457: {  	v1, _, _ =	vpop (xrf2)  }
0x458: {  	[tilespmem:$0xC880] =	vst v1;
	v2, _, _ =	vpop (xrf2)  }
0x459: {  	[tilespmem:$0xC900] =	vst v2;
	v1, _, _ =	vpop (xrf2)  }
0x45a: {  	[tilespmem:$0xC980] =	vst v1  }
0x45b: {  	v1 =	vld.idx.msk [tilespmem:v0+s18+$0x0], $0xffff;
	_ =	sdelay $0x4  }
0x45c: {  	[tilespmem:s29+$0xD080] =	vst v1  }
0x45d: {  	v7 =	vld [tilespmem:s28+$0x2200]  }
0x45e: {  	v8 =	vld [tilespmem:s28+$0x2210]  }
0x45f: {  	v6 =	vld [tilespmem:s28+$0x2220]  }
0x460: {  	v5 =	vld [tilespmem:s28+$0x2230]  }
0x461: {  	v4 =	vld [tilespmem:s28+$0x2240]  }
0x462: {  	v3 =	vld [tilespmem:s28+$0x2250]  }
0x463: {  	v2 =	vld [tilespmem:s28+$0x2260]  }
0x464: {  	s30 =	simm.s32 $0xB5F0;
	v9 =	vmov s24;
	s29 =	sor.u32 $0x1B0, s28;
	v1 =	vld [tilespmem:s28+$0x2270];
	s28 =	simm.s32 $0x0  }
.LBB2_9:
0x465: {  	v10 =	vld [tilespmem:s30+$0xFFFFF810]  }
0x466: {  	v11 =	vld [tilespmem:s30+$0xFFFFF820];
	_ =	sdelay $0x1  }
0x467: {  	v12 =	vld [tilespmem:s30+$0xFFFFF830];
	_ =	sdelay $0x1  }
0x468: {  	v13 =	vld [tilespmem:s30+$0xFFFFF840]  }
0x469: {  	v10 =	vmul.f32 v10, v7;
	v11 =	vmul.f32 v11, v8  }
0x46a: {  	v14 =	vld [tilespmem:s30+$0xFFFFF850]  }
0x46b: {  	v10 =	vadd.f32 v11, v10;
	v11 =	vmul.f32 v12, v6  }
0x46c: {  	v19 =	vld [tilespmem:s30+$0xFFFFF860]  }
0x46d: {  	v10 =	vadd.f32 v11, v10;
	v11 =	vmul.f32 v13, v5  }
0x46e: {  	v20 =	vld [tilespmem:s30+$0xFFFFF870]  }
0x46f: {  	v10 =	vadd.f32 v11, v10;
	v11 =	vmul.f32 v14, v4  }
0x470: {  	v21 =	vld [tilespmem:s30+$0xFFFFF880]  }
0x471: {  	v10 =	vadd.f32 v11, v10;
	v11 =	vmul.f32 v19, v3;
	_ =	sdelay $0x1  }
0x472: {  	v10 =	vadd.f32 v11, v10;
	v11 =	vmul.f32 v20, v2;
	_ =	sdelay $0x1  }
0x473: {  	v10 =	vadd.f32 v11, v10;
	v11 =	vmul.f32 v21, v1;
	_ =	sdelay $0x1  }
0x474: {  	v10 =	vadd.f32 v11, v10;
	_ =	sdelay $0x1  }
0x475: {  	(xrf2) =	vadd.scan.msk.f32 $0xffff, v10;
	_ =	sdelay $0x9  }
0x476: {  	v10, _, _ =	vpop (xrf2)  }
0x477: {  	[tilespmem:$0xC880] =	vst v10  }
0x478: {  	v10 =	vld [tilespmem:s30+$0xFFFFF890]  }
0x479: {  	v11 =	vld [tilespmem:s30+$0xFFFFF8A0];
	_ =	sdelay $0x1  }
0x47a: {  	v22 =	vld [tilespmem:s30+$0xFFFFF8B0];
	_ =	sdelay $0x1  }
0x47b: {  	v23 =	vld [tilespmem:s30+$0xFFFFF8C0]  }
0x47c: {  	v10 =	vmul.f32 v10, v7;
	v11 =	vmul.f32 v11, v8  }
0x47d: {  	v24 =	vld [tilespmem:s30+$0xFFFFF8D0]  }
0x47e: {  	v10 =	vadd.f32 v11, v10;
	v11 =	vmul.f32 v22, v6  }
0x47f: {  	v25 =	vld [tilespmem:s30+$0xFFFFF8E0]  }
0x480: {  	v10 =	vadd.f32 v11, v10;
	v11 =	vmul.f32 v23, v5  }
0x481: {  	v26 =	vld [tilespmem:s30+$0xFFFFF8F0]  }
0x482: {  	v10 =	vadd.f32 v11, v10;
	v11 =	vmul.f32 v24, v4  }
0x483: {  	v27 =	vld [tilespmem:s30+$0xFFFFF900]  }
0x484: {  	v10 =	vadd.f32 v11, v10;
	v11 =	vmul.f32 v25, v3;
	_ =	sdelay $0x1  }
0x485: {  	v10 =	vadd.f32 v11, v10;
	v11 =	vmul.f32 v26, v2;
	_ =	sdelay $0x1  }
0x486: {  	v10 =	vadd.f32 v11, v10;
	v11 =	vmul.f32 v27, v1;
	_ =	sdelay $0x1  }
0x487: {  	v10 =	vadd.f32 v11, v10;
	_ =	sdelay $0x1  }
0x488: {  	(xrf2) =	vadd.scan.msk.f32 $0xffff, v10;
	_ =	sdelay $0x9  }
0x489: {  	v10, _, _ =	vpop (xrf2)  }
0x48a: {  	[tilespmem:$0xC900] =	vst v10  }
0x48b: {  	v10 =	vld [tilespmem:s30+$0xFFFFF910]  }
0x48c: {  	v11 =	vld [tilespmem:s30+$0xFFFFF920];
	_ =	sdelay $0x1  }
0x48d: {  	v28 =	vld [tilespmem:s30+$0xFFFFF930];
	_ =	sdelay $0x1  }
0x48e: {  	v29 =	vld [tilespmem:s30+$0xFFFFF940]  }
0x48f: {  	v10 =	vmul.f32 v10, v7;
	v11 =	vmul.f32 v11, v8  }
0x490: {  	v30 =	vld [tilespmem:s30+$0xFFFFF950]  }
0x491: {  	v10 =	vadd.f32 v11, v10;
	v11 =	vmul.f32 v28, v6  }
0x492: {  	v31 =	vld [tilespmem:s30+$0xFFFFF960]  }
0x493: {  	v10 =	vadd.f32 v11, v10;
	v11 =	vmul.f32 v29, v5  }
0x494: {  	v32 =	vld [tilespmem:s30+$0xFFFFF970]  }
0x495: {  	v10 =	vadd.f32 v11, v10;
	v11 =	vmul.f32 v30, v4  }
0x496: {  	v33 =	vld [tilespmem:s30+$0xFFFFF980]  }
0x497: {  	v10 =	vadd.f32 v11, v10;
	v11 =	vmul.f32 v31, v3;
	_ =	sdelay $0x1  }
0x498: {  	v10 =	vadd.f32 v11, v10;
	v11 =	vmul.f32 v32, v2;
	_ =	sdelay $0x1  }
0x499: {  	v10 =	vadd.f32 v11, v10;
	v11 =	vmul.f32 v33, v1;
	_ =	sdelay $0x1  }
0x49a: {  	v10 =	vadd.f32 v11, v10;
	_ =	sdelay $0x1  }
0x49b: {  	(xrf2) =	vadd.scan.msk.f32 $0xffff, v10;
	_ =	sdelay $0x9  }
0x49c: {  	v10, _, _ =	vpop (xrf2)  }
0x49d: {  	[tilespmem:$0xC980] =	vst v10  }
0x49e: {  	v10 =	vld [tilespmem:s30+$0xFFFFF990]  }
0x49f: {  	v11 =	vld [tilespmem:s30+$0xFFFFF9A0];
	_ =	sdelay $0x1  }
0x4a0: {  	v34 =	vld [tilespmem:s30+$0xFFFFF9B0];
	_ =	sdelay $0x1  }
0x4a1: {  	v35 =	vld [tilespmem:s30+$0xFFFFF9C0]  }
0x4a2: {  	v10 =	vmul.f32 v10, v7;
	v11 =	vmul.f32 v11, v8  }
0x4a3: {  	v36 =	vld [tilespmem:s30+$0xFFFFF9D0]  }
0x4a4: {  	v10 =	vadd.f32 v11, v10;
	v11 =	vmul.f32 v34, v6  }
0x4a5: {  	v37 =	vld [tilespmem:s30+$0xFFFFF9E0]  }
0x4a6: {  	v10 =	vadd.f32 v11, v10;
	v11 =	vmul.f32 v35, v5  }
0x4a7: {  	v38 =	vld [tilespmem:s30+$0xFFFFF9F0]  }
0x4a8: {  	v10 =	vadd.f32 v11, v10;
	v11 =	vmul.f32 v36, v4  }
0x4a9: {  	v39 =	vld [tilespmem:s30+$0xFFFFFA00]  }
0x4aa: {  	v10 =	vadd.f32 v11, v10;
	v11 =	vmul.f32 v37, v3;
	_ =	sdelay $0x1  }
0x4ab: {  	v10 =	vadd.f32 v11, v10;
	v11 =	vmul.f32 v38, v2;
	_ =	sdelay $0x1  }
0x4ac: {  	v10 =	vadd.f32 v11, v10;
	v11 =	vmul.f32 v39, v1;
	_ =	sdelay $0x1  }
0x4ad: {  	v10 =	vadd.f32 v11, v10;
	_ =	sdelay $0x1  }
0x4ae: {  	(xrf2) =	vadd.scan.msk.f32 $0xffff, v10;
	_ =	sdelay $0x9  }
0x4af: {  	v10, _, _ =	vpop (xrf2)  }
0x4b0: {  	[tilespmem:$0xCA00] =	vst v10  }
0x4b1: {  	v10 =	vld [tilespmem:s30+$0xFFFFFA10]  }
0x4b2: {  	v11 =	vld [tilespmem:s30+$0xFFFFFA20];
	_ =	sdelay $0x1  }
0x4b3: {  	v40 =	vld [tilespmem:s30+$0xFFFFFA30];
	_ =	sdelay $0x1  }
0x4b4: {  	v41 =	vld [tilespmem:s30+$0xFFFFFA40]  }
0x4b5: {  	v10 =	vmul.f32 v10, v7;
	v11 =	vmul.f32 v11, v8  }
0x4b6: {  	v42 =	vld [tilespmem:s30+$0xFFFFFA50]  }
0x4b7: {  	v10 =	vadd.f32 v11, v10;
	v11 =	vmul.f32 v40, v6  }
0x4b8: {  	v43 =	vld [tilespmem:s30+$0xFFFFFA60]  }
0x4b9: {  	v10 =	vadd.f32 v11, v10;
	v11 =	vmul.f32 v41, v5  }
0x4ba: {  	v44 =	vld [tilespmem:s30+$0xFFFFFA70]  }
0x4bb: {  	v10 =	vadd.f32 v11, v10;
	v11 =	vmul.f32 v42, v4  }
0x4bc: {  	v45 =	vld [tilespmem:s30+$0xFFFFFA80]  }
0x4bd: {  	v10 =	vadd.f32 v11, v10;
	v11 =	vmul.f32 v43, v3;
	_ =	sdelay $0x1  }
0x4be: {  	v10 =	vadd.f32 v11, v10;
	v11 =	vmul.f32 v44, v2;
	_ =	sdelay $0x1  }
0x4bf: {  	v10 =	vadd.f32 v11, v10;
	v11 =	vmul.f32 v45, v1;
	_ =	sdelay $0x1  }
0x4c0: {  	v10 =	vadd.f32 v11, v10;
	_ =	sdelay $0x1  }
0x4c1: {  	(xrf2) =	vadd.scan.msk.f32 $0xffff, v10;
	_ =	sdelay $0x9  }
0x4c2: {  	v10, _, _ =	vpop (xrf2)  }
0x4c3: {  	[tilespmem:$0xCA80] =	vst v10  }
0x4c4: {  	v10 =	vld [tilespmem:s30+$0xFFFFFA90]  }
0x4c5: {  	v11 =	vld [tilespmem:s30+$0xFFFFFAA0];
	_ =	sdelay $0x1  }
0x4c6: {  	v46 =	vld [tilespmem:s30+$0xFFFFFAB0];
	_ =	sdelay $0x1  }
0x4c7: {  	v47 =	vld [tilespmem:s30+$0xFFFFFAC0]  }
0x4c8: {  	v10 =	vmul.f32 v10, v7;
	v11 =	vmul.f32 v11, v8  }
0x4c9: {  	v48 =	vld [tilespmem:s30+$0xFFFFFAD0]  }
0x4ca: {  	v10 =	vadd.f32 v11, v10;
	v11 =	vmul.f32 v46, v6  }
0x4cb: {  	v49 =	vld [tilespmem:s30+$0xFFFFFAE0]  }
0x4cc: {  	v10 =	vadd.f32 v11, v10;
	v11 =	vmul.f32 v47, v5  }
0x4cd: {  	v50 =	vld [tilespmem:s30+$0xFFFFFAF0]  }
0x4ce: {  	v10 =	vadd.f32 v11, v10;
	v11 =	vmul.f32 v48, v4  }
0x4cf: {  	v51 =	vld [tilespmem:s30+$0xFFFFFB00]  }
0x4d0: {  	v10 =	vadd.f32 v11, v10;
	v11 =	vmul.f32 v49, v3;
	_ =	sdelay $0x1  }
0x4d1: {  	v10 =	vadd.f32 v11, v10;
	v11 =	vmul.f32 v50, v2;
	_ =	sdelay $0x1  }
0x4d2: {  	v10 =	vadd.f32 v11, v10;
	v11 =	vmul.f32 v51, v1;
	_ =	sdelay $0x1  }
0x4d3: {  	v10 =	vadd.f32 v11, v10;
	_ =	sdelay $0x1  }
0x4d4: {  	(xrf2) =	vadd.scan.msk.f32 $0xffff, v10;
	_ =	sdelay $0x9  }
0x4d5: {  	v10, _, _ =	vpop (xrf2)  }
0x4d6: {  	[tilespmem:$0xCB00] =	vst v10  }
0x4d7: {  	v10 =	vld [tilespmem:s30+$0xFFFFFB10]  }
0x4d8: {  	v11 =	vld [tilespmem:s30+$0xFFFFFB20];
	_ =	sdelay $0x1  }
0x4d9: {  	v52 =	vld [tilespmem:s30+$0xFFFFFB30];
	_ =	sdelay $0x1  }
0x4da: {  	v53 =	vld [tilespmem:s30+$0xFFFFFB40]  }
0x4db: {  	v10 =	vmul.f32 v10, v7;
	v11 =	vmul.f32 v11, v8  }
0x4dc: {  	v54 =	vld [tilespmem:s30+$0xFFFFFB50]  }
0x4dd: {  	v10 =	vadd.f32 v11, v10;
	v11 =	vmul.f32 v52, v6  }
0x4de: {  	v55 =	vld [tilespmem:s30+$0xFFFFFB60]  }
0x4df: {  	v10 =	vadd.f32 v11, v10;
	v11 =	vmul.f32 v53, v5  }
0x4e0: {  	v56 =	vld [tilespmem:s30+$0xFFFFFB70]  }
0x4e1: {  	v10 =	vadd.f32 v11, v10;
	v11 =	vmul.f32 v54, v4  }
0x4e2: {  	v57 =	vld [tilespmem:s30+$0xFFFFFB80]  }
0x4e3: {  	v10 =	vadd.f32 v11, v10;
	v11 =	vmul.f32 v55, v3;
	_ =	sdelay $0x1  }
0x4e4: {  	v10 =	vadd.f32 v11, v10;
	v11 =	vmul.f32 v56, v2;
	_ =	sdelay $0x1  }
0x4e5: {  	v10 =	vadd.f32 v11, v10;
	v11 =	vmul.f32 v57, v1;
	_ =	sdelay $0x1  }
0x4e6: {  	v10 =	vadd.f32 v11, v10;
	_ =	sdelay $0x1  }
0x4e7: {  	(xrf2) =	vadd.scan.msk.f32 $0xffff, v10;
	_ =	sdelay $0x9  }
0x4e8: {  	v10, _, _ =	vpop (xrf2)  }
0x4e9: {  	[tilespmem:$0xCB80] =	vst v10  }
0x4ea: {  	v10 =	vld [tilespmem:s30+$0xFFFFFB90]  }
0x4eb: {  	v11 =	vld [tilespmem:s30+$0xFFFFFBA0];
	_ =	sdelay $0x1  }
0x4ec: {  	v58 =	vld [tilespmem:s30+$0xFFFFFBB0];
	_ =	sdelay $0x1  }
0x4ed: {  	v59 =	vld [tilespmem:s30+$0xFFFFFBC0]  }
0x4ee: {  	v10 =	vmul.f32 v10, v7;
	v11 =	vmul.f32 v11, v8  }
0x4ef: {  	v60 =	vld [tilespmem:s30+$0xFFFFFBD0]  }
0x4f0: {  	v10 =	vadd.f32 v11, v10;
	v11 =	vmul.f32 v58, v6  }
0x4f1: {  	v61 =	vld [tilespmem:s30+$0xFFFFFBE0]  }
0x4f2: {  	v10 =	vadd.f32 v11, v10;
	v11 =	vmul.f32 v59, v5  }
0x4f3: {  	v62 =	vld [tilespmem:s30+$0xFFFFFBF0]  }
0x4f4: {  	v10 =	vadd.f32 v11, v10;
	v11 =	vmul.f32 v60, v4  }
0x4f5: {  	v63 =	vld [tilespmem:s30+$0xFFFFFC00]  }
0x4f6: {  	v10 =	vadd.f32 v11, v10;
	v11 =	vmul.f32 v61, v3;
	_ =	sdelay $0x1  }
0x4f7: {  	v10 =	vadd.f32 v11, v10;
	v11 =	vmul.f32 v62, v2;
	_ =	sdelay $0x1  }
0x4f8: {  	v10 =	vadd.f32 v11, v10;
	v11 =	vmul.f32 v63, v1;
	_ =	sdelay $0x1  }
0x4f9: {  	v10 =	vadd.f32 v11, v10;
	_ =	sdelay $0x1  }
0x4fa: {  	(xrf2) =	vadd.scan.msk.f32 $0xffff, v10;
	_ =	sdelay $0x9  }
0x4fb: {  	v10, _, _ =	vpop (xrf2)  }
0x4fc: {  	[tilespmem:$0xCC00] =	vst v10  }
0x4fd: {  	v10 =	vld [tilespmem:s30+$0xFFFFFC10]  }
0x4fe: {  	v11 =	vld [tilespmem:s30+$0xFFFFFC20];
	_ =	sdelay $0x1  }
0x4ff: {  	v16 =	vld [tilespmem:s30+$0xFFFFFC30];
	_ =	sdelay $0x1  }
0x500: {  	v17 =	vld [tilespmem:s30+$0xFFFFFC40]  }
0x501: {  	v10 =	vmul.f32 v10, v7;
	v11 =	vmul.f32 v11, v8  }
0x502: {  	v18 =	vld [tilespmem:s30+$0xFFFFFC50]  }
0x503: {  	v10 =	vadd.f32 v11, v10;
	v11 =	vmul.f32 v16, v6  }
0x504: {  	v19 =	vld [tilespmem:s30+$0xFFFFFC60]  }
0x505: {  	v10 =	vadd.f32 v11, v10;
	v11 =	vmul.f32 v17, v5  }
0x506: {  	v20 =	vld [tilespmem:s30+$0xFFFFFC70]  }
0x507: {  	v10 =	vadd.f32 v11, v10;
	v11 =	vmul.f32 v18, v4  }
0x508: {  	v21 =	vld [tilespmem:s30+$0xFFFFFC80]  }
0x509: {  	v10 =	vadd.f32 v11, v10;
	v11 =	vmul.f32 v19, v3;
	_ =	sdelay $0x1  }
0x50a: {  	v10 =	vadd.f32 v11, v10;
	v11 =	vmul.f32 v20, v2;
	_ =	sdelay $0x1  }
0x50b: {  	v10 =	vadd.f32 v11, v10;
	v11 =	vmul.f32 v21, v1;
	_ =	sdelay $0x1  }
0x50c: {  	v10 =	vadd.f32 v11, v10;
	_ =	sdelay $0x1  }
0x50d: {  	(xrf2) =	vadd.scan.msk.f32 $0xffff, v10;
	_ =	sdelay $0x9  }
0x50e: {  	v10, _, _ =	vpop (xrf2)  }
0x50f: {  	[tilespmem:$0xCC80] =	vst v10  }
0x510: {  	v10 =	vld [tilespmem:s30+$0xFFFFFC90]  }
0x511: {  	v11 =	vld [tilespmem:s30+$0xFFFFFCA0];
	_ =	sdelay $0x1  }
0x512: {  	v22 =	vld [tilespmem:s30+$0xFFFFFCB0];
	_ =	sdelay $0x1  }
0x513: {  	v23 =	vld [tilespmem:s30+$0xFFFFFCC0]  }
0x514: {  	v10 =	vmul.f32 v10, v7;
	v11 =	vmul.f32 v11, v8  }
0x515: {  	v24 =	vld [tilespmem:s30+$0xFFFFFCD0]  }
0x516: {  	v10 =	vadd.f32 v11, v10;
	v11 =	vmul.f32 v22, v6  }
0x517: {  	v25 =	vld [tilespmem:s30+$0xFFFFFCE0]  }
0x518: {  	v10 =	vadd.f32 v11, v10;
	v11 =	vmul.f32 v23, v5  }
0x519: {  	v26 =	vld [tilespmem:s30+$0xFFFFFCF0]  }
0x51a: {  	v10 =	vadd.f32 v11, v10;
	v11 =	vmul.f32 v24, v4  }
0x51b: {  	v27 =	vld [tilespmem:s30+$0xFFFFFD00]  }
0x51c: {  	v10 =	vadd.f32 v11, v10;
	v11 =	vmul.f32 v25, v3;
	_ =	sdelay $0x1  }
0x51d: {  	v10 =	vadd.f32 v11, v10;
	v11 =	vmul.f32 v26, v2;
	_ =	sdelay $0x1  }
0x51e: {  	v10 =	vadd.f32 v11, v10;
	v11 =	vmul.f32 v27, v1;
	_ =	sdelay $0x1  }
0x51f: {  	v10 =	vadd.f32 v11, v10;
	_ =	sdelay $0x1  }
0x520: {  	(xrf2) =	vadd.scan.msk.f32 $0xffff, v10;
	_ =	sdelay $0x9  }
0x521: {  	v10, _, _ =	vpop (xrf2)  }
0x522: {  	[tilespmem:$0xCD00] =	vst v10  }
0x523: {  	v10 =	vld [tilespmem:s30+$0xFFFFFD10]  }
0x524: {  	v11 =	vld [tilespmem:s30+$0xFFFFFD20];
	_ =	sdelay $0x1  }
0x525: {  	v28 =	vld [tilespmem:s30+$0xFFFFFD30];
	_ =	sdelay $0x1  }
0x526: {  	v29 =	vld [tilespmem:s30+$0xFFFFFD40]  }
0x527: {  	v10 =	vmul.f32 v10, v7;
	v11 =	vmul.f32 v11, v8  }
0x528: {  	v30 =	vld [tilespmem:s30+$0xFFFFFD50]  }
0x529: {  	v10 =	vadd.f32 v11, v10;
	v11 =	vmul.f32 v28, v6  }
0x52a: {  	v31 =	vld [tilespmem:s30+$0xFFFFFD60]  }
0x52b: {  	v10 =	vadd.f32 v11, v10;
	v11 =	vmul.f32 v29, v5  }
0x52c: {  	v32 =	vld [tilespmem:s30+$0xFFFFFD70]  }
0x52d: {  	v10 =	vadd.f32 v11, v10;
	v11 =	vmul.f32 v30, v4  }
0x52e: {  	v33 =	vld [tilespmem:s30+$0xFFFFFD80]  }
0x52f: {  	v10 =	vadd.f32 v11, v10;
	v11 =	vmul.f32 v31, v3;
	_ =	sdelay $0x1  }
0x530: {  	v10 =	vadd.f32 v11, v10;
	v11 =	vmul.f32 v32, v2;
	_ =	sdelay $0x1  }
0x531: {  	v10 =	vadd.f32 v11, v10;
	v11 =	vmul.f32 v33, v1;
	_ =	sdelay $0x1  }
0x532: {  	v10 =	vadd.f32 v11, v10;
	_ =	sdelay $0x1  }
0x533: {  	(xrf2) =	vadd.scan.msk.f32 $0xffff, v10;
	_ =	sdelay $0x9  }
0x534: {  	v10, _, _ =	vpop (xrf2)  }
0x535: {  	[tilespmem:$0xCD80] =	vst v10  }
0x536: {  	v10 =	vld [tilespmem:s30+$0xFFFFFD90]  }
0x537: {  	v11 =	vld [tilespmem:s30+$0xFFFFFDA0];
	_ =	sdelay $0x1  }
0x538: {  	v34 =	vld [tilespmem:s30+$0xFFFFFDB0];
	_ =	sdelay $0x1  }
0x539: {  	v35 =	vld [tilespmem:s30+$0xFFFFFDC0]  }
0x53a: {  	v10 =	vmul.f32 v10, v7;
	v11 =	vmul.f32 v11, v8  }
0x53b: {  	v36 =	vld [tilespmem:s30+$0xFFFFFDD0]  }
0x53c: {  	v10 =	vadd.f32 v11, v10;
	v11 =	vmul.f32 v34, v6  }
0x53d: {  	v37 =	vld [tilespmem:s30+$0xFFFFFDE0]  }
0x53e: {  	v10 =	vadd.f32 v11, v10;
	v11 =	vmul.f32 v35, v5  }
0x53f: {  	v38 =	vld [tilespmem:s30+$0xFFFFFDF0]  }
0x540: {  	v10 =	vadd.f32 v11, v10;
	v11 =	vmul.f32 v36, v4  }
0x541: {  	v39 =	vld [tilespmem:s30+$0xFFFFFE00]  }
0x542: {  	v10 =	vadd.f32 v11, v10;
	v11 =	vmul.f32 v37, v3;
	_ =	sdelay $0x1  }
0x543: {  	v10 =	vadd.f32 v11, v10;
	v11 =	vmul.f32 v38, v2;
	_ =	sdelay $0x1  }
0x544: {  	v10 =	vadd.f32 v11, v10;
	v11 =	vmul.f32 v39, v1;
	_ =	sdelay $0x1  }
0x545: {  	v10 =	vadd.f32 v11, v10;
	_ =	sdelay $0x1  }
0x546: {  	(xrf2) =	vadd.scan.msk.f32 $0xffff, v10;
	_ =	sdelay $0x9  }
0x547: {  	v10, _, _ =	vpop (xrf2)  }
0x548: {  	[tilespmem:$0xCE00] =	vst v10  }
0x549: {  	v10 =	vld [tilespmem:s30+$0xFFFFFE10]  }
0x54a: {  	v11 =	vld [tilespmem:s30+$0xFFFFFE20];
	_ =	sdelay $0x1  }
0x54b: {  	v40 =	vld [tilespmem:s30+$0xFFFFFE30];
	_ =	sdelay $0x1  }
0x54c: {  	v41 =	vld [tilespmem:s30+$0xFFFFFE40]  }
0x54d: {  	v10 =	vmul.f32 v10, v7;
	v11 =	vmul.f32 v11, v8  }
0x54e: {  	v42 =	vld [tilespmem:s30+$0xFFFFFE50]  }
0x54f: {  	v10 =	vadd.f32 v11, v10;
	v11 =	vmul.f32 v40, v6  }
0x550: {  	v43 =	vld [tilespmem:s30+$0xFFFFFE60]  }
0x551: {  	v10 =	vadd.f32 v11, v10;
	v11 =	vmul.f32 v41, v5  }
0x552: {  	v44 =	vld [tilespmem:s30+$0xFFFFFE70]  }
0x553: {  	v10 =	vadd.f32 v11, v10;
	v11 =	vmul.f32 v42, v4  }
0x554: {  	v45 =	vld [tilespmem:s30+$0xFFFFFE80]  }
0x555: {  	v10 =	vadd.f32 v11, v10;
	v11 =	vmul.f32 v43, v3;
	_ =	sdelay $0x1  }
0x556: {  	v10 =	vadd.f32 v11, v10;
	v11 =	vmul.f32 v44, v2;
	_ =	sdelay $0x1  }
0x557: {  	v10 =	vadd.f32 v11, v10;
	v11 =	vmul.f32 v45, v1;
	_ =	sdelay $0x1  }
0x558: {  	v10 =	vadd.f32 v11, v10;
	_ =	sdelay $0x1  }
0x559: {  	(xrf2) =	vadd.scan.msk.f32 $0xffff, v10;
	_ =	sdelay $0x9  }
0x55a: {  	v10, _, _ =	vpop (xrf2)  }
0x55b: {  	[tilespmem:$0xCE80] =	vst v10  }
0x55c: {  	v10 =	vld [tilespmem:s30+$0xFFFFFE90]  }
0x55d: {  	v11 =	vld [tilespmem:s30+$0xFFFFFEA0];
	_ =	sdelay $0x1  }
0x55e: {  	v46 =	vld [tilespmem:s30+$0xFFFFFEB0];
	_ =	sdelay $0x1  }
0x55f: {  	v47 =	vld [tilespmem:s30+$0xFFFFFEC0]  }
0x560: {  	v10 =	vmul.f32 v10, v7;
	v11 =	vmul.f32 v11, v8  }
0x561: {  	v48 =	vld [tilespmem:s30+$0xFFFFFED0]  }
0x562: {  	v10 =	vadd.f32 v11, v10;
	v11 =	vmul.f32 v46, v6  }
0x563: {  	v49 =	vld [tilespmem:s30+$0xFFFFFEE0]  }
0x564: {  	v10 =	vadd.f32 v11, v10;
	v11 =	vmul.f32 v47, v5  }
0x565: {  	v50 =	vld [tilespmem:s30+$0xFFFFFEF0]  }
0x566: {  	v10 =	vadd.f32 v11, v10;
	v11 =	vmul.f32 v48, v4  }
0x567: {  	v51 =	vld [tilespmem:s30+$0xFFFFFF00]  }
0x568: {  	v10 =	vadd.f32 v11, v10;
	v11 =	vmul.f32 v49, v3;
	_ =	sdelay $0x1  }
0x569: {  	v10 =	vadd.f32 v11, v10;
	v11 =	vmul.f32 v50, v2;
	_ =	sdelay $0x1  }
0x56a: {  	v10 =	vadd.f32 v11, v10;
	v11 =	vmul.f32 v51, v1;
	_ =	sdelay $0x1  }
0x56b: {  	v10 =	vadd.f32 v11, v10;
	_ =	sdelay $0x1  }
0x56c: {  	(xrf2) =	vadd.scan.msk.f32 $0xffff, v10;
	_ =	sdelay $0x9  }
0x56d: {  	v10, _, _ =	vpop (xrf2)  }
0x56e: {  	[tilespmem:$0xCF00] =	vst v10  }
0x56f: {  	v10 =	vld [tilespmem:s30+$0xFFFFFF10]  }
0x570: {  	v11 =	vld [tilespmem:s30+$0xFFFFFF20];
	_ =	sdelay $0x1  }
0x571: {  	v52 =	vld [tilespmem:s30+$0xFFFFFF30];
	_ =	sdelay $0x1  }
0x572: {  	v53 =	vld [tilespmem:s30+$0xFFFFFF40]  }
0x573: {  	v10 =	vmul.f32 v10, v7;
	v11 =	vmul.f32 v11, v8  }
0x574: {  	v54 =	vld [tilespmem:s30+$0xFFFFFF50]  }
0x575: {  	v10 =	vadd.f32 v11, v10;
	v11 =	vmul.f32 v52, v6  }
0x576: {  	v55 =	vld [tilespmem:s30+$0xFFFFFF60]  }
0x577: {  	v10 =	vadd.f32 v11, v10;
	v11 =	vmul.f32 v53, v5  }
0x578: {  	v56 =	vld [tilespmem:s30+$0xFFFFFF70]  }
0x579: {  	v10 =	vadd.f32 v11, v10;
	v11 =	vmul.f32 v54, v4  }
0x57a: {  	v57 =	vld [tilespmem:s30+$0xFFFFFF80]  }
0x57b: {  	v10 =	vadd.f32 v11, v10;
	v11 =	vmul.f32 v55, v3;
	_ =	sdelay $0x1  }
0x57c: {  	v10 =	vadd.f32 v11, v10;
	v11 =	vmul.f32 v56, v2;
	_ =	sdelay $0x1  }
0x57d: {  	v10 =	vadd.f32 v11, v10;
	v11 =	vmul.f32 v57, v1;
	_ =	sdelay $0x1  }
0x57e: {  	v10 =	vadd.f32 v11, v10;
	_ =	sdelay $0x1  }
0x57f: {  	(xrf2) =	vadd.scan.msk.f32 $0xffff, v10;
	_ =	sdelay $0x9  }
0x580: {  	v10, _, _ =	vpop (xrf2)  }
0x581: {  	[tilespmem:$0xCF80] =	vst v10  }
0x582: {  	v10 =	vld [tilespmem:s30+$0xFFFFFF90]  }
0x583: {  	v11 =	vld [tilespmem:s30+$0xFFFFFFA0];
	_ =	sdelay $0x1  }
0x584: {  	v58 =	vld [tilespmem:s30+$0xFFFFFFB0];
	_ =	sdelay $0x1  }
0x585: {  	v59 =	vld [tilespmem:s30+$0xFFFFFFC0]  }
0x586: {  	v10 =	vmul.f32 v10, v7;
	v11 =	vmul.f32 v11, v8  }
0x587: {  	v60 =	vld [tilespmem:s30+$0xFFFFFFD0]  }
0x588: {  	v10 =	vadd.f32 v11, v10;
	v11 =	vmul.f32 v58, v6  }
0x589: {  	v61 =	vld [tilespmem:s30+$0xFFFFFFE0]  }
0x58a: {  	v10 =	vadd.f32 v11, v10;
	v11 =	vmul.f32 v59, v5  }
0x58b: {  	v62 =	vld [tilespmem:s30+$0xFFFFFFF0]  }
0x58c: {  	v10 =	vadd.f32 v11, v10;
	v11 =	vmul.f32 v60, v4  }
0x58d: {  	v63 =	vld [tilespmem:s30+$0x0]  }
0x58e: {  	v10 =	vadd.f32 v11, v10;
	v11 =	vmul.f32 v61, v3;
	_ =	sdelay $0x1  }
0x58f: {  	v10 =	vadd.f32 v11, v10;
	v11 =	vmul.f32 v62, v2;
	_ =	sdelay $0x1  }
0x590: {  	v10 =	vadd.f32 v11, v10;
	v11 =	vmul.f32 v63, v1;
	_ =	sdelay $0x1  }
0x591: {  	v10 =	vadd.f32 v11, v10;
	_ =	sdelay $0x1  }
0x592: {  	(xrf2) =	vadd.scan.msk.f32 $0xffff, v10;
	_ =	sdelay $0x9  }
0x593: {  	v10, _, _ =	vpop (xrf2)  }
0x594: {  	[tilespmem:$0xD000] =	vst v10  }
0x595: {  	p1 =	sne.s32 s28, $0x80;
	v10 =	vld.idx.msk [tilespmem:v0+s18+$0x0], $0xffff  }
.Ltmp5:
0x596: {  	_ = 	snop;
	(pc) =	sbr.rel @p1 .LBB2_9-.Ltmp5, $3  }
0x597: {  	_ =	sdelay $0x1  }
0x598: {  	s0 =	sshra.s32 s28, $0x2  }
0x599: {  	s28 =	sadd.s32 $0x40, s28;
	s30 =	sadd.s32 $0x800, s30;
	[tilespmem:v9+s0+$0x0 ss:$0x1] =	vst.idx.msk $0xffff, v10  }
0x59a: {  	v9 =	vld [tilespmem:$0xC600]  }
0x59b: {  	v10 =	vld [tilespmem:$0xC610]  }
0x59c: {  	v11 =	vld [tilespmem:$0xC620]  }
0x59d: {  	v12 =	vld [tilespmem:$0xC630]  }
0x59e: {  	v13 =	vld [tilespmem:$0xC640]  }
0x59f: {  	v14 =	vld [tilespmem:$0xC650]  }
0x5a0: {  	v15 =	vld [tilespmem:$0xC660]  }
0x5a1: {  	v16 =	vld [tilespmem:$0xC670]  }
0x5a2: {  	v17 =	vld [tilespmem:$0xC680]  }
0x5a3: {  	v18 =	vld [tilespmem:$0xC690]  }
0x5a4: {  	v19 =	vld [tilespmem:$0xC700]  }
0x5a5: {  	v20 =	vld [tilespmem:$0xC710]  }
0x5a6: {  	v42 =	vld [tilespmem:$0xC6A0]  }
0x5a7: {  	v21 =	vld [tilespmem:$0xC720];
	v9 =	vmul.f32 v9, v7  }
0x5a8: {  	v44 =	vld [tilespmem:$0xC6B0];
	v10 =	vmul.f32 v10, v8;
	v41 =	vmul.f32 v11, v6  }
0x5a9: {  	v22 =	vld [tilespmem:$0xC730];
	v17 =	vmul.f32 v17, v7;
	v18 =	vmul.f32 v18, v8  }
0x5aa: {  	v47 =	vld [tilespmem:$0xC6C0];
	v45 =	vmul.f32 v19, v7;
	v46 =	vmul.f32 v20, v8;
	v9 =	vadd.f32 v10, v9  }
0x5ab: {  	v48 =	vld [tilespmem:$0xC740];
	v43 =	vmul.f32 v12, v5;
	v11 =	vmul.f32 v42, v6;
	v17 =	vadd.f32 v18, v17  }
0x5ac: {  	v50 =	vld [tilespmem:$0xC6D0];
	v49 =	vmul.f32 v21, v6;
	v7 =	vadd.f32 v46, v45;
	v9 =	vadd.f32 v41, v9  }
0x5ad: {  	v51 =	vld [tilespmem:$0xC750];
	v13 =	vmul.f32 v13, v4;
	v12 =	vmul.f32 v44, v5;
	v11 =	vadd.f32 v11, v17  }
0x5ae: {  	v54 =	vld [tilespmem:$0xC6E0];
	v53 =	vmul.f32 v22, v5;
	v6 =	vadd.f32 v49, v7;
	v9 =	vadd.f32 v43, v9  }
0x5af: {  	v55 =	vld [tilespmem:$0xC760];
	v52 =	vmul.f32 v14, v3;
	v10 =	vmul.f32 v47, v4;
	v11 =	vadd.f32 v12, v11  }
0x5b0: {  	v57 =	vld [tilespmem:$0xC6F0];
	v56 =	vmul.f32 v48, v4;
	v5 =	vadd.f32 v53, v6;
	v9 =	vadd.f32 v13, v9  }
0x5b1: {  	v59 =	vld [tilespmem:$0xC770];
	v58 =	vmul.f32 v15, v2;
	v8 =	vmul.f32 v50, v3;
	v10 =	vadd.f32 v10, v11  }
0x5b2: {  	v3 =	vmul.f32 v51, v3;
	v4 =	vadd.f32 v56, v5;
	v7 =	vadd.f32 v52, v9  }
0x5b3: {  	v62 =	vmul.f32 v54, v2;
	v63 =	vmul.f32 v16, v1;
	v61 =	vadd.f32 v8, v10  }
0x5b4: {  	v2 =	vmul.f32 v55, v2;
	v3 =	vadd.f32 v3, v4;
	v60 =	vadd.f32 v58, v7  }
0x5b5: {  	v6 =	vmul.f32 v57, v1;
	v7 =	vadd.f32 v62, v61  }
0x5b6: {  	v1 =	vmul.f32 v59, v1;
	v2 =	vadd.f32 v2, v3;
	v4 =	vadd.f32 v63, v60  }
0x5b7: {  	v3 =	vadd.f32 v6, v7  }
0x5b8: {  	v1 =	vadd.f32 v1, v2;
	(xrf2) =	vadd.scan.msk.f32 $0xffff, v4  }
0x5b9: {  	(xrf2) =	vadd.scan.msk.f32 $0xffff, v3  }
0x5ba: {  	(xrf2) =	vadd.scan.msk.f32 $0xffff, v1;
	_ =	sdelay $0x7  }
0x5bb: {  	v1, _, _ =	vpop (xrf2)  }
0x5bc: {  	v2, _, _ =	vpop (xrf2);
	[tilespmem:$0xC880] =	vst v1  }
0x5bd: {  	[tilespmem:$0xC900] =	vst v2;
	v1, _, _ =	vpop (xrf2)  }
0x5be: {  	[tilespmem:$0xC980] =	vst v1  }
0x5bf: {  	v1 =	vld.idx.msk [tilespmem:v0+s18+$0x0], $0xffff  }
.Ltmp6:
0x5c0: {  	_ = 	snop;
	(pc) =	sbr.rel @p0 .LBB2_12-.Ltmp6, $2  }
0x5c1: {  	_ =	sdelay $0x2  }
0x5c2: {  	[tilespmem:s29+$0xD080] =	vst v1  }
.Ltmp7:
0x5c3: {  	(pc) =	sbr.rel .LBB2_2-.Ltmp7, $4  }
0x5c4: {  	s0 =	sshll.u32 s26, $0x8;
	s26 =	sadd.s32 $0x1, s26  }
0x5c5: {  	s25 =	sadd.s32 $0x200, s25;
	s22 =	sadd.s32 $0x200, s22;
	s0 =	sand.u32 $0x3FFFFF00, s0  }
0x5c6: {  	s23 =	sadd.s32 $0x200, s23;
	s24 =	sadd.s32 $0x200, s24;
	s0 =	sadd.s32 $0x200, s0  }
0x5c7: {  	[tilespmem:s15], [sflag:$0x3] =	stream.indirect.gather [hbm4b:s3+s12], $0x80, s0, s12, $0xb8;
	[tilespmem:$0x11080] =	vst v63  }
.LBB2_13:
0x5c8: {  	_ =	sfence.sel $0x180000  }
0x5c9: {  	[bflag:$0x0] =	sbarrier.arrive $0xFFFF  }
0x5ca: {  	_ =	strace $0x90000047  }
0x5cb: {  	[bflag:$0x2] =	sbarrier.arrive $0xFFFF  }
0x5cc: {  	p0 =	sne.s32 s1, $0x0;
	s0 =	rddreg [dreg:$0x4]  }
0x5cd: {  	s0 =	sadd.s32 @!p0 $0x100000, s0  }
0x5ce: {  	[sflag:s0] =	ssyncadd.tile.s32 @!p0 $0x1;
	_ =	shalt  }
.Lfunc_end2:
_tile_overlayer_lowered:
.L_overlay_start_2:
0x5cf: {  	(tag) =	ssettag $0x2  }
0x5d0: {  	s0 =	rddreg [dreg:$0x0];
	s2 =	stileid.u32  }
0x5d1: {  	s1 =	rddreg [dreg:$0x1];
	p0 =	sne.s32 s2, $0x0  }
0x5d2: {  	s3 =	rddreg [dreg:$0x2];
	[bflag:$0x3] =	sbarrier.arrive $0xFFFF;
	s2 =	simm.s32 @!p0 $0x1C04  }
0x5d3: {  	[timem:s3], [sflag:s2] =	dma.local @!p0 [hbm:s0], s1  }
0x5d4: {  	s0 =	simm.s32 @!p0 $0x4  }
0x5d5: {  	_ =	swait.ge @!p0 [sflag:s0], s1  }
0x5d6: {  	s1 =	ssub.s32 @!p0 $0x0, s1;
	[sflag:s0] =	ssyncset.done @!p0 $0x0  }
0x5d7: {  	[sflag:s0] =	ssyncadd.s32 @!p0 s1  }
0x5d8: {  	[bflag:$0x3] =	sbarrier.arrive $0xFFFF  }
0x5d9: {  	_ =	shalt  }

</sc_bundles>
